<compile_context>
chip_gen: v7x
topology: tpu7x:2x2x1
jax: 0.10.2.dev20260603
libtpu: 0.0.44.dev20260713+nightly
codegen_flags: <defaults>
</compile_context>

<pallas_src>
import functools

import jax
import jax.numpy as jnp
from jax import lax
from jax.experimental import pallas as pl
from jax.experimental.pallas import tpu as pltpu
from jax.experimental.pallas import tpu_sc as plsc

H = 768
S = 77
SP = 80
B = 4096
NC, NS = 2, 16
SEQ_PER_SUB = B // NS
LANES = 16
NR = SP // NC
IDX_PER_W = SEQ_PER_SUB * NR

_mesh = plsc.VectorSubcoreMesh(core_axis_name="c", subcore_axis_name="s")


@functools.partial(
    pl.kernel,
    out_type=jax.ShapeDtypeStruct((B, SP, H), jnp.float32),
    mesh=_mesh,
    scratch_types=[
        pltpu.VMEM((IDX_PER_W,), jnp.int32),
        pltpu.VMEM((NR, H), jnp.float32),
        pltpu.VMEM((NR, H), jnp.float32),
        pltpu.VMEM((NR, H), jnp.float32),
        pltpu.SemaphoreType.DMA,
        pltpu.SemaphoreType.DMA,
        pltpu.SemaphoreType.DMA,
        pltpu.SemaphoreType.DMA,
    ],
)
def _embed(idsw_hbm, tab_hbm, pos_hbm, out_hbm,
           idx_v, pos_v, buf0, buf1, g0, g1, so0, so1):
    c = lax.axis_index("c")
    sid = lax.axis_index("s")
    seq0 = sid * SEQ_PER_SUB
    woff = pl.multiple_of((sid * NC + c) * IDX_PER_W, 8)
    pltpu.sync_copy(idsw_hbm.at[pl.ds(woff, IDX_PER_W)], idx_v)

    bufs = (buf0, buf1)
    gsem = (g0, g1)
    ssem = (so0, so1)

    for ci in range(NC):
        r0 = ci * NR

        @pl.when(c == ci)
        def _():
            pltpu.sync_copy(pos_hbm.at[pl.ds(r0, NR)], pos_v)

            def gstart(i, b):
                off = pl.multiple_of(i * NR, 8)
                pltpu.async_copy(
                    tab_hbm.at[idx_v.at[pl.ds(off, NR)]], bufs[b], gsem[b])

            def gwait(b):
                pltpu.make_async_copy(
                    tab_hbm.at[pl.ds(0, NR)], bufs[b], gsem[b]).wait()

            def sstart(i, b):
                pltpu.async_copy(
                    bufs[b], out_hbm.at[seq0 + i, pl.ds(r0, NR)], ssem[b])

            def swait(i, b):
                pltpu.make_async_copy(
                    bufs[b], out_hbm.at[seq0 + i, pl.ds(r0, NR)],
                    ssem[b]).wait()

            gstart(0, 0)

            def outer(i2, carry):
                for b in range(2):
                    ob = 1 - b
                    i = i2 * 2 + b
                    gwait(b)
                    if b == 0:
                        @pl.when(i2 >= 1)
                        def _():
                            swait(i - 1, ob)
                        gstart(i + 1, ob)
                    else:
                        swait(i - 1, ob)
                        @pl.when(i2 <= (SEQ_PER_SUB // 2) - 2)
                        def _():
                            gstart(i + 1, ob)

                    def add_row(r, c2):
                        for g in range(H // LANES):
                            sl = pl.ds(g * LANES, LANES)
                            bufs[b][r, sl] = bufs[b][r, sl] + pos_v[r, sl]
                        return c2

                    lax.fori_loop(0, NR, add_row, 0)
                    sstart(i, b)
                return carry

            lax.fori_loop(0, SEQ_PER_SUB // 2, outer, 0)
            swait(SEQ_PER_SUB - 1, 1)


def kernel(input_ids, token_embedding, position_embedding):
    ids_pad = jnp.pad(input_ids, ((0, 0), (0, SP - S)))
    ids_w = (ids_pad.reshape(NS, SEQ_PER_SUB, NC, NR)
             .transpose(0, 2, 1, 3).reshape(-1))
    pos_pad = jnp.pad(position_embedding, ((0, SP - S), (0, 0)))
    out = _embed(ids_w, token_embedding, pos_pad)
    return out[:, :S, :]

# --- scband reference (transcript-rebuilt; emitter-appended) ---
"""Pipeline reference for scband-cliptext-embeddings-30391188587266 (READ-ONLY COPY).

The authoritative reference and input builder live on the scoring server;
editing this copy changes nothing except your own understanding.
"""

import jax, jax.numpy as jnp
import numpy as np

VOCAB_SIZE = 49408
HIDDEN_SIZE = 768
MAX_POS = 77
BATCH = 4096
SEQ = 77


def setup_inputs(seed: int = 0) -> dict:
    key = jax.random.key(seed)
    k1, k2, k3 = jax.random.split(key, 3)
    input_ids = jax.random.randint(k1, (BATCH, SEQ), 0, VOCAB_SIZE, dtype=jnp.int64 if jax.config.jax_enable_x64 else jnp.int32)
    token_embedding = jax.random.normal(k2, (VOCAB_SIZE, HIDDEN_SIZE), dtype=jnp.float32) * 0.02
    position_embedding = jax.random.normal(k3, (MAX_POS, HIDDEN_SIZE), dtype=jnp.float32) * 0.02
    return {
        "input_ids": input_ids,
        "token_embedding": token_embedding,
        "position_embedding": position_embedding,
    }


def reference(input_ids, token_embedding, position_embedding):
    seq_len = input_ids.shape[1]
    pos_ids = jnp.arange(MAX_POS)[None, :seq_len]  # [1, seq_len]
    tok = jnp.take(token_embedding, input_ids, axis=0)          # [B, S, H]
    pos = jnp.take(position_embedding, pos_ids, axis=0)         # [1, S, H]
    return tok + pos

if __name__ == "__main__":
    import jax
    _d = setup_inputs()
    print(jax.jit(kernel)(*tuple(_d.values())))

</pallas_src>

<mosaic_0001>
#map = affine_map<(d0, d1) -> (0)>
#map1 = affine_map<(d0, d1) -> (0, 0)>
#map2 = affine_map<(d0, d1) -> (0, 0, 0)>
module attributes {stable_mosaic.version = 14 : i64} {
  func.func @_embed(%arg0: i32, %arg1: i32, %arg2: memref<327680xi32, #tpu.memory_space<hbm>>, %arg3: memref<49408x768xf32, #tpu.memory_space<hbm>>, %arg4: memref<80x768xf32, #tpu.memory_space<hbm>>, %arg5: memref<4096x80x768xf32, #tpu.memory_space<hbm>>, %arg6: memref<10240xi32, #tpu.memory_space<vmem>>, %arg7: memref<40x768xf32, #tpu.memory_space<vmem>>, %arg8: memref<40x768xf32, #tpu.memory_space<vmem>>, %arg9: memref<40x768xf32, #tpu.memory_space<vmem>>, %arg10: memref<!tpu.dma_semaphore, #tpu.memory_space<semaphore_mem>>, %arg11: memref<!tpu.dma_semaphore, #tpu.memory_space<semaphore_mem>>, %arg12: memref<!tpu.dma_semaphore, #tpu.memory_space<semaphore_mem>>, %arg13: memref<!tpu.dma_semaphore, #tpu.memory_space<semaphore_mem>>) attributes {dimension_semantics = [#tpu.dimension_semantics<core_parallel>, #tpu.dimension_semantics<subcore_parallel>], iteration_bounds = array<i64: 2, 16>, scalar_prefetch = 0 : i64, scratch_operands = 8 : i64, tpu.core_type = #tpu.core_type<sc_vector_subcore>, window_params = [{transform_indices = #map}, {transform_indices = #map1}, {transform_indices = #map1}, {transform_indices = #map2}]} {
    %mul3A = arith.constant 256 : i32
    %mul3A_0 = arith.muli %arg1, %mul3A : i32
    %mul3A_1 = arith.constant 2 : i32
    %mul3A_2 = arith.muli %arg1, %mul3A_1 : i32
    %add3A = arith.addi %mul3A_2, %arg0 : i32
    %mul3A_3 = arith.constant 10240 : i32
    %mul3A_4 = arith.muli %add3A, %mul3A_3 : i32
    %multiple_of3A = tpu.assume_multiple %mul3A_4, 8 : i32
    "tpu.region"() ({
      %run_scoped3A = tpu.sem_alloc : memref<!tpu.dma_semaphore, #tpu.memory_space<semaphore_mem>>
      %dma_start3A = tpu.memref_slice %arg2[%multiple_of3A] : memref<327680xi32, #tpu.memory_space<hbm>> -> memref<10240xi32, #tpu.memory_space<hbm>>
      %dma_start3A_12 = tpu.memref_slice %arg2[%multiple_of3A] : memref<327680xi32, #tpu.memory_space<hbm>> -> memref<10240xi32, #tpu.memory_space<hbm>>
      tpu.enqueue_dma source(%dma_start3A_12 : memref<10240xi32, #tpu.memory_space<hbm>>) target(%arg6 : memref<10240xi32, #tpu.memory_space<vmem>>) target_semaphore(%run_scoped3A : memref<!tpu.dma_semaphore, #tpu.memory_space<semaphore_mem>>)
      %dma_wait3A = tpu.memref_slice %arg2[%multiple_of3A] : memref<327680xi32, #tpu.memory_space<hbm>> -> memref<10240xi32, #tpu.memory_space<hbm>>
      %dma_wait3A_13 = tpu.memref_slice %arg2[%multiple_of3A] : memref<327680xi32, #tpu.memory_space<hbm>> -> memref<10240xi32, #tpu.memory_space<hbm>>
      tpu.wait_dma2 semaphore(%run_scoped3A : memref<!tpu.dma_semaphore, #tpu.memory_space<semaphore_mem>>) src(%dma_wait3A_13 : memref<10240xi32, #tpu.memory_space<hbm>>) dst(%arg6 : memref<10240xi32, #tpu.memory_space<vmem>>)
      tpu.yield
    }) : () -> ()
    %eq3A = arith.constant 0 : i32
    %eq3A_5 = arith.cmpi eq, %arg0, %eq3A : i32
    %convert_element_type3A = arith.extui %eq3A_5 : i1 to i32
    %cond3A = arith.constant 0 : i32
    %cond3A_6 = arith.cmpi ne, %convert_element_type3A, %cond3A : i32
    scf.if %cond3A_6 {
      "tpu.region"() ({
        %run_scoped3A = tpu.sem_alloc : memref<!tpu.dma_semaphore, #tpu.memory_space<semaphore_mem>>
        %dma_start3A_31 = arith.constant 0 : i32
        %dma_start3A_32 = arith.constant 0 : i32
        %dma_start3A_33 = tpu.memref_slice %arg4[%dma_start3A_31, %dma_start3A_32] : memref<80x768xf32, #tpu.memory_space<hbm>> -> memref<40x768xf32, #tpu.memory_space<hbm>>
        %dma_start3A_34 = arith.constant 0 : i32
        %dma_start3A_35 = arith.constant 0 : i32
        %dma_start3A_36 = tpu.memref_slice %arg4[%dma_start3A_34, %dma_start3A_35] : memref<80x768xf32, #tpu.memory_space<hbm>> -> memref<40x768xf32, #tpu.memory_space<hbm>>
        tpu.enqueue_dma source(%dma_start3A_36 : memref<40x768xf32, #tpu.memory_space<hbm>>) target(%arg7 : memref<40x768xf32, #tpu.memory_space<vmem>>) target_semaphore(%run_scoped3A : memref<!tpu.dma_semaphore, #tpu.memory_space<semaphore_mem>>)
        %dma_wait3A_37 = arith.constant 0 : i32
        %dma_wait3A_38 = arith.constant 0 : i32
        %dma_wait3A_39 = tpu.memref_slice %arg4[%dma_wait3A_37, %dma_wait3A_38] : memref<80x768xf32, #tpu.memory_space<hbm>> -> memref<40x768xf32, #tpu.memory_space<hbm>>
        %dma_wait3A_40 = arith.constant 0 : i32
        %dma_wait3A_41 = arith.constant 0 : i32
        %dma_wait3A_42 = tpu.memref_slice %arg4[%dma_wait3A_40, %dma_wait3A_41] : memref<80x768xf32, #tpu.memory_space<hbm>> -> memref<40x768xf32, #tpu.memory_space<hbm>>
        tpu.wait_dma2 semaphore(%run_scoped3A : memref<!tpu.dma_semaphore, #tpu.memory_space<semaphore_mem>>) src(%dma_wait3A_42 : memref<40x768xf32, #tpu.memory_space<hbm>>) dst(%arg7 : memref<40x768xf32, #tpu.memory_space<vmem>>)
        tpu.yield
      }) : () -> ()
      %multiple_of3A_12 = arith.constant 0 : i32
      %multiple_of3A_13 = tpu.assume_multiple %multiple_of3A_12, 8 : i32
      %dma_start3A = tpu.memref_slice %arg6[%multiple_of3A_13] : memref<10240xi32, #tpu.memory_space<vmem>> -> memref<40xi32, #tpu.memory_space<vmem>>
      %dma_start3A_14 = arith.constant 0 : i32
      %dma_start3A_15 = arith.constant 0 : i32
      %dma_start3A_16 = tpu.memref_slice %arg3[%dma_start3A_14, %dma_start3A_15] : memref<49408x768xf32, #tpu.memory_space<hbm>> -> memref<49408x768xf32, #tpu.memory_space<hbm>>
      tpu.enqueue_indirect_dma source(%dma_start3A_16 : memref<49408x768xf32, #tpu.memory_space<hbm>>) target(%arg8 : memref<40x768xf32, #tpu.memory_space<vmem>>) offsets(%dma_start3A : memref<40xi32, #tpu.memory_space<vmem>>) semaphore(%arg10 : memref<!tpu.dma_semaphore, #tpu.memory_space<semaphore_mem>>)
      %scan3A = arith.constant 0 : i32
      %scan3A_17 = arith.constant 0 : i32
      %scan3A_18 = arith.constant 128 : i32
      %scan3A_19 = arith.addi %scan3A_17, %scan3A_18 : i32
      %scan3A_20 = arith.constant 1 : i32
      scf.for %scan3A_31 = %scan3A_17 to %scan3A_19 step %scan3A_20  : i32 {
        %mul3A_32 = arith.constant 2 : i32
        %mul3A_33 = arith.muli %scan3A_31, %mul3A_32 : i32
        %add3A_34 = arith.constant 0 : i32
        %add3A_35 = arith.addi %mul3A_33, %add3A_34 : i32
        %dma_wait3A_36 = arith.constant 0 : i32
        %dma_wait3A_37 = arith.constant 0 : i32
        %dma_wait3A_38 = tpu.memref_slice %arg3[%dma_wait3A_36, %dma_wait3A_37] : memref<49408x768xf32, #tpu.memory_space<hbm>> -> memref<40x768xf32, #tpu.memory_space<hbm>>
        %dma_wait3A_39 = arith.constant 0 : i32
        %dma_wait3A_40 = arith.constant 0 : i32
        %dma_wait3A_41 = tpu.memref_slice %arg3[%dma_wait3A_39, %dma_wait3A_40] : memref<49408x768xf32, #tpu.memory_space<hbm>> -> memref<40x768xf32, #tpu.memory_space<hbm>>
        tpu.wait_dma2 semaphore(%arg10 : memref<!tpu.dma_semaphore, #tpu.memory_space<semaphore_mem>>) src(%dma_wait3A_41 : memref<40x768xf32, #tpu.memory_space<hbm>>) dst(%arg8 : memref<40x768xf32, #tpu.memory_space<vmem>>)
        %ge3A = arith.constant 1 : i32
        %ge3A_42 = arith.cmpi sge, %scan3A_31, %ge3A : i32
        %convert_element_type3A_43 = arith.extui %ge3A_42 : i1 to i32
        %cond3A_44 = arith.constant 0 : i32
        %cond3A_45 = arith.cmpi ne, %convert_element_type3A_43, %cond3A_44 : i32
        scf.if %cond3A_45 {
          %sub3A_109 = arith.constant 1 : i32
          %sub3A_110 = arith.subi %add3A_35, %sub3A_109 : i32
          %add3A_111 = arith.addi %mul3A_0, %sub3A_110 : i32
          %dma_wait3A_112 = arith.constant 0 : i32
          %dma_wait3A_113 = arith.constant 0 : i32
          %dma_wait3A_114 = tpu.memref_slice %arg5[%add3A_111, %dma_wait3A_112, %dma_wait3A_113] : memref<4096x80x768xf32, #tpu.memory_space<hbm>> -> memref<1x40x768xf32, #tpu.memory_space<hbm>>
          %dma_wait3A_115 = tpu.memref_squeeze %dma_wait3A_114 : memref<1x40x768xf32, #tpu.memory_space<hbm>> -> memref<40x768xf32, #tpu.memory_space<hbm>>
          %dma_wait3A_116 = arith.constant 0 : i32
          %dma_wait3A_117 = arith.constant 0 : i32
          %dma_wait3A_118 = tpu.memref_slice %arg5[%add3A_111, %dma_wait3A_116, %dma_wait3A_117] : memref<4096x80x768xf32, #tpu.memory_space<hbm>> -> memref<1x40x768xf32, #tpu.memory_space<hbm>>
          %dma_wait3A_119 = tpu.memref_squeeze %dma_wait3A_118 : memref<1x40x768xf32, #tpu.memory_space<hbm>> -> memref<40x768xf32, #tpu.memory_space<hbm>>
          tpu.wait_dma2 semaphore(%arg13 : memref<!tpu.dma_semaphore, #tpu.memory_space<semaphore_mem>>) src(%arg9 : memref<40x768xf32, #tpu.memory_space<vmem>>) dst(%dma_wait3A_119 : memref<40x768xf32, #tpu.memory_space<hbm>>)
        } else {
        }
        %add3A_46 = arith.constant 1 : i32
        %add3A_47 = arith.addi %add3A_35, %add3A_46 : i32
        %mul3A_48 = arith.constant 40 : i32
        %mul3A_49 = arith.muli %add3A_47, %mul3A_48 : i32
        %multiple_of3A_50 = tpu.assume_multiple %mul3A_49, 8 : i32
        %dma_start3A_51 = tpu.memref_slice %arg6[%multiple_of3A_50] : memref<10240xi32, #tpu.memory_space<vmem>> -> memref<40xi32, #tpu.memory_space<vmem>>
        %dma_start3A_52 = arith.constant 0 : i32
        %dma_start3A_53 = arith.constant 0 : i32
        %dma_start3A_54 = tpu.memref_slice %arg3[%dma_start3A_52, %dma_start3A_53] : memref<49408x768xf32, #tpu.memory_space<hbm>> -> memref<49408x768xf32, #tpu.memory_space<hbm>>
        tpu.enqueue_indirect_dma source(%dma_start3A_54 : memref<49408x768xf32, #tpu.memory_space<hbm>>) target(%arg9 : memref<40x768xf32, #tpu.memory_space<vmem>>) offsets(%dma_start3A_51 : memref<40xi32, #tpu.memory_space<vmem>>) semaphore(%arg11 : memref<!tpu.dma_semaphore, #tpu.memory_space<semaphore_mem>>)
        %scan3A_55 = arith.constant 0 : i32
        %scan3A_56 = arith.constant 0 : i32
        %scan3A_57 = arith.constant 40 : i32
        %scan3A_58 = arith.addi %scan3A_56, %scan3A_57 : i32
        %scan3A_59 = arith.constant 1 : i32
        scf.for %scan3A_109 = %scan3A_56 to %scan3A_58 step %scan3A_59  : i32 {
          %get3A = arith.index_cast %scan3A_109 : i32 to index
          %get3A_110 = arith.constant 0 : index
          %get3A_111 = tpu.vector_load %arg8[%get3A, %get3A_110] {strides = array<i32>} : memref<40x768xf32, #tpu.memory_space<vmem>>, vector<1x16xf32>,
          %get3A_112 = vector.shape_cast %get3A_111 : vector<1x16xf32> to vector<16xf32>
          %get3A_113 = arith.index_cast %scan3A_109 : i32 to index
          %get3A_114 = arith.constant 0 : index
          %get3A_115 = tpu.vector_load %arg7[%get3A_113, %get3A_114] {strides = array<i32>} : memref<40x768xf32, #tpu.memory_space<vmem>>, vector<1x16xf32>,
          %get3A_116 = vector.shape_cast %get3A_115 : vector<1x16xf32> to vector<16xf32>
          %add3A_117 = arith.addf %get3A_112, %get3A_116 : vector<16xf32>
          %swap3A = arith.index_cast %scan3A_109 : i32 to index
          %swap3A_118 = arith.constant 0 : index
          %swap3A_119 = tpu.vector_load %arg8[%swap3A, %swap3A_118] {strides = array<i32>} : memref<40x768xf32, #tpu.memory_space<vmem>>, vector<1x16xf32>,
          %swap3A_120 = vector.shape_cast %swap3A_119 : vector<1x16xf32> to vector<16xf32>
          %swap3A_121 = vector.shape_cast %add3A_117 : vector<16xf32> to vector<1x16xf32>
          tpu.vector_store %arg8[%swap3A, %swap3A_118], %swap3A_121 {strides = array<i32>} : memref<40x768xf32, #tpu.memory_space<vmem>>, vector<1x16xf32>,
          %get3A_122 = arith.index_cast %scan3A_109 : i32 to index
          %get3A_123 = arith.constant 16 : index
          %get3A_124 = tpu.vector_load %arg8[%get3A_122, %get3A_123] {strides = array<i32>} : memref<40x768xf32, #tpu.memory_space<vmem>>, vector<1x16xf32>,
          %get3A_125 = vector.shape_cast %get3A_124 : vector<1x16xf32> to vector<16xf32>
          %get3A_126 = arith.index_cast %scan3A_109 : i32 to index
          %get3A_127 = arith.constant 16 : index
          %get3A_128 = tpu.vector_load %arg7[%get3A_126, %get3A_127] {strides = array<i32>} : memref<40x768xf32, #tpu.memory_space<vmem>>, vector<1x16xf32>,
          %get3A_129 = vector.shape_cast %get3A_128 : vector<1x16xf32> to vector<16xf32>
          %add3A_130 = arith.addf %get3A_125, %get3A_129 : vector<16xf32>
          %swap3A_131 = arith.index_cast %scan3A_109 : i32 to index
          %swap3A_132 = arith.constant 16 : index
          %swap3A_133 = tpu.vector_load %arg8[%swap3A_131, %swap3A_132] {strides = array<i32>} : memref<40x768xf32, #tpu.memory_space<vmem>>, vector<1x16xf32>,
          %swap3A_134 = vector.shape_cast %swap3A_133 : vector<1x16xf32> to vector<16xf32>
          %swap3A_135 = vector.shape_cast %add3A_130 : vector<16xf32> to vector<1x16xf32>
          tpu.vector_store %arg8[%swap3A_131, %swap3A_132], %swap3A_135 {strides = array<i32>} : memref<40x768xf32, #tpu.memory_space<vmem>>, vector<1x16xf32>,
          %get3A_136 = arith.index_cast %scan3A_109 : i32 to index
          %get3A_137 = arith.constant 32 : index
          %get3A_138 = tpu.vector_load %arg8[%get3A_136, %get3A_137] {strides = array<i32>} : memref<40x768xf32, #tpu.memory_space<vmem>>, vector<1x16xf32>,
          %get3A_139 = vector.shape_cast %get3A_138 : vector<1x16xf32> to vector<16xf32>
          %get3A_140 = arith.index_cast %scan3A_109 : i32 to index
          %get3A_141 = arith.constant 32 : index
          %get3A_142 = tpu.vector_load %arg7[%get3A_140, %get3A_141] {strides = array<i32>} : memref<40x768xf32, #tpu.memory_space<vmem>>, vector<1x16xf32>,
          %get3A_143 = vector.shape_cast %get3A_142 : vector<1x16xf32> to vector<16xf32>
          %add3A_144 = arith.addf %get3A_139, %get3A_143 : vector<16xf32>
          %swap3A_145 = arith.index_cast %scan3A_109 : i32 to index
          %swap3A_146 = arith.constant 32 : index
          %swap3A_147 = tpu.vector_load %arg8[%swap3A_145, %swap3A_146] {strides = array<i32>} : memref<40x768xf32, #tpu.memory_space<vmem>>, vector<1x16xf32>,
          %swap3A_148 = vector.shape_cast %swap3A_147 : vector<1x16xf32> to vector<16xf32>
          %swap3A_149 = vector.shape_cast %add3A_144 : vector<16xf32> to vector<1x16xf32>
          tpu.vector_store %arg8[%swap3A_145, %swap3A_146], %swap3A_149 {strides = array<i32>} : memref<40x768xf32, #tpu.memory_space<vmem>>, vector<1x16xf32>,
          %get3A_150 = arith.index_cast %scan3A_109 : i32 to index
          %get3A_151 = arith.constant 48 : index
          %get3A_152 = tpu.vector_load %arg8[%get3A_150, %get3A_151] {strides = array<i32>} : memref<40x768xf32, #tpu.memory_space<vmem>>, vector<1x16xf32>,
          %get3A_153 = vector.shape_cast %get3A_152 : vector<1x16xf32> to vector<16xf32>
          %get3A_154 = arith.index_cast %scan3A_109 : i32 to index
          %get3A_155 = arith.constant 48 : index
          %get3A_156 = tpu.vector_load %arg7[%get3A_154, %get3A_155] {strides = array<i32>} : memref<40x768xf32, #tpu.memory_space<vmem>>, vector<1x16xf32>,
          %get3A_157 = vector.shape_cast %get3A_156 : vector<1x16xf32> to vector<16xf32>
          %add3A_158 = arith.addf %get3A_153, %get3A_157 : vector<16xf32>
          %swap3A_159 = arith.index_cast %scan3A_109 : i32 to index
          %swap3A_160 = arith.constant 48 : index
          %swap3A_161 = tpu.vector_load %arg8[%swap3A_159, %swap3A_160] {strides = array<i32>} : memref<40x768xf32, #tpu.memory_space<vmem>>, vector<1x16xf32>,
          %swap3A_162 = vector.shape_cast %swap3A_161 : vector<1x16xf32> to vector<16xf32>
          %swap3A_163 = vector.shape_cast %add3A_158 : vector<16xf32> to vector<1x16xf32>
          tpu.vector_store %arg8[%swap3A_159, %swap3A_160], %swap3A_163 {strides = array<i32>} : memref<40x768xf32, #tpu.memory_space<vmem>>, vector<1x16xf32>,
          %get3A_164 = arith.index_cast %scan3A_109 : i32 to index
          %get3A_165 = arith.constant 64 : index
          %get3A_166 = tpu.vector_load %arg8[%get3A_164, %get3A_165] {strides = array<i32>} : memref<40x768xf32, #tpu.memory_space<vmem>>, vector<1x16xf32>,
          %get3A_167 = vector.shape_cast %get3A_166 : vector<1x16xf32> to vector<16xf32>
          %get3A_168 = arith.index_cast %scan3A_109 : i32 to index
          %get3A_169 = arith.constant 64 : index
          %get3A_170 = tpu.vector_load %arg7[%get3A_168, %get3A_169] {strides = array<i32>} : memref<40x768xf32, #tpu.memory_space<vmem>>, vector<1x16xf32>,
          %get3A_171 = vector.shape_cast %get3A_170 : vector<1x16xf32> to vector<16xf32>
          %add3A_172 = arith.addf %get3A_167, %get3A_171 : vector<16xf32>
          %swap3A_173 = arith.index_cast %scan3A_109 : i32 to index
          %swap3A_174 = arith.constant 64 : index
          %swap3A_175 = tpu.vector_load %arg8[%swap3A_173, %swap3A_174] {strides = array<i32>} : memref<40x768xf32, #tpu.memory_space<vmem>>, vector<1x16xf32>,
          %swap3A_176 = vector.shape_cast %swap3A_175 : vector<1x16xf32> to vector<16xf32>
          %swap3A_177 = vector.shape_cast %add3A_172 : vector<16xf32> to vector<1x16xf32>
          tpu.vector_store %arg8[%swap3A_173, %swap3A_174], %swap3A_177 {strides = array<i32>} : memref<40x768xf32, #tpu.memory_space<vmem>>, vector<1x16xf32>,
          %get3A_178 = arith.index_cast %scan3A_109 : i32 to index
          %get3A_179 = arith.constant 80 : index
          %get3A_180 = tpu.vector_load %arg8[%get3A_178, %get3A_179] {strides = array<i32>} : memref<40x768xf32, #tpu.memory_space<vmem>>, vector<1x16xf32>,
          %get3A_181 = vector.shape_cast %get3A_180 : vector<1x16xf32> to vector<16xf32>
          %get3A_182 = arith.index_cast %scan3A_109 : i32 to index
          %get3A_183 = arith.constant 80 : index
          %get3A_184 = tpu.vector_load %arg7[%get3A_182, %get3A_183] {strides = array<i32>} : memref<40x768xf32, #tpu.memory_space<vmem>>, vector<1x16xf32>,
          %get3A_185 = vector.shape_cast %get3A_184 : vector<1x16xf32> to vector<16xf32>
          %add3A_186 = arith.addf %get3A_181, %get3A_185 : vector<16xf32>
          %swap3A_187 = arith.index_cast %scan3A_109 : i32 to index
          %swap3A_188 = arith.constant 80 : index
          %swap3A_189 = tpu.vector_load %arg8[%swap3A_187, %swap3A_188] {strides = array<i32>} : memref<40x768xf32, #tpu.memory_space<vmem>>, vector<1x16xf32>,
          %swap3A_190 = vector.shape_cast %swap3A_189 : vector<1x16xf32> to vector<16xf32>
          %swap3A_191 = vector.shape_cast %add3A_186 : vector<16xf32> to vector<1x16xf32>
          tpu.vector_store %arg8[%swap3A_187, %swap3A_188], %swap3A_191 {strides = array<i32>} : memref<40x768xf32, #tpu.memory_space<vmem>>, vector<1x16xf32>,
          %get3A_192 = arith.index_cast %scan3A_109 : i32 to index
          %get3A_193 = arith.constant 96 : index
          %get3A_194 = tpu.vector_load %arg8[%get3A_192, %get3A_193] {strides = array<i32>} : memref<40x768xf32, #tpu.memory_space<vmem>>, vector<1x16xf32>,
          %get3A_195 = vector.shape_cast %get3A_194 : vector<1x16xf32> to vector<16xf32>
          %get3A_196 = arith.index_cast %scan3A_109 : i32 to index
          %get3A_197 = arith.constant 96 : index
          %get3A_198 = tpu.vector_load %arg7[%get3A_196, %get3A_197] {strides = array<i32>} : memref<40x768xf32, #tpu.memory_space<vmem>>, vector<1x16xf32>,
          %get3A_199 = vector.shape_cast %get3A_198 : vector<1x16xf32> to vector<16xf32>
          %add3A_200 = arith.addf %get3A_195, %get3A_199 : vector<16xf32>
          %swap3A_201 = arith.index_cast %scan3A_109 : i32 to index
          %swap3A_202 = arith.constant 96 : index
          %swap3A_203 = tpu.vector_load %arg8[%swap3A_201, %swap3A_202] {strides = array<i32>} : memref<40x768xf32, #tpu.memory_space<vmem>>, vector<1x16xf32>,
          %swap3A_204 = vector.shape_cast %swap3A_203 : vector<1x16xf32> to vector<16xf32>
          %swap3A_205 = vector.shape_cast %add3A_200 : vector<16xf32> to vector<1x16xf32>
          tpu.vector_store %arg8[%swap3A_201, %swap3A_202], %swap3A_205 {strides = array<i32>} : memref<40x768xf32, #tpu.memory_space<vmem>>, vector<1x16xf32>,
          %get3A_206 = arith.index_cast %scan3A_109 : i32 to index
          %get3A_207 = arith.constant 112 : index
          %get3A_208 = tpu.vector_load %arg8[%get3A_206, %get3A_207] {strides = array<i32>} : memref<40x768xf32, #tpu.memory_space<vmem>>, vector<1x16xf32>,
          %get3A_209 = vector.shape_cast %get3A_208 : vector<1x16xf32> to vector<16xf32>
          %get3A_210 = arith.index_cast %scan3A_109 : i32 to index
          %get3A_211 = arith.constant 112 : index
          %get3A_212 = tpu.vector_load %arg7[%get3A_210, %get3A_211] {strides = array<i32>} : memref<40x768xf32, #tpu.memory_space<vmem>>, vector<1x16xf32>,
          %get3A_213 = vector.shape_cast %get3A_212 : vector<1x16xf32> to vector<16xf32>
          %add3A_214 = arith.addf %get3A_209, %get3A_213 : vector<16xf32>
          %swap3A_215 = arith.index_cast %scan3A_109 : i32 to index
          %swap3A_216 = arith.constant 112 : index
          %swap3A_217 = tpu.vector_load %arg8[%swap3A_215, %swap3A_216] {strides = array<i32>} : memref<40x768xf32, #tpu.memory_space<vmem>>, vector<1x16xf32>,
          %swap3A_218 = vector.shape_cast %swap3A_217 : vector<1x16xf32> to vector<16xf32>
          %swap3A_219 = vector.shape_cast %add3A_214 : vector<16xf32> to vector<1x16xf32>
          tpu.vector_store %arg8[%swap3A_215, %swap3A_216], %swap3A_219 {strides = array<i32>} : memref<40x768xf32, #tpu.memory_space<vmem>>, vector<1x16xf32>,
          %get3A_220 = arith.index_cast %scan3A_109 : i32 to index
          %get3A_221 = arith.constant 128 : index
          %get3A_222 = tpu.vector_load %arg8[%get3A_220, %get3A_221] {strides = array<i32>} : memref<40x768xf32, #tpu.memory_space<vmem>>, vector<1x16xf32>,
          %get3A_223 = vector.shape_cast %get3A_222 : vector<1x16xf32> to vector<16xf32>
          %get3A_224 = arith.index_cast %scan3A_109 : i32 to index
          %get3A_225 = arith.constant 128 : index
          %get3A_226 = tpu.vector_load %arg7[%get3A_224, %get3A_225] {strides = array<i32>} : memref<40x768xf32, #tpu.memory_space<vmem>>, vector<1x16xf32>,
          %get3A_227 = vector.shape_cast %get3A_226 : vector<1x16xf32> to vector<16xf32>
          %add3A_228 = arith.addf %get3A_223, %get3A_227 : vector<16xf32>
          %swap3A_229 = arith.index_cast %scan3A_109 : i32 to index
          %swap3A_230 = arith.constant 128 : index
          %swap3A_231 = tpu.vector_load %arg8[%swap3A_229, %swap3A_230] {strides = array<i32>} : memref<40x768xf32, #tpu.memory_space<vmem>>, vector<1x16xf32>,
          %swap3A_232 = vector.shape_cast %swap3A_231 : vector<1x16xf32> to vector<16xf32>
          %swap3A_233 = vector.shape_cast %add3A_228 : vector<16xf32> to vector<1x16xf32>
          tpu.vector_store %arg8[%swap3A_229, %swap3A_230], %swap3A_233 {strides = array<i32>} : memref<40x768xf32, #tpu.memory_space<vmem>>, vector<1x16xf32>,
          %get3A_234 = arith.index_cast %scan3A_109 : i32 to index
          %get3A_235 = arith.constant 144 : index
          %get3A_236 = tpu.vector_load %arg8[%get3A_234, %get3A_235] {strides = array<i32>} : memref<40x768xf32, #tpu.memory_space<vmem>>, vector<1x16xf32>,
          %get3A_237 = vector.shape_cast %get3A_236 : vector<1x16xf32> to vector<16xf32>
          %get3A_238 = arith.index_cast %scan3A_109 : i32 to index
          %get3A_239 = arith.constant 144 : index
          %get3A_240 = tpu.vector_load %arg7[%get3A_238, %get3A_239] {strides = array<i32>} : memref<40x768xf32, #tpu.memory_space<vmem>>, vector<1x16xf32>,
          %get3A_241 = vector.shape_cast %get3A_240 : vector<1x16xf32> to vector<16xf32>
          %add3A_242 = arith.addf %get3A_237, %get3A_241 : vector<16xf32>
          %swap3A_243 = arith.index_cast %scan3A_109 : i32 to index
          %swap3A_244 = arith.constant 144 : index
          %swap3A_245 = tpu.vector_load %arg8[%swap3A_243, %swap3A_244] {strides = array<i32>} : memref<40x768xf32, #tpu.memory_space<vmem>>, vector<1x16xf32>,
          %swap3A_246 = vector.shape_cast %swap3A_245 : vector<1x16xf32> to vector<16xf32>
          %swap3A_247 = vector.shape_cast %add3A_242 : vector<16xf32> to vector<1x16xf32>
          tpu.vector_store %arg8[%swap3A_243, %swap3A_244], %swap3A_247 {strides = array<i32>} : memref<40x768xf32, #tpu.memory_space<vmem>>, vector<1x16xf32>,
          %get3A_248 = arith.index_cast %scan3A_109 : i32 to index
          %get3A_249 = arith.constant 160 : index
          %get3A_250 = tpu.vector_load %arg8[%get3A_248, %get3A_249] {strides = array<i32>} : memref<40x768xf32, #tpu.memory_space<vmem>>, vector<1x16xf32>,
          %get3A_251 = vector.shape_cast %get3A_250 : vector<1x16xf32> to vector<16xf32>
          %get3A_252 = arith.index_cast %scan3A_109 : i32 to index
          %get3A_253 = arith.constant 160 : index
          %get3A_254 = tpu.vector_load %arg7[%get3A_252, %get3A_253] {strides = array<i32>} : memref<40x768xf32, #tpu.memory_space<vmem>>, vector<1x16xf32>,
          %get3A_255 = vector.shape_cast %get3A_254 : vector<1x16xf32> to vector<16xf32>
          %add3A_256 = arith.addf %get3A_251, %get3A_255 : vector<16xf32>
          %swap3A_257 = arith.index_cast %scan3A_109 : i32 to index
          %swap3A_258 = arith.constant 160 : index
          %swap3A_259 = tpu.vector_load %arg8[%swap3A_257, %swap3A_258] {strides = array<i32>} : memref<40x768xf32, #tpu.memory_space<vmem>>, vector<1x16xf32>,
          %swap3A_260 = vector.shape_cast %swap3A_259 : vector<1x16xf32> to vector<16xf32>
          %swap3A_261 = vector.shape_cast %add3A_256 : vector<16xf32> to vector<1x16xf32>
          tpu.vector_store %arg8[%swap3A_257, %swap3A_258], %swap3A_261 {strides = array<i32>} : memref<40x768xf32, #tpu.memory_space<vmem>>, vector<1x16xf32>,
          %get3A_262 = arith.index_cast %scan3A_109 : i32 to index
          %get3A_263 = arith.constant 176 : index
          %get3A_264 = tpu.vector_load %arg8[%get3A_262, %get3A_263] {strides = array<i32>} : memref<40x768xf32, #tpu.memory_space<vmem>>, vector<1x16xf32>,
          %get3A_265 = vector.shape_cast %get3A_264 : vector<1x16xf32> to vector<16xf32>
          %get3A_266 = arith.index_cast %scan3A_109 : i32 to index
          %get3A_267 = arith.constant 176 : index
          %get3A_268 = tpu.vector_load %arg7[%get3A_266, %get3A_267] {strides = array<i32>} : memref<40x768xf32, #tpu.memory_space<vmem>>, vector<1x16xf32>,
          %get3A_269 = vector.shape_cast %get3A_268 : vector<1x16xf32> to vector<16xf32>
          %add3A_270 = arith.addf %get3A_265, %get3A_269 : vector<16xf32>
          %swap3A_271 = arith.index_cast %scan3A_109 : i32 to index
          %swap3A_272 = arith.constant 176 : index
          %swap3A_273 = tpu.vector_load %arg8[%swap3A_271, %swap3A_272] {strides = array<i32>} : memref<40x768xf32, #tpu.memory_space<vmem>>, vector<1x16xf32>,
          %swap3A_274 = vector.shape_cast %swap3A_273 : vector<1x16xf32> to vector<16xf32>
          %swap3A_275 = vector.shape_cast %add3A_270 : vector<16xf32> to vector<1x16xf32>
          tpu.vector_store %arg8[%swap3A_271, %swap3A_272], %swap3A_275 {strides = array<i32>} : memref<40x768xf32, #tpu.memory_space<vmem>>, vector<1x16xf32>,
          %get3A_276 = arith.index_cast %scan3A_109 : i32 to index
          %get3A_277 = arith.constant 192 : index
          %get3A_278 = tpu.vector_load %arg8[%get3A_276, %get3A_277] {strides = array<i32>} : memref<40x768xf32, #tpu.memory_space<vmem>>, vector<1x16xf32>,
          %get3A_279 = vector.shape_cast %get3A_278 : vector<1x16xf32> to vector<16xf32>
          %get3A_280 = arith.index_cast %scan3A_109 : i32 to index
          %get3A_281 = arith.constant 192 : index
          %get3A_282 = tpu.vector_load %arg7[%get3A_280, %get3A_281] {strides = array<i32>} : memref<40x768xf32, #tpu.memory_space<vmem>>, vector<1x16xf32>,
          %get3A_283 = vector.shape_cast %get3A_282 : vector<1x16xf32> to vector<16xf32>
          %add3A_284 = arith.addf %get3A_279, %get3A_283 : vector<16xf32>
          %swap3A_285 = arith.index_cast %scan3A_109 : i32 to index
          %swap3A_286 = arith.constant 192 : index
          %swap3A_287 = tpu.vector_load %arg8[%swap3A_285, %swap3A_286] {strides = array<i32>} : memref<40x768xf32, #tpu.memory_space<vmem>>, vector<1x16xf32>,
          %swap3A_288 = vector.shape_cast %swap3A_287 : vector<1x16xf32> to vector<16xf32>
          %swap3A_289 = vector.shape_cast %add3A_284 : vector<16xf32> to vector<1x16xf32>
          tpu.vector_store %arg8[%swap3A_285, %swap3A_286], %swap3A_289 {strides = array<i32>} : memref<40x768xf32, #tpu.memory_space<vmem>>, vector<1x16xf32>,
          %get3A_290 = arith.index_cast %scan3A_109 : i32 to index
          %get3A_291 = arith.constant 208 : index
          %get3A_292 = tpu.vector_load %arg8[%get3A_290, %get3A_291] {strides = array<i32>} : memref<40x768xf32, #tpu.memory_space<vmem>>, vector<1x16xf32>,
          %get3A_293 = vector.shape_cast %get3A_292 : vector<1x16xf32> to vector<16xf32>
          %get3A_294 = arith.index_cast %scan3A_109 : i32 to index
          %get3A_295 = arith.constant 208 : index
          %get3A_296 = tpu.vector_load %arg7[%get3A_294, %get3A_295] {strides = array<i32>} : memref<40x768xf32, #tpu.memory_space<vmem>>, vector<1x16xf32>,
          %get3A_297 = vector.shape_cast %get3A_296 : vector<1x16xf32> to vector<16xf32>
          %add3A_298 = arith.addf %get3A_293, %get3A_297 : vector<16xf32>
          %swap3A_299 = arith.index_cast %scan3A_109 : i32 to index
          %swap3A_300 = arith.constant 208 : index
          %swap3A_301 = tpu.vector_load %arg8[%swap3A_299, %swap3A_300] {strides = array<i32>} : memref<40x768xf32, #tpu.memory_space<vmem>>, vector<1x16xf32>,
          %swap3A_302 = vector.shape_cast %swap3A_301 : vector<1x16xf32> to vector<16xf32>
          %swap3A_303 = vector.shape_cast %add3A_298 : vector<16xf32> to vector<1x16xf32>
          tpu.vector_store %arg8[%swap3A_299, %swap3A_300], %swap3A_303 {strides = array<i32>} : memref<40x768xf32, #tpu.memory_space<vmem>>, vector<1x16xf32>,
          %get3A_304 = arith.index_cast %scan3A_109 : i32 to index
          %get3A_305 = arith.constant 224 : index
          %get3A_306 = tpu.vector_load %arg8[%get3A_304, %get3A_305] {strides = array<i32>} : memref<40x768xf32, #tpu.memory_space<vmem>>, vector<1x16xf32>,
          %get3A_307 = vector.shape_cast %get3A_306 : vector<1x16xf32> to vector<16xf32>
          %get3A_308 = arith.index_cast %scan3A_109 : i32 to index
          %get3A_309 = arith.constant 224 : index
          %get3A_310 = tpu.vector_load %arg7[%get3A_308, %get3A_309] {strides = array<i32>} : memref<40x768xf32, #tpu.memory_space<vmem>>, vector<1x16xf32>,
          %get3A_311 = vector.shape_cast %get3A_310 : vector<1x16xf32> to vector<16xf32>
          %add3A_312 = arith.addf %get3A_307, %get3A_311 : vector<16xf32>
          %swap3A_313 = arith.index_cast %scan3A_109 : i32 to index
          %swap3A_314 = arith.constant 224 : index
          %swap3A_315 = tpu.vector_load %arg8[%swap3A_313, %swap3A_314] {strides = array<i32>} : memref<40x768xf32, #tpu.memory_space<vmem>>, vector<1x16xf32>,
          %swap3A_316 = vector.shape_cast %swap3A_315 : vector<1x16xf32> to vector<16xf32>
          %swap3A_317 = vector.shape_cast %add3A_312 : vector<16xf32> to vector<1x16xf32>
          tpu.vector_store %arg8[%swap3A_313, %swap3A_314], %swap3A_317 {strides = array<i32>} : memref<40x768xf32, #tpu.memory_space<vmem>>, vector<1x16xf32>,
          %get3A_318 = arith.index_cast %scan3A_109 : i32 to index
          %get3A_319 = arith.constant 240 : index
          %get3A_320 = tpu.vector_load %arg8[%get3A_318, %get3A_319] {strides = array<i32>} : memref<40x768xf32, #tpu.memory_space<vmem>>, vector<1x16xf32>,
          %get3A_321 = vector.shape_cast %get3A_320 : vector<1x16xf32> to vector<16xf32>
          %get3A_322 = arith.index_cast %scan3A_109 : i32 to index
          %get3A_323 = arith.constant 240 : index
          %get3A_324 = tpu.vector_load %arg7[%get3A_322, %get3A_323] {strides = array<i32>} : memref<40x768xf32, #tpu.memory_space<vmem>>, vector<1x16xf32>,
          %get3A_325 = vector.shape_cast %get3A_324 : vector<1x16xf32> to vector<16xf32>
          %add3A_326 = arith.addf %get3A_321, %get3A_325 : vector<16xf32>
          %swap3A_327 = arith.index_cast %scan3A_109 : i32 to index
          %swap3A_328 = arith.constant 240 : index
          %swap3A_329 = tpu.vector_load %arg8[%swap3A_327, %swap3A_328] {strides = array<i32>} : memref<40x768xf32, #tpu.memory_space<vmem>>, vector<1x16xf32>,
          %swap3A_330 = vector.shape_cast %swap3A_329 : vector<1x16xf32> to vector<16xf32>
          %swap3A_331 = vector.shape_cast %add3A_326 : vector<16xf32> to vector<1x16xf32>
          tpu.vector_store %arg8[%swap3A_327, %swap3A_328], %swap3A_331 {strides = array<i32>} : memref<40x768xf32, #tpu.memory_space<vmem>>, vector<1x16xf32>,
          %get3A_332 = arith.index_cast %scan3A_109 : i32 to index
          %get3A_333 = arith.constant 256 : index
          %get3A_334 = tpu.vector_load %arg8[%get3A_332, %get3A_333] {strides = array<i32>} : memref<40x768xf32, #tpu.memory_space<vmem>>, vector<1x16xf32>,
          %get3A_335 = vector.shape_cast %get3A_334 : vector<1x16xf32> to vector<16xf32>
          %get3A_336 = arith.index_cast %scan3A_109 : i32 to index
          %get3A_337 = arith.constant 256 : index
          %get3A_338 = tpu.vector_load %arg7[%get3A_336, %get3A_337] {strides = array<i32>} : memref<40x768xf32, #tpu.memory_space<vmem>>, vector<1x16xf32>,
          %get3A_339 = vector.shape_cast %get3A_338 : vector<1x16xf32> to vector<16xf32>
          %add3A_340 = arith.addf %get3A_335, %get3A_339 : vector<16xf32>
          %swap3A_341 = arith.index_cast %scan3A_109 : i32 to index
          %swap3A_342 = arith.constant 256 : index
          %swap3A_343 = tpu.vector_load %arg8[%swap3A_341, %swap3A_342] {strides = array<i32>} : memref<40x768xf32, #tpu.memory_space<vmem>>, vector<1x16xf32>,
          %swap3A_344 = vector.shape_cast %swap3A_343 : vector<1x16xf32> to vector<16xf32>
          %swap3A_345 = vector.shape_cast %add3A_340 : vector<16xf32> to vector<1x16xf32>
          tpu.vector_store %arg8[%swap3A_341, %swap3A_342], %swap3A_345 {strides = array<i32>} : memref<40x768xf32, #tpu.memory_space<vmem>>, vector<1x16xf32>,
          %get3A_346 = arith.index_cast %scan3A_109 : i32 to index
          %get3A_347 = arith.constant 272 : index
          %get3A_348 = tpu.vector_load %arg8[%get3A_346, %get3A_347] {strides = array<i32>} : memref<40x768xf32, #tpu.memory_space<vmem>>, vector<1x16xf32>,
          %get3A_349 = vector.shape_cast %get3A_348 : vector<1x16xf32> to vector<16xf32>
          %get3A_350 = arith.index_cast %scan3A_109 : i32 to index
          %get3A_351 = arith.constant 272 : index
          %get3A_352 = tpu.vector_load %arg7[%get3A_350, %get3A_351] {strides = array<i32>} : memref<40x768xf32, #tpu.memory_space<vmem>>, vector<1x16xf32>,
          %get3A_353 = vector.shape_cast %get3A_352 : vector<1x16xf32> to vector<16xf32>
          %add3A_354 = arith.addf %get3A_349, %get3A_353 : vector<16xf32>
          %swap3A_355 = arith.index_cast %scan3A_109 : i32 to index
          %swap3A_356 = arith.constant 272 : index
          %swap3A_357 = tpu.vector_load %arg8[%swap3A_355, %swap3A_356] {strides = array<i32>} : memref<40x768xf32, #tpu.memory_space<vmem>>, vector<1x16xf32>,
          %swap3A_358 = vector.shape_cast %swap3A_357 : vector<1x16xf32> to vector<16xf32>
          %swap3A_359 = vector.shape_cast %add3A_354 : vector<16xf32> to vector<1x16xf32>
          tpu.vector_store %arg8[%swap3A_355, %swap3A_356], %swap3A_359 {strides = array<i32>} : memref<40x768xf32, #tpu.memory_space<vmem>>, vector<1x16xf32>,
          %get3A_360 = arith.index_cast %scan3A_109 : i32 to index
          %get3A_361 = arith.constant 288 : index
          %get3A_362 = tpu.vector_load %arg8[%get3A_360, %get3A_361] {strides = array<i32>} : memref<40x768xf32, #tpu.memory_space<vmem>>, vector<1x16xf32>,
          %get3A_363 = vector.shape_cast %get3A_362 : vector<1x16xf32> to vector<16xf32>
          %get3A_364 = arith.index_cast %scan3A_109 : i32 to index
          %get3A_365 = arith.constant 288 : index
          %get3A_366 = tpu.vector_load %arg7[%get3A_364, %get3A_365] {strides = array<i32>} : memref<40x768xf32, #tpu.memory_space<vmem>>, vector<1x16xf32>,
          %get3A_367 = vector.shape_cast %get3A_366 : vector<1x16xf32> to vector<16xf32>
          %add3A_368 = arith.addf %get3A_363, %get3A_367 : vector<16xf32>
          %swap3A_369 = arith.index_cast %scan3A_109 : i32 to index
          %swap3A_370 = arith.constant 288 : index
          %swap3A_371 = tpu.vector_load %arg8[%swap3A_369, %swap3A_370] {strides = array<i32>} : memref<40x768xf32, #tpu.memory_space<vmem>>, vector<1x16xf32>,
          %swap3A_372 = vector.shape_cast %swap3A_371 : vector<1x16xf32> to vector<16xf32>
          %swap3A_373 = vector.shape_cast %add3A_368 : vector<16xf32> to vector<1x16xf32>
          tpu.vector_store %arg8[%swap3A_369, %swap3A_370], %swap3A_373 {strides = array<i32>} : memref<40x768xf32, #tpu.memory_space<vmem>>, vector<1x16xf32>,
          %get3A_374 = arith.index_cast %scan3A_109 : i32 to index
          %get3A_375 = arith.constant 304 : index
          %get3A_376 = tpu.vector_load %arg8[%get3A_374, %get3A_375] {strides = array<i32>} : memref<40x768xf32, #tpu.memory_space<vmem>>, vector<1x16xf32>,
          %get3A_377 = vector.shape_cast %get3A_376 : vector<1x16xf32> to vector<16xf32>
          %get3A_378 = arith.index_cast %scan3A_109 : i32 to index
          %get3A_379 = arith.constant 304 : index
          %get3A_380 = tpu.vector_load %arg7[%get3A_378, %get3A_379] {strides = array<i32>} : memref<40x768xf32, #tpu.memory_space<vmem>>, vector<1x16xf32>,
          %get3A_381 = vector.shape_cast %get3A_380 : vector<1x16xf32> to vector<16xf32>
          %add3A_382 = arith.addf %get3A_377, %get3A_381 : vector<16xf32>
          %swap3A_383 = arith.index_cast %scan3A_109 : i32 to index
          %swap3A_384 = arith.constant 304 : index
          %swap3A_385 = tpu.vector_load %arg8[%swap3A_383, %swap3A_384] {strides = array<i32>} : memref<40x768xf32, #tpu.memory_space<vmem>>, vector<1x16xf32>,
          %swap3A_386 = vector.shape_cast %swap3A_385 : vector<1x16xf32> to vector<16xf32>
          %swap3A_387 = vector.shape_cast %add3A_382 : vector<16xf32> to vector<1x16xf32>
          tpu.vector_store %arg8[%swap3A_383, %swap3A_384], %swap3A_387 {strides = array<i32>} : memref<40x768xf32, #tpu.memory_space<vmem>>, vector<1x16xf32>,
          %get3A_388 = arith.index_cast %scan3A_109 : i32 to index
          %get3A_389 = arith.constant 320 : index
          %get3A_390 = tpu.vector_load %arg8[%get3A_388, %get3A_389] {strides = array<i32>} : memref<40x768xf32, #tpu.memory_space<vmem>>, vector<1x16xf32>,
          %get3A_391 = vector.shape_cast %get3A_390 : vector<1x16xf32> to vector<16xf32>
          %get3A_392 = arith.index_cast %scan3A_109 : i32 to index
          %get3A_393 = arith.constant 320 : index
          %get3A_394 = tpu.vector_load %arg7[%get3A_392, %get3A_393] {strides = array<i32>} : memref<40x768xf32, #tpu.memory_space<vmem>>, vector<1x16xf32>,
          %get3A_395 = vector.shape_cast %get3A_394 : vector<1x16xf32> to vector<16xf32>
          %add3A_396 = arith.addf %get3A_391, %get3A_395 : vector<16xf32>
          %swap3A_397 = arith.index_cast %scan3A_109 : i32 to index
          %swap3A_398 = arith.constant 320 : index
          %swap3A_399 = tpu.vector_load %arg8[%swap3A_397, %swap3A_398] {strides = array<i32>} : memref<40x768xf32, #tpu.memory_space<vmem>>, vector<1x16xf32>,
          %swap3A_400 = vector.shape_cast %swap3A_399 : vector<1x16xf32> to vector<16xf32>
          %swap3A_401 = vector.shape_cast %add3A_396 : vector<16xf32> to vector<1x16xf32>
          tpu.vector_store %arg8[%swap3A_397, %swap3A_398], %swap3A_401 {strides = array<i32>} : memref<40x768xf32, #tpu.memory_space<vmem>>, vector<1x16xf32>,
          %get3A_402 = arith.index_cast %scan3A_109 : i32 to index
          %get3A_403 = arith.constant 336 : index
          %get3A_404 = tpu.vector_load %arg8[%get3A_402, %get3A_403] {strides = array<i32>} : memref<40x768xf32, #tpu.memory_space<vmem>>, vector<1x16xf32>,
          %get3A_405 = vector.shape_cast %get3A_404 : vector<1x16xf32> to vector<16xf32>
          %get3A_406 = arith.index_cast %scan3A_109 : i32 to index
          %get3A_407 = arith.constant 336 : index
          %get3A_408 = tpu.vector_load %arg7[%get3A_406, %get3A_407] {strides = array<i32>} : memref<40x768xf32, #tpu.memory_space<vmem>>, vector<1x16xf32>,
          %get3A_409 = vector.shape_cast %get3A_408 : vector<1x16xf32> to vector<16xf32>
          %add3A_410 = arith.addf %get3A_405, %get3A_409 : vector<16xf32>
          %swap3A_411 = arith.index_cast %scan3A_109 : i32 to index
          %swap3A_412 = arith.constant 336 : index
          %swap3A_413 = tpu.vector_load %arg8[%swap3A_411, %swap3A_412] {strides = array<i32>} : memref<40x768xf32, #tpu.memory_space<vmem>>, vector<1x16xf32>,
          %swap3A_414 = vector.shape_cast %swap3A_413 : vector<1x16xf32> to vector<16xf32>
          %swap3A_415 = vector.shape_cast %add3A_410 : vector<16xf32> to vector<1x16xf32>
          tpu.vector_store %arg8[%swap3A_411, %swap3A_412], %swap3A_415 {strides = array<i32>} : memref<40x768xf32, #tpu.memory_space<vmem>>, vector<1x16xf32>,
          %get3A_416 = arith.index_cast %scan3A_109 : i32 to index
          %get3A_417 = arith.constant 352 : index
          %get3A_418 = tpu.vector_load %arg8[%get3A_416, %get3A_417] {strides = array<i32>} : memref<40x768xf32, #tpu.memory_space<vmem>>, vector<1x16xf32>,
          %get3A_419 = vector.shape_cast %get3A_418 : vector<1x16xf32> to vector<16xf32>
          %get3A_420 = arith.index_cast %scan3A_109 : i32 to index
          %get3A_421 = arith.constant 352 : index
          %get3A_422 = tpu.vector_load %arg7[%get3A_420, %get3A_421] {strides = array<i32>} : memref<40x768xf32, #tpu.memory_space<vmem>>, vector<1x16xf32>,
          %get3A_423 = vector.shape_cast %get3A_422 : vector<1x16xf32> to vector<16xf32>
          %add3A_424 = arith.addf %get3A_419, %get3A_423 : vector<16xf32>
          %swap3A_425 = arith.index_cast %scan3A_109 : i32 to index
          %swap3A_426 = arith.constant 352 : index
          %swap3A_427 = tpu.vector_load %arg8[%swap3A_425, %swap3A_426] {strides = array<i32>} : memref<40x768xf32, #tpu.memory_space<vmem>>, vector<1x16xf32>,
          %swap3A_428 = vector.shape_cast %swap3A_427 : vector<1x16xf32> to vector<16xf32>
          %swap3A_429 = vector.shape_cast %add3A_424 : vector<16xf32> to vector<1x16xf32>
          tpu.vector_store %arg8[%swap3A_425, %swap3A_426], %swap3A_429 {strides = array<i32>} : memref<40x768xf32, #tpu.memory_space<vmem>>, vector<1x16xf32>,
          %get3A_430 = arith.index_cast %scan3A_109 : i32 to index
          %get3A_431 = arith.constant 368 : index
          %get3A_432 = tpu.vector_load %arg8[%get3A_430, %get3A_431] {strides = array<i32>} : memref<40x768xf32, #tpu.memory_space<vmem>>, vector<1x16xf32>,
          %get3A_433 = vector.shape_cast %get3A_432 : vector<1x16xf32> to vector<16xf32>
          %get3A_434 = arith.index_cast %scan3A_109 : i32 to index
          %get3A_435 = arith.constant 368 : index
          %get3A_436 = tpu.vector_load %arg7[%get3A_434, %get3A_435] {strides = array<i32>} : memref<40x768xf32, #tpu.memory_space<vmem>>, vector<1x16xf32>,
          %get3A_437 = vector.shape_cast %get3A_436 : vector<1x16xf32> to vector<16xf32>
          %add3A_438 = arith.addf %get3A_433, %get3A_437 : vector<16xf32>
          %swap3A_439 = arith.index_cast %scan3A_109 : i32 to index
          %swap3A_440 = arith.constant 368 : index
          %swap3A_441 = tpu.vector_load %arg8[%swap3A_439, %swap3A_440] {strides = array<i32>} : memref<40x768xf32, #tpu.memory_space<vmem>>, vector<1x16xf32>,
          %swap3A_442 = vector.shape_cast %swap3A_441 : vector<1x16xf32> to vector<16xf32>
          %swap3A_443 = vector.shape_cast %add3A_438 : vector<16xf32> to vector<1x16xf32>
          tpu.vector_store %arg8[%swap3A_439, %swap3A_440], %swap3A_443 {strides = array<i32>} : memref<40x768xf32, #tpu.memory_space<vmem>>, vector<1x16xf32>,
          %get3A_444 = arith.index_cast %scan3A_109 : i32 to index
          %get3A_445 = arith.constant 384 : index
          %get3A_446 = tpu.vector_load %arg8[%get3A_444, %get3A_445] {strides = array<i32>} : memref<40x768xf32, #tpu.memory_space<vmem>>, vector<1x16xf32>,
          %get3A_447 = vector.shape_cast %get3A_446 : vector<1x16xf32> to vector<16xf32>
          %get3A_448 = arith.index_cast %scan3A_109 : i32 to index
          %get3A_449 = arith.constant 384 : index
          %get3A_450 = tpu.vector_load %arg7[%get3A_448, %get3A_449] {strides = array<i32>} : memref<40x768xf32, #tpu.memory_space<vmem>>, vector<1x16xf32>,
          %get3A_451 = vector.shape_cast %get3A_450 : vector<1x16xf32> to vector<16xf32>
          %add3A_452 = arith.addf %get3A_447, %get3A_451 : vector<16xf32>
          %swap3A_453 = arith.index_cast %scan3A_109 : i32 to index
          %swap3A_454 = arith.constant 384 : index
          %swap3A_455 = tpu.vector_load %arg8[%swap3A_453, %swap3A_454] {strides = array<i32>} : memref<40x768xf32, #tpu.memory_space<vmem>>, vector<1x16xf32>,
          %swap3A_456 = vector.shape_cast %swap3A_455 : vector<1x16xf32> to vector<16xf32>
          %swap3A_457 = vector.shape_cast %add3A_452 : vector<16xf32> to vector<1x16xf32>
          tpu.vector_store %arg8[%swap3A_453, %swap3A_454], %swap3A_457 {strides = array<i32>} : memref<40x768xf32, #tpu.memory_space<vmem>>, vector<1x16xf32>,
          %get3A_458 = arith.index_cast %scan3A_109 : i32 to index
          %get3A_459 = arith.constant 400 : index
          %get3A_460 = tpu.vector_load %arg8[%get3A_458, %get3A_459] {strides = array<i32>} : memref<40x768xf32, #tpu.memory_space<vmem>>, vector<1x16xf32>,
          %get3A_461 = vector.shape_cast %get3A_460 : vector<1x16xf32> to vector<16xf32>
          %get3A_462 = arith.index_cast %scan3A_109 : i32 to index
          %get3A_463 = arith.constant 400 : index
          %get3A_464 = tpu.vector_load %arg7[%get3A_462, %get3A_463] {strides = array<i32>} : memref<40x768xf32, #tpu.memory_space<vmem>>, vector<1x16xf32>,
          %get3A_465 = vector.shape_cast %get3A_464 : vector<1x16xf32> to vector<16xf32>
          %add3A_466 = arith.addf %get3A_461, %get3A_465 : vector<16xf32>
          %swap3A_467 = arith.index_cast %scan3A_109 : i32 to index
          %swap3A_468 = arith.constant 400 : index
          %swap3A_469 = tpu.vector_load %arg8[%swap3A_467, %swap3A_468] {strides = array<i32>} : memref<40x768xf32, #tpu.memory_space<vmem>>, vector<1x16xf32>,
          %swap3A_470 = vector.shape_cast %swap3A_469 : vector<1x16xf32> to vector<16xf32>
          %swap3A_471 = vector.shape_cast %add3A_466 : vector<16xf32> to vector<1x16xf32>
          tpu.vector_store %arg8[%swap3A_467, %swap3A_468], %swap3A_471 {strides = array<i32>} : memref<40x768xf32, #tpu.memory_space<vmem>>, vector<1x16xf32>,
          %get3A_472 = arith.index_cast %scan3A_109 : i32 to index
          %get3A_473 = arith.constant 416 : index
          %get3A_474 = tpu.vector_load %arg8[%get3A_472, %get3A_473] {strides = array<i32>} : memref<40x768xf32, #tpu.memory_space<vmem>>, vector<1x16xf32>,
          %get3A_475 = vector.shape_cast %get3A_474 : vector<1x16xf32> to vector<16xf32>
          %get3A_476 = arith.index_cast %scan3A_109 : i32 to index
          %get3A_477 = arith.constant 416 : index
          %get3A_478 = tpu.vector_load %arg7[%get3A_476, %get3A_477] {strides = array<i32>} : memref<40x768xf32, #tpu.memory_space<vmem>>, vector<1x16xf32>,
          %get3A_479 = vector.shape_cast %get3A_478 : vector<1x16xf32> to vector<16xf32>
          %add3A_480 = arith.addf %get3A_475, %get3A_479 : vector<16xf32>
          %swap3A_481 = arith.index_cast %scan3A_109 : i32 to index
          %swap3A_482 = arith.constant 416 : index
          %swap3A_483 = tpu.vector_load %arg8[%swap3A_481, %swap3A_482] {strides = array<i32>} : memref<40x768xf32, #tpu.memory_space<vmem>>, vector<1x16xf32>,
          %swap3A_484 = vector.shape_cast %swap3A_483 : vector<1x16xf32> to vector<16xf32>
          %swap3A_485 = vector.shape_cast %add3A_480 : vector<16xf32> to vector<1x16xf32>
          tpu.vector_store %arg8[%swap3A_481, %swap3A_482], %swap3A_485 {strides = array<i32>} : memref<40x768xf32, #tpu.memory_space<vmem>>, vector<1x16xf32>,
          %get3A_486 = arith.index_cast %scan3A_109 : i32 to index
          %get3A_487 = arith.constant 432 : index
          %get3A_488 = tpu.vector_load %arg8[%get3A_486, %get3A_487] {strides = array<i32>} : memref<40x768xf32, #tpu.memory_space<vmem>>, vector<1x16xf32>,
          %get3A_489 = vector.shape_cast %get3A_488 : vector<1x16xf32> to vector<16xf32>
          %get3A_490 = arith.index_cast %scan3A_109 : i32 to index
          %get3A_491 = arith.constant 432 : index
          %get3A_492 = tpu.vector_load %arg7[%get3A_490, %get3A_491] {strides = array<i32>} : memref<40x768xf32, #tpu.memory_space<vmem>>, vector<1x16xf32>,
          %get3A_493 = vector.shape_cast %get3A_492 : vector<1x16xf32> to vector<16xf32>
          %add3A_494 = arith.addf %get3A_489, %get3A_493 : vector<16xf32>
          %swap3A_495 = arith.index_cast %scan3A_109 : i32 to index
          %swap3A_496 = arith.constant 432 : index
          %swap3A_497 = tpu.vector_load %arg8[%swap3A_495, %swap3A_496] {strides = array<i32>} : memref<40x768xf32, #tpu.memory_space<vmem>>, vector<1x16xf32>,
          %swap3A_498 = vector.shape_cast %swap3A_497 : vector<1x16xf32> to vector<16xf32>
          %swap3A_499 = vector.shape_cast %add3A_494 : vector<16xf32> to vector<1x16xf32>
          tpu.vector_store %arg8[%swap3A_495, %swap3A_496], %swap3A_499 {strides = array<i32>} : memref<40x768xf32, #tpu.memory_space<vmem>>, vector<1x16xf32>,
          %get3A_500 = arith.index_cast %scan3A_109 : i32 to index
          %get3A_501 = arith.constant 448 : index
          %get3A_502 = tpu.vector_load %arg8[%get3A_500, %get3A_501] {strides = array<i32>} : memref<40x768xf32, #tpu.memory_space<vmem>>, vector<1x16xf32>,
          %get3A_503 = vector.shape_cast %get3A_502 : vector<1x16xf32> to vector<16xf32>
          %get3A_504 = arith.index_cast %scan3A_109 : i32 to index
          %get3A_505 = arith.constant 448 : index
          %get3A_506 = tpu.vector_load %arg7[%get3A_504, %get3A_505] {strides = array<i32>} : memref<40x768xf32, #tpu.memory_space<vmem>>, vector<1x16xf32>,
          %get3A_507 = vector.shape_cast %get3A_506 : vector<1x16xf32> to vector<16xf32>
          %add3A_508 = arith.addf %get3A_503, %get3A_507 : vector<16xf32>
          %swap3A_509 = arith.index_cast %scan3A_109 : i32 to index
          %swap3A_510 = arith.constant 448 : index
          %swap3A_511 = tpu.vector_load %arg8[%swap3A_509, %swap3A_510] {strides = array<i32>} : memref<40x768xf32, #tpu.memory_space<vmem>>, vector<1x16xf32>,
          %swap3A_512 = vector.shape_cast %swap3A_511 : vector<1x16xf32> to vector<16xf32>
          %swap3A_513 = vector.shape_cast %add3A_508 : vector<16xf32> to vector<1x16xf32>
          tpu.vector_store %arg8[%swap3A_509, %swap3A_510], %swap3A_513 {strides = array<i32>} : memref<40x768xf32, #tpu.memory_space<vmem>>, vector<1x16xf32>,
          %get3A_514 = arith.index_cast %scan3A_109 : i32 to index
          %get3A_515 = arith.constant 464 : index
          %get3A_516 = tpu.vector_load %arg8[%get3A_514, %get3A_515] {strides = array<i32>} : memref<40x768xf32, #tpu.memory_space<vmem>>, vector<1x16xf32>,
          %get3A_517 = vector.shape_cast %get3A_516 : vector<1x16xf32> to vector<16xf32>
          %get3A_518 = arith.index_cast %scan3A_109 : i32 to index
          %get3A_519 = arith.constant 464 : index
          %get3A_520 = tpu.vector_load %arg7[%get3A_518, %get3A_519] {strides = array<i32>} : memref<40x768xf32, #tpu.memory_space<vmem>>, vector<1x16xf32>,
          %get3A_521 = vector.shape_cast %get3A_520 : vector<1x16xf32> to vector<16xf32>
          %add3A_522 = arith.addf %get3A_517, %get3A_521 : vector<16xf32>
          %swap3A_523 = arith.index_cast %scan3A_109 : i32 to index
          %swap3A_524 = arith.constant 464 : index
          %swap3A_525 = tpu.vector_load %arg8[%swap3A_523, %swap3A_524] {strides = array<i32>} : memref<40x768xf32, #tpu.memory_space<vmem>>, vector<1x16xf32>,
          %swap3A_526 = vector.shape_cast %swap3A_525 : vector<1x16xf32> to vector<16xf32>
          %swap3A_527 = vector.shape_cast %add3A_522 : vector<16xf32> to vector<1x16xf32>
          tpu.vector_store %arg8[%swap3A_523, %swap3A_524], %swap3A_527 {strides = array<i32>} : memref<40x768xf32, #tpu.memory_space<vmem>>, vector<1x16xf32>,
          %get3A_528 = arith.index_cast %scan3A_109 : i32 to index
          %get3A_529 = arith.constant 480 : index
          %get3A_530 = tpu.vector_load %arg8[%get3A_528, %get3A_529] {strides = array<i32>} : memref<40x768xf32, #tpu.memory_space<vmem>>, vector<1x16xf32>,
          %get3A_531 = vector.shape_cast %get3A_530 : vector<1x16xf32> to vector<16xf32>
          %get3A_532 = arith.index_cast %scan3A_109 : i32 to index
          %get3A_533 = arith.constant 480 : index
          %get3A_534 = tpu.vector_load %arg7[%get3A_532, %get3A_533] {strides = array<i32>} : memref<40x768xf32, #tpu.memory_space<vmem>>, vector<1x16xf32>,
          %get3A_535 = vector.shape_cast %get3A_534 : vector<1x16xf32> to vector<16xf32>
          %add3A_536 = arith.addf %get3A_531, %get3A_535 : vector<16xf32>
          %swap3A_537 = arith.index_cast %scan3A_109 : i32 to index
          %swap3A_538 = arith.constant 480 : index
          %swap3A_539 = tpu.vector_load %arg8[%swap3A_537, %swap3A_538] {strides = array<i32>} : memref<40x768xf32, #tpu.memory_space<vmem>>, vector<1x16xf32>,
          %swap3A_540 = vector.shape_cast %swap3A_539 : vector<1x16xf32> to vector<16xf32>
          %swap3A_541 = vector.shape_cast %add3A_536 : vector<16xf32> to vector<1x16xf32>
          tpu.vector_store %arg8[%swap3A_537, %swap3A_538], %swap3A_541 {strides = array<i32>} : memref<40x768xf32, #tpu.memory_space<vmem>>, vector<1x16xf32>,
          %get3A_542 = arith.index_cast %scan3A_109 : i32 to index
          %get3A_543 = arith.constant 496 : index
          %get3A_544 = tpu.vector_load %arg8[%get3A_542, %get3A_543] {strides = array<i32>} : memref<40x768xf32, #tpu.memory_space<vmem>>, vector<1x16xf32>,
          %get3A_545 = vector.shape_cast %get3A_544 : vector<1x16xf32> to vector<16xf32>
          %get3A_546 = arith.index_cast %scan3A_109 : i32 to index
          %get3A_547 = arith.constant 496 : index
          %get3A_548 = tpu.vector_load %arg7[%get3A_546, %get3A_547] {strides = array<i32>} : memref<40x768xf32, #tpu.memory_space<vmem>>, vector<1x16xf32>,
          %get3A_549 = vector.shape_cast %get3A_548 : vector<1x16xf32> to vector<16xf32>
          %add3A_550 = arith.addf %get3A_545, %get3A_549 : vector<16xf32>
          %swap3A_551 = arith.index_cast %scan3A_109 : i32 to index
          %swap3A_552 = arith.constant 496 : index
          %swap3A_553 = tpu.vector_load %arg8[%swap3A_551, %swap3A_552] {strides = array<i32>} : memref<40x768xf32, #tpu.memory_space<vmem>>, vector<1x16xf32>,
          %swap3A_554 = vector.shape_cast %swap3A_553 : vector<1x16xf32> to vector<16xf32>
          %swap3A_555 = vector.shape_cast %add3A_550 : vector<16xf32> to vector<1x16xf32>
          tpu.vector_store %arg8[%swap3A_551, %swap3A_552], %swap3A_555 {strides = array<i32>} : memref<40x768xf32, #tpu.memory_space<vmem>>, vector<1x16xf32>,
          %get3A_556 = arith.index_cast %scan3A_109 : i32 to index
          %get3A_557 = arith.constant 512 : index
          %get3A_558 = tpu.vector_load %arg8[%get3A_556, %get3A_557] {strides = array<i32>} : memref<40x768xf32, #tpu.memory_space<vmem>>, vector<1x16xf32>,
          %get3A_559 = vector.shape_cast %get3A_558 : vector<1x16xf32> to vector<16xf32>
          %get3A_560 = arith.index_cast %scan3A_109 : i32 to index
          %get3A_561 = arith.constant 512 : index
          %get3A_562 = tpu.vector_load %arg7[%get3A_560, %get3A_561] {strides = array<i32>} : memref<40x768xf32, #tpu.memory_space<vmem>>, vector<1x16xf32>,
          %get3A_563 = vector.shape_cast %get3A_562 : vector<1x16xf32> to vector<16xf32>
          %add3A_564 = arith.addf %get3A_559, %get3A_563 : vector<16xf32>
          %swap3A_565 = arith.index_cast %scan3A_109 : i32 to index
          %swap3A_566 = arith.constant 512 : index
          %swap3A_567 = tpu.vector_load %arg8[%swap3A_565, %swap3A_566] {strides = array<i32>} : memref<40x768xf32, #tpu.memory_space<vmem>>, vector<1x16xf32>,
          %swap3A_568 = vector.shape_cast %swap3A_567 : vector<1x16xf32> to vector<16xf32>
          %swap3A_569 = vector.shape_cast %add3A_564 : vector<16xf32> to vector<1x16xf32>
          tpu.vector_store %arg8[%swap3A_565, %swap3A_566], %swap3A_569 {strides = array<i32>} : memref<40x768xf32, #tpu.memory_space<vmem>>, vector<1x16xf32>,
          %get3A_570 = arith.index_cast %scan3A_109 : i32 to index
          %get3A_571 = arith.constant 528 : index
          %get3A_572 = tpu.vector_load %arg8[%get3A_570, %get3A_571] {strides = array<i32>} : memref<40x768xf32, #tpu.memory_space<vmem>>, vector<1x16xf32>,
          %get3A_573 = vector.shape_cast %get3A_572 : vector<1x16xf32> to vector<16xf32>
          %get3A_574 = arith.index_cast %scan3A_109 : i32 to index
          %get3A_575 = arith.constant 528 : index
          %get3A_576 = tpu.vector_load %arg7[%get3A_574, %get3A_575] {strides = array<i32>} : memref<40x768xf32, #tpu.memory_space<vmem>>, vector<1x16xf32>,
          %get3A_577 = vector.shape_cast %get3A_576 : vector<1x16xf32> to vector<16xf32>
          %add3A_578 = arith.addf %get3A_573, %get3A_577 : vector<16xf32>
          %swap3A_579 = arith.index_cast %scan3A_109 : i32 to index
          %swap3A_580 = arith.constant 528 : index
          %swap3A_581 = tpu.vector_load %arg8[%swap3A_579, %swap3A_580] {strides = array<i32>} : memref<40x768xf32, #tpu.memory_space<vmem>>, vector<1x16xf32>,
          %swap3A_582 = vector.shape_cast %swap3A_581 : vector<1x16xf32> to vector<16xf32>
          %swap3A_583 = vector.shape_cast %add3A_578 : vector<16xf32> to vector<1x16xf32>
          tpu.vector_store %arg8[%swap3A_579, %swap3A_580], %swap3A_583 {strides = array<i32>} : memref<40x768xf32, #tpu.memory_space<vmem>>, vector<1x16xf32>,
          %get3A_584 = arith.index_cast %scan3A_109 : i32 to index
          %get3A_585 = arith.constant 544 : index
          %get3A_586 = tpu.vector_load %arg8[%get3A_584, %get3A_585] {strides = array<i32>} : memref<40x768xf32, #tpu.memory_space<vmem>>, vector<1x16xf32>,
          %get3A_587 = vector.shape_cast %get3A_586 : vector<1x16xf32> to vector<16xf32>
          %get3A_588 = arith.index_cast %scan3A_109 : i32 to index
          %get3A_589 = arith.constant 544 : index
          %get3A_590 = tpu.vector_load %arg7[%get3A_588, %get3A_589] {strides = array<i32>} : memref<40x768xf32, #tpu.memory_space<vmem>>, vector<1x16xf32>,
          %get3A_591 = vector.shape_cast %get3A_590 : vector<1x16xf32> to vector<16xf32>
          %add3A_592 = arith.addf %get3A_587, %get3A_591 : vector<16xf32>
          %swap3A_593 = arith.index_cast %scan3A_109 : i32 to index
          %swap3A_594 = arith.constant 544 : index
          %swap3A_595 = tpu.vector_load %arg8[%swap3A_593, %swap3A_594] {strides = array<i32>} : memref<40x768xf32, #tpu.memory_space<vmem>>, vector<1x16xf32>,
          %swap3A_596 = vector.shape_cast %swap3A_595 : vector<1x16xf32> to vector<16xf32>
          %swap3A_597 = vector.shape_cast %add3A_592 : vector<16xf32> to vector<1x16xf32>
          tpu.vector_store %arg8[%swap3A_593, %swap3A_594], %swap3A_597 {strides = array<i32>} : memref<40x768xf32, #tpu.memory_space<vmem>>, vector<1x16xf32>,
          %get3A_598 = arith.index_cast %scan3A_109 : i32 to index
          %get3A_599 = arith.constant 560 : index
          %get3A_600 = tpu.vector_load %arg8[%get3A_598, %get3A_599] {strides = array<i32>} : memref<40x768xf32, #tpu.memory_space<vmem>>, vector<1x16xf32>,
          %get3A_601 = vector.shape_cast %get3A_600 : vector<1x16xf32> to vector<16xf32>
          %get3A_602 = arith.index_cast %scan3A_109 : i32 to index
          %get3A_603 = arith.constant 560 : index
          %get3A_604 = tpu.vector_load %arg7[%get3A_602, %get3A_603] {strides = array<i32>} : memref<40x768xf32, #tpu.memory_space<vmem>>, vector<1x16xf32>,
          %get3A_605 = vector.shape_cast %get3A_604 : vector<1x16xf32> to vector<16xf32>
          %add3A_606 = arith.addf %get3A_601, %get3A_605 : vector<16xf32>
          %swap3A_607 = arith.index_cast %scan3A_109 : i32 to index
          %swap3A_608 = arith.constant 560 : index
          %swap3A_609 = tpu.vector_load %arg8[%swap3A_607, %swap3A_608] {strides = array<i32>} : memref<40x768xf32, #tpu.memory_space<vmem>>, vector<1x16xf32>,
          %swap3A_610 = vector.shape_cast %swap3A_609 : vector<1x16xf32> to vector<16xf32>
          %swap3A_611 = vector.shape_cast %add3A_606 : vector<16xf32> to vector<1x16xf32>
          tpu.vector_store %arg8[%swap3A_607, %swap3A_608], %swap3A_611 {strides = array<i32>} : memref<40x768xf32, #tpu.memory_space<vmem>>, vector<1x16xf32>,
          %get3A_612 = arith.index_cast %scan3A_109 : i32 to index
          %get3A_613 = arith.constant 576 : index
          %get3A_614 = tpu.vector_load %arg8[%get3A_612, %get3A_613] {strides = array<i32>} : memref<40x768xf32, #tpu.memory_space<vmem>>, vector<1x16xf32>,
          %get3A_615 = vector.shape_cast %get3A_614 : vector<1x16xf32> to vector<16xf32>
          %get3A_616 = arith.index_cast %scan3A_109 : i32 to index
          %get3A_617 = arith.constant 576 : index
          %get3A_618 = tpu.vector_load %arg7[%get3A_616, %get3A_617] {strides = array<i32>} : memref<40x768xf32, #tpu.memory_space<vmem>>, vector<1x16xf32>,
          %get3A_619 = vector.shape_cast %get3A_618 : vector<1x16xf32> to vector<16xf32>
          %add3A_620 = arith.addf %get3A_615, %get3A_619 : vector<16xf32>
          %swap3A_621 = arith.index_cast %scan3A_109 : i32 to index
          %swap3A_622 = arith.constant 576 : index
          %swap3A_623 = tpu.vector_load %arg8[%swap3A_621, %swap3A_622] {strides = array<i32>} : memref<40x768xf32, #tpu.memory_space<vmem>>, vector<1x16xf32>,
          %swap3A_624 = vector.shape_cast %swap3A_623 : vector<1x16xf32> to vector<16xf32>
          %swap3A_625 = vector.shape_cast %add3A_620 : vector<16xf32> to vector<1x16xf32>
          tpu.vector_store %arg8[%swap3A_621, %swap3A_622], %swap3A_625 {strides = array<i32>} : memref<40x768xf32, #tpu.memory_space<vmem>>, vector<1x16xf32>,
          %get3A_626 = arith.index_cast %scan3A_109 : i32 to index
          %get3A_627 = arith.constant 592 : index
          %get3A_628 = tpu.vector_load %arg8[%get3A_626, %get3A_627] {strides = array<i32>} : memref<40x768xf32, #tpu.memory_space<vmem>>, vector<1x16xf32>,
          %get3A_629 = vector.shape_cast %get3A_628 : vector<1x16xf32> to vector<16xf32>
          %get3A_630 = arith.index_cast %scan3A_109 : i32 to index
          %get3A_631 = arith.constant 592 : index
          %get3A_632 = tpu.vector_load %arg7[%get3A_630, %get3A_631] {strides = array<i32>} : memref<40x768xf32, #tpu.memory_space<vmem>>, vector<1x16xf32>,
          %get3A_633 = vector.shape_cast %get3A_632 : vector<1x16xf32> to vector<16xf32>
          %add3A_634 = arith.addf %get3A_629, %get3A_633 : vector<16xf32>
          %swap3A_635 = arith.index_cast %scan3A_109 : i32 to index
          %swap3A_636 = arith.constant 592 : index
          %swap3A_637 = tpu.vector_load %arg8[%swap3A_635, %swap3A_636] {strides = array<i32>} : memref<40x768xf32, #tpu.memory_space<vmem>>, vector<1x16xf32>,
          %swap3A_638 = vector.shape_cast %swap3A_637 : vector<1x16xf32> to vector<16xf32>
          %swap3A_639 = vector.shape_cast %add3A_634 : vector<16xf32> to vector<1x16xf32>
          tpu.vector_store %arg8[%swap3A_635, %swap3A_636], %swap3A_639 {strides = array<i32>} : memref<40x768xf32, #tpu.memory_space<vmem>>, vector<1x16xf32>,
          %get3A_640 = arith.index_cast %scan3A_109 : i32 to index
          %get3A_641 = arith.constant 608 : index
          %get3A_642 = tpu.vector_load %arg8[%get3A_640, %get3A_641] {strides = array<i32>} : memref<40x768xf32, #tpu.memory_space<vmem>>, vector<1x16xf32>,
          %get3A_643 = vector.shape_cast %get3A_642 : vector<1x16xf32> to vector<16xf32>
          %get3A_644 = arith.index_cast %scan3A_109 : i32 to index
          %get3A_645 = arith.constant 608 : index
          %get3A_646 = tpu.vector_load %arg7[%get3A_644, %get3A_645] {strides = array<i32>} : memref<40x768xf32, #tpu.memory_space<vmem>>, vector<1x16xf32>,
          %get3A_647 = vector.shape_cast %get3A_646 : vector<1x16xf32> to vector<16xf32>
          %add3A_648 = arith.addf %get3A_643, %get3A_647 : vector<16xf32>
          %swap3A_649 = arith.index_cast %scan3A_109 : i32 to index
          %swap3A_650 = arith.constant 608 : index
          %swap3A_651 = tpu.vector_load %arg8[%swap3A_649, %swap3A_650] {strides = array<i32>} : memref<40x768xf32, #tpu.memory_space<vmem>>, vector<1x16xf32>,
          %swap3A_652 = vector.shape_cast %swap3A_651 : vector<1x16xf32> to vector<16xf32>
          %swap3A_653 = vector.shape_cast %add3A_648 : vector<16xf32> to vector<1x16xf32>
          tpu.vector_store %arg8[%swap3A_649, %swap3A_650], %swap3A_653 {strides = array<i32>} : memref<40x768xf32, #tpu.memory_space<vmem>>, vector<1x16xf32>,
          %get3A_654 = arith.index_cast %scan3A_109 : i32 to index
          %get3A_655 = arith.constant 624 : index
          %get3A_656 = tpu.vector_load %arg8[%get3A_654, %get3A_655] {strides = array<i32>} : memref<40x768xf32, #tpu.memory_space<vmem>>, vector<1x16xf32>,
          %get3A_657 = vector.shape_cast %get3A_656 : vector<1x16xf32> to vector<16xf32>
          %get3A_658 = arith.index_cast %scan3A_109 : i32 to index
          %get3A_659 = arith.constant 624 : index
          %get3A_660 = tpu.vector_load %arg7[%get3A_658, %get3A_659] {strides = array<i32>} : memref<40x768xf32, #tpu.memory_space<vmem>>, vector<1x16xf32>,
          %get3A_661 = vector.shape_cast %get3A_660 : vector<1x16xf32> to vector<16xf32>
          %add3A_662 = arith.addf %get3A_657, %get3A_661 : vector<16xf32>
          %swap3A_663 = arith.index_cast %scan3A_109 : i32 to index
          %swap3A_664 = arith.constant 624 : index
          %swap3A_665 = tpu.vector_load %arg8[%swap3A_663, %swap3A_664] {strides = array<i32>} : memref<40x768xf32, #tpu.memory_space<vmem>>, vector<1x16xf32>,
          %swap3A_666 = vector.shape_cast %swap3A_665 : vector<1x16xf32> to vector<16xf32>
          %swap3A_667 = vector.shape_cast %add3A_662 : vector<16xf32> to vector<1x16xf32>
          tpu.vector_store %arg8[%swap3A_663, %swap3A_664], %swap3A_667 {strides = array<i32>} : memref<40x768xf32, #tpu.memory_space<vmem>>, vector<1x16xf32>,
          %get3A_668 = arith.index_cast %scan3A_109 : i32 to index
          %get3A_669 = arith.constant 640 : index
          %get3A_670 = tpu.vector_load %arg8[%get3A_668, %get3A_669] {strides = array<i32>} : memref<40x768xf32, #tpu.memory_space<vmem>>, vector<1x16xf32>,
          %get3A_671 = vector.shape_cast %get3A_670 : vector<1x16xf32> to vector<16xf32>
          %get3A_672 = arith.index_cast %scan3A_109 : i32 to index
          %get3A_673 = arith.constant 640 : index
          %get3A_674 = tpu.vector_load %arg7[%get3A_672, %get3A_673] {strides = array<i32>} : memref<40x768xf32, #tpu.memory_space<vmem>>, vector<1x16xf32>,
          %get3A_675 = vector.shape_cast %get3A_674 : vector<1x16xf32> to vector<16xf32>
          %add3A_676 = arith.addf %get3A_671, %get3A_675 : vector<16xf32>
          %swap3A_677 = arith.index_cast %scan3A_109 : i32 to index
          %swap3A_678 = arith.constant 640 : index
          %swap3A_679 = tpu.vector_load %arg8[%swap3A_677, %swap3A_678] {strides = array<i32>} : memref<40x768xf32, #tpu.memory_space<vmem>>, vector<1x16xf32>,
          %swap3A_680 = vector.shape_cast %swap3A_679 : vector<1x16xf32> to vector<16xf32>
          %swap3A_681 = vector.shape_cast %add3A_676 : vector<16xf32> to vector<1x16xf32>
          tpu.vector_store %arg8[%swap3A_677, %swap3A_678], %swap3A_681 {strides = array<i32>} : memref<40x768xf32, #tpu.memory_space<vmem>>, vector<1x16xf32>,
          %get3A_682 = arith.index_cast %scan3A_109 : i32 to index
          %get3A_683 = arith.constant 656 : index
          %get3A_684 = tpu.vector_load %arg8[%get3A_682, %get3A_683] {strides = array<i32>} : memref<40x768xf32, #tpu.memory_space<vmem>>, vector<1x16xf32>,
          %get3A_685 = vector.shape_cast %get3A_684 : vector<1x16xf32> to vector<16xf32>
          %get3A_686 = arith.index_cast %scan3A_109 : i32 to index
          %get3A_687 = arith.constant 656 : index
          %get3A_688 = tpu.vector_load %arg7[%get3A_686, %get3A_687] {strides = array<i32>} : memref<40x768xf32, #tpu.memory_space<vmem>>, vector<1x16xf32>,
          %get3A_689 = vector.shape_cast %get3A_688 : vector<1x16xf32> to vector<16xf32>
          %add3A_690 = arith.addf %get3A_685, %get3A_689 : vector<16xf32>
          %swap3A_691 = arith.index_cast %scan3A_109 : i32 to index
          %swap3A_692 = arith.constant 656 : index
          %swap3A_693 = tpu.vector_load %arg8[%swap3A_691, %swap3A_692] {strides = array<i32>} : memref<40x768xf32, #tpu.memory_space<vmem>>, vector<1x16xf32>,
          %swap3A_694 = vector.shape_cast %swap3A_693 : vector<1x16xf32> to vector<16xf32>
          %swap3A_695 = vector.shape_cast %add3A_690 : vector<16xf32> to vector<1x16xf32>
          tpu.vector_store %arg8[%swap3A_691, %swap3A_692], %swap3A_695 {strides = array<i32>} : memref<40x768xf32, #tpu.memory_space<vmem>>, vector<1x16xf32>,
          %get3A_696 = arith.index_cast %scan3A_109 : i32 to index
          %get3A_697 = arith.constant 672 : index
          %get3A_698 = tpu.vector_load %arg8[%get3A_696, %get3A_697] {strides = array<i32>} : memref<40x768xf32, #tpu.memory_space<vmem>>, vector<1x16xf32>,
          %get3A_699 = vector.shape_cast %get3A_698 : vector<1x16xf32> to vector<16xf32>
          %get3A_700 = arith.index_cast %scan3A_109 : i32 to index
          %get3A_701 = arith.constant 672 : index
          %get3A_702 = tpu.vector_load %arg7[%get3A_700, %get3A_701] {strides = array<i32>} : memref<40x768xf32, #tpu.memory_space<vmem>>, vector<1x16xf32>,
          %get3A_703 = vector.shape_cast %get3A_702 : vector<1x16xf32> to vector<16xf32>
          %add3A_704 = arith.addf %get3A_699, %get3A_703 : vector<16xf32>
          %swap3A_705 = arith.index_cast %scan3A_109 : i32 to index
          %swap3A_706 = arith.constant 672 : index
          %swap3A_707 = tpu.vector_load %arg8[%swap3A_705, %swap3A_706] {strides = array<i32>} : memref<40x768xf32, #tpu.memory_space<vmem>>, vector<1x16xf32>,
          %swap3A_708 = vector.shape_cast %swap3A_707 : vector<1x16xf32> to vector<16xf32>
          %swap3A_709 = vector.shape_cast %add3A_704 : vector<16xf32> to vector<1x16xf32>
          tpu.vector_store %arg8[%swap3A_705, %swap3A_706], %swap3A_709 {strides = array<i32>} : memref<40x768xf32, #tpu.memory_space<vmem>>, vector<1x16xf32>,
          %get3A_710 = arith.index_cast %scan3A_109 : i32 to index
          %get3A_711 = arith.constant 688 : index
          %get3A_712 = tpu.vector_load %arg8[%get3A_710, %get3A_711] {strides = array<i32>} : memref<40x768xf32, #tpu.memory_space<vmem>>, vector<1x16xf32>,
          %get3A_713 = vector.shape_cast %get3A_712 : vector<1x16xf32> to vector<16xf32>
          %get3A_714 = arith.index_cast %scan3A_109 : i32 to index
          %get3A_715 = arith.constant 688 : index
          %get3A_716 = tpu.vector_load %arg7[%get3A_714, %get3A_715] {strides = array<i32>} : memref<40x768xf32, #tpu.memory_space<vmem>>, vector<1x16xf32>,
          %get3A_717 = vector.shape_cast %get3A_716 : vector<1x16xf32> to vector<16xf32>
          %add3A_718 = arith.addf %get3A_713, %get3A_717 : vector<16xf32>
          %swap3A_719 = arith.index_cast %scan3A_109 : i32 to index
          %swap3A_720 = arith.constant 688 : index
          %swap3A_721 = tpu.vector_load %arg8[%swap3A_719, %swap3A_720] {strides = array<i32>} : memref<40x768xf32, #tpu.memory_space<vmem>>, vector<1x16xf32>,
          %swap3A_722 = vector.shape_cast %swap3A_721 : vector<1x16xf32> to vector<16xf32>
          %swap3A_723 = vector.shape_cast %add3A_718 : vector<16xf32> to vector<1x16xf32>
          tpu.vector_store %arg8[%swap3A_719, %swap3A_720], %swap3A_723 {strides = array<i32>} : memref<40x768xf32, #tpu.memory_space<vmem>>, vector<1x16xf32>,
          %get3A_724 = arith.index_cast %scan3A_109 : i32 to index
          %get3A_725 = arith.constant 704 : index
          %get3A_726 = tpu.vector_load %arg8[%get3A_724, %get3A_725] {strides = array<i32>} : memref<40x768xf32, #tpu.memory_space<vmem>>, vector<1x16xf32>,
          %get3A_727 = vector.shape_cast %get3A_726 : vector<1x16xf32> to vector<16xf32>
          %get3A_728 = arith.index_cast %scan3A_109 : i32 to index
          %get3A_729 = arith.constant 704 : index
          %get3A_730 = tpu.vector_load %arg7[%get3A_728, %get3A_729] {strides = array<i32>} : memref<40x768xf32, #tpu.memory_space<vmem>>, vector<1x16xf32>,
          %get3A_731 = vector.shape_cast %get3A_730 : vector<1x16xf32> to vector<16xf32>
          %add3A_732 = arith.addf %get3A_727, %get3A_731 : vector<16xf32>
          %swap3A_733 = arith.index_cast %scan3A_109 : i32 to index
          %swap3A_734 = arith.constant 704 : index
          %swap3A_735 = tpu.vector_load %arg8[%swap3A_733, %swap3A_734] {strides = array<i32>} : memref<40x768xf32, #tpu.memory_space<vmem>>, vector<1x16xf32>,
          %swap3A_736 = vector.shape_cast %swap3A_735 : vector<1x16xf32> to vector<16xf32>
          %swap3A_737 = vector.shape_cast %add3A_732 : vector<16xf32> to vector<1x16xf32>
          tpu.vector_store %arg8[%swap3A_733, %swap3A_734], %swap3A_737 {strides = array<i32>} : memref<40x768xf32, #tpu.memory_space<vmem>>, vector<1x16xf32>,
          %get3A_738 = arith.index_cast %scan3A_109 : i32 to index
          %get3A_739 = arith.constant 720 : index
          %get3A_740 = tpu.vector_load %arg8[%get3A_738, %get3A_739] {strides = array<i32>} : memref<40x768xf32, #tpu.memory_space<vmem>>, vector<1x16xf32>,
          %get3A_741 = vector.shape_cast %get3A_740 : vector<1x16xf32> to vector<16xf32>
          %get3A_742 = arith.index_cast %scan3A_109 : i32 to index
          %get3A_743 = arith.constant 720 : index
          %get3A_744 = tpu.vector_load %arg7[%get3A_742, %get3A_743] {strides = array<i32>} : memref<40x768xf32, #tpu.memory_space<vmem>>, vector<1x16xf32>,
          %get3A_745 = vector.shape_cast %get3A_744 : vector<1x16xf32> to vector<16xf32>
          %add3A_746 = arith.addf %get3A_741, %get3A_745 : vector<16xf32>
          %swap3A_747 = arith.index_cast %scan3A_109 : i32 to index
          %swap3A_748 = arith.constant 720 : index
          %swap3A_749 = tpu.vector_load %arg8[%swap3A_747, %swap3A_748] {strides = array<i32>} : memref<40x768xf32, #tpu.memory_space<vmem>>, vector<1x16xf32>,
          %swap3A_750 = vector.shape_cast %swap3A_749 : vector<1x16xf32> to vector<16xf32>
          %swap3A_751 = vector.shape_cast %add3A_746 : vector<16xf32> to vector<1x16xf32>
          tpu.vector_store %arg8[%swap3A_747, %swap3A_748], %swap3A_751 {strides = array<i32>} : memref<40x768xf32, #tpu.memory_space<vmem>>, vector<1x16xf32>,
          %get3A_752 = arith.index_cast %scan3A_109 : i32 to index
          %get3A_753 = arith.constant 736 : index
          %get3A_754 = tpu.vector_load %arg8[%get3A_752, %get3A_753] {strides = array<i32>} : memref<40x768xf32, #tpu.memory_space<vmem>>, vector<1x16xf32>,
          %get3A_755 = vector.shape_cast %get3A_754 : vector<1x16xf32> to vector<16xf32>
          %get3A_756 = arith.index_cast %scan3A_109 : i32 to index
          %get3A_757 = arith.constant 736 : index
          %get3A_758 = tpu.vector_load %arg7[%get3A_756, %get3A_757] {strides = array<i32>} : memref<40x768xf32, #tpu.memory_space<vmem>>, vector<1x16xf32>,
          %get3A_759 = vector.shape_cast %get3A_758 : vector<1x16xf32> to vector<16xf32>
          %add3A_760 = arith.addf %get3A_755, %get3A_759 : vector<16xf32>
          %swap3A_761 = arith.index_cast %scan3A_109 : i32 to index
          %swap3A_762 = arith.constant 736 : index
          %swap3A_763 = tpu.vector_load %arg8[%swap3A_761, %swap3A_762] {strides = array<i32>} : memref<40x768xf32, #tpu.memory_space<vmem>>, vector<1x16xf32>,
          %swap3A_764 = vector.shape_cast %swap3A_763 : vector<1x16xf32> to vector<16xf32>
          %swap3A_765 = vector.shape_cast %add3A_760 : vector<16xf32> to vector<1x16xf32>
          tpu.vector_store %arg8[%swap3A_761, %swap3A_762], %swap3A_765 {strides = array<i32>} : memref<40x768xf32, #tpu.memory_space<vmem>>, vector<1x16xf32>,
          %get3A_766 = arith.index_cast %scan3A_109 : i32 to index
          %get3A_767 = arith.constant 752 : index
          %get3A_768 = tpu.vector_load %arg8[%get3A_766, %get3A_767] {strides = array<i32>} : memref<40x768xf32, #tpu.memory_space<vmem>>, vector<1x16xf32>,
          %get3A_769 = vector.shape_cast %get3A_768 : vector<1x16xf32> to vector<16xf32>
          %get3A_770 = arith.index_cast %scan3A_109 : i32 to index
          %get3A_771 = arith.constant 752 : index
          %get3A_772 = tpu.vector_load %arg7[%get3A_770, %get3A_771] {strides = array<i32>} : memref<40x768xf32, #tpu.memory_space<vmem>>, vector<1x16xf32>,
          %get3A_773 = vector.shape_cast %get3A_772 : vector<1x16xf32> to vector<16xf32>
          %add3A_774 = arith.addf %get3A_769, %get3A_773 : vector<16xf32>
          %swap3A_775 = arith.index_cast %scan3A_109 : i32 to index
          %swap3A_776 = arith.constant 752 : index
          %swap3A_777 = tpu.vector_load %arg8[%swap3A_775, %swap3A_776] {strides = array<i32>} : memref<40x768xf32, #tpu.memory_space<vmem>>, vector<1x16xf32>,
          %swap3A_778 = vector.shape_cast %swap3A_777 : vector<1x16xf32> to vector<16xf32>
          %swap3A_779 = vector.shape_cast %add3A_774 : vector<16xf32> to vector<1x16xf32>
          tpu.vector_store %arg8[%swap3A_775, %swap3A_776], %swap3A_779 {strides = array<i32>} : memref<40x768xf32, #tpu.memory_space<vmem>>, vector<1x16xf32>,
        }
        %scan3A_60 = arith.constant 40 : i32
        %add3A_61 = arith.addi %mul3A_0, %add3A_35 : i32
        %dma_start3A_62 = arith.constant 0 : i32
        %dma_start3A_63 = arith.constant 0 : i32
        %dma_start3A_64 = tpu.memref_slice %arg5[%add3A_61, %dma_start3A_62, %dma_start3A_63] : memref<4096x80x768xf32, #tpu.memory_space<hbm>> -> memref<1x40x768xf32, #tpu.memory_space<hbm>>
        %dma_start3A_65 = tpu.memref_squeeze %dma_start3A_64 : memref<1x40x768xf32, #tpu.memory_space<hbm>> -> memref<40x768xf32, #tpu.memory_space<hbm>>
        %dma_start3A_66 = arith.constant 0 : i32
        %dma_start3A_67 = arith.constant 0 : i32
        %dma_start3A_68 = tpu.memref_slice %arg5[%add3A_61, %dma_start3A_66, %dma_start3A_67] : memref<4096x80x768xf32, #tpu.memory_space<hbm>> -> memref<1x40x768xf32, #tpu.memory_space<hbm>>
        %dma_start3A_69 = tpu.memref_squeeze %dma_start3A_68 : memref<1x40x768xf32, #tpu.memory_space<hbm>> -> memref<40x768xf32, #tpu.memory_space<hbm>>
        tpu.enqueue_dma source(%arg8 : memref<40x768xf32, #tpu.memory_space<vmem>>) target(%dma_start3A_69 : memref<40x768xf32, #tpu.memory_space<hbm>>) target_semaphore(%arg12 : memref<!tpu.dma_semaphore, #tpu.memory_space<semaphore_mem>>)
        %mul3A_70 = arith.constant 2 : i32
        %mul3A_71 = arith.muli %scan3A_31, %mul3A_70 : i32
        %add3A_72 = arith.constant 1 : i32
        %add3A_73 = arith.addi %mul3A_71, %add3A_72 : i32
        %dma_wait3A_74 = arith.constant 0 : i32
        %dma_wait3A_75 = arith.constant 0 : i32
        %dma_wait3A_76 = tpu.memref_slice %arg3[%dma_wait3A_74, %dma_wait3A_75] : memref<49408x768xf32, #tpu.memory_space<hbm>> -> memref<40x768xf32, #tpu.memory_space<hbm>>
        %dma_wait3A_77 = arith.constant 0 : i32
        %dma_wait3A_78 = arith.constant 0 : i32
        %dma_wait3A_79 = tpu.memref_slice %arg3[%dma_wait3A_77, %dma_wait3A_78] : memref<49408x768xf32, #tpu.memory_space<hbm>> -> memref<40x768xf32, #tpu.memory_space<hbm>>
        tpu.wait_dma2 semaphore(%arg11 : memref<!tpu.dma_semaphore, #tpu.memory_space<semaphore_mem>>) src(%dma_wait3A_79 : memref<40x768xf32, #tpu.memory_space<hbm>>) dst(%arg9 : memref<40x768xf32, #tpu.memory_space<vmem>>)
        %sub3A = arith.constant 1 : i32
        %sub3A_80 = arith.subi %add3A_73, %sub3A : i32
        %add3A_81 = arith.addi %mul3A_0, %sub3A_80 : i32
        %dma_wait3A_82 = arith.constant 0 : i32
        %dma_wait3A_83 = arith.constant 0 : i32
        %dma_wait3A_84 = tpu.memref_slice %arg5[%add3A_81, %dma_wait3A_82, %dma_wait3A_83] : memref<4096x80x768xf32, #tpu.memory_space<hbm>> -> memref<1x40x768xf32, #tpu.memory_space<hbm>>
        %dma_wait3A_85 = tpu.memref_squeeze %dma_wait3A_84 : memref<1x40x768xf32, #tpu.memory_space<hbm>> -> memref<40x768xf32, #tpu.memory_space<hbm>>
        %dma_wait3A_86 = arith.constant 0 : i32
        %dma_wait3A_87 = arith.constant 0 : i32
        %dma_wait3A_88 = tpu.memref_slice %arg5[%add3A_81, %dma_wait3A_86, %dma_wait3A_87] : memref<4096x80x768xf32, #tpu.memory_space<hbm>> -> memref<1x40x768xf32, #tpu.memory_space<hbm>>
        %dma_wait3A_89 = tpu.memref_squeeze %dma_wait3A_88 : memref<1x40x768xf32, #tpu.memory_space<hbm>> -> memref<40x768xf32, #tpu.memory_space<hbm>>
        tpu.wait_dma2 semaphore(%arg12 : memref<!tpu.dma_semaphore, #tpu.memory_space<semaphore_mem>>) src(%arg8 : memref<40x768xf32, #tpu.memory_space<vmem>>) dst(%dma_wait3A_89 : memref<40x768xf32, #tpu.memory_space<hbm>>)
        %le3A = arith.constant 126 : i32
        %le3A_90 = arith.cmpi sle, %scan3A_31, %le3A : i32
        %convert_element_type3A_91 = arith.extui %le3A_90 : i1 to i32
        %cond3A_92 = arith.constant 0 : i32
        %cond3A_93 = arith.cmpi ne, %convert_element_type3A_91, %cond3A_92 : i32
        scf.if %cond3A_93 {
          %add3A_109 = arith.constant 1 : i32
          %add3A_110 = arith.addi %add3A_73, %add3A_109 : i32
          %mul3A_111 = arith.constant 40 : i32
          %mul3A_112 = arith.muli %add3A_110, %mul3A_111 : i32
          %multiple_of3A_113 = tpu.assume_multiple %mul3A_112, 8 : i32
          %dma_start3A_114 = tpu.memref_slice %arg6[%multiple_of3A_113] : memref<10240xi32, #tpu.memory_space<vmem>> -> memref<40xi32, #tpu.memory_space<vmem>>
          %dma_start3A_115 = arith.constant 0 : i32
          %dma_start3A_116 = arith.constant 0 : i32
          %dma_start3A_117 = tpu.memref_slice %arg3[%dma_start3A_115, %dma_start3A_116] : memref<49408x768xf32, #tpu.memory_space<hbm>> -> memref<49408x768xf32, #tpu.memory_space<hbm>>
          tpu.enqueue_indirect_dma source(%dma_start3A_117 : memref<49408x768xf32, #tpu.memory_space<hbm>>) target(%arg8 : memref<40x768xf32, #tpu.memory_space<vmem>>) offsets(%dma_start3A_114 : memref<40xi32, #tpu.memory_space<vmem>>) semaphore(%arg10 : memref<!tpu.dma_semaphore, #tpu.memory_space<semaphore_mem>>)
        } else {
        }
        %scan3A_94 = arith.constant 0 : i32
        %scan3A_95 = arith.constant 0 : i32
        %scan3A_96 = arith.constant 40 : i32
        %scan3A_97 = arith.addi %scan3A_95, %scan3A_96 : i32
        %scan3A_98 = arith.constant 1 : i32
        scf.for %scan3A_109 = %scan3A_95 to %scan3A_97 step %scan3A_98  : i32 {
          %get3A = arith.index_cast %scan3A_109 : i32 to index
          %get3A_110 = arith.constant 0 : index
          %get3A_111 = tpu.vector_load %arg9[%get3A, %get3A_110] {strides = array<i32>} : memref<40x768xf32, #tpu.memory_space<vmem>>, vector<1x16xf32>,
          %get3A_112 = vector.shape_cast %get3A_111 : vector<1x16xf32> to vector<16xf32>
          %get3A_113 = arith.index_cast %scan3A_109 : i32 to index
          %get3A_114 = arith.constant 0 : index
          %get3A_115 = tpu.vector_load %arg7[%get3A_113, %get3A_114] {strides = array<i32>} : memref<40x768xf32, #tpu.memory_space<vmem>>, vector<1x16xf32>,
          %get3A_116 = vector.shape_cast %get3A_115 : vector<1x16xf32> to vector<16xf32>
          %add3A_117 = arith.addf %get3A_112, %get3A_116 : vector<16xf32>
          %swap3A = arith.index_cast %scan3A_109 : i32 to index
          %swap3A_118 = arith.constant 0 : index
          %swap3A_119 = tpu.vector_load %arg9[%swap3A, %swap3A_118] {strides = array<i32>} : memref<40x768xf32, #tpu.memory_space<vmem>>, vector<1x16xf32>,
          %swap3A_120 = vector.shape_cast %swap3A_119 : vector<1x16xf32> to vector<16xf32>
          %swap3A_121 = vector.shape_cast %add3A_117 : vector<16xf32> to vector<1x16xf32>
          tpu.vector_store %arg9[%swap3A, %swap3A_118], %swap3A_121 {strides = array<i32>} : memref<40x768xf32, #tpu.memory_space<vmem>>, vector<1x16xf32>,
          %get3A_122 = arith.index_cast %scan3A_109 : i32 to index
          %get3A_123 = arith.constant 16 : index
          %get3A_124 = tpu.vector_load %arg9[%get3A_122, %get3A_123] {strides = array<i32>} : memref<40x768xf32, #tpu.memory_space<vmem>>, vector<1x16xf32>,
          %get3A_125 = vector.shape_cast %get3A_124 : vector<1x16xf32> to vector<16xf32>
          %get3A_126 = arith.index_cast %scan3A_109 : i32 to index
          %get3A_127 = arith.constant 16 : index
          %get3A_128 = tpu.vector_load %arg7[%get3A_126, %get3A_127] {strides = array<i32>} : memref<40x768xf32, #tpu.memory_space<vmem>>, vector<1x16xf32>,
          %get3A_129 = vector.shape_cast %get3A_128 : vector<1x16xf32> to vector<16xf32>
          %add3A_130 = arith.addf %get3A_125, %get3A_129 : vector<16xf32>
          %swap3A_131 = arith.index_cast %scan3A_109 : i32 to index
          %swap3A_132 = arith.constant 16 : index
          %swap3A_133 = tpu.vector_load %arg9[%swap3A_131, %swap3A_132] {strides = array<i32>} : memref<40x768xf32, #tpu.memory_space<vmem>>, vector<1x16xf32>,
          %swap3A_134 = vector.shape_cast %swap3A_133 : vector<1x16xf32> to vector<16xf32>
          %swap3A_135 = vector.shape_cast %add3A_130 : vector<16xf32> to vector<1x16xf32>
          tpu.vector_store %arg9[%swap3A_131, %swap3A_132], %swap3A_135 {strides = array<i32>} : memref<40x768xf32, #tpu.memory_space<vmem>>, vector<1x16xf32>,
          %get3A_136 = arith.index_cast %scan3A_109 : i32 to index
          %get3A_137 = arith.constant 32 : index
          %get3A_138 = tpu.vector_load %arg9[%get3A_136, %get3A_137] {strides = array<i32>} : memref<40x768xf32, #tpu.memory_space<vmem>>, vector<1x16xf32>,
          %get3A_139 = vector.shape_cast %get3A_138 : vector<1x16xf32> to vector<16xf32>
          %get3A_140 = arith.index_cast %scan3A_109 : i32 to index
          %get3A_141 = arith.constant 32 : index
          %get3A_142 = tpu.vector_load %arg7[%get3A_140, %get3A_141] {strides = array<i32>} : memref<40x768xf32, #tpu.memory_space<vmem>>, vector<1x16xf32>,
          %get3A_143 = vector.shape_cast %get3A_142 : vector<1x16xf32> to vector<16xf32>
          %add3A_144 = arith.addf %get3A_139, %get3A_143 : vector<16xf32>
          %swap3A_145 = arith.index_cast %scan3A_109 : i32 to index
          %swap3A_146 = arith.constant 32 : index
          %swap3A_147 = tpu.vector_load %arg9[%swap3A_145, %swap3A_146] {strides = array<i32>} : memref<40x768xf32, #tpu.memory_space<vmem>>, vector<1x16xf32>,
          %swap3A_148 = vector.shape_cast %swap3A_147 : vector<1x16xf32> to vector<16xf32>
          %swap3A_149 = vector.shape_cast %add3A_144 : vector<16xf32> to vector<1x16xf32>
          tpu.vector_store %arg9[%swap3A_145, %swap3A_146], %swap3A_149 {strides = array<i32>} : memref<40x768xf32, #tpu.memory_space<vmem>>, vector<1x16xf32>,
          %get3A_150 = arith.index_cast %scan3A_109 : i32 to index
          %get3A_151 = arith.constant 48 : index
          %get3A_152 = tpu.vector_load %arg9[%get3A_150, %get3A_151] {strides = array<i32>} : memref<40x768xf32, #tpu.memory_space<vmem>>, vector<1x16xf32>,
          %get3A_153 = vector.shape_cast %get3A_152 : vector<1x16xf32> to vector<16xf32>
          %get3A_154 = arith.index_cast %scan3A_109 : i32 to index
          %get3A_155 = arith.constant 48 : index
          %get3A_156 = tpu.vector_load %arg7[%get3A_154, %get3A_155] {strides = array<i32>} : memref<40x768xf32, #tpu.memory_space<vmem>>, vector<1x16xf32>,
          %get3A_157 = vector.shape_cast %get3A_156 : vector<1x16xf32> to vector<16xf32>
          %add3A_158 = arith.addf %get3A_153, %get3A_157 : vector<16xf32>
          %swap3A_159 = arith.index_cast %scan3A_109 : i32 to index
          %swap3A_160 = arith.constant 48 : index
          %swap3A_161 = tpu.vector_load %arg9[%swap3A_159, %swap3A_160] {strides = array<i32>} : memref<40x768xf32, #tpu.memory_space<vmem>>, vector<1x16xf32>,
          %swap3A_162 = vector.shape_cast %swap3A_161 : vector<1x16xf32> to vector<16xf32>
          %swap3A_163 = vector.shape_cast %add3A_158 : vector<16xf32> to vector<1x16xf32>
          tpu.vector_store %arg9[%swap3A_159, %swap3A_160], %swap3A_163 {strides = array<i32>} : memref<40x768xf32, #tpu.memory_space<vmem>>, vector<1x16xf32>,
          %get3A_164 = arith.index_cast %scan3A_109 : i32 to index
          %get3A_165 = arith.constant 64 : index
          %get3A_166 = tpu.vector_load %arg9[%get3A_164, %get3A_165] {strides = array<i32>} : memref<40x768xf32, #tpu.memory_space<vmem>>, vector<1x16xf32>,
          %get3A_167 = vector.shape_cast %get3A_166 : vector<1x16xf32> to vector<16xf32>
          %get3A_168 = arith.index_cast %scan3A_109 : i32 to index
          %get3A_169 = arith.constant 64 : index
          %get3A_170 = tpu.vector_load %arg7[%get3A_168, %get3A_169] {strides = array<i32>} : memref<40x768xf32, #tpu.memory_space<vmem>>, vector<1x16xf32>,
          %get3A_171 = vector.shape_cast %get3A_170 : vector<1x16xf32> to vector<16xf32>
          %add3A_172 = arith.addf %get3A_167, %get3A_171 : vector<16xf32>
          %swap3A_173 = arith.index_cast %scan3A_109 : i32 to index
          %swap3A_174 = arith.constant 64 : index
          %swap3A_175 = tpu.vector_load %arg9[%swap3A_173, %swap3A_174] {strides = array<i32>} : memref<40x768xf32, #tpu.memory_space<vmem>>, vector<1x16xf32>,
          %swap3A_176 = vector.shape_cast %swap3A_175 : vector<1x16xf32> to vector<16xf32>
          %swap3A_177 = vector.shape_cast %add3A_172 : vector<16xf32> to vector<1x16xf32>
          tpu.vector_store %arg9[%swap3A_173, %swap3A_174], %swap3A_177 {strides = array<i32>} : memref<40x768xf32, #tpu.memory_space<vmem>>, vector<1x16xf32>,
          %get3A_178 = arith.index_cast %scan3A_109 : i32 to index
          %get3A_179 = arith.constant 80 : index
          %get3A_180 = tpu.vector_load %arg9[%get3A_178, %get3A_179] {strides = array<i32>} : memref<40x768xf32, #tpu.memory_space<vmem>>, vector<1x16xf32>,
          %get3A_181 = vector.shape_cast %get3A_180 : vector<1x16xf32> to vector<16xf32>
          %get3A_182 = arith.index_cast %scan3A_109 : i32 to index
          %get3A_183 = arith.constant 80 : index
          %get3A_184 = tpu.vector_load %arg7[%get3A_182, %get3A_183] {strides = array<i32>} : memref<40x768xf32, #tpu.memory_space<vmem>>, vector<1x16xf32>,
          %get3A_185 = vector.shape_cast %get3A_184 : vector<1x16xf32> to vector<16xf32>
          %add3A_186 = arith.addf %get3A_181, %get3A_185 : vector<16xf32>
          %swap3A_187 = arith.index_cast %scan3A_109 : i32 to index
          %swap3A_188 = arith.constant 80 : index
          %swap3A_189 = tpu.vector_load %arg9[%swap3A_187, %swap3A_188] {strides = array<i32>} : memref<40x768xf32, #tpu.memory_space<vmem>>, vector<1x16xf32>,
          %swap3A_190 = vector.shape_cast %swap3A_189 : vector<1x16xf32> to vector<16xf32>
          %swap3A_191 = vector.shape_cast %add3A_186 : vector<16xf32> to vector<1x16xf32>
          tpu.vector_store %arg9[%swap3A_187, %swap3A_188], %swap3A_191 {strides = array<i32>} : memref<40x768xf32, #tpu.memory_space<vmem>>, vector<1x16xf32>,
          %get3A_192 = arith.index_cast %scan3A_109 : i32 to index
          %get3A_193 = arith.constant 96 : index
          %get3A_194 = tpu.vector_load %arg9[%get3A_192, %get3A_193] {strides = array<i32>} : memref<40x768xf32, #tpu.memory_space<vmem>>, vector<1x16xf32>,
          %get3A_195 = vector.shape_cast %get3A_194 : vector<1x16xf32> to vector<16xf32>
          %get3A_196 = arith.index_cast %scan3A_109 : i32 to index
          %get3A_197 = arith.constant 96 : index
          %get3A_198 = tpu.vector_load %arg7[%get3A_196, %get3A_197] {strides = array<i32>} : memref<40x768xf32, #tpu.memory_space<vmem>>, vector<1x16xf32>,
          %get3A_199 = vector.shape_cast %get3A_198 : vector<1x16xf32> to vector<16xf32>
          %add3A_200 = arith.addf %get3A_195, %get3A_199 : vector<16xf32>
          %swap3A_201 = arith.index_cast %scan3A_109 : i32 to index
          %swap3A_202 = arith.constant 96 : index
          %swap3A_203 = tpu.vector_load %arg9[%swap3A_201, %swap3A_202] {strides = array<i32>} : memref<40x768xf32, #tpu.memory_space<vmem>>, vector<1x16xf32>,
          %swap3A_204 = vector.shape_cast %swap3A_203 : vector<1x16xf32> to vector<16xf32>
          %swap3A_205 = vector.shape_cast %add3A_200 : vector<16xf32> to vector<1x16xf32>
          tpu.vector_store %arg9[%swap3A_201, %swap3A_202], %swap3A_205 {strides = array<i32>} : memref<40x768xf32, #tpu.memory_space<vmem>>, vector<1x16xf32>,
          %get3A_206 = arith.index_cast %scan3A_109 : i32 to index
          %get3A_207 = arith.constant 112 : index
          %get3A_208 = tpu.vector_load %arg9[%get3A_206, %get3A_207] {strides = array<i32>} : memref<40x768xf32, #tpu.memory_space<vmem>>, vector<1x16xf32>,
          %get3A_209 = vector.shape_cast %get3A_208 : vector<1x16xf32> to vector<16xf32>
          %get3A_210 = arith.index_cast %scan3A_109 : i32 to index
          %get3A_211 = arith.constant 112 : index
          %get3A_212 = tpu.vector_load %arg7[%get3A_210, %get3A_211] {strides = array<i32>} : memref<40x768xf32, #tpu.memory_space<vmem>>, vector<1x16xf32>,
          %get3A_213 = vector.shape_cast %get3A_212 : vector<1x16xf32> to vector<16xf32>
          %add3A_214 = arith.addf %get3A_209, %get3A_213 : vector<16xf32>
          %swap3A_215 = arith.index_cast %scan3A_109 : i32 to index
          %swap3A_216 = arith.constant 112 : index
          %swap3A_217 = tpu.vector_load %arg9[%swap3A_215, %swap3A_216] {strides = array<i32>} : memref<40x768xf32, #tpu.memory_space<vmem>>, vector<1x16xf32>,
          %swap3A_218 = vector.shape_cast %swap3A_217 : vector<1x16xf32> to vector<16xf32>
          %swap3A_219 = vector.shape_cast %add3A_214 : vector<16xf32> to vector<1x16xf32>
          tpu.vector_store %arg9[%swap3A_215, %swap3A_216], %swap3A_219 {strides = array<i32>} : memref<40x768xf32, #tpu.memory_space<vmem>>, vector<1x16xf32>,
          %get3A_220 = arith.index_cast %scan3A_109 : i32 to index
          %get3A_221 = arith.constant 128 : index
          %get3A_222 = tpu.vector_load %arg9[%get3A_220, %get3A_221] {strides = array<i32>} : memref<40x768xf32, #tpu.memory_space<vmem>>, vector<1x16xf32>,
          %get3A_223 = vector.shape_cast %get3A_222 : vector<1x16xf32> to vector<16xf32>
          %get3A_224 = arith.index_cast %scan3A_109 : i32 to index
          %get3A_225 = arith.constant 128 : index
          %get3A_226 = tpu.vector_load %arg7[%get3A_224, %get3A_225] {strides = array<i32>} : memref<40x768xf32, #tpu.memory_space<vmem>>, vector<1x16xf32>,
          %get3A_227 = vector.shape_cast %get3A_226 : vector<1x16xf32> to vector<16xf32>
          %add3A_228 = arith.addf %get3A_223, %get3A_227 : vector<16xf32>
          %swap3A_229 = arith.index_cast %scan3A_109 : i32 to index
          %swap3A_230 = arith.constant 128 : index
          %swap3A_231 = tpu.vector_load %arg9[%swap3A_229, %swap3A_230] {strides = array<i32>} : memref<40x768xf32, #tpu.memory_space<vmem>>, vector<1x16xf32>,
          %swap3A_232 = vector.shape_cast %swap3A_231 : vector<1x16xf32> to vector<16xf32>
          %swap3A_233 = vector.shape_cast %add3A_228 : vector<16xf32> to vector<1x16xf32>
          tpu.vector_store %arg9[%swap3A_229, %swap3A_230], %swap3A_233 {strides = array<i32>} : memref<40x768xf32, #tpu.memory_space<vmem>>, vector<1x16xf32>,
          %get3A_234 = arith.index_cast %scan3A_109 : i32 to index
          %get3A_235 = arith.constant 144 : index
          %get3A_236 = tpu.vector_load %arg9[%get3A_234, %get3A_235] {strides = array<i32>} : memref<40x768xf32, #tpu.memory_space<vmem>>, vector<1x16xf32>,
          %get3A_237 = vector.shape_cast %get3A_236 : vector<1x16xf32> to vector<16xf32>
          %get3A_238 = arith.index_cast %scan3A_109 : i32 to index
          %get3A_239 = arith.constant 144 : index
          %get3A_240 = tpu.vector_load %arg7[%get3A_238, %get3A_239] {strides = array<i32>} : memref<40x768xf32, #tpu.memory_space<vmem>>, vector<1x16xf32>,
          %get3A_241 = vector.shape_cast %get3A_240 : vector<1x16xf32> to vector<16xf32>
          %add3A_242 = arith.addf %get3A_237, %get3A_241 : vector<16xf32>
          %swap3A_243 = arith.index_cast %scan3A_109 : i32 to index
          %swap3A_244 = arith.constant 144 : index
          %swap3A_245 = tpu.vector_load %arg9[%swap3A_243, %swap3A_244] {strides = array<i32>} : memref<40x768xf32, #tpu.memory_space<vmem>>, vector<1x16xf32>,
          %swap3A_246 = vector.shape_cast %swap3A_245 : vector<1x16xf32> to vector<16xf32>
          %swap3A_247 = vector.shape_cast %add3A_242 : vector<16xf32> to vector<1x16xf32>
          tpu.vector_store %arg9[%swap3A_243, %swap3A_244], %swap3A_247 {strides = array<i32>} : memref<40x768xf32, #tpu.memory_space<vmem>>, vector<1x16xf32>,
          %get3A_248 = arith.index_cast %scan3A_109 : i32 to index
          %get3A_249 = arith.constant 160 : index
          %get3A_250 = tpu.vector_load %arg9[%get3A_248, %get3A_249] {strides = array<i32>} : memref<40x768xf32, #tpu.memory_space<vmem>>, vector<1x16xf32>,
          %get3A_251 = vector.shape_cast %get3A_250 : vector<1x16xf32> to vector<16xf32>
          %get3A_252 = arith.index_cast %scan3A_109 : i32 to index
          %get3A_253 = arith.constant 160 : index
          %get3A_254 = tpu.vector_load %arg7[%get3A_252, %get3A_253] {strides = array<i32>} : memref<40x768xf32, #tpu.memory_space<vmem>>, vector<1x16xf32>,
          %get3A_255 = vector.shape_cast %get3A_254 : vector<1x16xf32> to vector<16xf32>
          %add3A_256 = arith.addf %get3A_251, %get3A_255 : vector<16xf32>
          %swap3A_257 = arith.index_cast %scan3A_109 : i32 to index
          %swap3A_258 = arith.constant 160 : index
          %swap3A_259 = tpu.vector_load %arg9[%swap3A_257, %swap3A_258] {strides = array<i32>} : memref<40x768xf32, #tpu.memory_space<vmem>>, vector<1x16xf32>,
          %swap3A_260 = vector.shape_cast %swap3A_259 : vector<1x16xf32> to vector<16xf32>
          %swap3A_261 = vector.shape_cast %add3A_256 : vector<16xf32> to vector<1x16xf32>
          tpu.vector_store %arg9[%swap3A_257, %swap3A_258], %swap3A_261 {strides = array<i32>} : memref<40x768xf32, #tpu.memory_space<vmem>>, vector<1x16xf32>,
          %get3A_262 = arith.index_cast %scan3A_109 : i32 to index
          %get3A_263 = arith.constant 176 : index
          %get3A_264 = tpu.vector_load %arg9[%get3A_262, %get3A_263] {strides = array<i32>} : memref<40x768xf32, #tpu.memory_space<vmem>>, vector<1x16xf32>,
          %get3A_265 = vector.shape_cast %get3A_264 : vector<1x16xf32> to vector<16xf32>
          %get3A_266 = arith.index_cast %scan3A_109 : i32 to index
          %get3A_267 = arith.constant 176 : index
          %get3A_268 = tpu.vector_load %arg7[%get3A_266, %get3A_267] {strides = array<i32>} : memref<40x768xf32, #tpu.memory_space<vmem>>, vector<1x16xf32>,
          %get3A_269 = vector.shape_cast %get3A_268 : vector<1x16xf32> to vector<16xf32>
          %add3A_270 = arith.addf %get3A_265, %get3A_269 : vector<16xf32>
          %swap3A_271 = arith.index_cast %scan3A_109 : i32 to index
          %swap3A_272 = arith.constant 176 : index
          %swap3A_273 = tpu.vector_load %arg9[%swap3A_271, %swap3A_272] {strides = array<i32>} : memref<40x768xf32, #tpu.memory_space<vmem>>, vector<1x16xf32>,
          %swap3A_274 = vector.shape_cast %swap3A_273 : vector<1x16xf32> to vector<16xf32>
          %swap3A_275 = vector.shape_cast %add3A_270 : vector<16xf32> to vector<1x16xf32>
          tpu.vector_store %arg9[%swap3A_271, %swap3A_272], %swap3A_275 {strides = array<i32>} : memref<40x768xf32, #tpu.memory_space<vmem>>, vector<1x16xf32>,
          %get3A_276 = arith.index_cast %scan3A_109 : i32 to index
          %get3A_277 = arith.constant 192 : index
          %get3A_278 = tpu.vector_load %arg9[%get3A_276, %get3A_277] {strides = array<i32>} : memref<40x768xf32, #tpu.memory_space<vmem>>, vector<1x16xf32>,
          %get3A_279 = vector.shape_cast %get3A_278 : vector<1x16xf32> to vector<16xf32>
          %get3A_280 = arith.index_cast %scan3A_109 : i32 to index
          %get3A_281 = arith.constant 192 : index
          %get3A_282 = tpu.vector_load %arg7[%get3A_280, %get3A_281] {strides = array<i32>} : memref<40x768xf32, #tpu.memory_space<vmem>>, vector<1x16xf32>,
          %get3A_283 = vector.shape_cast %get3A_282 : vector<1x16xf32> to vector<16xf32>
          %add3A_284 = arith.addf %get3A_279, %get3A_283 : vector<16xf32>
          %swap3A_285 = arith.index_cast %scan3A_109 : i32 to index
          %swap3A_286 = arith.constant 192 : index
          %swap3A_287 = tpu.vector_load %arg9[%swap3A_285, %swap3A_286] {strides = array<i32>} : memref<40x768xf32, #tpu.memory_space<vmem>>, vector<1x16xf32>,
          %swap3A_288 = vector.shape_cast %swap3A_287 : vector<1x16xf32> to vector<16xf32>
          %swap3A_289 = vector.shape_cast %add3A_284 : vector<16xf32> to vector<1x16xf32>
          tpu.vector_store %arg9[%swap3A_285, %swap3A_286], %swap3A_289 {strides = array<i32>} : memref<40x768xf32, #tpu.memory_space<vmem>>, vector<1x16xf32>,
          %get3A_290 = arith.index_cast %scan3A_109 : i32 to index
          %get3A_291 = arith.constant 208 : index
          %get3A_292 = tpu.vector_load %arg9[%get3A_290, %get3A_291] {strides = array<i32>} : memref<40x768xf32, #tpu.memory_space<vmem>>, vector<1x16xf32>,
          %get3A_293 = vector.shape_cast %get3A_292 : vector<1x16xf32> to vector<16xf32>
          %get3A_294 = arith.index_cast %scan3A_109 : i32 to index
          %get3A_295 = arith.constant 208 : index
          %get3A_296 = tpu.vector_load %arg7[%get3A_294, %get3A_295] {strides = array<i32>} : memref<40x768xf32, #tpu.memory_space<vmem>>, vector<1x16xf32>,
          %get3A_297 = vector.shape_cast %get3A_296 : vector<1x16xf32> to vector<16xf32>
          %add3A_298 = arith.addf %get3A_293, %get3A_297 : vector<16xf32>
          %swap3A_299 = arith.index_cast %scan3A_109 : i32 to index
          %swap3A_300 = arith.constant 208 : index
          %swap3A_301 = tpu.vector_load %arg9[%swap3A_299, %swap3A_300] {strides = array<i32>} : memref<40x768xf32, #tpu.memory_space<vmem>>, vector<1x16xf32>,
          %swap3A_302 = vector.shape_cast %swap3A_301 : vector<1x16xf32> to vector<16xf32>
          %swap3A_303 = vector.shape_cast %add3A_298 : vector<16xf32> to vector<1x16xf32>
          tpu.vector_store %arg9[%swap3A_299, %swap3A_300], %swap3A_303 {strides = array<i32>} : memref<40x768xf32, #tpu.memory_space<vmem>>, vector<1x16xf32>,
          %get3A_304 = arith.index_cast %scan3A_109 : i32 to index
          %get3A_305 = arith.constant 224 : index
          %get3A_306 = tpu.vector_load %arg9[%get3A_304, %get3A_305] {strides = array<i32>} : memref<40x768xf32, #tpu.memory_space<vmem>>, vector<1x16xf32>,
          %get3A_307 = vector.shape_cast %get3A_306 : vector<1x16xf32> to vector<16xf32>
          %get3A_308 = arith.index_cast %scan3A_109 : i32 to index
          %get3A_309 = arith.constant 224 : index
          %get3A_310 = tpu.vector_load %arg7[%get3A_308, %get3A_309] {strides = array<i32>} : memref<40x768xf32, #tpu.memory_space<vmem>>, vector<1x16xf32>,
          %get3A_311 = vector.shape_cast %get3A_310 : vector<1x16xf32> to vector<16xf32>
          %add3A_312 = arith.addf %get3A_307, %get3A_311 : vector<16xf32>
          %swap3A_313 = arith.index_cast %scan3A_109 : i32 to index
          %swap3A_314 = arith.constant 224 : index
          %swap3A_315 = tpu.vector_load %arg9[%swap3A_313, %swap3A_314] {strides = array<i32>} : memref<40x768xf32, #tpu.memory_space<vmem>>, vector<1x16xf32>,
          %swap3A_316 = vector.shape_cast %swap3A_315 : vector<1x16xf32> to vector<16xf32>
          %swap3A_317 = vector.shape_cast %add3A_312 : vector<16xf32> to vector<1x16xf32>
          tpu.vector_store %arg9[%swap3A_313, %swap3A_314], %swap3A_317 {strides = array<i32>} : memref<40x768xf32, #tpu.memory_space<vmem>>, vector<1x16xf32>,
          %get3A_318 = arith.index_cast %scan3A_109 : i32 to index
          %get3A_319 = arith.constant 240 : index
          %get3A_320 = tpu.vector_load %arg9[%get3A_318, %get3A_319] {strides = array<i32>} : memref<40x768xf32, #tpu.memory_space<vmem>>, vector<1x16xf32>,
          %get3A_321 = vector.shape_cast %get3A_320 : vector<1x16xf32> to vector<16xf32>
          %get3A_322 = arith.index_cast %scan3A_109 : i32 to index
          %get3A_323 = arith.constant 240 : index
          %get3A_324 = tpu.vector_load %arg7[%get3A_322, %get3A_323] {strides = array<i32>} : memref<40x768xf32, #tpu.memory_space<vmem>>, vector<1x16xf32>,
          %get3A_325 = vector.shape_cast %get3A_324 : vector<1x16xf32> to vector<16xf32>
          %add3A_326 = arith.addf %get3A_321, %get3A_325 : vector<16xf32>
          %swap3A_327 = arith.index_cast %scan3A_109 : i32 to index
          %swap3A_328 = arith.constant 240 : index
          %swap3A_329 = tpu.vector_load %arg9[%swap3A_327, %swap3A_328] {strides = array<i32>} : memref<40x768xf32, #tpu.memory_space<vmem>>, vector<1x16xf32>,
          %swap3A_330 = vector.shape_cast %swap3A_329 : vector<1x16xf32> to vector<16xf32>
          %swap3A_331 = vector.shape_cast %add3A_326 : vector<16xf32> to vector<1x16xf32>
          tpu.vector_store %arg9[%swap3A_327, %swap3A_328], %swap3A_331 {strides = array<i32>} : memref<40x768xf32, #tpu.memory_space<vmem>>, vector<1x16xf32>,
          %get3A_332 = arith.index_cast %scan3A_109 : i32 to index
          %get3A_333 = arith.constant 256 : index
          %get3A_334 = tpu.vector_load %arg9[%get3A_332, %get3A_333] {strides = array<i32>} : memref<40x768xf32, #tpu.memory_space<vmem>>, vector<1x16xf32>,
          %get3A_335 = vector.shape_cast %get3A_334 : vector<1x16xf32> to vector<16xf32>
          %get3A_336 = arith.index_cast %scan3A_109 : i32 to index
          %get3A_337 = arith.constant 256 : index
          %get3A_338 = tpu.vector_load %arg7[%get3A_336, %get3A_337] {strides = array<i32>} : memref<40x768xf32, #tpu.memory_space<vmem>>, vector<1x16xf32>,
          %get3A_339 = vector.shape_cast %get3A_338 : vector<1x16xf32> to vector<16xf32>
          %add3A_340 = arith.addf %get3A_335, %get3A_339 : vector<16xf32>
          %swap3A_341 = arith.index_cast %scan3A_109 : i32 to index
          %swap3A_342 = arith.constant 256 : index
          %swap3A_343 = tpu.vector_load %arg9[%swap3A_341, %swap3A_342] {strides = array<i32>} : memref<40x768xf32, #tpu.memory_space<vmem>>, vector<1x16xf32>,
          %swap3A_344 = vector.shape_cast %swap3A_343 : vector<1x16xf32> to vector<16xf32>
          %swap3A_345 = vector.shape_cast %add3A_340 : vector<16xf32> to vector<1x16xf32>
          tpu.vector_store %arg9[%swap3A_341, %swap3A_342], %swap3A_345 {strides = array<i32>} : memref<40x768xf32, #tpu.memory_space<vmem>>, vector<1x16xf32>,
          %get3A_346 = arith.index_cast %scan3A_109 : i32 to index
          %get3A_347 = arith.constant 272 : index
          %get3A_348 = tpu.vector_load %arg9[%get3A_346, %get3A_347] {strides = array<i32>} : memref<40x768xf32, #tpu.memory_space<vmem>>, vector<1x16xf32>,
          %get3A_349 = vector.shape_cast %get3A_348 : vector<1x16xf32> to vector<16xf32>
          %get3A_350 = arith.index_cast %scan3A_109 : i32 to index
          %get3A_351 = arith.constant 272 : index
          %get3A_352 = tpu.vector_load %arg7[%get3A_350, %get3A_351] {strides = array<i32>} : memref<40x768xf32, #tpu.memory_space<vmem>>, vector<1x16xf32>,
          %get3A_353 = vector.shape_cast %get3A_352 : vector<1x16xf32> to vector<16xf32>
          %add3A_354 = arith.addf %get3A_349, %get3A_353 : vector<16xf32>
          %swap3A_355 = arith.index_cast %scan3A_109 : i32 to index
          %swap3A_356 = arith.constant 272 : index
          %swap3A_357 = tpu.vector_load %arg9[%swap3A_355, %swap3A_356] {strides = array<i32>} : memref<40x768xf32, #tpu.memory_space<vmem>>, vector<1x16xf32>,
          %swap3A_358 = vector.shape_cast %swap3A_357 : vector<1x16xf32> to vector<16xf32>
          %swap3A_359 = vector.shape_cast %add3A_354 : vector<16xf32> to vector<1x16xf32>
          tpu.vector_store %arg9[%swap3A_355, %swap3A_356], %swap3A_359 {strides = array<i32>} : memref<40x768xf32, #tpu.memory_space<vmem>>, vector<1x16xf32>,
          %get3A_360 = arith.index_cast %scan3A_109 : i32 to index
          %get3A_361 = arith.constant 288 : index
          %get3A_362 = tpu.vector_load %arg9[%get3A_360, %get3A_361] {strides = array<i32>} : memref<40x768xf32, #tpu.memory_space<vmem>>, vector<1x16xf32>,
          %get3A_363 = vector.shape_cast %get3A_362 : vector<1x16xf32> to vector<16xf32>
          %get3A_364 = arith.index_cast %scan3A_109 : i32 to index
          %get3A_365 = arith.constant 288 : index
          %get3A_366 = tpu.vector_load %arg7[%get3A_364, %get3A_365] {strides = array<i32>} : memref<40x768xf32, #tpu.memory_space<vmem>>, vector<1x16xf32>,
          %get3A_367 = vector.shape_cast %get3A_366 : vector<1x16xf32> to vector<16xf32>
          %add3A_368 = arith.addf %get3A_363, %get3A_367 : vector<16xf32>
          %swap3A_369 = arith.index_cast %scan3A_109 : i32 to index
          %swap3A_370 = arith.constant 288 : index
          %swap3A_371 = tpu.vector_load %arg9[%swap3A_369, %swap3A_370] {strides = array<i32>} : memref<40x768xf32, #tpu.memory_space<vmem>>, vector<1x16xf32>,
          %swap3A_372 = vector.shape_cast %swap3A_371 : vector<1x16xf32> to vector<16xf32>
          %swap3A_373 = vector.shape_cast %add3A_368 : vector<16xf32> to vector<1x16xf32>
          tpu.vector_store %arg9[%swap3A_369, %swap3A_370], %swap3A_373 {strides = array<i32>} : memref<40x768xf32, #tpu.memory_space<vmem>>, vector<1x16xf32>,
          %get3A_374 = arith.index_cast %scan3A_109 : i32 to index
          %get3A_375 = arith.constant 304 : index
          %get3A_376 = tpu.vector_load %arg9[%get3A_374, %get3A_375] {strides = array<i32>} : memref<40x768xf32, #tpu.memory_space<vmem>>, vector<1x16xf32>,
          %get3A_377 = vector.shape_cast %get3A_376 : vector<1x16xf32> to vector<16xf32>
          %get3A_378 = arith.index_cast %scan3A_109 : i32 to index
          %get3A_379 = arith.constant 304 : index
          %get3A_380 = tpu.vector_load %arg7[%get3A_378, %get3A_379] {strides = array<i32>} : memref<40x768xf32, #tpu.memory_space<vmem>>, vector<1x16xf32>,
          %get3A_381 = vector.shape_cast %get3A_380 : vector<1x16xf32> to vector<16xf32>
          %add3A_382 = arith.addf %get3A_377, %get3A_381 : vector<16xf32>
          %swap3A_383 = arith.index_cast %scan3A_109 : i32 to index
          %swap3A_384 = arith.constant 304 : index
          %swap3A_385 = tpu.vector_load %arg9[%swap3A_383, %swap3A_384] {strides = array<i32>} : memref<40x768xf32, #tpu.memory_space<vmem>>, vector<1x16xf32>,
          %swap3A_386 = vector.shape_cast %swap3A_385 : vector<1x16xf32> to vector<16xf32>
          %swap3A_387 = vector.shape_cast %add3A_382 : vector<16xf32> to vector<1x16xf32>
          tpu.vector_store %arg9[%swap3A_383, %swap3A_384], %swap3A_387 {strides = array<i32>} : memref<40x768xf32, #tpu.memory_space<vmem>>, vector<1x16xf32>,
          %get3A_388 = arith.index_cast %scan3A_109 : i32 to index
          %get3A_389 = arith.constant 320 : index
          %get3A_390 = tpu.vector_load %arg9[%get3A_388, %get3A_389] {strides = array<i32>} : memref<40x768xf32, #tpu.memory_space<vmem>>, vector<1x16xf32>,
          %get3A_391 = vector.shape_cast %get3A_390 : vector<1x16xf32> to vector<16xf32>
          %get3A_392 = arith.index_cast %scan3A_109 : i32 to index
          %get3A_393 = arith.constant 320 : index
          %get3A_394 = tpu.vector_load %arg7[%get3A_392, %get3A_393] {strides = array<i32>} : memref<40x768xf32, #tpu.memory_space<vmem>>, vector<1x16xf32>,
          %get3A_395 = vector.shape_cast %get3A_394 : vector<1x16xf32> to vector<16xf32>
          %add3A_396 = arith.addf %get3A_391, %get3A_395 : vector<16xf32>
          %swap3A_397 = arith.index_cast %scan3A_109 : i32 to index
          %swap3A_398 = arith.constant 320 : index
          %swap3A_399 = tpu.vector_load %arg9[%swap3A_397, %swap3A_398] {strides = array<i32>} : memref<40x768xf32, #tpu.memory_space<vmem>>, vector<1x16xf32>,
          %swap3A_400 = vector.shape_cast %swap3A_399 : vector<1x16xf32> to vector<16xf32>
          %swap3A_401 = vector.shape_cast %add3A_396 : vector<16xf32> to vector<1x16xf32>
          tpu.vector_store %arg9[%swap3A_397, %swap3A_398], %swap3A_401 {strides = array<i32>} : memref<40x768xf32, #tpu.memory_space<vmem>>, vector<1x16xf32>,
          %get3A_402 = arith.index_cast %scan3A_109 : i32 to index
          %get3A_403 = arith.constant 336 : index
          %get3A_404 = tpu.vector_load %arg9[%get3A_402, %get3A_403] {strides = array<i32>} : memref<40x768xf32, #tpu.memory_space<vmem>>, vector<1x16xf32>,
          %get3A_405 = vector.shape_cast %get3A_404 : vector<1x16xf32> to vector<16xf32>
          %get3A_406 = arith.index_cast %scan3A_109 : i32 to index
          %get3A_407 = arith.constant 336 : index
          %get3A_408 = tpu.vector_load %arg7[%get3A_406, %get3A_407] {strides = array<i32>} : memref<40x768xf32, #tpu.memory_space<vmem>>, vector<1x16xf32>,
          %get3A_409 = vector.shape_cast %get3A_408 : vector<1x16xf32> to vector<16xf32>
          %add3A_410 = arith.addf %get3A_405, %get3A_409 : vector<16xf32>
          %swap3A_411 = arith.index_cast %scan3A_109 : i32 to index
          %swap3A_412 = arith.constant 336 : index
          %swap3A_413 = tpu.vector_load %arg9[%swap3A_411, %swap3A_412] {strides = array<i32>} : memref<40x768xf32, #tpu.memory_space<vmem>>, vector<1x16xf32>,
          %swap3A_414 = vector.shape_cast %swap3A_413 : vector<1x16xf32> to vector<16xf32>
          %swap3A_415 = vector.shape_cast %add3A_410 : vector<16xf32> to vector<1x16xf32>
          tpu.vector_store %arg9[%swap3A_411, %swap3A_412], %swap3A_415 {strides = array<i32>} : memref<40x768xf32, #tpu.memory_space<vmem>>, vector<1x16xf32>,
          %get3A_416 = arith.index_cast %scan3A_109 : i32 to index
          %get3A_417 = arith.constant 352 : index
          %get3A_418 = tpu.vector_load %arg9[%get3A_416, %get3A_417] {strides = array<i32>} : memref<40x768xf32, #tpu.memory_space<vmem>>, vector<1x16xf32>,
          %get3A_419 = vector.shape_cast %get3A_418 : vector<1x16xf32> to vector<16xf32>
          %get3A_420 = arith.index_cast %scan3A_109 : i32 to index
          %get3A_421 = arith.constant 352 : index
          %get3A_422 = tpu.vector_load %arg7[%get3A_420, %get3A_421] {strides = array<i32>} : memref<40x768xf32, #tpu.memory_space<vmem>>, vector<1x16xf32>,
          %get3A_423 = vector.shape_cast %get3A_422 : vector<1x16xf32> to vector<16xf32>
          %add3A_424 = arith.addf %get3A_419, %get3A_423 : vector<16xf32>
          %swap3A_425 = arith.index_cast %scan3A_109 : i32 to index
          %swap3A_426 = arith.constant 352 : index
          %swap3A_427 = tpu.vector_load %arg9[%swap3A_425, %swap3A_426] {strides = array<i32>} : memref<40x768xf32, #tpu.memory_space<vmem>>, vector<1x16xf32>,
          %swap3A_428 = vector.shape_cast %swap3A_427 : vector<1x16xf32> to vector<16xf32>
          %swap3A_429 = vector.shape_cast %add3A_424 : vector<16xf32> to vector<1x16xf32>
          tpu.vector_store %arg9[%swap3A_425, %swap3A_426], %swap3A_429 {strides = array<i32>} : memref<40x768xf32, #tpu.memory_space<vmem>>, vector<1x16xf32>,
          %get3A_430 = arith.index_cast %scan3A_109 : i32 to index
          %get3A_431 = arith.constant 368 : index
          %get3A_432 = tpu.vector_load %arg9[%get3A_430, %get3A_431] {strides = array<i32>} : memref<40x768xf32, #tpu.memory_space<vmem>>, vector<1x16xf32>,
          %get3A_433 = vector.shape_cast %get3A_432 : vector<1x16xf32> to vector<16xf32>
          %get3A_434 = arith.index_cast %scan3A_109 : i32 to index
          %get3A_435 = arith.constant 368 : index
          %get3A_436 = tpu.vector_load %arg7[%get3A_434, %get3A_435] {strides = array<i32>} : memref<40x768xf32, #tpu.memory_space<vmem>>, vector<1x16xf32>,
          %get3A_437 = vector.shape_cast %get3A_436 : vector<1x16xf32> to vector<16xf32>
          %add3A_438 = arith.addf %get3A_433, %get3A_437 : vector<16xf32>
          %swap3A_439 = arith.index_cast %scan3A_109 : i32 to index
          %swap3A_440 = arith.constant 368 : index
          %swap3A_441 = tpu.vector_load %arg9[%swap3A_439, %swap3A_440] {strides = array<i32>} : memref<40x768xf32, #tpu.memory_space<vmem>>, vector<1x16xf32>,
          %swap3A_442 = vector.shape_cast %swap3A_441 : vector<1x16xf32> to vector<16xf32>
          %swap3A_443 = vector.shape_cast %add3A_438 : vector<16xf32> to vector<1x16xf32>
          tpu.vector_store %arg9[%swap3A_439, %swap3A_440], %swap3A_443 {strides = array<i32>} : memref<40x768xf32, #tpu.memory_space<vmem>>, vector<1x16xf32>,
          %get3A_444 = arith.index_cast %scan3A_109 : i32 to index
          %get3A_445 = arith.constant 384 : index
          %get3A_446 = tpu.vector_load %arg9[%get3A_444, %get3A_445] {strides = array<i32>} : memref<40x768xf32, #tpu.memory_space<vmem>>, vector<1x16xf32>,
          %get3A_447 = vector.shape_cast %get3A_446 : vector<1x16xf32> to vector<16xf32>
          %get3A_448 = arith.index_cast %scan3A_109 : i32 to index
          %get3A_449 = arith.constant 384 : index
          %get3A_450 = tpu.vector_load %arg7[%get3A_448, %get3A_449] {strides = array<i32>} : memref<40x768xf32, #tpu.memory_space<vmem>>, vector<1x16xf32>,
          %get3A_451 = vector.shape_cast %get3A_450 : vector<1x16xf32> to vector<16xf32>
          %add3A_452 = arith.addf %get3A_447, %get3A_451 : vector<16xf32>
          %swap3A_453 = arith.index_cast %scan3A_109 : i32 to index
          %swap3A_454 = arith.constant 384 : index
          %swap3A_455 = tpu.vector_load %arg9[%swap3A_453, %swap3A_454] {strides = array<i32>} : memref<40x768xf32, #tpu.memory_space<vmem>>, vector<1x16xf32>,
          %swap3A_456 = vector.shape_cast %swap3A_455 : vector<1x16xf32> to vector<16xf32>
          %swap3A_457 = vector.shape_cast %add3A_452 : vector<16xf32> to vector<1x16xf32>
          tpu.vector_store %arg9[%swap3A_453, %swap3A_454], %swap3A_457 {strides = array<i32>} : memref<40x768xf32, #tpu.memory_space<vmem>>, vector<1x16xf32>,
          %get3A_458 = arith.index_cast %scan3A_109 : i32 to index
          %get3A_459 = arith.constant 400 : index
          %get3A_460 = tpu.vector_load %arg9[%get3A_458, %get3A_459] {strides = array<i32>} : memref<40x768xf32, #tpu.memory_space<vmem>>, vector<1x16xf32>,
          %get3A_461 = vector.shape_cast %get3A_460 : vector<1x16xf32> to vector<16xf32>
          %get3A_462 = arith.index_cast %scan3A_109 : i32 to index
          %get3A_463 = arith.constant 400 : index
          %get3A_464 = tpu.vector_load %arg7[%get3A_462, %get3A_463] {strides = array<i32>} : memref<40x768xf32, #tpu.memory_space<vmem>>, vector<1x16xf32>,
          %get3A_465 = vector.shape_cast %get3A_464 : vector<1x16xf32> to vector<16xf32>
          %add3A_466 = arith.addf %get3A_461, %get3A_465 : vector<16xf32>
          %swap3A_467 = arith.index_cast %scan3A_109 : i32 to index
          %swap3A_468 = arith.constant 400 : index
          %swap3A_469 = tpu.vector_load %arg9[%swap3A_467, %swap3A_468] {strides = array<i32>} : memref<40x768xf32, #tpu.memory_space<vmem>>, vector<1x16xf32>,
          %swap3A_470 = vector.shape_cast %swap3A_469 : vector<1x16xf32> to vector<16xf32>
          %swap3A_471 = vector.shape_cast %add3A_466 : vector<16xf32> to vector<1x16xf32>
          tpu.vector_store %arg9[%swap3A_467, %swap3A_468], %swap3A_471 {strides = array<i32>} : memref<40x768xf32, #tpu.memory_space<vmem>>, vector<1x16xf32>,
          %get3A_472 = arith.index_cast %scan3A_109 : i32 to index
          %get3A_473 = arith.constant 416 : index
          %get3A_474 = tpu.vector_load %arg9[%get3A_472, %get3A_473] {strides = array<i32>} : memref<40x768xf32, #tpu.memory_space<vmem>>, vector<1x16xf32>,
          %get3A_475 = vector.shape_cast %get3A_474 : vector<1x16xf32> to vector<16xf32>
          %get3A_476 = arith.index_cast %scan3A_109 : i32 to index
          %get3A_477 = arith.constant 416 : index
          %get3A_478 = tpu.vector_load %arg7[%get3A_476, %get3A_477] {strides = array<i32>} : memref<40x768xf32, #tpu.memory_space<vmem>>, vector<1x16xf32>,
          %get3A_479 = vector.shape_cast %get3A_478 : vector<1x16xf32> to vector<16xf32>
          %add3A_480 = arith.addf %get3A_475, %get3A_479 : vector<16xf32>
          %swap3A_481 = arith.index_cast %scan3A_109 : i32 to index
          %swap3A_482 = arith.constant 416 : index
          %swap3A_483 = tpu.vector_load %arg9[%swap3A_481, %swap3A_482] {strides = array<i32>} : memref<40x768xf32, #tpu.memory_space<vmem>>, vector<1x16xf32>,
          %swap3A_484 = vector.shape_cast %swap3A_483 : vector<1x16xf32> to vector<16xf32>
          %swap3A_485 = vector.shape_cast %add3A_480 : vector<16xf32> to vector<1x16xf32>
          tpu.vector_store %arg9[%swap3A_481, %swap3A_482], %swap3A_485 {strides = array<i32>} : memref<40x768xf32, #tpu.memory_space<vmem>>, vector<1x16xf32>,
          %get3A_486 = arith.index_cast %scan3A_109 : i32 to index
          %get3A_487 = arith.constant 432 : index
          %get3A_488 = tpu.vector_load %arg9[%get3A_486, %get3A_487] {strides = array<i32>} : memref<40x768xf32, #tpu.memory_space<vmem>>, vector<1x16xf32>,
          %get3A_489 = vector.shape_cast %get3A_488 : vector<1x16xf32> to vector<16xf32>
          %get3A_490 = arith.index_cast %scan3A_109 : i32 to index
          %get3A_491 = arith.constant 432 : index
          %get3A_492 = tpu.vector_load %arg7[%get3A_490, %get3A_491] {strides = array<i32>} : memref<40x768xf32, #tpu.memory_space<vmem>>, vector<1x16xf32>,
          %get3A_493 = vector.shape_cast %get3A_492 : vector<1x16xf32> to vector<16xf32>
          %add3A_494 = arith.addf %get3A_489, %get3A_493 : vector<16xf32>
          %swap3A_495 = arith.index_cast %scan3A_109 : i32 to index
          %swap3A_496 = arith.constant 432 : index
          %swap3A_497 = tpu.vector_load %arg9[%swap3A_495, %swap3A_496] {strides = array<i32>} : memref<40x768xf32, #tpu.memory_space<vmem>>, vector<1x16xf32>,
          %swap3A_498 = vector.shape_cast %swap3A_497 : vector<1x16xf32> to vector<16xf32>
          %swap3A_499 = vector.shape_cast %add3A_494 : vector<16xf32> to vector<1x16xf32>
          tpu.vector_store %arg9[%swap3A_495, %swap3A_496], %swap3A_499 {strides = array<i32>} : memref<40x768xf32, #tpu.memory_space<vmem>>, vector<1x16xf32>,
          %get3A_500 = arith.index_cast %scan3A_109 : i32 to index
          %get3A_501 = arith.constant 448 : index
          %get3A_502 = tpu.vector_load %arg9[%get3A_500, %get3A_501] {strides = array<i32>} : memref<40x768xf32, #tpu.memory_space<vmem>>, vector<1x16xf32>,
          %get3A_503 = vector.shape_cast %get3A_502 : vector<1x16xf32> to vector<16xf32>
          %get3A_504 = arith.index_cast %scan3A_109 : i32 to index
          %get3A_505 = arith.constant 448 : index
          %get3A_506 = tpu.vector_load %arg7[%get3A_504, %get3A_505] {strides = array<i32>} : memref<40x768xf32, #tpu.memory_space<vmem>>, vector<1x16xf32>,
          %get3A_507 = vector.shape_cast %get3A_506 : vector<1x16xf32> to vector<16xf32>
          %add3A_508 = arith.addf %get3A_503, %get3A_507 : vector<16xf32>
          %swap3A_509 = arith.index_cast %scan3A_109 : i32 to index
          %swap3A_510 = arith.constant 448 : index
          %swap3A_511 = tpu.vector_load %arg9[%swap3A_509, %swap3A_510] {strides = array<i32>} : memref<40x768xf32, #tpu.memory_space<vmem>>, vector<1x16xf32>,
          %swap3A_512 = vector.shape_cast %swap3A_511 : vector<1x16xf32> to vector<16xf32>
          %swap3A_513 = vector.shape_cast %add3A_508 : vector<16xf32> to vector<1x16xf32>
          tpu.vector_store %arg9[%swap3A_509, %swap3A_510], %swap3A_513 {strides = array<i32>} : memref<40x768xf32, #tpu.memory_space<vmem>>, vector<1x16xf32>,
          %get3A_514 = arith.index_cast %scan3A_109 : i32 to index
          %get3A_515 = arith.constant 464 : index
          %get3A_516 = tpu.vector_load %arg9[%get3A_514, %get3A_515] {strides = array<i32>} : memref<40x768xf32, #tpu.memory_space<vmem>>, vector<1x16xf32>,
          %get3A_517 = vector.shape_cast %get3A_516 : vector<1x16xf32> to vector<16xf32>
          %get3A_518 = arith.index_cast %scan3A_109 : i32 to index
          %get3A_519 = arith.constant 464 : index
          %get3A_520 = tpu.vector_load %arg7[%get3A_518, %get3A_519] {strides = array<i32>} : memref<40x768xf32, #tpu.memory_space<vmem>>, vector<1x16xf32>,
          %get3A_521 = vector.shape_cast %get3A_520 : vector<1x16xf32> to vector<16xf32>
          %add3A_522 = arith.addf %get3A_517, %get3A_521 : vector<16xf32>
          %swap3A_523 = arith.index_cast %scan3A_109 : i32 to index
          %swap3A_524 = arith.constant 464 : index
          %swap3A_525 = tpu.vector_load %arg9[%swap3A_523, %swap3A_524] {strides = array<i32>} : memref<40x768xf32, #tpu.memory_space<vmem>>, vector<1x16xf32>,
          %swap3A_526 = vector.shape_cast %swap3A_525 : vector<1x16xf32> to vector<16xf32>
          %swap3A_527 = vector.shape_cast %add3A_522 : vector<16xf32> to vector<1x16xf32>
          tpu.vector_store %arg9[%swap3A_523, %swap3A_524], %swap3A_527 {strides = array<i32>} : memref<40x768xf32, #tpu.memory_space<vmem>>, vector<1x16xf32>,
          %get3A_528 = arith.index_cast %scan3A_109 : i32 to index
          %get3A_529 = arith.constant 480 : index
          %get3A_530 = tpu.vector_load %arg9[%get3A_528, %get3A_529] {strides = array<i32>} : memref<40x768xf32, #tpu.memory_space<vmem>>, vector<1x16xf32>,
          %get3A_531 = vector.shape_cast %get3A_530 : vector<1x16xf32> to vector<16xf32>
          %get3A_532 = arith.index_cast %scan3A_109 : i32 to index
          %get3A_533 = arith.constant 480 : index
          %get3A_534 = tpu.vector_load %arg7[%get3A_532, %get3A_533] {strides = array<i32>} : memref<40x768xf32, #tpu.memory_space<vmem>>, vector<1x16xf32>,
          %get3A_535 = vector.shape_cast %get3A_534 : vector<1x16xf32> to vector<16xf32>
          %add3A_536 = arith.addf %get3A_531, %get3A_535 : vector<16xf32>
          %swap3A_537 = arith.index_cast %scan3A_109 : i32 to index
          %swap3A_538 = arith.constant 480 : index
          %swap3A_539 = tpu.vector_load %arg9[%swap3A_537, %swap3A_538] {strides = array<i32>} : memref<40x768xf32, #tpu.memory_space<vmem>>, vector<1x16xf32>,
          %swap3A_540 = vector.shape_cast %swap3A_539 : vector<1x16xf32> to vector<16xf32>
          %swap3A_541 = vector.shape_cast %add3A_536 : vector<16xf32> to vector<1x16xf32>
          tpu.vector_store %arg9[%swap3A_537, %swap3A_538], %swap3A_541 {strides = array<i32>} : memref<40x768xf32, #tpu.memory_space<vmem>>, vector<1x16xf32>,
          %get3A_542 = arith.index_cast %scan3A_109 : i32 to index
          %get3A_543 = arith.constant 496 : index
          %get3A_544 = tpu.vector_load %arg9[%get3A_542, %get3A_543] {strides = array<i32>} : memref<40x768xf32, #tpu.memory_space<vmem>>, vector<1x16xf32>,
          %get3A_545 = vector.shape_cast %get3A_544 : vector<1x16xf32> to vector<16xf32>
          %get3A_546 = arith.index_cast %scan3A_109 : i32 to index
          %get3A_547 = arith.constant 496 : index
          %get3A_548 = tpu.vector_load %arg7[%get3A_546, %get3A_547] {strides = array<i32>} : memref<40x768xf32, #tpu.memory_space<vmem>>, vector<1x16xf32>,
          %get3A_549 = vector.shape_cast %get3A_548 : vector<1x16xf32> to vector<16xf32>
          %add3A_550 = arith.addf %get3A_545, %get3A_549 : vector<16xf32>
          %swap3A_551 = arith.index_cast %scan3A_109 : i32 to index
          %swap3A_552 = arith.constant 496 : index
          %swap3A_553 = tpu.vector_load %arg9[%swap3A_551, %swap3A_552] {strides = array<i32>} : memref<40x768xf32, #tpu.memory_space<vmem>>, vector<1x16xf32>,
          %swap3A_554 = vector.shape_cast %swap3A_553 : vector<1x16xf32> to vector<16xf32>
          %swap3A_555 = vector.shape_cast %add3A_550 : vector<16xf32> to vector<1x16xf32>
          tpu.vector_store %arg9[%swap3A_551, %swap3A_552], %swap3A_555 {strides = array<i32>} : memref<40x768xf32, #tpu.memory_space<vmem>>, vector<1x16xf32>,
          %get3A_556 = arith.index_cast %scan3A_109 : i32 to index
          %get3A_557 = arith.constant 512 : index
          %get3A_558 = tpu.vector_load %arg9[%get3A_556, %get3A_557] {strides = array<i32>} : memref<40x768xf32, #tpu.memory_space<vmem>>, vector<1x16xf32>,
          %get3A_559 = vector.shape_cast %get3A_558 : vector<1x16xf32> to vector<16xf32>
          %get3A_560 = arith.index_cast %scan3A_109 : i32 to index
          %get3A_561 = arith.constant 512 : index
          %get3A_562 = tpu.vector_load %arg7[%get3A_560, %get3A_561] {strides = array<i32>} : memref<40x768xf32, #tpu.memory_space<vmem>>, vector<1x16xf32>,
          %get3A_563 = vector.shape_cast %get3A_562 : vector<1x16xf32> to vector<16xf32>
          %add3A_564 = arith.addf %get3A_559, %get3A_563 : vector<16xf32>
          %swap3A_565 = arith.index_cast %scan3A_109 : i32 to index
          %swap3A_566 = arith.constant 512 : index
          %swap3A_567 = tpu.vector_load %arg9[%swap3A_565, %swap3A_566] {strides = array<i32>} : memref<40x768xf32, #tpu.memory_space<vmem>>, vector<1x16xf32>,
          %swap3A_568 = vector.shape_cast %swap3A_567 : vector<1x16xf32> to vector<16xf32>
          %swap3A_569 = vector.shape_cast %add3A_564 : vector<16xf32> to vector<1x16xf32>
          tpu.vector_store %arg9[%swap3A_565, %swap3A_566], %swap3A_569 {strides = array<i32>} : memref<40x768xf32, #tpu.memory_space<vmem>>, vector<1x16xf32>,
          %get3A_570 = arith.index_cast %scan3A_109 : i32 to index
          %get3A_571 = arith.constant 528 : index
          %get3A_572 = tpu.vector_load %arg9[%get3A_570, %get3A_571] {strides = array<i32>} : memref<40x768xf32, #tpu.memory_space<vmem>>, vector<1x16xf32>,
          %get3A_573 = vector.shape_cast %get3A_572 : vector<1x16xf32> to vector<16xf32>
          %get3A_574 = arith.index_cast %scan3A_109 : i32 to index
          %get3A_575 = arith.constant 528 : index
          %get3A_576 = tpu.vector_load %arg7[%get3A_574, %get3A_575] {strides = array<i32>} : memref<40x768xf32, #tpu.memory_space<vmem>>, vector<1x16xf32>,
          %get3A_577 = vector.shape_cast %get3A_576 : vector<1x16xf32> to vector<16xf32>
          %add3A_578 = arith.addf %get3A_573, %get3A_577 : vector<16xf32>
          %swap3A_579 = arith.index_cast %scan3A_109 : i32 to index
          %swap3A_580 = arith.constant 528 : index
          %swap3A_581 = tpu.vector_load %arg9[%swap3A_579, %swap3A_580] {strides = array<i32>} : memref<40x768xf32, #tpu.memory_space<vmem>>, vector<1x16xf32>,
          %swap3A_582 = vector.shape_cast %swap3A_581 : vector<1x16xf32> to vector<16xf32>
          %swap3A_583 = vector.shape_cast %add3A_578 : vector<16xf32> to vector<1x16xf32>
          tpu.vector_store %arg9[%swap3A_579, %swap3A_580], %swap3A_583 {strides = array<i32>} : memref<40x768xf32, #tpu.memory_space<vmem>>, vector<1x16xf32>,
          %get3A_584 = arith.index_cast %scan3A_109 : i32 to index
          %get3A_585 = arith.constant 544 : index
          %get3A_586 = tpu.vector_load %arg9[%get3A_584, %get3A_585] {strides = array<i32>} : memref<40x768xf32, #tpu.memory_space<vmem>>, vector<1x16xf32>,
          %get3A_587 = vector.shape_cast %get3A_586 : vector<1x16xf32> to vector<16xf32>
          %get3A_588 = arith.index_cast %scan3A_109 : i32 to index
          %get3A_589 = arith.constant 544 : index
          %get3A_590 = tpu.vector_load %arg7[%get3A_588, %get3A_589] {strides = array<i32>} : memref<40x768xf32, #tpu.memory_space<vmem>>, vector<1x16xf32>,
          %get3A_591 = vector.shape_cast %get3A_590 : vector<1x16xf32> to vector<16xf32>
          %add3A_592 = arith.addf %get3A_587, %get3A_591 : vector<16xf32>
          %swap3A_593 = arith.index_cast %scan3A_109 : i32 to index
          %swap3A_594 = arith.constant 544 : index
          %swap3A_595 = tpu.vector_load %arg9[%swap3A_593, %swap3A_594] {strides = array<i32>} : memref<40x768xf32, #tpu.memory_space<vmem>>, vector<1x16xf32>,
          %swap3A_596 = vector.shape_cast %swap3A_595 : vector<1x16xf32> to vector<16xf32>
          %swap3A_597 = vector.shape_cast %add3A_592 : vector<16xf32> to vector<1x16xf32>
          tpu.vector_store %arg9[%swap3A_593, %swap3A_594], %swap3A_597 {strides = array<i32>} : memref<40x768xf32, #tpu.memory_space<vmem>>, vector<1x16xf32>,
          %get3A_598 = arith.index_cast %scan3A_109 : i32 to index
          %get3A_599 = arith.constant 560 : index
          %get3A_600 = tpu.vector_load %arg9[%get3A_598, %get3A_599] {strides = array<i32>} : memref<40x768xf32, #tpu.memory_space<vmem>>, vector<1x16xf32>,
          %get3A_601 = vector.shape_cast %get3A_600 : vector<1x16xf32> to vector<16xf32>
          %get3A_602 = arith.index_cast %scan3A_109 : i32 to index
          %get3A_603 = arith.constant 560 : index
          %get3A_604 = tpu.vector_load %arg7[%get3A_602, %get3A_603] {strides = array<i32>} : memref<40x768xf32, #tpu.memory_space<vmem>>, vector<1x16xf32>,
          %get3A_605 = vector.shape_cast %get3A_604 : vector<1x16xf32> to vector<16xf32>
          %add3A_606 = arith.addf %get3A_601, %get3A_605 : vector<16xf32>
          %swap3A_607 = arith.index_cast %scan3A_109 : i32 to index
          %swap3A_608 = arith.constant 560 : index
          %swap3A_609 = tpu.vector_load %arg9[%swap3A_607, %swap3A_608] {strides = array<i32>} : memref<40x768xf32, #tpu.memory_space<vmem>>, vector<1x16xf32>,
          %swap3A_610 = vector.shape_cast %swap3A_609 : vector<1x16xf32> to vector<16xf32>
          %swap3A_611 = vector.shape_cast %add3A_606 : vector<16xf32> to vector<1x16xf32>
          tpu.vector_store %arg9[%swap3A_607, %swap3A_608], %swap3A_611 {strides = array<i32>} : memref<40x768xf32, #tpu.memory_space<vmem>>, vector<1x16xf32>,
          %get3A_612 = arith.index_cast %scan3A_109 : i32 to index
          %get3A_613 = arith.constant 576 : index
          %get3A_614 = tpu.vector_load %arg9[%get3A_612, %get3A_613] {strides = array<i32>} : memref<40x768xf32, #tpu.memory_space<vmem>>, vector<1x16xf32>,
          %get3A_615 = vector.shape_cast %get3A_614 : vector<1x16xf32> to vector<16xf32>
          %get3A_616 = arith.index_cast %scan3A_109 : i32 to index
          %get3A_617 = arith.constant 576 : index
          %get3A_618 = tpu.vector_load %arg7[%get3A_616, %get3A_617] {strides = array<i32>} : memref<40x768xf32, #tpu.memory_space<vmem>>, vector<1x16xf32>,
          %get3A_619 = vector.shape_cast %get3A_618 : vector<1x16xf32> to vector<16xf32>
          %add3A_620 = arith.addf %get3A_615, %get3A_619 : vector<16xf32>
          %swap3A_621 = arith.index_cast %scan3A_109 : i32 to index
          %swap3A_622 = arith.constant 576 : index
          %swap3A_623 = tpu.vector_load %arg9[%swap3A_621, %swap3A_622] {strides = array<i32>} : memref<40x768xf32, #tpu.memory_space<vmem>>, vector<1x16xf32>,
          %swap3A_624 = vector.shape_cast %swap3A_623 : vector<1x16xf32> to vector<16xf32>
          %swap3A_625 = vector.shape_cast %add3A_620 : vector<16xf32> to vector<1x16xf32>
          tpu.vector_store %arg9[%swap3A_621, %swap3A_622], %swap3A_625 {strides = array<i32>} : memref<40x768xf32, #tpu.memory_space<vmem>>, vector<1x16xf32>,
          %get3A_626 = arith.index_cast %scan3A_109 : i32 to index
          %get3A_627 = arith.constant 592 : index
          %get3A_628 = tpu.vector_load %arg9[%get3A_626, %get3A_627] {strides = array<i32>} : memref<40x768xf32, #tpu.memory_space<vmem>>, vector<1x16xf32>,
          %get3A_629 = vector.shape_cast %get3A_628 : vector<1x16xf32> to vector<16xf32>
          %get3A_630 = arith.index_cast %scan3A_109 : i32 to index
          %get3A_631 = arith.constant 592 : index
          %get3A_632 = tpu.vector_load %arg7[%get3A_630, %get3A_631] {strides = array<i32>} : memref<40x768xf32, #tpu.memory_space<vmem>>, vector<1x16xf32>,
          %get3A_633 = vector.shape_cast %get3A_632 : vector<1x16xf32> to vector<16xf32>
          %add3A_634 = arith.addf %get3A_629, %get3A_633 : vector<16xf32>
          %swap3A_635 = arith.index_cast %scan3A_109 : i32 to index
          %swap3A_636 = arith.constant 592 : index
          %swap3A_637 = tpu.vector_load %arg9[%swap3A_635, %swap3A_636] {strides = array<i32>} : memref<40x768xf32, #tpu.memory_space<vmem>>, vector<1x16xf32>,
          %swap3A_638 = vector.shape_cast %swap3A_637 : vector<1x16xf32> to vector<16xf32>
          %swap3A_639 = vector.shape_cast %add3A_634 : vector<16xf32> to vector<1x16xf32>
          tpu.vector_store %arg9[%swap3A_635, %swap3A_636], %swap3A_639 {strides = array<i32>} : memref<40x768xf32, #tpu.memory_space<vmem>>, vector<1x16xf32>,
          %get3A_640 = arith.index_cast %scan3A_109 : i32 to index
          %get3A_641 = arith.constant 608 : index
          %get3A_642 = tpu.vector_load %arg9[%get3A_640, %get3A_641] {strides = array<i32>} : memref<40x768xf32, #tpu.memory_space<vmem>>, vector<1x16xf32>,
          %get3A_643 = vector.shape_cast %get3A_642 : vector<1x16xf32> to vector<16xf32>
          %get3A_644 = arith.index_cast %scan3A_109 : i32 to index
          %get3A_645 = arith.constant 608 : index
          %get3A_646 = tpu.vector_load %arg7[%get3A_644, %get3A_645] {strides = array<i32>} : memref<40x768xf32, #tpu.memory_space<vmem>>, vector<1x16xf32>,
          %get3A_647 = vector.shape_cast %get3A_646 : vector<1x16xf32> to vector<16xf32>
          %add3A_648 = arith.addf %get3A_643, %get3A_647 : vector<16xf32>
          %swap3A_649 = arith.index_cast %scan3A_109 : i32 to index
          %swap3A_650 = arith.constant 608 : index
          %swap3A_651 = tpu.vector_load %arg9[%swap3A_649, %swap3A_650] {strides = array<i32>} : memref<40x768xf32, #tpu.memory_space<vmem>>, vector<1x16xf32>,
          %swap3A_652 = vector.shape_cast %swap3A_651 : vector<1x16xf32> to vector<16xf32>
          %swap3A_653 = vector.shape_cast %add3A_648 : vector<16xf32> to vector<1x16xf32>
          tpu.vector_store %arg9[%swap3A_649, %swap3A_650], %swap3A_653 {strides = array<i32>} : memref<40x768xf32, #tpu.memory_space<vmem>>, vector<1x16xf32>,
          %get3A_654 = arith.index_cast %scan3A_109 : i32 to index
          %get3A_655 = arith.constant 624 : index
          %get3A_656 = tpu.vector_load %arg9[%get3A_654, %get3A_655] {strides = array<i32>} : memref<40x768xf32, #tpu.memory_space<vmem>>, vector<1x16xf32>,
          %get3A_657 = vector.shape_cast %get3A_656 : vector<1x16xf32> to vector<16xf32>
          %get3A_658 = arith.index_cast %scan3A_109 : i32 to index
          %get3A_659 = arith.constant 624 : index
          %get3A_660 = tpu.vector_load %arg7[%get3A_658, %get3A_659] {strides = array<i32>} : memref<40x768xf32, #tpu.memory_space<vmem>>, vector<1x16xf32>,
          %get3A_661 = vector.shape_cast %get3A_660 : vector<1x16xf32> to vector<16xf32>
          %add3A_662 = arith.addf %get3A_657, %get3A_661 : vector<16xf32>
          %swap3A_663 = arith.index_cast %scan3A_109 : i32 to index
          %swap3A_664 = arith.constant 624 : index
          %swap3A_665 = tpu.vector_load %arg9[%swap3A_663, %swap3A_664] {strides = array<i32>} : memref<40x768xf32, #tpu.memory_space<vmem>>, vector<1x16xf32>,
          %swap3A_666 = vector.shape_cast %swap3A_665 : vector<1x16xf32> to vector<16xf32>
          %swap3A_667 = vector.shape_cast %add3A_662 : vector<16xf32> to vector<1x16xf32>
          tpu.vector_store %arg9[%swap3A_663, %swap3A_664], %swap3A_667 {strides = array<i32>} : memref<40x768xf32, #tpu.memory_space<vmem>>, vector<1x16xf32>,
          %get3A_668 = arith.index_cast %scan3A_109 : i32 to index
          %get3A_669 = arith.constant 640 : index
          %get3A_670 = tpu.vector_load %arg9[%get3A_668, %get3A_669] {strides = array<i32>} : memref<40x768xf32, #tpu.memory_space<vmem>>, vector<1x16xf32>,
          %get3A_671 = vector.shape_cast %get3A_670 : vector<1x16xf32> to vector<16xf32>
          %get3A_672 = arith.index_cast %scan3A_109 : i32 to index
          %get3A_673 = arith.constant 640 : index
          %get3A_674 = tpu.vector_load %arg7[%get3A_672, %get3A_673] {strides = array<i32>} : memref<40x768xf32, #tpu.memory_space<vmem>>, vector<1x16xf32>,
          %get3A_675 = vector.shape_cast %get3A_674 : vector<1x16xf32> to vector<16xf32>
          %add3A_676 = arith.addf %get3A_671, %get3A_675 : vector<16xf32>
          %swap3A_677 = arith.index_cast %scan3A_109 : i32 to index
          %swap3A_678 = arith.constant 640 : index
          %swap3A_679 = tpu.vector_load %arg9[%swap3A_677, %swap3A_678] {strides = array<i32>} : memref<40x768xf32, #tpu.memory_space<vmem>>, vector<1x16xf32>,
          %swap3A_680 = vector.shape_cast %swap3A_679 : vector<1x16xf32> to vector<16xf32>
          %swap3A_681 = vector.shape_cast %add3A_676 : vector<16xf32> to vector<1x16xf32>
          tpu.vector_store %arg9[%swap3A_677, %swap3A_678], %swap3A_681 {strides = array<i32>} : memref<40x768xf32, #tpu.memory_space<vmem>>, vector<1x16xf32>,
          %get3A_682 = arith.index_cast %scan3A_109 : i32 to index
          %get3A_683 = arith.constant 656 : index
          %get3A_684 = tpu.vector_load %arg9[%get3A_682, %get3A_683] {strides = array<i32>} : memref<40x768xf32, #tpu.memory_space<vmem>>, vector<1x16xf32>,
          %get3A_685 = vector.shape_cast %get3A_684 : vector<1x16xf32> to vector<16xf32>
          %get3A_686 = arith.index_cast %scan3A_109 : i32 to index
          %get3A_687 = arith.constant 656 : index
          %get3A_688 = tpu.vector_load %arg7[%get3A_686, %get3A_687] {strides = array<i32>} : memref<40x768xf32, #tpu.memory_space<vmem>>, vector<1x16xf32>,
          %get3A_689 = vector.shape_cast %get3A_688 : vector<1x16xf32> to vector<16xf32>
          %add3A_690 = arith.addf %get3A_685, %get3A_689 : vector<16xf32>
          %swap3A_691 = arith.index_cast %scan3A_109 : i32 to index
          %swap3A_692 = arith.constant 656 : index
          %swap3A_693 = tpu.vector_load %arg9[%swap3A_691, %swap3A_692] {strides = array<i32>} : memref<40x768xf32, #tpu.memory_space<vmem>>, vector<1x16xf32>,
          %swap3A_694 = vector.shape_cast %swap3A_693 : vector<1x16xf32> to vector<16xf32>
          %swap3A_695 = vector.shape_cast %add3A_690 : vector<16xf32> to vector<1x16xf32>
          tpu.vector_store %arg9[%swap3A_691, %swap3A_692], %swap3A_695 {strides = array<i32>} : memref<40x768xf32, #tpu.memory_space<vmem>>, vector<1x16xf32>,
          %get3A_696 = arith.index_cast %scan3A_109 : i32 to index
          %get3A_697 = arith.constant 672 : index
          %get3A_698 = tpu.vector_load %arg9[%get3A_696, %get3A_697] {strides = array<i32>} : memref<40x768xf32, #tpu.memory_space<vmem>>, vector<1x16xf32>,
          %get3A_699 = vector.shape_cast %get3A_698 : vector<1x16xf32> to vector<16xf32>
          %get3A_700 = arith.index_cast %scan3A_109 : i32 to index
          %get3A_701 = arith.constant 672 : index
          %get3A_702 = tpu.vector_load %arg7[%get3A_700, %get3A_701] {strides = array<i32>} : memref<40x768xf32, #tpu.memory_space<vmem>>, vector<1x16xf32>,
          %get3A_703 = vector.shape_cast %get3A_702 : vector<1x16xf32> to vector<16xf32>
          %add3A_704 = arith.addf %get3A_699, %get3A_703 : vector<16xf32>
          %swap3A_705 = arith.index_cast %scan3A_109 : i32 to index
          %swap3A_706 = arith.constant 672 : index
          %swap3A_707 = tpu.vector_load %arg9[%swap3A_705, %swap3A_706] {strides = array<i32>} : memref<40x768xf32, #tpu.memory_space<vmem>>, vector<1x16xf32>,
          %swap3A_708 = vector.shape_cast %swap3A_707 : vector<1x16xf32> to vector<16xf32>
          %swap3A_709 = vector.shape_cast %add3A_704 : vector<16xf32> to vector<1x16xf32>
          tpu.vector_store %arg9[%swap3A_705, %swap3A_706], %swap3A_709 {strides = array<i32>} : memref<40x768xf32, #tpu.memory_space<vmem>>, vector<1x16xf32>,
          %get3A_710 = arith.index_cast %scan3A_109 : i32 to index
          %get3A_711 = arith.constant 688 : index
          %get3A_712 = tpu.vector_load %arg9[%get3A_710, %get3A_711] {strides = array<i32>} : memref<40x768xf32, #tpu.memory_space<vmem>>, vector<1x16xf32>,
          %get3A_713 = vector.shape_cast %get3A_712 : vector<1x16xf32> to vector<16xf32>
          %get3A_714 = arith.index_cast %scan3A_109 : i32 to index
          %get3A_715 = arith.constant 688 : index
          %get3A_716 = tpu.vector_load %arg7[%get3A_714, %get3A_715] {strides = array<i32>} : memref<40x768xf32, #tpu.memory_space<vmem>>, vector<1x16xf32>,
          %get3A_717 = vector.shape_cast %get3A_716 : vector<1x16xf32> to vector<16xf32>
          %add3A_718 = arith.addf %get3A_713, %get3A_717 : vector<16xf32>
          %swap3A_719 = arith.index_cast %scan3A_109 : i32 to index
          %swap3A_720 = arith.constant 688 : index
          %swap3A_721 = tpu.vector_load %arg9[%swap3A_719, %swap3A_720] {strides = array<i32>} : memref<40x768xf32, #tpu.memory_space<vmem>>, vector<1x16xf32>,
          %swap3A_722 = vector.shape_cast %swap3A_721 : vector<1x16xf32> to vector<16xf32>
          %swap3A_723 = vector.shape_cast %add3A_718 : vector<16xf32> to vector<1x16xf32>
          tpu.vector_store %arg9[%swap3A_719, %swap3A_720], %swap3A_723 {strides = array<i32>} : memref<40x768xf32, #tpu.memory_space<vmem>>, vector<1x16xf32>,
          %get3A_724 = arith.index_cast %scan3A_109 : i32 to index
          %get3A_725 = arith.constant 704 : index
          %get3A_726 = tpu.vector_load %arg9[%get3A_724, %get3A_725] {strides = array<i32>} : memref<40x768xf32, #tpu.memory_space<vmem>>, vector<1x16xf32>,
          %get3A_727 = vector.shape_cast %get3A_726 : vector<1x16xf32> to vector<16xf32>
          %get3A_728 = arith.index_cast %scan3A_109 : i32 to index
          %get3A_729 = arith.constant 704 : index
          %get3A_730 = tpu.vector_load %arg7[%get3A_728, %get3A_729] {strides = array<i32>} : memref<40x768xf32, #tpu.memory_space<vmem>>, vector<1x16xf32>,
          %get3A_731 = vector.shape_cast %get3A_730 : vector<1x16xf32> to vector<16xf32>
          %add3A_732 = arith.addf %get3A_727, %get3A_731 : vector<16xf32>
          %swap3A_733 = arith.index_cast %scan3A_109 : i32 to index
          %swap3A_734 = arith.constant 704 : index
          %swap3A_735 = tpu.vector_load %arg9[%swap3A_733, %swap3A_734] {strides = array<i32>} : memref<40x768xf32, #tpu.memory_space<vmem>>, vector<1x16xf32>,
          %swap3A_736 = vector.shape_cast %swap3A_735 : vector<1x16xf32> to vector<16xf32>
          %swap3A_737 = vector.shape_cast %add3A_732 : vector<16xf32> to vector<1x16xf32>
          tpu.vector_store %arg9[%swap3A_733, %swap3A_734], %swap3A_737 {strides = array<i32>} : memref<40x768xf32, #tpu.memory_space<vmem>>, vector<1x16xf32>,
          %get3A_738 = arith.index_cast %scan3A_109 : i32 to index
          %get3A_739 = arith.constant 720 : index
          %get3A_740 = tpu.vector_load %arg9[%get3A_738, %get3A_739] {strides = array<i32>} : memref<40x768xf32, #tpu.memory_space<vmem>>, vector<1x16xf32>,
          %get3A_741 = vector.shape_cast %get3A_740 : vector<1x16xf32> to vector<16xf32>
          %get3A_742 = arith.index_cast %scan3A_109 : i32 to index
          %get3A_743 = arith.constant 720 : index
          %get3A_744 = tpu.vector_load %arg7[%get3A_742, %get3A_743] {strides = array<i32>} : memref<40x768xf32, #tpu.memory_space<vmem>>, vector<1x16xf32>,
          %get3A_745 = vector.shape_cast %get3A_744 : vector<1x16xf32> to vector<16xf32>
          %add3A_746 = arith.addf %get3A_741, %get3A_745 : vector<16xf32>
          %swap3A_747 = arith.index_cast %scan3A_109 : i32 to index
          %swap3A_748 = arith.constant 720 : index
          %swap3A_749 = tpu.vector_load %arg9[%swap3A_747, %swap3A_748] {strides = array<i32>} : memref<40x768xf32, #tpu.memory_space<vmem>>, vector<1x16xf32>,
          %swap3A_750 = vector.shape_cast %swap3A_749 : vector<1x16xf32> to vector<16xf32>
          %swap3A_751 = vector.shape_cast %add3A_746 : vector<16xf32> to vector<1x16xf32>
          tpu.vector_store %arg9[%swap3A_747, %swap3A_748], %swap3A_751 {strides = array<i32>} : memref<40x768xf32, #tpu.memory_space<vmem>>, vector<1x16xf32>,
          %get3A_752 = arith.index_cast %scan3A_109 : i32 to index
          %get3A_753 = arith.constant 736 : index
          %get3A_754 = tpu.vector_load %arg9[%get3A_752, %get3A_753] {strides = array<i32>} : memref<40x768xf32, #tpu.memory_space<vmem>>, vector<1x16xf32>,
          %get3A_755 = vector.shape_cast %get3A_754 : vector<1x16xf32> to vector<16xf32>
          %get3A_756 = arith.index_cast %scan3A_109 : i32 to index
          %get3A_757 = arith.constant 736 : index
          %get3A_758 = tpu.vector_load %arg7[%get3A_756, %get3A_757] {strides = array<i32>} : memref<40x768xf32, #tpu.memory_space<vmem>>, vector<1x16xf32>,
          %get3A_759 = vector.shape_cast %get3A_758 : vector<1x16xf32> to vector<16xf32>
          %add3A_760 = arith.addf %get3A_755, %get3A_759 : vector<16xf32>
          %swap3A_761 = arith.index_cast %scan3A_109 : i32 to index
          %swap3A_762 = arith.constant 736 : index
          %swap3A_763 = tpu.vector_load %arg9[%swap3A_761, %swap3A_762] {strides = array<i32>} : memref<40x768xf32, #tpu.memory_space<vmem>>, vector<1x16xf32>,
          %swap3A_764 = vector.shape_cast %swap3A_763 : vector<1x16xf32> to vector<16xf32>
          %swap3A_765 = vector.shape_cast %add3A_760 : vector<16xf32> to vector<1x16xf32>
          tpu.vector_store %arg9[%swap3A_761, %swap3A_762], %swap3A_765 {strides = array<i32>} : memref<40x768xf32, #tpu.memory_space<vmem>>, vector<1x16xf32>,
          %get3A_766 = arith.index_cast %scan3A_109 : i32 to index
          %get3A_767 = arith.constant 752 : index
          %get3A_768 = tpu.vector_load %arg9[%get3A_766, %get3A_767] {strides = array<i32>} : memref<40x768xf32, #tpu.memory_space<vmem>>, vector<1x16xf32>,
          %get3A_769 = vector.shape_cast %get3A_768 : vector<1x16xf32> to vector<16xf32>
          %get3A_770 = arith.index_cast %scan3A_109 : i32 to index
          %get3A_771 = arith.constant 752 : index
          %get3A_772 = tpu.vector_load %arg7[%get3A_770, %get3A_771] {strides = array<i32>} : memref<40x768xf32, #tpu.memory_space<vmem>>, vector<1x16xf32>,
          %get3A_773 = vector.shape_cast %get3A_772 : vector<1x16xf32> to vector<16xf32>
          %add3A_774 = arith.addf %get3A_769, %get3A_773 : vector<16xf32>
          %swap3A_775 = arith.index_cast %scan3A_109 : i32 to index
          %swap3A_776 = arith.constant 752 : index
          %swap3A_777 = tpu.vector_load %arg9[%swap3A_775, %swap3A_776] {strides = array<i32>} : memref<40x768xf32, #tpu.memory_space<vmem>>, vector<1x16xf32>,
          %swap3A_778 = vector.shape_cast %swap3A_777 : vector<1x16xf32> to vector<16xf32>
          %swap3A_779 = vector.shape_cast %add3A_774 : vector<16xf32> to vector<1x16xf32>
          tpu.vector_store %arg9[%swap3A_775, %swap3A_776], %swap3A_779 {strides = array<i32>} : memref<40x768xf32, #tpu.memory_space<vmem>>, vector<1x16xf32>,
        }
        %scan3A_99 = arith.constant 40 : i32
        %add3A_100 = arith.addi %mul3A_0, %add3A_73 : i32
        %dma_start3A_101 = arith.constant 0 : i32
        %dma_start3A_102 = arith.constant 0 : i32
        %dma_start3A_103 = tpu.memref_slice %arg5[%add3A_100, %dma_start3A_101, %dma_start3A_102] : memref<4096x80x768xf32, #tpu.memory_space<hbm>> -> memref<1x40x768xf32, #tpu.memory_space<hbm>>
        %dma_start3A_104 = tpu.memref_squeeze %dma_start3A_103 : memref<1x40x768xf32, #tpu.memory_space<hbm>> -> memref<40x768xf32, #tpu.memory_space<hbm>>
        %dma_start3A_105 = arith.constant 0 : i32
        %dma_start3A_106 = arith.constant 0 : i32
        %dma_start3A_107 = tpu.memref_slice %arg5[%add3A_100, %dma_start3A_105, %dma_start3A_106] : memref<4096x80x768xf32, #tpu.memory_space<hbm>> -> memref<1x40x768xf32, #tpu.memory_space<hbm>>
        %dma_start3A_108 = tpu.memref_squeeze %dma_start3A_107 : memref<1x40x768xf32, #tpu.memory_space<hbm>> -> memref<40x768xf32, #tpu.memory_space<hbm>>
        tpu.enqueue_dma source(%arg9 : memref<40x768xf32, #tpu.memory_space<vmem>>) target(%dma_start3A_108 : memref<40x768xf32, #tpu.memory_space<hbm>>) target_semaphore(%arg13 : memref<!tpu.dma_semaphore, #tpu.memory_space<semaphore_mem>>)
      }
      %scan3A_21 = arith.constant 128 : i32
      %add3A_22 = arith.constant 255 : i32
      %add3A_23 = arith.addi %mul3A_0, %add3A_22 : i32
      %dma_wait3A = arith.constant 0 : i32
      %dma_wait3A_24 = arith.constant 0 : i32
      %dma_wait3A_25 = tpu.memref_slice %arg5[%add3A_23, %dma_wait3A, %dma_wait3A_24] : memref<4096x80x768xf32, #tpu.memory_space<hbm>> -> memref<1x40x768xf32, #tpu.memory_space<hbm>>
      %dma_wait3A_26 = tpu.memref_squeeze %dma_wait3A_25 : memref<1x40x768xf32, #tpu.memory_space<hbm>> -> memref<40x768xf32, #tpu.memory_space<hbm>>
      %dma_wait3A_27 = arith.constant 0 : i32
      %dma_wait3A_28 = arith.constant 0 : i32
      %dma_wait3A_29 = tpu.memref_slice %arg5[%add3A_23, %dma_wait3A_27, %dma_wait3A_28] : memref<4096x80x768xf32, #tpu.memory_space<hbm>> -> memref<1x40x768xf32, #tpu.memory_space<hbm>>
      %dma_wait3A_30 = tpu.memref_squeeze %dma_wait3A_29 : memref<1x40x768xf32, #tpu.memory_space<hbm>> -> memref<40x768xf32, #tpu.memory_space<hbm>>
      tpu.wait_dma2 semaphore(%arg13 : memref<!tpu.dma_semaphore, #tpu.memory_space<semaphore_mem>>) src(%arg9 : memref<40x768xf32, #tpu.memory_space<vmem>>) dst(%dma_wait3A_30 : memref<40x768xf32, #tpu.memory_space<hbm>>)
    } else {
    }
    %eq3A_7 = arith.constant 1 : i32
    %eq3A_8 = arith.cmpi eq, %arg0, %eq3A_7 : i32
    %convert_element_type3A_9 = arith.extui %eq3A_8 : i1 to i32
    %cond3A_10 = arith.constant 0 : i32
    %cond3A_11 = arith.cmpi ne, %convert_element_type3A_9, %cond3A_10 : i32
    scf.if %cond3A_11 {
      "tpu.region"() ({
        %run_scoped3A = tpu.sem_alloc : memref<!tpu.dma_semaphore, #tpu.memory_space<semaphore_mem>>
        %dma_start3A_31 = arith.constant 40 : i32
        %dma_start3A_32 = arith.constant 0 : i32
        %dma_start3A_33 = tpu.memref_slice %arg4[%dma_start3A_31, %dma_start3A_32] : memref<80x768xf32, #tpu.memory_space<hbm>> -> memref<40x768xf32, #tpu.memory_space<hbm>>
        %dma_start3A_34 = arith.constant 40 : i32
        %dma_start3A_35 = arith.constant 0 : i32
        %dma_start3A_36 = tpu.memref_slice %arg4[%dma_start3A_34, %dma_start3A_35] : memref<80x768xf32, #tpu.memory_space<hbm>> -> memref<40x768xf32, #tpu.memory_space<hbm>>
        tpu.enqueue_dma source(%dma_start3A_36 : memref<40x768xf32, #tpu.memory_space<hbm>>) target(%arg7 : memref<40x768xf32, #tpu.memory_space<vmem>>) target_semaphore(%run_scoped3A : memref<!tpu.dma_semaphore, #tpu.memory_space<semaphore_mem>>)
        %dma_wait3A_37 = arith.constant 40 : i32
        %dma_wait3A_38 = arith.constant 0 : i32
        %dma_wait3A_39 = tpu.memref_slice %arg4[%dma_wait3A_37, %dma_wait3A_38] : memref<80x768xf32, #tpu.memory_space<hbm>> -> memref<40x768xf32, #tpu.memory_space<hbm>>
        %dma_wait3A_40 = arith.constant 40 : i32
        %dma_wait3A_41 = arith.constant 0 : i32
        %dma_wait3A_42 = tpu.memref_slice %arg4[%dma_wait3A_40, %dma_wait3A_41] : memref<80x768xf32, #tpu.memory_space<hbm>> -> memref<40x768xf32, #tpu.memory_space<hbm>>
        tpu.wait_dma2 semaphore(%run_scoped3A : memref<!tpu.dma_semaphore, #tpu.memory_space<semaphore_mem>>) src(%dma_wait3A_42 : memref<40x768xf32, #tpu.memory_space<hbm>>) dst(%arg7 : memref<40x768xf32, #tpu.memory_space<vmem>>)
        tpu.yield
      }) : () -> ()
      %multiple_of3A_12 = arith.constant 0 : i32
      %multiple_of3A_13 = tpu.assume_multiple %multiple_of3A_12, 8 : i32
      %dma_start3A = tpu.memref_slice %arg6[%multiple_of3A_13] : memref<10240xi32, #tpu.memory_space<vmem>> -> memref<40xi32, #tpu.memory_space<vmem>>
      %dma_start3A_14 = arith.constant 0 : i32
      %dma_start3A_15 = arith.constant 0 : i32
      %dma_start3A_16 = tpu.memref_slice %arg3[%dma_start3A_14, %dma_start3A_15] : memref<49408x768xf32, #tpu.memory_space<hbm>> -> memref<49408x768xf32, #tpu.memory_space<hbm>>
      tpu.enqueue_indirect_dma source(%dma_start3A_16 : memref<49408x768xf32, #tpu.memory_space<hbm>>) target(%arg8 : memref<40x768xf32, #tpu.memory_space<vmem>>) offsets(%dma_start3A : memref<40xi32, #tpu.memory_space<vmem>>) semaphore(%arg10 : memref<!tpu.dma_semaphore, #tpu.memory_space<semaphore_mem>>)
      %scan3A = arith.constant 0 : i32
      %scan3A_17 = arith.constant 0 : i32
      %scan3A_18 = arith.constant 128 : i32
      %scan3A_19 = arith.addi %scan3A_17, %scan3A_18 : i32
      %scan3A_20 = arith.constant 1 : i32
      scf.for %scan3A_31 = %scan3A_17 to %scan3A_19 step %scan3A_20  : i32 {
        %mul3A_32 = arith.constant 2 : i32
        %mul3A_33 = arith.muli %scan3A_31, %mul3A_32 : i32
        %add3A_34 = arith.constant 0 : i32
        %add3A_35 = arith.addi %mul3A_33, %add3A_34 : i32
        %dma_wait3A_36 = arith.constant 0 : i32
        %dma_wait3A_37 = arith.constant 0 : i32
        %dma_wait3A_38 = tpu.memref_slice %arg3[%dma_wait3A_36, %dma_wait3A_37] : memref<49408x768xf32, #tpu.memory_space<hbm>> -> memref<40x768xf32, #tpu.memory_space<hbm>>
        %dma_wait3A_39 = arith.constant 0 : i32
        %dma_wait3A_40 = arith.constant 0 : i32
        %dma_wait3A_41 = tpu.memref_slice %arg3[%dma_wait3A_39, %dma_wait3A_40] : memref<49408x768xf32, #tpu.memory_space<hbm>> -> memref<40x768xf32, #tpu.memory_space<hbm>>
        tpu.wait_dma2 semaphore(%arg10 : memref<!tpu.dma_semaphore, #tpu.memory_space<semaphore_mem>>) src(%dma_wait3A_41 : memref<40x768xf32, #tpu.memory_space<hbm>>) dst(%arg8 : memref<40x768xf32, #tpu.memory_space<vmem>>)
        %ge3A = arith.constant 1 : i32
        %ge3A_42 = arith.cmpi sge, %scan3A_31, %ge3A : i32
        %convert_element_type3A_43 = arith.extui %ge3A_42 : i1 to i32
        %cond3A_44 = arith.constant 0 : i32
        %cond3A_45 = arith.cmpi ne, %convert_element_type3A_43, %cond3A_44 : i32
        scf.if %cond3A_45 {
          %sub3A_109 = arith.constant 1 : i32
          %sub3A_110 = arith.subi %add3A_35, %sub3A_109 : i32
          %add3A_111 = arith.addi %mul3A_0, %sub3A_110 : i32
          %dma_wait3A_112 = arith.constant 40 : i32
          %dma_wait3A_113 = arith.constant 0 : i32
          %dma_wait3A_114 = tpu.memref_slice %arg5[%add3A_111, %dma_wait3A_112, %dma_wait3A_113] : memref<4096x80x768xf32, #tpu.memory_space<hbm>> -> memref<1x40x768xf32, #tpu.memory_space<hbm>>
          %dma_wait3A_115 = tpu.memref_squeeze %dma_wait3A_114 : memref<1x40x768xf32, #tpu.memory_space<hbm>> -> memref<40x768xf32, #tpu.memory_space<hbm>>
          %dma_wait3A_116 = arith.constant 40 : i32
          %dma_wait3A_117 = arith.constant 0 : i32
          %dma_wait3A_118 = tpu.memref_slice %arg5[%add3A_111, %dma_wait3A_116, %dma_wait3A_117] : memref<4096x80x768xf32, #tpu.memory_space<hbm>> -> memref<1x40x768xf32, #tpu.memory_space<hbm>>
          %dma_wait3A_119 = tpu.memref_squeeze %dma_wait3A_118 : memref<1x40x768xf32, #tpu.memory_space<hbm>> -> memref<40x768xf32, #tpu.memory_space<hbm>>
          tpu.wait_dma2 semaphore(%arg13 : memref<!tpu.dma_semaphore, #tpu.memory_space<semaphore_mem>>) src(%arg9 : memref<40x768xf32, #tpu.memory_space<vmem>>) dst(%dma_wait3A_119 : memref<40x768xf32, #tpu.memory_space<hbm>>)
        } else {
        }
        %add3A_46 = arith.constant 1 : i32
        %add3A_47 = arith.addi %add3A_35, %add3A_46 : i32
        %mul3A_48 = arith.constant 40 : i32
        %mul3A_49 = arith.muli %add3A_47, %mul3A_48 : i32
        %multiple_of3A_50 = tpu.assume_multiple %mul3A_49, 8 : i32
        %dma_start3A_51 = tpu.memref_slice %arg6[%multiple_of3A_50] : memref<10240xi32, #tpu.memory_space<vmem>> -> memref<40xi32, #tpu.memory_space<vmem>>
        %dma_start3A_52 = arith.constant 0 : i32
        %dma_start3A_53 = arith.constant 0 : i32
        %dma_start3A_54 = tpu.memref_slice %arg3[%dma_start3A_52, %dma_start3A_53] : memref<49408x768xf32, #tpu.memory_space<hbm>> -> memref<49408x768xf32, #tpu.memory_space<hbm>>
        tpu.enqueue_indirect_dma source(%dma_start3A_54 : memref<49408x768xf32, #tpu.memory_space<hbm>>) target(%arg9 : memref<40x768xf32, #tpu.memory_space<vmem>>) offsets(%dma_start3A_51 : memref<40xi32, #tpu.memory_space<vmem>>) semaphore(%arg11 : memref<!tpu.dma_semaphore, #tpu.memory_space<semaphore_mem>>)
        %scan3A_55 = arith.constant 0 : i32
        %scan3A_56 = arith.constant 0 : i32
        %scan3A_57 = arith.constant 40 : i32
        %scan3A_58 = arith.addi %scan3A_56, %scan3A_57 : i32
        %scan3A_59 = arith.constant 1 : i32
        scf.for %scan3A_109 = %scan3A_56 to %scan3A_58 step %scan3A_59  : i32 {
          %get3A = arith.index_cast %scan3A_109 : i32 to index
          %get3A_110 = arith.constant 0 : index
          %get3A_111 = tpu.vector_load %arg8[%get3A, %get3A_110] {strides = array<i32>} : memref<40x768xf32, #tpu.memory_space<vmem>>, vector<1x16xf32>,
          %get3A_112 = vector.shape_cast %get3A_111 : vector<1x16xf32> to vector<16xf32>
          %get3A_113 = arith.index_cast %scan3A_109 : i32 to index
          %get3A_114 = arith.constant 0 : index
          %get3A_115 = tpu.vector_load %arg7[%get3A_113, %get3A_114] {strides = array<i32>} : memref<40x768xf32, #tpu.memory_space<vmem>>, vector<1x16xf32>,
          %get3A_116 = vector.shape_cast %get3A_115 : vector<1x16xf32> to vector<16xf32>
          %add3A_117 = arith.addf %get3A_112, %get3A_116 : vector<16xf32>
          %swap3A = arith.index_cast %scan3A_109 : i32 to index
          %swap3A_118 = arith.constant 0 : index
          %swap3A_119 = tpu.vector_load %arg8[%swap3A, %swap3A_118] {strides = array<i32>} : memref<40x768xf32, #tpu.memory_space<vmem>>, vector<1x16xf32>,
          %swap3A_120 = vector.shape_cast %swap3A_119 : vector<1x16xf32> to vector<16xf32>
          %swap3A_121 = vector.shape_cast %add3A_117 : vector<16xf32> to vector<1x16xf32>
          tpu.vector_store %arg8[%swap3A, %swap3A_118], %swap3A_121 {strides = array<i32>} : memref<40x768xf32, #tpu.memory_space<vmem>>, vector<1x16xf32>,
          %get3A_122 = arith.index_cast %scan3A_109 : i32 to index
          %get3A_123 = arith.constant 16 : index
          %get3A_124 = tpu.vector_load %arg8[%get3A_122, %get3A_123] {strides = array<i32>} : memref<40x768xf32, #tpu.memory_space<vmem>>, vector<1x16xf32>,
          %get3A_125 = vector.shape_cast %get3A_124 : vector<1x16xf32> to vector<16xf32>
          %get3A_126 = arith.index_cast %scan3A_109 : i32 to index
          %get3A_127 = arith.constant 16 : index
          %get3A_128 = tpu.vector_load %arg7[%get3A_126, %get3A_127] {strides = array<i32>} : memref<40x768xf32, #tpu.memory_space<vmem>>, vector<1x16xf32>,
          %get3A_129 = vector.shape_cast %get3A_128 : vector<1x16xf32> to vector<16xf32>
          %add3A_130 = arith.addf %get3A_125, %get3A_129 : vector<16xf32>
          %swap3A_131 = arith.index_cast %scan3A_109 : i32 to index
          %swap3A_132 = arith.constant 16 : index
          %swap3A_133 = tpu.vector_load %arg8[%swap3A_131, %swap3A_132] {strides = array<i32>} : memref<40x768xf32, #tpu.memory_space<vmem>>, vector<1x16xf32>,
          %swap3A_134 = vector.shape_cast %swap3A_133 : vector<1x16xf32> to vector<16xf32>
          %swap3A_135 = vector.shape_cast %add3A_130 : vector<16xf32> to vector<1x16xf32>
          tpu.vector_store %arg8[%swap3A_131, %swap3A_132], %swap3A_135 {strides = array<i32>} : memref<40x768xf32, #tpu.memory_space<vmem>>, vector<1x16xf32>,
          %get3A_136 = arith.index_cast %scan3A_109 : i32 to index
          %get3A_137 = arith.constant 32 : index
          %get3A_138 = tpu.vector_load %arg8[%get3A_136, %get3A_137] {strides = array<i32>} : memref<40x768xf32, #tpu.memory_space<vmem>>, vector<1x16xf32>,
          %get3A_139 = vector.shape_cast %get3A_138 : vector<1x16xf32> to vector<16xf32>
          %get3A_140 = arith.index_cast %scan3A_109 : i32 to index
          %get3A_141 = arith.constant 32 : index
          %get3A_142 = tpu.vector_load %arg7[%get3A_140, %get3A_141] {strides = array<i32>} : memref<40x768xf32, #tpu.memory_space<vmem>>, vector<1x16xf32>,
          %get3A_143 = vector.shape_cast %get3A_142 : vector<1x16xf32> to vector<16xf32>
          %add3A_144 = arith.addf %get3A_139, %get3A_143 : vector<16xf32>
          %swap3A_145 = arith.index_cast %scan3A_109 : i32 to index
          %swap3A_146 = arith.constant 32 : index
          %swap3A_147 = tpu.vector_load %arg8[%swap3A_145, %swap3A_146] {strides = array<i32>} : memref<40x768xf32, #tpu.memory_space<vmem>>, vector<1x16xf32>,
          %swap3A_148 = vector.shape_cast %swap3A_147 : vector<1x16xf32> to vector<16xf32>
          %swap3A_149 = vector.shape_cast %add3A_144 : vector<16xf32> to vector<1x16xf32>
          tpu.vector_store %arg8[%swap3A_145, %swap3A_146], %swap3A_149 {strides = array<i32>} : memref<40x768xf32, #tpu.memory_space<vmem>>, vector<1x16xf32>,
          %get3A_150 = arith.index_cast %scan3A_109 : i32 to index
          %get3A_151 = arith.constant 48 : index
          %get3A_152 = tpu.vector_load %arg8[%get3A_150, %get3A_151] {strides = array<i32>} : memref<40x768xf32, #tpu.memory_space<vmem>>, vector<1x16xf32>,
          %get3A_153 = vector.shape_cast %get3A_152 : vector<1x16xf32> to vector<16xf32>
          %get3A_154 = arith.index_cast %scan3A_109 : i32 to index
          %get3A_155 = arith.constant 48 : index
          %get3A_156 = tpu.vector_load %arg7[%get3A_154, %get3A_155] {strides = array<i32>} : memref<40x768xf32, #tpu.memory_space<vmem>>, vector<1x16xf32>,
          %get3A_157 = vector.shape_cast %get3A_156 : vector<1x16xf32> to vector<16xf32>
          %add3A_158 = arith.addf %get3A_153, %get3A_157 : vector<16xf32>
          %swap3A_159 = arith.index_cast %scan3A_109 : i32 to index
          %swap3A_160 = arith.constant 48 : index
          %swap3A_161 = tpu.vector_load %arg8[%swap3A_159, %swap3A_160] {strides = array<i32>} : memref<40x768xf32, #tpu.memory_space<vmem>>, vector<1x16xf32>,
          %swap3A_162 = vector.shape_cast %swap3A_161 : vector<1x16xf32> to vector<16xf32>
          %swap3A_163 = vector.shape_cast %add3A_158 : vector<16xf32> to vector<1x16xf32>
          tpu.vector_store %arg8[%swap3A_159, %swap3A_160], %swap3A_163 {strides = array<i32>} : memref<40x768xf32, #tpu.memory_space<vmem>>, vector<1x16xf32>,
          %get3A_164 = arith.index_cast %scan3A_109 : i32 to index
          %get3A_165 = arith.constant 64 : index
          %get3A_166 = tpu.vector_load %arg8[%get3A_164, %get3A_165] {strides = array<i32>} : memref<40x768xf32, #tpu.memory_space<vmem>>, vector<1x16xf32>,
          %get3A_167 = vector.shape_cast %get3A_166 : vector<1x16xf32> to vector<16xf32>
          %get3A_168 = arith.index_cast %scan3A_109 : i32 to index
          %get3A_169 = arith.constant 64 : index
          %get3A_170 = tpu.vector_load %arg7[%get3A_168, %get3A_169] {strides = array<i32>} : memref<40x768xf32, #tpu.memory_space<vmem>>, vector<1x16xf32>,
          %get3A_171 = vector.shape_cast %get3A_170 : vector<1x16xf32> to vector<16xf32>
          %add3A_172 = arith.addf %get3A_167, %get3A_171 : vector<16xf32>
          %swap3A_173 = arith.index_cast %scan3A_109 : i32 to index
          %swap3A_174 = arith.constant 64 : index
          %swap3A_175 = tpu.vector_load %arg8[%swap3A_173, %swap3A_174] {strides = array<i32>} : memref<40x768xf32, #tpu.memory_space<vmem>>, vector<1x16xf32>,
          %swap3A_176 = vector.shape_cast %swap3A_175 : vector<1x16xf32> to vector<16xf32>
          %swap3A_177 = vector.shape_cast %add3A_172 : vector<16xf32> to vector<1x16xf32>
          tpu.vector_store %arg8[%swap3A_173, %swap3A_174], %swap3A_177 {strides = array<i32>} : memref<40x768xf32, #tpu.memory_space<vmem>>, vector<1x16xf32>,
          %get3A_178 = arith.index_cast %scan3A_109 : i32 to index
          %get3A_179 = arith.constant 80 : index
          %get3A_180 = tpu.vector_load %arg8[%get3A_178, %get3A_179] {strides = array<i32>} : memref<40x768xf32, #tpu.memory_space<vmem>>, vector<1x16xf32>,
          %get3A_181 = vector.shape_cast %get3A_180 : vector<1x16xf32> to vector<16xf32>
          %get3A_182 = arith.index_cast %scan3A_109 : i32 to index
          %get3A_183 = arith.constant 80 : index
          %get3A_184 = tpu.vector_load %arg7[%get3A_182, %get3A_183] {strides = array<i32>} : memref<40x768xf32, #tpu.memory_space<vmem>>, vector<1x16xf32>,
          %get3A_185 = vector.shape_cast %get3A_184 : vector<1x16xf32> to vector<16xf32>
          %add3A_186 = arith.addf %get3A_181, %get3A_185 : vector<16xf32>
          %swap3A_187 = arith.index_cast %scan3A_109 : i32 to index
          %swap3A_188 = arith.constant 80 : index
          %swap3A_189 = tpu.vector_load %arg8[%swap3A_187, %swap3A_188] {strides = array<i32>} : memref<40x768xf32, #tpu.memory_space<vmem>>, vector<1x16xf32>,
          %swap3A_190 = vector.shape_cast %swap3A_189 : vector<1x16xf32> to vector<16xf32>
          %swap3A_191 = vector.shape_cast %add3A_186 : vector<16xf32> to vector<1x16xf32>
          tpu.vector_store %arg8[%swap3A_187, %swap3A_188], %swap3A_191 {strides = array<i32>} : memref<40x768xf32, #tpu.memory_space<vmem>>, vector<1x16xf32>,
          %get3A_192 = arith.index_cast %scan3A_109 : i32 to index
          %get3A_193 = arith.constant 96 : index
          %get3A_194 = tpu.vector_load %arg8[%get3A_192, %get3A_193] {strides = array<i32>} : memref<40x768xf32, #tpu.memory_space<vmem>>, vector<1x16xf32>,
          %get3A_195 = vector.shape_cast %get3A_194 : vector<1x16xf32> to vector<16xf32>
          %get3A_196 = arith.index_cast %scan3A_109 : i32 to index
          %get3A_197 = arith.constant 96 : index
          %get3A_198 = tpu.vector_load %arg7[%get3A_196, %get3A_197] {strides = array<i32>} : memref<40x768xf32, #tpu.memory_space<vmem>>, vector<1x16xf32>,
          %get3A_199 = vector.shape_cast %get3A_198 : vector<1x16xf32> to vector<16xf32>
          %add3A_200 = arith.addf %get3A_195, %get3A_199 : vector<16xf32>
          %swap3A_201 = arith.index_cast %scan3A_109 : i32 to index
          %swap3A_202 = arith.constant 96 : index
          %swap3A_203 = tpu.vector_load %arg8[%swap3A_201, %swap3A_202] {strides = array<i32>} : memref<40x768xf32, #tpu.memory_space<vmem>>, vector<1x16xf32>,
          %swap3A_204 = vector.shape_cast %swap3A_203 : vector<1x16xf32> to vector<16xf32>
          %swap3A_205 = vector.shape_cast %add3A_200 : vector<16xf32> to vector<1x16xf32>
          tpu.vector_store %arg8[%swap3A_201, %swap3A_202], %swap3A_205 {strides = array<i32>} : memref<40x768xf32, #tpu.memory_space<vmem>>, vector<1x16xf32>,
          %get3A_206 = arith.index_cast %scan3A_109 : i32 to index
          %get3A_207 = arith.constant 112 : index
          %get3A_208 = tpu.vector_load %arg8[%get3A_206, %get3A_207] {strides = array<i32>} : memref<40x768xf32, #tpu.memory_space<vmem>>, vector<1x16xf32>,
          %get3A_209 = vector.shape_cast %get3A_208 : vector<1x16xf32> to vector<16xf32>
          %get3A_210 = arith.index_cast %scan3A_109 : i32 to index
          %get3A_211 = arith.constant 112 : index
          %get3A_212 = tpu.vector_load %arg7[%get3A_210, %get3A_211] {strides = array<i32>} : memref<40x768xf32, #tpu.memory_space<vmem>>, vector<1x16xf32>,
          %get3A_213 = vector.shape_cast %get3A_212 : vector<1x16xf32> to vector<16xf32>
          %add3A_214 = arith.addf %get3A_209, %get3A_213 : vector<16xf32>
          %swap3A_215 = arith.index_cast %scan3A_109 : i32 to index
          %swap3A_216 = arith.constant 112 : index
          %swap3A_217 = tpu.vector_load %arg8[%swap3A_215, %swap3A_216] {strides = array<i32>} : memref<40x768xf32, #tpu.memory_space<vmem>>, vector<1x16xf32>,
          %swap3A_218 = vector.shape_cast %swap3A_217 : vector<1x16xf32> to vector<16xf32>
          %swap3A_219 = vector.shape_cast %add3A_214 : vector<16xf32> to vector<1x16xf32>
          tpu.vector_store %arg8[%swap3A_215, %swap3A_216], %swap3A_219 {strides = array<i32>} : memref<40x768xf32, #tpu.memory_space<vmem>>, vector<1x16xf32>,
          %get3A_220 = arith.index_cast %scan3A_109 : i32 to index
          %get3A_221 = arith.constant 128 : index
          %get3A_222 = tpu.vector_load %arg8[%get3A_220, %get3A_221] {strides = array<i32>} : memref<40x768xf32, #tpu.memory_space<vmem>>, vector<1x16xf32>,
          %get3A_223 = vector.shape_cast %get3A_222 : vector<1x16xf32> to vector<16xf32>
          %get3A_224 = arith.index_cast %scan3A_109 : i32 to index
          %get3A_225 = arith.constant 128 : index
          %get3A_226 = tpu.vector_load %arg7[%get3A_224, %get3A_225] {strides = array<i32>} : memref<40x768xf32, #tpu.memory_space<vmem>>, vector<1x16xf32>,
          %get3A_227 = vector.shape_cast %get3A_226 : vector<1x16xf32> to vector<16xf32>
          %add3A_228 = arith.addf %get3A_223, %get3A_227 : vector<16xf32>
          %swap3A_229 = arith.index_cast %scan3A_109 : i32 to index
          %swap3A_230 = arith.constant 128 : index
          %swap3A_231 = tpu.vector_load %arg8[%swap3A_229, %swap3A_230] {strides = array<i32>} : memref<40x768xf32, #tpu.memory_space<vmem>>, vector<1x16xf32>,
          %swap3A_232 = vector.shape_cast %swap3A_231 : vector<1x16xf32> to vector<16xf32>
          %swap3A_233 = vector.shape_cast %add3A_228 : vector<16xf32> to vector<1x16xf32>
          tpu.vector_store %arg8[%swap3A_229, %swap3A_230], %swap3A_233 {strides = array<i32>} : memref<40x768xf32, #tpu.memory_space<vmem>>, vector<1x16xf32>,
          %get3A_234 = arith.index_cast %scan3A_109 : i32 to index
          %get3A_235 = arith.constant 144 : index
          %get3A_236 = tpu.vector_load %arg8[%get3A_234, %get3A_235] {strides = array<i32>} : memref<40x768xf32, #tpu.memory_space<vmem>>, vector<1x16xf32>,
          %get3A_237 = vector.shape_cast %get3A_236 : vector<1x16xf32> to vector<16xf32>
          %get3A_238 = arith.index_cast %scan3A_109 : i32 to index
          %get3A_239 = arith.constant 144 : index
          %get3A_240 = tpu.vector_load %arg7[%get3A_238, %get3A_239] {strides = array<i32>} : memref<40x768xf32, #tpu.memory_space<vmem>>, vector<1x16xf32>,
          %get3A_241 = vector.shape_cast %get3A_240 : vector<1x16xf32> to vector<16xf32>
          %add3A_242 = arith.addf %get3A_237, %get3A_241 : vector<16xf32>
          %swap3A_243 = arith.index_cast %scan3A_109 : i32 to index
          %swap3A_244 = arith.constant 144 : index
          %swap3A_245 = tpu.vector_load %arg8[%swap3A_243, %swap3A_244] {strides = array<i32>} : memref<40x768xf32, #tpu.memory_space<vmem>>, vector<1x16xf32>,
          %swap3A_246 = vector.shape_cast %swap3A_245 : vector<1x16xf32> to vector<16xf32>
          %swap3A_247 = vector.shape_cast %add3A_242 : vector<16xf32> to vector<1x16xf32>
          tpu.vector_store %arg8[%swap3A_243, %swap3A_244], %swap3A_247 {strides = array<i32>} : memref<40x768xf32, #tpu.memory_space<vmem>>, vector<1x16xf32>,
          %get3A_248 = arith.index_cast %scan3A_109 : i32 to index
          %get3A_249 = arith.constant 160 : index
          %get3A_250 = tpu.vector_load %arg8[%get3A_248, %get3A_249] {strides = array<i32>} : memref<40x768xf32, #tpu.memory_space<vmem>>, vector<1x16xf32>,
          %get3A_251 = vector.shape_cast %get3A_250 : vector<1x16xf32> to vector<16xf32>
          %get3A_252 = arith.index_cast %scan3A_109 : i32 to index
          %get3A_253 = arith.constant 160 : index
          %get3A_254 = tpu.vector_load %arg7[%get3A_252, %get3A_253] {strides = array<i32>} : memref<40x768xf32, #tpu.memory_space<vmem>>, vector<1x16xf32>,
          %get3A_255 = vector.shape_cast %get3A_254 : vector<1x16xf32> to vector<16xf32>
          %add3A_256 = arith.addf %get3A_251, %get3A_255 : vector<16xf32>
          %swap3A_257 = arith.index_cast %scan3A_109 : i32 to index
          %swap3A_258 = arith.constant 160 : index
          %swap3A_259 = tpu.vector_load %arg8[%swap3A_257, %swap3A_258] {strides = array<i32>} : memref<40x768xf32, #tpu.memory_space<vmem>>, vector<1x16xf32>,
          %swap3A_260 = vector.shape_cast %swap3A_259 : vector<1x16xf32> to vector<16xf32>
          %swap3A_261 = vector.shape_cast %add3A_256 : vector<16xf32> to vector<1x16xf32>
          tpu.vector_store %arg8[%swap3A_257, %swap3A_258], %swap3A_261 {strides = array<i32>} : memref<40x768xf32, #tpu.memory_space<vmem>>, vector<1x16xf32>,
          %get3A_262 = arith.index_cast %scan3A_109 : i32 to index
          %get3A_263 = arith.constant 176 : index
          %get3A_264 = tpu.vector_load %arg8[%get3A_262, %get3A_263] {strides = array<i32>} : memref<40x768xf32, #tpu.memory_space<vmem>>, vector<1x16xf32>,
          %get3A_265 = vector.shape_cast %get3A_264 : vector<1x16xf32> to vector<16xf32>
          %get3A_266 = arith.index_cast %scan3A_109 : i32 to index
          %get3A_267 = arith.constant 176 : index
          %get3A_268 = tpu.vector_load %arg7[%get3A_266, %get3A_267] {strides = array<i32>} : memref<40x768xf32, #tpu.memory_space<vmem>>, vector<1x16xf32>,
          %get3A_269 = vector.shape_cast %get3A_268 : vector<1x16xf32> to vector<16xf32>
          %add3A_270 = arith.addf %get3A_265, %get3A_269 : vector<16xf32>
          %swap3A_271 = arith.index_cast %scan3A_109 : i32 to index
          %swap3A_272 = arith.constant 176 : index
          %swap3A_273 = tpu.vector_load %arg8[%swap3A_271, %swap3A_272] {strides = array<i32>} : memref<40x768xf32, #tpu.memory_space<vmem>>, vector<1x16xf32>,
          %swap3A_274 = vector.shape_cast %swap3A_273 : vector<1x16xf32> to vector<16xf32>
          %swap3A_275 = vector.shape_cast %add3A_270 : vector<16xf32> to vector<1x16xf32>
          tpu.vector_store %arg8[%swap3A_271, %swap3A_272], %swap3A_275 {strides = array<i32>} : memref<40x768xf32, #tpu.memory_space<vmem>>, vector<1x16xf32>,
          %get3A_276 = arith.index_cast %scan3A_109 : i32 to index
          %get3A_277 = arith.constant 192 : index
          %get3A_278 = tpu.vector_load %arg8[%get3A_276, %get3A_277] {strides = array<i32>} : memref<40x768xf32, #tpu.memory_space<vmem>>, vector<1x16xf32>,
          %get3A_279 = vector.shape_cast %get3A_278 : vector<1x16xf32> to vector<16xf32>
          %get3A_280 = arith.index_cast %scan3A_109 : i32 to index
          %get3A_281 = arith.constant 192 : index
          %get3A_282 = tpu.vector_load %arg7[%get3A_280, %get3A_281] {strides = array<i32>} : memref<40x768xf32, #tpu.memory_space<vmem>>, vector<1x16xf32>,
          %get3A_283 = vector.shape_cast %get3A_282 : vector<1x16xf32> to vector<16xf32>
          %add3A_284 = arith.addf %get3A_279, %get3A_283 : vector<16xf32>
          %swap3A_285 = arith.index_cast %scan3A_109 : i32 to index
          %swap3A_286 = arith.constant 192 : index
          %swap3A_287 = tpu.vector_load %arg8[%swap3A_285, %swap3A_286] {strides = array<i32>} : memref<40x768xf32, #tpu.memory_space<vmem>>, vector<1x16xf32>,
          %swap3A_288 = vector.shape_cast %swap3A_287 : vector<1x16xf32> to vector<16xf32>
          %swap3A_289 = vector.shape_cast %add3A_284 : vector<16xf32> to vector<1x16xf32>
          tpu.vector_store %arg8[%swap3A_285, %swap3A_286], %swap3A_289 {strides = array<i32>} : memref<40x768xf32, #tpu.memory_space<vmem>>, vector<1x16xf32>,
          %get3A_290 = arith.index_cast %scan3A_109 : i32 to index
          %get3A_291 = arith.constant 208 : index
          %get3A_292 = tpu.vector_load %arg8[%get3A_290, %get3A_291] {strides = array<i32>} : memref<40x768xf32, #tpu.memory_space<vmem>>, vector<1x16xf32>,
          %get3A_293 = vector.shape_cast %get3A_292 : vector<1x16xf32> to vector<16xf32>
          %get3A_294 = arith.index_cast %scan3A_109 : i32 to index
          %get3A_295 = arith.constant 208 : index
          %get3A_296 = tpu.vector_load %arg7[%get3A_294, %get3A_295] {strides = array<i32>} : memref<40x768xf32, #tpu.memory_space<vmem>>, vector<1x16xf32>,
          %get3A_297 = vector.shape_cast %get3A_296 : vector<1x16xf32> to vector<16xf32>
          %add3A_298 = arith.addf %get3A_293, %get3A_297 : vector<16xf32>
          %swap3A_299 = arith.index_cast %scan3A_109 : i32 to index
          %swap3A_300 = arith.constant 208 : index
          %swap3A_301 = tpu.vector_load %arg8[%swap3A_299, %swap3A_300] {strides = array<i32>} : memref<40x768xf32, #tpu.memory_space<vmem>>, vector<1x16xf32>,
          %swap3A_302 = vector.shape_cast %swap3A_301 : vector<1x16xf32> to vector<16xf32>
          %swap3A_303 = vector.shape_cast %add3A_298 : vector<16xf32> to vector<1x16xf32>
          tpu.vector_store %arg8[%swap3A_299, %swap3A_300], %swap3A_303 {strides = array<i32>} : memref<40x768xf32, #tpu.memory_space<vmem>>, vector<1x16xf32>,
          %get3A_304 = arith.index_cast %scan3A_109 : i32 to index
          %get3A_305 = arith.constant 224 : index
          %get3A_306 = tpu.vector_load %arg8[%get3A_304, %get3A_305] {strides = array<i32>} : memref<40x768xf32, #tpu.memory_space<vmem>>, vector<1x16xf32>,
          %get3A_307 = vector.shape_cast %get3A_306 : vector<1x16xf32> to vector<16xf32>
          %get3A_308 = arith.index_cast %scan3A_109 : i32 to index
          %get3A_309 = arith.constant 224 : index
          %get3A_310 = tpu.vector_load %arg7[%get3A_308, %get3A_309] {strides = array<i32>} : memref<40x768xf32, #tpu.memory_space<vmem>>, vector<1x16xf32>,
          %get3A_311 = vector.shape_cast %get3A_310 : vector<1x16xf32> to vector<16xf32>
          %add3A_312 = arith.addf %get3A_307, %get3A_311 : vector<16xf32>
          %swap3A_313 = arith.index_cast %scan3A_109 : i32 to index
          %swap3A_314 = arith.constant 224 : index
          %swap3A_315 = tpu.vector_load %arg8[%swap3A_313, %swap3A_314] {strides = array<i32>} : memref<40x768xf32, #tpu.memory_space<vmem>>, vector<1x16xf32>,
          %swap3A_316 = vector.shape_cast %swap3A_315 : vector<1x16xf32> to vector<16xf32>
          %swap3A_317 = vector.shape_cast %add3A_312 : vector<16xf32> to vector<1x16xf32>
          tpu.vector_store %arg8[%swap3A_313, %swap3A_314], %swap3A_317 {strides = array<i32>} : memref<40x768xf32, #tpu.memory_space<vmem>>, vector<1x16xf32>,
          %get3A_318 = arith.index_cast %scan3A_109 : i32 to index
          %get3A_319 = arith.constant 240 : index
          %get3A_320 = tpu.vector_load %arg8[%get3A_318, %get3A_319] {strides = array<i32>} : memref<40x768xf32, #tpu.memory_space<vmem>>, vector<1x16xf32>,
          %get3A_321 = vector.shape_cast %get3A_320 : vector<1x16xf32> to vector<16xf32>
          %get3A_322 = arith.index_cast %scan3A_109 : i32 to index
          %get3A_323 = arith.constant 240 : index
          %get3A_324 = tpu.vector_load %arg7[%get3A_322, %get3A_323] {strides = array<i32>} : memref<40x768xf32, #tpu.memory_space<vmem>>, vector<1x16xf32>,
          %get3A_325 = vector.shape_cast %get3A_324 : vector<1x16xf32> to vector<16xf32>
          %add3A_326 = arith.addf %get3A_321, %get3A_325 : vector<16xf32>
          %swap3A_327 = arith.index_cast %scan3A_109 : i32 to index
          %swap3A_328 = arith.constant 240 : index
          %swap3A_329 = tpu.vector_load %arg8[%swap3A_327, %swap3A_328] {strides = array<i32>} : memref<40x768xf32, #tpu.memory_space<vmem>>, vector<1x16xf32>,
          %swap3A_330 = vector.shape_cast %swap3A_329 : vector<1x16xf32> to vector<16xf32>
          %swap3A_331 = vector.shape_cast %add3A_326 : vector<16xf32> to vector<1x16xf32>
          tpu.vector_store %arg8[%swap3A_327, %swap3A_328], %swap3A_331 {strides = array<i32>} : memref<40x768xf32, #tpu.memory_space<vmem>>, vector<1x16xf32>,
          %get3A_332 = arith.index_cast %scan3A_109 : i32 to index
          %get3A_333 = arith.constant 256 : index
          %get3A_334 = tpu.vector_load %arg8[%get3A_332, %get3A_333] {strides = array<i32>} : memref<40x768xf32, #tpu.memory_space<vmem>>, vector<1x16xf32>,
          %get3A_335 = vector.shape_cast %get3A_334 : vector<1x16xf32> to vector<16xf32>
          %get3A_336 = arith.index_cast %scan3A_109 : i32 to index
          %get3A_337 = arith.constant 256 : index
          %get3A_338 = tpu.vector_load %arg7[%get3A_336, %get3A_337] {strides = array<i32>} : memref<40x768xf32, #tpu.memory_space<vmem>>, vector<1x16xf32>,
          %get3A_339 = vector.shape_cast %get3A_338 : vector<1x16xf32> to vector<16xf32>
          %add3A_340 = arith.addf %get3A_335, %get3A_339 : vector<16xf32>
          %swap3A_341 = arith.index_cast %scan3A_109 : i32 to index
          %swap3A_342 = arith.constant 256 : index
          %swap3A_343 = tpu.vector_load %arg8[%swap3A_341, %swap3A_342] {strides = array<i32>} : memref<40x768xf32, #tpu.memory_space<vmem>>, vector<1x16xf32>,
          %swap3A_344 = vector.shape_cast %swap3A_343 : vector<1x16xf32> to vector<16xf32>
          %swap3A_345 = vector.shape_cast %add3A_340 : vector<16xf32> to vector<1x16xf32>
          tpu.vector_store %arg8[%swap3A_341, %swap3A_342], %swap3A_345 {strides = array<i32>} : memref<40x768xf32, #tpu.memory_space<vmem>>, vector<1x16xf32>,
          %get3A_346 = arith.index_cast %scan3A_109 : i32 to index
          %get3A_347 = arith.constant 272 : index
          %get3A_348 = tpu.vector_load %arg8[%get3A_346, %get3A_347] {strides = array<i32>} : memref<40x768xf32, #tpu.memory_space<vmem>>, vector<1x16xf32>,
          %get3A_349 = vector.shape_cast %get3A_348 : vector<1x16xf32> to vector<16xf32>
          %get3A_350 = arith.index_cast %scan3A_109 : i32 to index
          %get3A_351 = arith.constant 272 : index
          %get3A_352 = tpu.vector_load %arg7[%get3A_350, %get3A_351] {strides = array<i32>} : memref<40x768xf32, #tpu.memory_space<vmem>>, vector<1x16xf32>,
          %get3A_353 = vector.shape_cast %get3A_352 : vector<1x16xf32> to vector<16xf32>
          %add3A_354 = arith.addf %get3A_349, %get3A_353 : vector<16xf32>
          %swap3A_355 = arith.index_cast %scan3A_109 : i32 to index
          %swap3A_356 = arith.constant 272 : index
          %swap3A_357 = tpu.vector_load %arg8[%swap3A_355, %swap3A_356] {strides = array<i32>} : memref<40x768xf32, #tpu.memory_space<vmem>>, vector<1x16xf32>,
          %swap3A_358 = vector.shape_cast %swap3A_357 : vector<1x16xf32> to vector<16xf32>
          %swap3A_359 = vector.shape_cast %add3A_354 : vector<16xf32> to vector<1x16xf32>
          tpu.vector_store %arg8[%swap3A_355, %swap3A_356], %swap3A_359 {strides = array<i32>} : memref<40x768xf32, #tpu.memory_space<vmem>>, vector<1x16xf32>,
          %get3A_360 = arith.index_cast %scan3A_109 : i32 to index
          %get3A_361 = arith.constant 288 : index
          %get3A_362 = tpu.vector_load %arg8[%get3A_360, %get3A_361] {strides = array<i32>} : memref<40x768xf32, #tpu.memory_space<vmem>>, vector<1x16xf32>,
          %get3A_363 = vector.shape_cast %get3A_362 : vector<1x16xf32> to vector<16xf32>
          %get3A_364 = arith.index_cast %scan3A_109 : i32 to index
          %get3A_365 = arith.constant 288 : index
          %get3A_366 = tpu.vector_load %arg7[%get3A_364, %get3A_365] {strides = array<i32>} : memref<40x768xf32, #tpu.memory_space<vmem>>, vector<1x16xf32>,
          %get3A_367 = vector.shape_cast %get3A_366 : vector<1x16xf32> to vector<16xf32>
          %add3A_368 = arith.addf %get3A_363, %get3A_367 : vector<16xf32>
          %swap3A_369 = arith.index_cast %scan3A_109 : i32 to index
          %swap3A_370 = arith.constant 288 : index
          %swap3A_371 = tpu.vector_load %arg8[%swap3A_369, %swap3A_370] {strides = array<i32>} : memref<40x768xf32, #tpu.memory_space<vmem>>, vector<1x16xf32>,
          %swap3A_372 = vector.shape_cast %swap3A_371 : vector<1x16xf32> to vector<16xf32>
          %swap3A_373 = vector.shape_cast %add3A_368 : vector<16xf32> to vector<1x16xf32>
          tpu.vector_store %arg8[%swap3A_369, %swap3A_370], %swap3A_373 {strides = array<i32>} : memref<40x768xf32, #tpu.memory_space<vmem>>, vector<1x16xf32>,
          %get3A_374 = arith.index_cast %scan3A_109 : i32 to index
          %get3A_375 = arith.constant 304 : index
          %get3A_376 = tpu.vector_load %arg8[%get3A_374, %get3A_375] {strides = array<i32>} : memref<40x768xf32, #tpu.memory_space<vmem>>, vector<1x16xf32>,
          %get3A_377 = vector.shape_cast %get3A_376 : vector<1x16xf32> to vector<16xf32>
          %get3A_378 = arith.index_cast %scan3A_109 : i32 to index
          %get3A_379 = arith.constant 304 : index
          %get3A_380 = tpu.vector_load %arg7[%get3A_378, %get3A_379] {strides = array<i32>} : memref<40x768xf32, #tpu.memory_space<vmem>>, vector<1x16xf32>,
          %get3A_381 = vector.shape_cast %get3A_380 : vector<1x16xf32> to vector<16xf32>
          %add3A_382 = arith.addf %get3A_377, %get3A_381 : vector<16xf32>
          %swap3A_383 = arith.index_cast %scan3A_109 : i32 to index
          %swap3A_384 = arith.constant 304 : index
          %swap3A_385 = tpu.vector_load %arg8[%swap3A_383, %swap3A_384] {strides = array<i32>} : memref<40x768xf32, #tpu.memory_space<vmem>>, vector<1x16xf32>,
          %swap3A_386 = vector.shape_cast %swap3A_385 : vector<1x16xf32> to vector<16xf32>
          %swap3A_387 = vector.shape_cast %add3A_382 : vector<16xf32> to vector<1x16xf32>
          tpu.vector_store %arg8[%swap3A_383, %swap3A_384], %swap3A_387 {strides = array<i32>} : memref<40x768xf32, #tpu.memory_space<vmem>>, vector<1x16xf32>,
          %get3A_388 = arith.index_cast %scan3A_109 : i32 to index
          %get3A_389 = arith.constant 320 : index
          %get3A_390 = tpu.vector_load %arg8[%get3A_388, %get3A_389] {strides = array<i32>} : memref<40x768xf32, #tpu.memory_space<vmem>>, vector<1x16xf32>,
          %get3A_391 = vector.shape_cast %get3A_390 : vector<1x16xf32> to vector<16xf32>
          %get3A_392 = arith.index_cast %scan3A_109 : i32 to index
          %get3A_393 = arith.constant 320 : index
          %get3A_394 = tpu.vector_load %arg7[%get3A_392, %get3A_393] {strides = array<i32>} : memref<40x768xf32, #tpu.memory_space<vmem>>, vector<1x16xf32>,
          %get3A_395 = vector.shape_cast %get3A_394 : vector<1x16xf32> to vector<16xf32>
          %add3A_396 = arith.addf %get3A_391, %get3A_395 : vector<16xf32>
          %swap3A_397 = arith.index_cast %scan3A_109 : i32 to index
          %swap3A_398 = arith.constant 320 : index
          %swap3A_399 = tpu.vector_load %arg8[%swap3A_397, %swap3A_398] {strides = array<i32>} : memref<40x768xf32, #tpu.memory_space<vmem>>, vector<1x16xf32>,
          %swap3A_400 = vector.shape_cast %swap3A_399 : vector<1x16xf32> to vector<16xf32>
          %swap3A_401 = vector.shape_cast %add3A_396 : vector<16xf32> to vector<1x16xf32>
          tpu.vector_store %arg8[%swap3A_397, %swap3A_398], %swap3A_401 {strides = array<i32>} : memref<40x768xf32, #tpu.memory_space<vmem>>, vector<1x16xf32>,
          %get3A_402 = arith.index_cast %scan3A_109 : i32 to index
          %get3A_403 = arith.constant 336 : index
          %get3A_404 = tpu.vector_load %arg8[%get3A_402, %get3A_403] {strides = array<i32>} : memref<40x768xf32, #tpu.memory_space<vmem>>, vector<1x16xf32>,
          %get3A_405 = vector.shape_cast %get3A_404 : vector<1x16xf32> to vector<16xf32>
          %get3A_406 = arith.index_cast %scan3A_109 : i32 to index
          %get3A_407 = arith.constant 336 : index
          %get3A_408 = tpu.vector_load %arg7[%get3A_406, %get3A_407] {strides = array<i32>} : memref<40x768xf32, #tpu.memory_space<vmem>>, vector<1x16xf32>,
          %get3A_409 = vector.shape_cast %get3A_408 : vector<1x16xf32> to vector<16xf32>
          %add3A_410 = arith.addf %get3A_405, %get3A_409 : vector<16xf32>
          %swap3A_411 = arith.index_cast %scan3A_109 : i32 to index
          %swap3A_412 = arith.constant 336 : index
          %swap3A_413 = tpu.vector_load %arg8[%swap3A_411, %swap3A_412] {strides = array<i32>} : memref<40x768xf32, #tpu.memory_space<vmem>>, vector<1x16xf32>,
          %swap3A_414 = vector.shape_cast %swap3A_413 : vector<1x16xf32> to vector<16xf32>
          %swap3A_415 = vector.shape_cast %add3A_410 : vector<16xf32> to vector<1x16xf32>
          tpu.vector_store %arg8[%swap3A_411, %swap3A_412], %swap3A_415 {strides = array<i32>} : memref<40x768xf32, #tpu.memory_space<vmem>>, vector<1x16xf32>,
          %get3A_416 = arith.index_cast %scan3A_109 : i32 to index
          %get3A_417 = arith.constant 352 : index
          %get3A_418 = tpu.vector_load %arg8[%get3A_416, %get3A_417] {strides = array<i32>} : memref<40x768xf32, #tpu.memory_space<vmem>>, vector<1x16xf32>,
          %get3A_419 = vector.shape_cast %get3A_418 : vector<1x16xf32> to vector<16xf32>
          %get3A_420 = arith.index_cast %scan3A_109 : i32 to index
          %get3A_421 = arith.constant 352 : index
          %get3A_422 = tpu.vector_load %arg7[%get3A_420, %get3A_421] {strides = array<i32>} : memref<40x768xf32, #tpu.memory_space<vmem>>, vector<1x16xf32>,
          %get3A_423 = vector.shape_cast %get3A_422 : vector<1x16xf32> to vector<16xf32>
          %add3A_424 = arith.addf %get3A_419, %get3A_423 : vector<16xf32>
          %swap3A_425 = arith.index_cast %scan3A_109 : i32 to index
          %swap3A_426 = arith.constant 352 : index
          %swap3A_427 = tpu.vector_load %arg8[%swap3A_425, %swap3A_426] {strides = array<i32>} : memref<40x768xf32, #tpu.memory_space<vmem>>, vector<1x16xf32>,
          %swap3A_428 = vector.shape_cast %swap3A_427 : vector<1x16xf32> to vector<16xf32>
          %swap3A_429 = vector.shape_cast %add3A_424 : vector<16xf32> to vector<1x16xf32>
          tpu.vector_store %arg8[%swap3A_425, %swap3A_426], %swap3A_429 {strides = array<i32>} : memref<40x768xf32, #tpu.memory_space<vmem>>, vector<1x16xf32>,
          %get3A_430 = arith.index_cast %scan3A_109 : i32 to index
          %get3A_431 = arith.constant 368 : index
          %get3A_432 = tpu.vector_load %arg8[%get3A_430, %get3A_431] {strides = array<i32>} : memref<40x768xf32, #tpu.memory_space<vmem>>, vector<1x16xf32>,
          %get3A_433 = vector.shape_cast %get3A_432 : vector<1x16xf32> to vector<16xf32>
          %get3A_434 = arith.index_cast %scan3A_109 : i32 to index
          %get3A_435 = arith.constant 368 : index
          %get3A_436 = tpu.vector_load %arg7[%get3A_434, %get3A_435] {strides = array<i32>} : memref<40x768xf32, #tpu.memory_space<vmem>>, vector<1x16xf32>,
          %get3A_437 = vector.shape_cast %get3A_436 : vector<1x16xf32> to vector<16xf32>
          %add3A_438 = arith.addf %get3A_433, %get3A_437 : vector<16xf32>
          %swap3A_439 = arith.index_cast %scan3A_109 : i32 to index
          %swap3A_440 = arith.constant 368 : index
          %swap3A_441 = tpu.vector_load %arg8[%swap3A_439, %swap3A_440] {strides = array<i32>} : memref<40x768xf32, #tpu.memory_space<vmem>>, vector<1x16xf32>,
          %swap3A_442 = vector.shape_cast %swap3A_441 : vector<1x16xf32> to vector<16xf32>
          %swap3A_443 = vector.shape_cast %add3A_438 : vector<16xf32> to vector<1x16xf32>
          tpu.vector_store %arg8[%swap3A_439, %swap3A_440], %swap3A_443 {strides = array<i32>} : memref<40x768xf32, #tpu.memory_space<vmem>>, vector<1x16xf32>,
          %get3A_444 = arith.index_cast %scan3A_109 : i32 to index
          %get3A_445 = arith.constant 384 : index
          %get3A_446 = tpu.vector_load %arg8[%get3A_444, %get3A_445] {strides = array<i32>} : memref<40x768xf32, #tpu.memory_space<vmem>>, vector<1x16xf32>,
          %get3A_447 = vector.shape_cast %get3A_446 : vector<1x16xf32> to vector<16xf32>
          %get3A_448 = arith.index_cast %scan3A_109 : i32 to index
          %get3A_449 = arith.constant 384 : index
          %get3A_450 = tpu.vector_load %arg7[%get3A_448, %get3A_449] {strides = array<i32>} : memref<40x768xf32, #tpu.memory_space<vmem>>, vector<1x16xf32>,
          %get3A_451 = vector.shape_cast %get3A_450 : vector<1x16xf32> to vector<16xf32>
          %add3A_452 = arith.addf %get3A_447, %get3A_451 : vector<16xf32>
          %swap3A_453 = arith.index_cast %scan3A_109 : i32 to index
          %swap3A_454 = arith.constant 384 : index
          %swap3A_455 = tpu.vector_load %arg8[%swap3A_453, %swap3A_454] {strides = array<i32>} : memref<40x768xf32, #tpu.memory_space<vmem>>, vector<1x16xf32>,
          %swap3A_456 = vector.shape_cast %swap3A_455 : vector<1x16xf32> to vector<16xf32>
          %swap3A_457 = vector.shape_cast %add3A_452 : vector<16xf32> to vector<1x16xf32>
          tpu.vector_store %arg8[%swap3A_453, %swap3A_454], %swap3A_457 {strides = array<i32>} : memref<40x768xf32, #tpu.memory_space<vmem>>, vector<1x16xf32>,
          %get3A_458 = arith.index_cast %scan3A_109 : i32 to index
          %get3A_459 = arith.constant 400 : index
          %get3A_460 = tpu.vector_load %arg8[%get3A_458, %get3A_459] {strides = array<i32>} : memref<40x768xf32, #tpu.memory_space<vmem>>, vector<1x16xf32>,
          %get3A_461 = vector.shape_cast %get3A_460 : vector<1x16xf32> to vector<16xf32>
          %get3A_462 = arith.index_cast %scan3A_109 : i32 to index
          %get3A_463 = arith.constant 400 : index
          %get3A_464 = tpu.vector_load %arg7[%get3A_462, %get3A_463] {strides = array<i32>} : memref<40x768xf32, #tpu.memory_space<vmem>>, vector<1x16xf32>,
          %get3A_465 = vector.shape_cast %get3A_464 : vector<1x16xf32> to vector<16xf32>
          %add3A_466 = arith.addf %get3A_461, %get3A_465 : vector<16xf32>
          %swap3A_467 = arith.index_cast %scan3A_109 : i32 to index
          %swap3A_468 = arith.constant 400 : index
          %swap3A_469 = tpu.vector_load %arg8[%swap3A_467, %swap3A_468] {strides = array<i32>} : memref<40x768xf32, #tpu.memory_space<vmem>>, vector<1x16xf32>,
          %swap3A_470 = vector.shape_cast %swap3A_469 : vector<1x16xf32> to vector<16xf32>
          %swap3A_471 = vector.shape_cast %add3A_466 : vector<16xf32> to vector<1x16xf32>
          tpu.vector_store %arg8[%swap3A_467, %swap3A_468], %swap3A_471 {strides = array<i32>} : memref<40x768xf32, #tpu.memory_space<vmem>>, vector<1x16xf32>,
          %get3A_472 = arith.index_cast %scan3A_109 : i32 to index
          %get3A_473 = arith.constant 416 : index
          %get3A_474 = tpu.vector_load %arg8[%get3A_472, %get3A_473] {strides = array<i32>} : memref<40x768xf32, #tpu.memory_space<vmem>>, vector<1x16xf32>,
          %get3A_475 = vector.shape_cast %get3A_474 : vector<1x16xf32> to vector<16xf32>
          %get3A_476 = arith.index_cast %scan3A_109 : i32 to index
          %get3A_477 = arith.constant 416 : index
          %get3A_478 = tpu.vector_load %arg7[%get3A_476, %get3A_477] {strides = array<i32>} : memref<40x768xf32, #tpu.memory_space<vmem>>, vector<1x16xf32>,
          %get3A_479 = vector.shape_cast %get3A_478 : vector<1x16xf32> to vector<16xf32>
          %add3A_480 = arith.addf %get3A_475, %get3A_479 : vector<16xf32>
          %swap3A_481 = arith.index_cast %scan3A_109 : i32 to index
          %swap3A_482 = arith.constant 416 : index
          %swap3A_483 = tpu.vector_load %arg8[%swap3A_481, %swap3A_482] {strides = array<i32>} : memref<40x768xf32, #tpu.memory_space<vmem>>, vector<1x16xf32>,
          %swap3A_484 = vector.shape_cast %swap3A_483 : vector<1x16xf32> to vector<16xf32>
          %swap3A_485 = vector.shape_cast %add3A_480 : vector<16xf32> to vector<1x16xf32>
          tpu.vector_store %arg8[%swap3A_481, %swap3A_482], %swap3A_485 {strides = array<i32>} : memref<40x768xf32, #tpu.memory_space<vmem>>, vector<1x16xf32>,
          %get3A_486 = arith.index_cast %scan3A_109 : i32 to index
          %get3A_487 = arith.constant 432 : index
          %get3A_488 = tpu.vector_load %arg8[%get3A_486, %get3A_487] {strides = array<i32>} : memref<40x768xf32, #tpu.memory_space<vmem>>, vector<1x16xf32>,
          %get3A_489 = vector.shape_cast %get3A_488 : vector<1x16xf32> to vector<16xf32>
          %get3A_490 = arith.index_cast %scan3A_109 : i32 to index
          %get3A_491 = arith.constant 432 : index
          %get3A_492 = tpu.vector_load %arg7[%get3A_490, %get3A_491] {strides = array<i32>} : memref<40x768xf32, #tpu.memory_space<vmem>>, vector<1x16xf32>,
          %get3A_493 = vector.shape_cast %get3A_492 : vector<1x16xf32> to vector<16xf32>
          %add3A_494 = arith.addf %get3A_489, %get3A_493 : vector<16xf32>
          %swap3A_495 = arith.index_cast %scan3A_109 : i32 to index
          %swap3A_496 = arith.constant 432 : index
          %swap3A_497 = tpu.vector_load %arg8[%swap3A_495, %swap3A_496] {strides = array<i32>} : memref<40x768xf32, #tpu.memory_space<vmem>>, vector<1x16xf32>,
          %swap3A_498 = vector.shape_cast %swap3A_497 : vector<1x16xf32> to vector<16xf32>
          %swap3A_499 = vector.shape_cast %add3A_494 : vector<16xf32> to vector<1x16xf32>
          tpu.vector_store %arg8[%swap3A_495, %swap3A_496], %swap3A_499 {strides = array<i32>} : memref<40x768xf32, #tpu.memory_space<vmem>>, vector<1x16xf32>,
          %get3A_500 = arith.index_cast %scan3A_109 : i32 to index
          %get3A_501 = arith.constant 448 : index
          %get3A_502 = tpu.vector_load %arg8[%get3A_500, %get3A_501] {strides = array<i32>} : memref<40x768xf32, #tpu.memory_space<vmem>>, vector<1x16xf32>,
          %get3A_503 = vector.shape_cast %get3A_502 : vector<1x16xf32> to vector<16xf32>
          %get3A_504 = arith.index_cast %scan3A_109 : i32 to index
          %get3A_505 = arith.constant 448 : index
          %get3A_506 = tpu.vector_load %arg7[%get3A_504, %get3A_505] {strides = array<i32>} : memref<40x768xf32, #tpu.memory_space<vmem>>, vector<1x16xf32>,
          %get3A_507 = vector.shape_cast %get3A_506 : vector<1x16xf32> to vector<16xf32>
          %add3A_508 = arith.addf %get3A_503, %get3A_507 : vector<16xf32>
          %swap3A_509 = arith.index_cast %scan3A_109 : i32 to index
          %swap3A_510 = arith.constant 448 : index
          %swap3A_511 = tpu.vector_load %arg8[%swap3A_509, %swap3A_510] {strides = array<i32>} : memref<40x768xf32, #tpu.memory_space<vmem>>, vector<1x16xf32>,
          %swap3A_512 = vector.shape_cast %swap3A_511 : vector<1x16xf32> to vector<16xf32>
          %swap3A_513 = vector.shape_cast %add3A_508 : vector<16xf32> to vector<1x16xf32>
          tpu.vector_store %arg8[%swap3A_509, %swap3A_510], %swap3A_513 {strides = array<i32>} : memref<40x768xf32, #tpu.memory_space<vmem>>, vector<1x16xf32>,
          %get3A_514 = arith.index_cast %scan3A_109 : i32 to index
          %get3A_515 = arith.constant 464 : index
          %get3A_516 = tpu.vector_load %arg8[%get3A_514, %get3A_515] {strides = array<i32>} : memref<40x768xf32, #tpu.memory_space<vmem>>, vector<1x16xf32>,
          %get3A_517 = vector.shape_cast %get3A_516 : vector<1x16xf32> to vector<16xf32>
          %get3A_518 = arith.index_cast %scan3A_109 : i32 to index
          %get3A_519 = arith.constant 464 : index
          %get3A_520 = tpu.vector_load %arg7[%get3A_518, %get3A_519] {strides = array<i32>} : memref<40x768xf32, #tpu.memory_space<vmem>>, vector<1x16xf32>,
          %get3A_521 = vector.shape_cast %get3A_520 : vector<1x16xf32> to vector<16xf32>
          %add3A_522 = arith.addf %get3A_517, %get3A_521 : vector<16xf32>
          %swap3A_523 = arith.index_cast %scan3A_109 : i32 to index
          %swap3A_524 = arith.constant 464 : index
          %swap3A_525 = tpu.vector_load %arg8[%swap3A_523, %swap3A_524] {strides = array<i32>} : memref<40x768xf32, #tpu.memory_space<vmem>>, vector<1x16xf32>,
          %swap3A_526 = vector.shape_cast %swap3A_525 : vector<1x16xf32> to vector<16xf32>
          %swap3A_527 = vector.shape_cast %add3A_522 : vector<16xf32> to vector<1x16xf32>
          tpu.vector_store %arg8[%swap3A_523, %swap3A_524], %swap3A_527 {strides = array<i32>} : memref<40x768xf32, #tpu.memory_space<vmem>>, vector<1x16xf32>,
          %get3A_528 = arith.index_cast %scan3A_109 : i32 to index
          %get3A_529 = arith.constant 480 : index
          %get3A_530 = tpu.vector_load %arg8[%get3A_528, %get3A_529] {strides = array<i32>} : memref<40x768xf32, #tpu.memory_space<vmem>>, vector<1x16xf32>,
          %get3A_531 = vector.shape_cast %get3A_530 : vector<1x16xf32> to vector<16xf32>
          %get3A_532 = arith.index_cast %scan3A_109 : i32 to index
          %get3A_533 = arith.constant 480 : index
          %get3A_534 = tpu.vector_load %arg7[%get3A_532, %get3A_533] {strides = array<i32>} : memref<40x768xf32, #tpu.memory_space<vmem>>, vector<1x16xf32>,
          %get3A_535 = vector.shape_cast %get3A_534 : vector<1x16xf32> to vector<16xf32>
          %add3A_536 = arith.addf %get3A_531, %get3A_535 : vector<16xf32>
          %swap3A_537 = arith.index_cast %scan3A_109 : i32 to index
          %swap3A_538 = arith.constant 480 : index
          %swap3A_539 = tpu.vector_load %arg8[%swap3A_537, %swap3A_538] {strides = array<i32>} : memref<40x768xf32, #tpu.memory_space<vmem>>, vector<1x16xf32>,
          %swap3A_540 = vector.shape_cast %swap3A_539 : vector<1x16xf32> to vector<16xf32>
          %swap3A_541 = vector.shape_cast %add3A_536 : vector<16xf32> to vector<1x16xf32>
          tpu.vector_store %arg8[%swap3A_537, %swap3A_538], %swap3A_541 {strides = array<i32>} : memref<40x768xf32, #tpu.memory_space<vmem>>, vector<1x16xf32>,
          %get3A_542 = arith.index_cast %scan3A_109 : i32 to index
          %get3A_543 = arith.constant 496 : index
          %get3A_544 = tpu.vector_load %arg8[%get3A_542, %get3A_543] {strides = array<i32>} : memref<40x768xf32, #tpu.memory_space<vmem>>, vector<1x16xf32>,
          %get3A_545 = vector.shape_cast %get3A_544 : vector<1x16xf32> to vector<16xf32>
          %get3A_546 = arith.index_cast %scan3A_109 : i32 to index
          %get3A_547 = arith.constant 496 : index
          %get3A_548 = tpu.vector_load %arg7[%get3A_546, %get3A_547] {strides = array<i32>} : memref<40x768xf32, #tpu.memory_space<vmem>>, vector<1x16xf32>,
          %get3A_549 = vector.shape_cast %get3A_548 : vector<1x16xf32> to vector<16xf32>
          %add3A_550 = arith.addf %get3A_545, %get3A_549 : vector<16xf32>
          %swap3A_551 = arith.index_cast %scan3A_109 : i32 to index
          %swap3A_552 = arith.constant 496 : index
          %swap3A_553 = tpu.vector_load %arg8[%swap3A_551, %swap3A_552] {strides = array<i32>} : memref<40x768xf32, #tpu.memory_space<vmem>>, vector<1x16xf32>,
          %swap3A_554 = vector.shape_cast %swap3A_553 : vector<1x16xf32> to vector<16xf32>
          %swap3A_555 = vector.shape_cast %add3A_550 : vector<16xf32> to vector<1x16xf32>
          tpu.vector_store %arg8[%swap3A_551, %swap3A_552], %swap3A_555 {strides = array<i32>} : memref<40x768xf32, #tpu.memory_space<vmem>>, vector<1x16xf32>,
          %get3A_556 = arith.index_cast %scan3A_109 : i32 to index
          %get3A_557 = arith.constant 512 : index
          %get3A_558 = tpu.vector_load %arg8[%get3A_556, %get3A_557] {strides = array<i32>} : memref<40x768xf32, #tpu.memory_space<vmem>>, vector<1x16xf32>,
          %get3A_559 = vector.shape_cast %get3A_558 : vector<1x16xf32> to vector<16xf32>
          %get3A_560 = arith.index_cast %scan3A_109 : i32 to index
          %get3A_561 = arith.constant 512 : index
          %get3A_562 = tpu.vector_load %arg7[%get3A_560, %get3A_561] {strides = array<i32>} : memref<40x768xf32, #tpu.memory_space<vmem>>, vector<1x16xf32>,
          %get3A_563 = vector.shape_cast %get3A_562 : vector<1x16xf32> to vector<16xf32>
          %add3A_564 = arith.addf %get3A_559, %get3A_563 : vector<16xf32>
          %swap3A_565 = arith.index_cast %scan3A_109 : i32 to index
          %swap3A_566 = arith.constant 512 : index
          %swap3A_567 = tpu.vector_load %arg8[%swap3A_565, %swap3A_566] {strides = array<i32>} : memref<40x768xf32, #tpu.memory_space<vmem>>, vector<1x16xf32>,
          %swap3A_568 = vector.shape_cast %swap3A_567 : vector<1x16xf32> to vector<16xf32>
          %swap3A_569 = vector.shape_cast %add3A_564 : vector<16xf32> to vector<1x16xf32>
          tpu.vector_store %arg8[%swap3A_565, %swap3A_566], %swap3A_569 {strides = array<i32>} : memref<40x768xf32, #tpu.memory_space<vmem>>, vector<1x16xf32>,
          %get3A_570 = arith.index_cast %scan3A_109 : i32 to index
          %get3A_571 = arith.constant 528 : index
          %get3A_572 = tpu.vector_load %arg8[%get3A_570, %get3A_571] {strides = array<i32>} : memref<40x768xf32, #tpu.memory_space<vmem>>, vector<1x16xf32>,
          %get3A_573 = vector.shape_cast %get3A_572 : vector<1x16xf32> to vector<16xf32>
          %get3A_574 = arith.index_cast %scan3A_109 : i32 to index
          %get3A_575 = arith.constant 528 : index
          %get3A_576 = tpu.vector_load %arg7[%get3A_574, %get3A_575] {strides = array<i32>} : memref<40x768xf32, #tpu.memory_space<vmem>>, vector<1x16xf32>,
          %get3A_577 = vector.shape_cast %get3A_576 : vector<1x16xf32> to vector<16xf32>
          %add3A_578 = arith.addf %get3A_573, %get3A_577 : vector<16xf32>
          %swap3A_579 = arith.index_cast %scan3A_109 : i32 to index
          %swap3A_580 = arith.constant 528 : index
          %swap3A_581 = tpu.vector_load %arg8[%swap3A_579, %swap3A_580] {strides = array<i32>} : memref<40x768xf32, #tpu.memory_space<vmem>>, vector<1x16xf32>,
          %swap3A_582 = vector.shape_cast %swap3A_581 : vector<1x16xf32> to vector<16xf32>
          %swap3A_583 = vector.shape_cast %add3A_578 : vector<16xf32> to vector<1x16xf32>
          tpu.vector_store %arg8[%swap3A_579, %swap3A_580], %swap3A_583 {strides = array<i32>} : memref<40x768xf32, #tpu.memory_space<vmem>>, vector<1x16xf32>,
          %get3A_584 = arith.index_cast %scan3A_109 : i32 to index
          %get3A_585 = arith.constant 544 : index
          %get3A_586 = tpu.vector_load %arg8[%get3A_584, %get3A_585] {strides = array<i32>} : memref<40x768xf32, #tpu.memory_space<vmem>>, vector<1x16xf32>,
          %get3A_587 = vector.shape_cast %get3A_586 : vector<1x16xf32> to vector<16xf32>
          %get3A_588 = arith.index_cast %scan3A_109 : i32 to index
          %get3A_589 = arith.constant 544 : index
          %get3A_590 = tpu.vector_load %arg7[%get3A_588, %get3A_589] {strides = array<i32>} : memref<40x768xf32, #tpu.memory_space<vmem>>, vector<1x16xf32>,
          %get3A_591 = vector.shape_cast %get3A_590 : vector<1x16xf32> to vector<16xf32>
          %add3A_592 = arith.addf %get3A_587, %get3A_591 : vector<16xf32>
          %swap3A_593 = arith.index_cast %scan3A_109 : i32 to index
          %swap3A_594 = arith.constant 544 : index
          %swap3A_595 = tpu.vector_load %arg8[%swap3A_593, %swap3A_594] {strides = array<i32>} : memref<40x768xf32, #tpu.memory_space<vmem>>, vector<1x16xf32>,
          %swap3A_596 = vector.shape_cast %swap3A_595 : vector<1x16xf32> to vector<16xf32>
          %swap3A_597 = vector.shape_cast %add3A_592 : vector<16xf32> to vector<1x16xf32>
          tpu.vector_store %arg8[%swap3A_593, %swap3A_594], %swap3A_597 {strides = array<i32>} : memref<40x768xf32, #tpu.memory_space<vmem>>, vector<1x16xf32>,
          %get3A_598 = arith.index_cast %scan3A_109 : i32 to index
          %get3A_599 = arith.constant 560 : index
          %get3A_600 = tpu.vector_load %arg8[%get3A_598, %get3A_599] {strides = array<i32>} : memref<40x768xf32, #tpu.memory_space<vmem>>, vector<1x16xf32>,
          %get3A_601 = vector.shape_cast %get3A_600 : vector<1x16xf32> to vector<16xf32>
          %get3A_602 = arith.index_cast %scan3A_109 : i32 to index
          %get3A_603 = arith.constant 560 : index
          %get3A_604 = tpu.vector_load %arg7[%get3A_602, %get3A_603] {strides = array<i32>} : memref<40x768xf32, #tpu.memory_space<vmem>>, vector<1x16xf32>,
          %get3A_605 = vector.shape_cast %get3A_604 : vector<1x16xf32> to vector<16xf32>
          %add3A_606 = arith.addf %get3A_601, %get3A_605 : vector<16xf32>
          %swap3A_607 = arith.index_cast %scan3A_109 : i32 to index
          %swap3A_608 = arith.constant 560 : index
          %swap3A_609 = tpu.vector_load %arg8[%swap3A_607, %swap3A_608] {strides = array<i32>} : memref<40x768xf32, #tpu.memory_space<vmem>>, vector<1x16xf32>,
          %swap3A_610 = vector.shape_cast %swap3A_609 : vector<1x16xf32> to vector<16xf32>
          %swap3A_611 = vector.shape_cast %add3A_606 : vector<16xf32> to vector<1x16xf32>
          tpu.vector_store %arg8[%swap3A_607, %swap3A_608], %swap3A_611 {strides = array<i32>} : memref<40x768xf32, #tpu.memory_space<vmem>>, vector<1x16xf32>,
          %get3A_612 = arith.index_cast %scan3A_109 : i32 to index
          %get3A_613 = arith.constant 576 : index
          %get3A_614 = tpu.vector_load %arg8[%get3A_612, %get3A_613] {strides = array<i32>} : memref<40x768xf32, #tpu.memory_space<vmem>>, vector<1x16xf32>,
          %get3A_615 = vector.shape_cast %get3A_614 : vector<1x16xf32> to vector<16xf32>
          %get3A_616 = arith.index_cast %scan3A_109 : i32 to index
          %get3A_617 = arith.constant 576 : index
          %get3A_618 = tpu.vector_load %arg7[%get3A_616, %get3A_617] {strides = array<i32>} : memref<40x768xf32, #tpu.memory_space<vmem>>, vector<1x16xf32>,
          %get3A_619 = vector.shape_cast %get3A_618 : vector<1x16xf32> to vector<16xf32>
          %add3A_620 = arith.addf %get3A_615, %get3A_619 : vector<16xf32>
          %swap3A_621 = arith.index_cast %scan3A_109 : i32 to index
          %swap3A_622 = arith.constant 576 : index
          %swap3A_623 = tpu.vector_load %arg8[%swap3A_621, %swap3A_622] {strides = array<i32>} : memref<40x768xf32, #tpu.memory_space<vmem>>, vector<1x16xf32>,
          %swap3A_624 = vector.shape_cast %swap3A_623 : vector<1x16xf32> to vector<16xf32>
          %swap3A_625 = vector.shape_cast %add3A_620 : vector<16xf32> to vector<1x16xf32>
          tpu.vector_store %arg8[%swap3A_621, %swap3A_622], %swap3A_625 {strides = array<i32>} : memref<40x768xf32, #tpu.memory_space<vmem>>, vector<1x16xf32>,
          %get3A_626 = arith.index_cast %scan3A_109 : i32 to index
          %get3A_627 = arith.constant 592 : index
          %get3A_628 = tpu.vector_load %arg8[%get3A_626, %get3A_627] {strides = array<i32>} : memref<40x768xf32, #tpu.memory_space<vmem>>, vector<1x16xf32>,
          %get3A_629 = vector.shape_cast %get3A_628 : vector<1x16xf32> to vector<16xf32>
          %get3A_630 = arith.index_cast %scan3A_109 : i32 to index
          %get3A_631 = arith.constant 592 : index
          %get3A_632 = tpu.vector_load %arg7[%get3A_630, %get3A_631] {strides = array<i32>} : memref<40x768xf32, #tpu.memory_space<vmem>>, vector<1x16xf32>,
          %get3A_633 = vector.shape_cast %get3A_632 : vector<1x16xf32> to vector<16xf32>
          %add3A_634 = arith.addf %get3A_629, %get3A_633 : vector<16xf32>
          %swap3A_635 = arith.index_cast %scan3A_109 : i32 to index
          %swap3A_636 = arith.constant 592 : index
          %swap3A_637 = tpu.vector_load %arg8[%swap3A_635, %swap3A_636] {strides = array<i32>} : memref<40x768xf32, #tpu.memory_space<vmem>>, vector<1x16xf32>,
          %swap3A_638 = vector.shape_cast %swap3A_637 : vector<1x16xf32> to vector<16xf32>
          %swap3A_639 = vector.shape_cast %add3A_634 : vector<16xf32> to vector<1x16xf32>
          tpu.vector_store %arg8[%swap3A_635, %swap3A_636], %swap3A_639 {strides = array<i32>} : memref<40x768xf32, #tpu.memory_space<vmem>>, vector<1x16xf32>,
          %get3A_640 = arith.index_cast %scan3A_109 : i32 to index
          %get3A_641 = arith.constant 608 : index
          %get3A_642 = tpu.vector_load %arg8[%get3A_640, %get3A_641] {strides = array<i32>} : memref<40x768xf32, #tpu.memory_space<vmem>>, vector<1x16xf32>,
          %get3A_643 = vector.shape_cast %get3A_642 : vector<1x16xf32> to vector<16xf32>
          %get3A_644 = arith.index_cast %scan3A_109 : i32 to index
          %get3A_645 = arith.constant 608 : index
          %get3A_646 = tpu.vector_load %arg7[%get3A_644, %get3A_645] {strides = array<i32>} : memref<40x768xf32, #tpu.memory_space<vmem>>, vector<1x16xf32>,
          %get3A_647 = vector.shape_cast %get3A_646 : vector<1x16xf32> to vector<16xf32>
          %add3A_648 = arith.addf %get3A_643, %get3A_647 : vector<16xf32>
          %swap3A_649 = arith.index_cast %scan3A_109 : i32 to index
          %swap3A_650 = arith.constant 608 : index
          %swap3A_651 = tpu.vector_load %arg8[%swap3A_649, %swap3A_650] {strides = array<i32>} : memref<40x768xf32, #tpu.memory_space<vmem>>, vector<1x16xf32>,
          %swap3A_652 = vector.shape_cast %swap3A_651 : vector<1x16xf32> to vector<16xf32>
          %swap3A_653 = vector.shape_cast %add3A_648 : vector<16xf32> to vector<1x16xf32>
          tpu.vector_store %arg8[%swap3A_649, %swap3A_650], %swap3A_653 {strides = array<i32>} : memref<40x768xf32, #tpu.memory_space<vmem>>, vector<1x16xf32>,
          %get3A_654 = arith.index_cast %scan3A_109 : i32 to index
          %get3A_655 = arith.constant 624 : index
          %get3A_656 = tpu.vector_load %arg8[%get3A_654, %get3A_655] {strides = array<i32>} : memref<40x768xf32, #tpu.memory_space<vmem>>, vector<1x16xf32>,
          %get3A_657 = vector.shape_cast %get3A_656 : vector<1x16xf32> to vector<16xf32>
          %get3A_658 = arith.index_cast %scan3A_109 : i32 to index
          %get3A_659 = arith.constant 624 : index
          %get3A_660 = tpu.vector_load %arg7[%get3A_658, %get3A_659] {strides = array<i32>} : memref<40x768xf32, #tpu.memory_space<vmem>>, vector<1x16xf32>,
          %get3A_661 = vector.shape_cast %get3A_660 : vector<1x16xf32> to vector<16xf32>
          %add3A_662 = arith.addf %get3A_657, %get3A_661 : vector<16xf32>
          %swap3A_663 = arith.index_cast %scan3A_109 : i32 to index
          %swap3A_664 = arith.constant 624 : index
          %swap3A_665 = tpu.vector_load %arg8[%swap3A_663, %swap3A_664] {strides = array<i32>} : memref<40x768xf32, #tpu.memory_space<vmem>>, vector<1x16xf32>,
          %swap3A_666 = vector.shape_cast %swap3A_665 : vector<1x16xf32> to vector<16xf32>
          %swap3A_667 = vector.shape_cast %add3A_662 : vector<16xf32> to vector<1x16xf32>
          tpu.vector_store %arg8[%swap3A_663, %swap3A_664], %swap3A_667 {strides = array<i32>} : memref<40x768xf32, #tpu.memory_space<vmem>>, vector<1x16xf32>,
          %get3A_668 = arith.index_cast %scan3A_109 : i32 to index
          %get3A_669 = arith.constant 640 : index
          %get3A_670 = tpu.vector_load %arg8[%get3A_668, %get3A_669] {strides = array<i32>} : memref<40x768xf32, #tpu.memory_space<vmem>>, vector<1x16xf32>,
          %get3A_671 = vector.shape_cast %get3A_670 : vector<1x16xf32> to vector<16xf32>
          %get3A_672 = arith.index_cast %scan3A_109 : i32 to index
          %get3A_673 = arith.constant 640 : index
          %get3A_674 = tpu.vector_load %arg7[%get3A_672, %get3A_673] {strides = array<i32>} : memref<40x768xf32, #tpu.memory_space<vmem>>, vector<1x16xf32>,
          %get3A_675 = vector.shape_cast %get3A_674 : vector<1x16xf32> to vector<16xf32>
          %add3A_676 = arith.addf %get3A_671, %get3A_675 : vector<16xf32>
          %swap3A_677 = arith.index_cast %scan3A_109 : i32 to index
          %swap3A_678 = arith.constant 640 : index
          %swap3A_679 = tpu.vector_load %arg8[%swap3A_677, %swap3A_678] {strides = array<i32>} : memref<40x768xf32, #tpu.memory_space<vmem>>, vector<1x16xf32>,
          %swap3A_680 = vector.shape_cast %swap3A_679 : vector<1x16xf32> to vector<16xf32>
          %swap3A_681 = vector.shape_cast %add3A_676 : vector<16xf32> to vector<1x16xf32>
          tpu.vector_store %arg8[%swap3A_677, %swap3A_678], %swap3A_681 {strides = array<i32>} : memref<40x768xf32, #tpu.memory_space<vmem>>, vector<1x16xf32>,
          %get3A_682 = arith.index_cast %scan3A_109 : i32 to index
          %get3A_683 = arith.constant 656 : index
          %get3A_684 = tpu.vector_load %arg8[%get3A_682, %get3A_683] {strides = array<i32>} : memref<40x768xf32, #tpu.memory_space<vmem>>, vector<1x16xf32>,
          %get3A_685 = vector.shape_cast %get3A_684 : vector<1x16xf32> to vector<16xf32>
          %get3A_686 = arith.index_cast %scan3A_109 : i32 to index
          %get3A_687 = arith.constant 656 : index
          %get3A_688 = tpu.vector_load %arg7[%get3A_686, %get3A_687] {strides = array<i32>} : memref<40x768xf32, #tpu.memory_space<vmem>>, vector<1x16xf32>,
          %get3A_689 = vector.shape_cast %get3A_688 : vector<1x16xf32> to vector<16xf32>
          %add3A_690 = arith.addf %get3A_685, %get3A_689 : vector<16xf32>
          %swap3A_691 = arith.index_cast %scan3A_109 : i32 to index
          %swap3A_692 = arith.constant 656 : index
          %swap3A_693 = tpu.vector_load %arg8[%swap3A_691, %swap3A_692] {strides = array<i32>} : memref<40x768xf32, #tpu.memory_space<vmem>>, vector<1x16xf32>,
          %swap3A_694 = vector.shape_cast %swap3A_693 : vector<1x16xf32> to vector<16xf32>
          %swap3A_695 = vector.shape_cast %add3A_690 : vector<16xf32> to vector<1x16xf32>
          tpu.vector_store %arg8[%swap3A_691, %swap3A_692], %swap3A_695 {strides = array<i32>} : memref<40x768xf32, #tpu.memory_space<vmem>>, vector<1x16xf32>,
          %get3A_696 = arith.index_cast %scan3A_109 : i32 to index
          %get3A_697 = arith.constant 672 : index
          %get3A_698 = tpu.vector_load %arg8[%get3A_696, %get3A_697] {strides = array<i32>} : memref<40x768xf32, #tpu.memory_space<vmem>>, vector<1x16xf32>,
          %get3A_699 = vector.shape_cast %get3A_698 : vector<1x16xf32> to vector<16xf32>
          %get3A_700 = arith.index_cast %scan3A_109 : i32 to index
          %get3A_701 = arith.constant 672 : index
          %get3A_702 = tpu.vector_load %arg7[%get3A_700, %get3A_701] {strides = array<i32>} : memref<40x768xf32, #tpu.memory_space<vmem>>, vector<1x16xf32>,
          %get3A_703 = vector.shape_cast %get3A_702 : vector<1x16xf32> to vector<16xf32>
          %add3A_704 = arith.addf %get3A_699, %get3A_703 : vector<16xf32>
          %swap3A_705 = arith.index_cast %scan3A_109 : i32 to index
          %swap3A_706 = arith.constant 672 : index
          %swap3A_707 = tpu.vector_load %arg8[%swap3A_705, %swap3A_706] {strides = array<i32>} : memref<40x768xf32, #tpu.memory_space<vmem>>, vector<1x16xf32>,
          %swap3A_708 = vector.shape_cast %swap3A_707 : vector<1x16xf32> to vector<16xf32>
          %swap3A_709 = vector.shape_cast %add3A_704 : vector<16xf32> to vector<1x16xf32>
          tpu.vector_store %arg8[%swap3A_705, %swap3A_706], %swap3A_709 {strides = array<i32>} : memref<40x768xf32, #tpu.memory_space<vmem>>, vector<1x16xf32>,
          %get3A_710 = arith.index_cast %scan3A_109 : i32 to index
          %get3A_711 = arith.constant 688 : index
          %get3A_712 = tpu.vector_load %arg8[%get3A_710, %get3A_711] {strides = array<i32>} : memref<40x768xf32, #tpu.memory_space<vmem>>, vector<1x16xf32>,
          %get3A_713 = vector.shape_cast %get3A_712 : vector<1x16xf32> to vector<16xf32>
          %get3A_714 = arith.index_cast %scan3A_109 : i32 to index
          %get3A_715 = arith.constant 688 : index
          %get3A_716 = tpu.vector_load %arg7[%get3A_714, %get3A_715] {strides = array<i32>} : memref<40x768xf32, #tpu.memory_space<vmem>>, vector<1x16xf32>,
          %get3A_717 = vector.shape_cast %get3A_716 : vector<1x16xf32> to vector<16xf32>
          %add3A_718 = arith.addf %get3A_713, %get3A_717 : vector<16xf32>
          %swap3A_719 = arith.index_cast %scan3A_109 : i32 to index
          %swap3A_720 = arith.constant 688 : index
          %swap3A_721 = tpu.vector_load %arg8[%swap3A_719, %swap3A_720] {strides = array<i32>} : memref<40x768xf32, #tpu.memory_space<vmem>>, vector<1x16xf32>,
          %swap3A_722 = vector.shape_cast %swap3A_721 : vector<1x16xf32> to vector<16xf32>
          %swap3A_723 = vector.shape_cast %add3A_718 : vector<16xf32> to vector<1x16xf32>
          tpu.vector_store %arg8[%swap3A_719, %swap3A_720], %swap3A_723 {strides = array<i32>} : memref<40x768xf32, #tpu.memory_space<vmem>>, vector<1x16xf32>,
          %get3A_724 = arith.index_cast %scan3A_109 : i32 to index
          %get3A_725 = arith.constant 704 : index
          %get3A_726 = tpu.vector_load %arg8[%get3A_724, %get3A_725] {strides = array<i32>} : memref<40x768xf32, #tpu.memory_space<vmem>>, vector<1x16xf32>,
          %get3A_727 = vector.shape_cast %get3A_726 : vector<1x16xf32> to vector<16xf32>
          %get3A_728 = arith.index_cast %scan3A_109 : i32 to index
          %get3A_729 = arith.constant 704 : index
          %get3A_730 = tpu.vector_load %arg7[%get3A_728, %get3A_729] {strides = array<i32>} : memref<40x768xf32, #tpu.memory_space<vmem>>, vector<1x16xf32>,
          %get3A_731 = vector.shape_cast %get3A_730 : vector<1x16xf32> to vector<16xf32>
          %add3A_732 = arith.addf %get3A_727, %get3A_731 : vector<16xf32>
          %swap3A_733 = arith.index_cast %scan3A_109 : i32 to index
          %swap3A_734 = arith.constant 704 : index
          %swap3A_735 = tpu.vector_load %arg8[%swap3A_733, %swap3A_734] {strides = array<i32>} : memref<40x768xf32, #tpu.memory_space<vmem>>, vector<1x16xf32>,
          %swap3A_736 = vector.shape_cast %swap3A_735 : vector<1x16xf32> to vector<16xf32>
          %swap3A_737 = vector.shape_cast %add3A_732 : vector<16xf32> to vector<1x16xf32>
          tpu.vector_store %arg8[%swap3A_733, %swap3A_734], %swap3A_737 {strides = array<i32>} : memref<40x768xf32, #tpu.memory_space<vmem>>, vector<1x16xf32>,
          %get3A_738 = arith.index_cast %scan3A_109 : i32 to index
          %get3A_739 = arith.constant 720 : index
          %get3A_740 = tpu.vector_load %arg8[%get3A_738, %get3A_739] {strides = array<i32>} : memref<40x768xf32, #tpu.memory_space<vmem>>, vector<1x16xf32>,
          %get3A_741 = vector.shape_cast %get3A_740 : vector<1x16xf32> to vector<16xf32>
          %get3A_742 = arith.index_cast %scan3A_109 : i32 to index
          %get3A_743 = arith.constant 720 : index
          %get3A_744 = tpu.vector_load %arg7[%get3A_742, %get3A_743] {strides = array<i32>} : memref<40x768xf32, #tpu.memory_space<vmem>>, vector<1x16xf32>,
          %get3A_745 = vector.shape_cast %get3A_744 : vector<1x16xf32> to vector<16xf32>
          %add3A_746 = arith.addf %get3A_741, %get3A_745 : vector<16xf32>
          %swap3A_747 = arith.index_cast %scan3A_109 : i32 to index
          %swap3A_748 = arith.constant 720 : index
          %swap3A_749 = tpu.vector_load %arg8[%swap3A_747, %swap3A_748] {strides = array<i32>} : memref<40x768xf32, #tpu.memory_space<vmem>>, vector<1x16xf32>,
          %swap3A_750 = vector.shape_cast %swap3A_749 : vector<1x16xf32> to vector<16xf32>
          %swap3A_751 = vector.shape_cast %add3A_746 : vector<16xf32> to vector<1x16xf32>
          tpu.vector_store %arg8[%swap3A_747, %swap3A_748], %swap3A_751 {strides = array<i32>} : memref<40x768xf32, #tpu.memory_space<vmem>>, vector<1x16xf32>,
          %get3A_752 = arith.index_cast %scan3A_109 : i32 to index
          %get3A_753 = arith.constant 736 : index
          %get3A_754 = tpu.vector_load %arg8[%get3A_752, %get3A_753] {strides = array<i32>} : memref<40x768xf32, #tpu.memory_space<vmem>>, vector<1x16xf32>,
          %get3A_755 = vector.shape_cast %get3A_754 : vector<1x16xf32> to vector<16xf32>
          %get3A_756 = arith.index_cast %scan3A_109 : i32 to index
          %get3A_757 = arith.constant 736 : index
          %get3A_758 = tpu.vector_load %arg7[%get3A_756, %get3A_757] {strides = array<i32>} : memref<40x768xf32, #tpu.memory_space<vmem>>, vector<1x16xf32>,
          %get3A_759 = vector.shape_cast %get3A_758 : vector<1x16xf32> to vector<16xf32>
          %add3A_760 = arith.addf %get3A_755, %get3A_759 : vector<16xf32>
          %swap3A_761 = arith.index_cast %scan3A_109 : i32 to index
          %swap3A_762 = arith.constant 736 : index
          %swap3A_763 = tpu.vector_load %arg8[%swap3A_761, %swap3A_762] {strides = array<i32>} : memref<40x768xf32, #tpu.memory_space<vmem>>, vector<1x16xf32>,
          %swap3A_764 = vector.shape_cast %swap3A_763 : vector<1x16xf32> to vector<16xf32>
          %swap3A_765 = vector.shape_cast %add3A_760 : vector<16xf32> to vector<1x16xf32>
          tpu.vector_store %arg8[%swap3A_761, %swap3A_762], %swap3A_765 {strides = array<i32>} : memref<40x768xf32, #tpu.memory_space<vmem>>, vector<1x16xf32>,
          %get3A_766 = arith.index_cast %scan3A_109 : i32 to index
          %get3A_767 = arith.constant 752 : index
          %get3A_768 = tpu.vector_load %arg8[%get3A_766, %get3A_767] {strides = array<i32>} : memref<40x768xf32, #tpu.memory_space<vmem>>, vector<1x16xf32>,
          %get3A_769 = vector.shape_cast %get3A_768 : vector<1x16xf32> to vector<16xf32>
          %get3A_770 = arith.index_cast %scan3A_109 : i32 to index
          %get3A_771 = arith.constant 752 : index
          %get3A_772 = tpu.vector_load %arg7[%get3A_770, %get3A_771] {strides = array<i32>} : memref<40x768xf32, #tpu.memory_space<vmem>>, vector<1x16xf32>,
          %get3A_773 = vector.shape_cast %get3A_772 : vector<1x16xf32> to vector<16xf32>
          %add3A_774 = arith.addf %get3A_769, %get3A_773 : vector<16xf32>
          %swap3A_775 = arith.index_cast %scan3A_109 : i32 to index
          %swap3A_776 = arith.constant 752 : index
          %swap3A_777 = tpu.vector_load %arg8[%swap3A_775, %swap3A_776] {strides = array<i32>} : memref<40x768xf32, #tpu.memory_space<vmem>>, vector<1x16xf32>,
          %swap3A_778 = vector.shape_cast %swap3A_777 : vector<1x16xf32> to vector<16xf32>
          %swap3A_779 = vector.shape_cast %add3A_774 : vector<16xf32> to vector<1x16xf32>
          tpu.vector_store %arg8[%swap3A_775, %swap3A_776], %swap3A_779 {strides = array<i32>} : memref<40x768xf32, #tpu.memory_space<vmem>>, vector<1x16xf32>,
        }
        %scan3A_60 = arith.constant 40 : i32
        %add3A_61 = arith.addi %mul3A_0, %add3A_35 : i32
        %dma_start3A_62 = arith.constant 40 : i32
        %dma_start3A_63 = arith.constant 0 : i32
        %dma_start3A_64 = tpu.memref_slice %arg5[%add3A_61, %dma_start3A_62, %dma_start3A_63] : memref<4096x80x768xf32, #tpu.memory_space<hbm>> -> memref<1x40x768xf32, #tpu.memory_space<hbm>>
        %dma_start3A_65 = tpu.memref_squeeze %dma_start3A_64 : memref<1x40x768xf32, #tpu.memory_space<hbm>> -> memref<40x768xf32, #tpu.memory_space<hbm>>
        %dma_start3A_66 = arith.constant 40 : i32
        %dma_start3A_67 = arith.constant 0 : i32
        %dma_start3A_68 = tpu.memref_slice %arg5[%add3A_61, %dma_start3A_66, %dma_start3A_67] : memref<4096x80x768xf32, #tpu.memory_space<hbm>> -> memref<1x40x768xf32, #tpu.memory_space<hbm>>
        %dma_start3A_69 = tpu.memref_squeeze %dma_start3A_68 : memref<1x40x768xf32, #tpu.memory_space<hbm>> -> memref<40x768xf32, #tpu.memory_space<hbm>>
        tpu.enqueue_dma source(%arg8 : memref<40x768xf32, #tpu.memory_space<vmem>>) target(%dma_start3A_69 : memref<40x768xf32, #tpu.memory_space<hbm>>) target_semaphore(%arg12 : memref<!tpu.dma_semaphore, #tpu.memory_space<semaphore_mem>>)
        %mul3A_70 = arith.constant 2 : i32
        %mul3A_71 = arith.muli %scan3A_31, %mul3A_70 : i32
        %add3A_72 = arith.constant 1 : i32
        %add3A_73 = arith.addi %mul3A_71, %add3A_72 : i32
        %dma_wait3A_74 = arith.constant 0 : i32
        %dma_wait3A_75 = arith.constant 0 : i32
        %dma_wait3A_76 = tpu.memref_slice %arg3[%dma_wait3A_74, %dma_wait3A_75] : memref<49408x768xf32, #tpu.memory_space<hbm>> -> memref<40x768xf32, #tpu.memory_space<hbm>>
        %dma_wait3A_77 = arith.constant 0 : i32
        %dma_wait3A_78 = arith.constant 0 : i32
        %dma_wait3A_79 = tpu.memref_slice %arg3[%dma_wait3A_77, %dma_wait3A_78] : memref<49408x768xf32, #tpu.memory_space<hbm>> -> memref<40x768xf32, #tpu.memory_space<hbm>>
        tpu.wait_dma2 semaphore(%arg11 : memref<!tpu.dma_semaphore, #tpu.memory_space<semaphore_mem>>) src(%dma_wait3A_79 : memref<40x768xf32, #tpu.memory_space<hbm>>) dst(%arg9 : memref<40x768xf32, #tpu.memory_space<vmem>>)
        %sub3A = arith.constant 1 : i32
        %sub3A_80 = arith.subi %add3A_73, %sub3A : i32
        %add3A_81 = arith.addi %mul3A_0, %sub3A_80 : i32
        %dma_wait3A_82 = arith.constant 40 : i32
        %dma_wait3A_83 = arith.constant 0 : i32
        %dma_wait3A_84 = tpu.memref_slice %arg5[%add3A_81, %dma_wait3A_82, %dma_wait3A_83] : memref<4096x80x768xf32, #tpu.memory_space<hbm>> -> memref<1x40x768xf32, #tpu.memory_space<hbm>>
        %dma_wait3A_85 = tpu.memref_squeeze %dma_wait3A_84 : memref<1x40x768xf32, #tpu.memory_space<hbm>> -> memref<40x768xf32, #tpu.memory_space<hbm>>
        %dma_wait3A_86 = arith.constant 40 : i32
        %dma_wait3A_87 = arith.constant 0 : i32
        %dma_wait3A_88 = tpu.memref_slice %arg5[%add3A_81, %dma_wait3A_86, %dma_wait3A_87] : memref<4096x80x768xf32, #tpu.memory_space<hbm>> -> memref<1x40x768xf32, #tpu.memory_space<hbm>>
        %dma_wait3A_89 = tpu.memref_squeeze %dma_wait3A_88 : memref<1x40x768xf32, #tpu.memory_space<hbm>> -> memref<40x768xf32, #tpu.memory_space<hbm>>
        tpu.wait_dma2 semaphore(%arg12 : memref<!tpu.dma_semaphore, #tpu.memory_space<semaphore_mem>>) src(%arg8 : memref<40x768xf32, #tpu.memory_space<vmem>>) dst(%dma_wait3A_89 : memref<40x768xf32, #tpu.memory_space<hbm>>)
        %le3A = arith.constant 126 : i32
        %le3A_90 = arith.cmpi sle, %scan3A_31, %le3A : i32
        %convert_element_type3A_91 = arith.extui %le3A_90 : i1 to i32
        %cond3A_92 = arith.constant 0 : i32
        %cond3A_93 = arith.cmpi ne, %convert_element_type3A_91, %cond3A_92 : i32
        scf.if %cond3A_93 {
          %add3A_109 = arith.constant 1 : i32
          %add3A_110 = arith.addi %add3A_73, %add3A_109 : i32
          %mul3A_111 = arith.constant 40 : i32
          %mul3A_112 = arith.muli %add3A_110, %mul3A_111 : i32
          %multiple_of3A_113 = tpu.assume_multiple %mul3A_112, 8 : i32
          %dma_start3A_114 = tpu.memref_slice %arg6[%multiple_of3A_113] : memref<10240xi32, #tpu.memory_space<vmem>> -> memref<40xi32, #tpu.memory_space<vmem>>
          %dma_start3A_115 = arith.constant 0 : i32
          %dma_start3A_116 = arith.constant 0 : i32
          %dma_start3A_117 = tpu.memref_slice %arg3[%dma_start3A_115, %dma_start3A_116] : memref<49408x768xf32, #tpu.memory_space<hbm>> -> memref<49408x768xf32, #tpu.memory_space<hbm>>
          tpu.enqueue_indirect_dma source(%dma_start3A_117 : memref<49408x768xf32, #tpu.memory_space<hbm>>) target(%arg8 : memref<40x768xf32, #tpu.memory_space<vmem>>) offsets(%dma_start3A_114 : memref<40xi32, #tpu.memory_space<vmem>>) semaphore(%arg10 : memref<!tpu.dma_semaphore, #tpu.memory_space<semaphore_mem>>)
        } else {
        }
        %scan3A_94 = arith.constant 0 : i32
        %scan3A_95 = arith.constant 0 : i32
        %scan3A_96 = arith.constant 40 : i32
        %scan3A_97 = arith.addi %scan3A_95, %scan3A_96 : i32
        %scan3A_98 = arith.constant 1 : i32
        scf.for %scan3A_109 = %scan3A_95 to %scan3A_97 step %scan3A_98  : i32 {
          %get3A = arith.index_cast %scan3A_109 : i32 to index
          %get3A_110 = arith.constant 0 : index
          %get3A_111 = tpu.vector_load %arg9[%get3A, %get3A_110] {strides = array<i32>} : memref<40x768xf32, #tpu.memory_space<vmem>>, vector<1x16xf32>,
          %get3A_112 = vector.shape_cast %get3A_111 : vector<1x16xf32> to vector<16xf32>
          %get3A_113 = arith.index_cast %scan3A_109 : i32 to index
          %get3A_114 = arith.constant 0 : index
          %get3A_115 = tpu.vector_load %arg7[%get3A_113, %get3A_114] {strides = array<i32>} : memref<40x768xf32, #tpu.memory_space<vmem>>, vector<1x16xf32>,
          %get3A_116 = vector.shape_cast %get3A_115 : vector<1x16xf32> to vector<16xf32>
          %add3A_117 = arith.addf %get3A_112, %get3A_116 : vector<16xf32>
          %swap3A = arith.index_cast %scan3A_109 : i32 to index
          %swap3A_118 = arith.constant 0 : index
          %swap3A_119 = tpu.vector_load %arg9[%swap3A, %swap3A_118] {strides = array<i32>} : memref<40x768xf32, #tpu.memory_space<vmem>>, vector<1x16xf32>,
          %swap3A_120 = vector.shape_cast %swap3A_119 : vector<1x16xf32> to vector<16xf32>
          %swap3A_121 = vector.shape_cast %add3A_117 : vector<16xf32> to vector<1x16xf32>
          tpu.vector_store %arg9[%swap3A, %swap3A_118], %swap3A_121 {strides = array<i32>} : memref<40x768xf32, #tpu.memory_space<vmem>>, vector<1x16xf32>,
          %get3A_122 = arith.index_cast %scan3A_109 : i32 to index
          %get3A_123 = arith.constant 16 : index
          %get3A_124 = tpu.vector_load %arg9[%get3A_122, %get3A_123] {strides = array<i32>} : memref<40x768xf32, #tpu.memory_space<vmem>>, vector<1x16xf32>,
          %get3A_125 = vector.shape_cast %get3A_124 : vector<1x16xf32> to vector<16xf32>
          %get3A_126 = arith.index_cast %scan3A_109 : i32 to index
          %get3A_127 = arith.constant 16 : index
          %get3A_128 = tpu.vector_load %arg7[%get3A_126, %get3A_127] {strides = array<i32>} : memref<40x768xf32, #tpu.memory_space<vmem>>, vector<1x16xf32>,
          %get3A_129 = vector.shape_cast %get3A_128 : vector<1x16xf32> to vector<16xf32>
          %add3A_130 = arith.addf %get3A_125, %get3A_129 : vector<16xf32>
          %swap3A_131 = arith.index_cast %scan3A_109 : i32 to index
          %swap3A_132 = arith.constant 16 : index
          %swap3A_133 = tpu.vector_load %arg9[%swap3A_131, %swap3A_132] {strides = array<i32>} : memref<40x768xf32, #tpu.memory_space<vmem>>, vector<1x16xf32>,
          %swap3A_134 = vector.shape_cast %swap3A_133 : vector<1x16xf32> to vector<16xf32>
          %swap3A_135 = vector.shape_cast %add3A_130 : vector<16xf32> to vector<1x16xf32>
          tpu.vector_store %arg9[%swap3A_131, %swap3A_132], %swap3A_135 {strides = array<i32>} : memref<40x768xf32, #tpu.memory_space<vmem>>, vector<1x16xf32>,
          %get3A_136 = arith.index_cast %scan3A_109 : i32 to index
          %get3A_137 = arith.constant 32 : index
          %get3A_138 = tpu.vector_load %arg9[%get3A_136, %get3A_137] {strides = array<i32>} : memref<40x768xf32, #tpu.memory_space<vmem>>, vector<1x16xf32>,
          %get3A_139 = vector.shape_cast %get3A_138 : vector<1x16xf32> to vector<16xf32>
          %get3A_140 = arith.index_cast %scan3A_109 : i32 to index
          %get3A_141 = arith.constant 32 : index
          %get3A_142 = tpu.vector_load %arg7[%get3A_140, %get3A_141] {strides = array<i32>} : memref<40x768xf32, #tpu.memory_space<vmem>>, vector<1x16xf32>,
          %get3A_143 = vector.shape_cast %get3A_142 : vector<1x16xf32> to vector<16xf32>
          %add3A_144 = arith.addf %get3A_139, %get3A_143 : vector<16xf32>
          %swap3A_145 = arith.index_cast %scan3A_109 : i32 to index
          %swap3A_146 = arith.constant 32 : index
          %swap3A_147 = tpu.vector_load %arg9[%swap3A_145, %swap3A_146] {strides = array<i32>} : memref<40x768xf32, #tpu.memory_space<vmem>>, vector<1x16xf32>,
          %swap3A_148 = vector.shape_cast %swap3A_147 : vector<1x16xf32> to vector<16xf32>
          %swap3A_149 = vector.shape_cast %add3A_144 : vector<16xf32> to vector<1x16xf32>
          tpu.vector_store %arg9[%swap3A_145, %swap3A_146], %swap3A_149 {strides = array<i32>} : memref<40x768xf32, #tpu.memory_space<vmem>>, vector<1x16xf32>,
          %get3A_150 = arith.index_cast %scan3A_109 : i32 to index
          %get3A_151 = arith.constant 48 : index
          %get3A_152 = tpu.vector_load %arg9[%get3A_150, %get3A_151] {strides = array<i32>} : memref<40x768xf32, #tpu.memory_space<vmem>>, vector<1x16xf32>,
          %get3A_153 = vector.shape_cast %get3A_152 : vector<1x16xf32> to vector<16xf32>
          %get3A_154 = arith.index_cast %scan3A_109 : i32 to index
          %get3A_155 = arith.constant 48 : index
          %get3A_156 = tpu.vector_load %arg7[%get3A_154, %get3A_155] {strides = array<i32>} : memref<40x768xf32, #tpu.memory_space<vmem>>, vector<1x16xf32>,
          %get3A_157 = vector.shape_cast %get3A_156 : vector<1x16xf32> to vector<16xf32>
          %add3A_158 = arith.addf %get3A_153, %get3A_157 : vector<16xf32>
          %swap3A_159 = arith.index_cast %scan3A_109 : i32 to index
          %swap3A_160 = arith.constant 48 : index
          %swap3A_161 = tpu.vector_load %arg9[%swap3A_159, %swap3A_160] {strides = array<i32>} : memref<40x768xf32, #tpu.memory_space<vmem>>, vector<1x16xf32>,
          %swap3A_162 = vector.shape_cast %swap3A_161 : vector<1x16xf32> to vector<16xf32>
          %swap3A_163 = vector.shape_cast %add3A_158 : vector<16xf32> to vector<1x16xf32>
          tpu.vector_store %arg9[%swap3A_159, %swap3A_160], %swap3A_163 {strides = array<i32>} : memref<40x768xf32, #tpu.memory_space<vmem>>, vector<1x16xf32>,
          %get3A_164 = arith.index_cast %scan3A_109 : i32 to index
          %get3A_165 = arith.constant 64 : index
          %get3A_166 = tpu.vector_load %arg9[%get3A_164, %get3A_165] {strides = array<i32>} : memref<40x768xf32, #tpu.memory_space<vmem>>, vector<1x16xf32>,
          %get3A_167 = vector.shape_cast %get3A_166 : vector<1x16xf32> to vector<16xf32>
          %get3A_168 = arith.index_cast %scan3A_109 : i32 to index
          %get3A_169 = arith.constant 64 : index
          %get3A_170 = tpu.vector_load %arg7[%get3A_168, %get3A_169] {strides = array<i32>} : memref<40x768xf32, #tpu.memory_space<vmem>>, vector<1x16xf32>,
          %get3A_171 = vector.shape_cast %get3A_170 : vector<1x16xf32> to vector<16xf32>
          %add3A_172 = arith.addf %get3A_167, %get3A_171 : vector<16xf32>
          %swap3A_173 = arith.index_cast %scan3A_109 : i32 to index
          %swap3A_174 = arith.constant 64 : index
          %swap3A_175 = tpu.vector_load %arg9[%swap3A_173, %swap3A_174] {strides = array<i32>} : memref<40x768xf32, #tpu.memory_space<vmem>>, vector<1x16xf32>,
          %swap3A_176 = vector.shape_cast %swap3A_175 : vector<1x16xf32> to vector<16xf32>
          %swap3A_177 = vector.shape_cast %add3A_172 : vector<16xf32> to vector<1x16xf32>
          tpu.vector_store %arg9[%swap3A_173, %swap3A_174], %swap3A_177 {strides = array<i32>} : memref<40x768xf32, #tpu.memory_space<vmem>>, vector<1x16xf32>,
          %get3A_178 = arith.index_cast %scan3A_109 : i32 to index
          %get3A_179 = arith.constant 80 : index
          %get3A_180 = tpu.vector_load %arg9[%get3A_178, %get3A_179] {strides = array<i32>} : memref<40x768xf32, #tpu.memory_space<vmem>>, vector<1x16xf32>,
          %get3A_181 = vector.shape_cast %get3A_180 : vector<1x16xf32> to vector<16xf32>
          %get3A_182 = arith.index_cast %scan3A_109 : i32 to index
          %get3A_183 = arith.constant 80 : index
          %get3A_184 = tpu.vector_load %arg7[%get3A_182, %get3A_183] {strides = array<i32>} : memref<40x768xf32, #tpu.memory_space<vmem>>, vector<1x16xf32>,
          %get3A_185 = vector.shape_cast %get3A_184 : vector<1x16xf32> to vector<16xf32>
          %add3A_186 = arith.addf %get3A_181, %get3A_185 : vector<16xf32>
          %swap3A_187 = arith.index_cast %scan3A_109 : i32 to index
          %swap3A_188 = arith.constant 80 : index
          %swap3A_189 = tpu.vector_load %arg9[%swap3A_187, %swap3A_188] {strides = array<i32>} : memref<40x768xf32, #tpu.memory_space<vmem>>, vector<1x16xf32>,
          %swap3A_190 = vector.shape_cast %swap3A_189 : vector<1x16xf32> to vector<16xf32>
          %swap3A_191 = vector.shape_cast %add3A_186 : vector<16xf32> to vector<1x16xf32>
          tpu.vector_store %arg9[%swap3A_187, %swap3A_188], %swap3A_191 {strides = array<i32>} : memref<40x768xf32, #tpu.memory_space<vmem>>, vector<1x16xf32>,
          %get3A_192 = arith.index_cast %scan3A_109 : i32 to index
          %get3A_193 = arith.constant 96 : index
          %get3A_194 = tpu.vector_load %arg9[%get3A_192, %get3A_193] {strides = array<i32>} : memref<40x768xf32, #tpu.memory_space<vmem>>, vector<1x16xf32>,
          %get3A_195 = vector.shape_cast %get3A_194 : vector<1x16xf32> to vector<16xf32>
          %get3A_196 = arith.index_cast %scan3A_109 : i32 to index
          %get3A_197 = arith.constant 96 : index
          %get3A_198 = tpu.vector_load %arg7[%get3A_196, %get3A_197] {strides = array<i32>} : memref<40x768xf32, #tpu.memory_space<vmem>>, vector<1x16xf32>,
          %get3A_199 = vector.shape_cast %get3A_198 : vector<1x16xf32> to vector<16xf32>
          %add3A_200 = arith.addf %get3A_195, %get3A_199 : vector<16xf32>
          %swap3A_201 = arith.index_cast %scan3A_109 : i32 to index
          %swap3A_202 = arith.constant 96 : index
          %swap3A_203 = tpu.vector_load %arg9[%swap3A_201, %swap3A_202] {strides = array<i32>} : memref<40x768xf32, #tpu.memory_space<vmem>>, vector<1x16xf32>,
          %swap3A_204 = vector.shape_cast %swap3A_203 : vector<1x16xf32> to vector<16xf32>
          %swap3A_205 = vector.shape_cast %add3A_200 : vector<16xf32> to vector<1x16xf32>
          tpu.vector_store %arg9[%swap3A_201, %swap3A_202], %swap3A_205 {strides = array<i32>} : memref<40x768xf32, #tpu.memory_space<vmem>>, vector<1x16xf32>,
          %get3A_206 = arith.index_cast %scan3A_109 : i32 to index
          %get3A_207 = arith.constant 112 : index
          %get3A_208 = tpu.vector_load %arg9[%get3A_206, %get3A_207] {strides = array<i32>} : memref<40x768xf32, #tpu.memory_space<vmem>>, vector<1x16xf32>,
          %get3A_209 = vector.shape_cast %get3A_208 : vector<1x16xf32> to vector<16xf32>
          %get3A_210 = arith.index_cast %scan3A_109 : i32 to index
          %get3A_211 = arith.constant 112 : index
          %get3A_212 = tpu.vector_load %arg7[%get3A_210, %get3A_211] {strides = array<i32>} : memref<40x768xf32, #tpu.memory_space<vmem>>, vector<1x16xf32>,
          %get3A_213 = vector.shape_cast %get3A_212 : vector<1x16xf32> to vector<16xf32>
          %add3A_214 = arith.addf %get3A_209, %get3A_213 : vector<16xf32>
          %swap3A_215 = arith.index_cast %scan3A_109 : i32 to index
          %swap3A_216 = arith.constant 112 : index
          %swap3A_217 = tpu.vector_load %arg9[%swap3A_215, %swap3A_216] {strides = array<i32>} : memref<40x768xf32, #tpu.memory_space<vmem>>, vector<1x16xf32>,
          %swap3A_218 = vector.shape_cast %swap3A_217 : vector<1x16xf32> to vector<16xf32>
          %swap3A_219 = vector.shape_cast %add3A_214 : vector<16xf32> to vector<1x16xf32>
          tpu.vector_store %arg9[%swap3A_215, %swap3A_216], %swap3A_219 {strides = array<i32>} : memref<40x768xf32, #tpu.memory_space<vmem>>, vector<1x16xf32>,
          %get3A_220 = arith.index_cast %scan3A_109 : i32 to index
          %get3A_221 = arith.constant 128 : index
          %get3A_222 = tpu.vector_load %arg9[%get3A_220, %get3A_221] {strides = array<i32>} : memref<40x768xf32, #tpu.memory_space<vmem>>, vector<1x16xf32>,
          %get3A_223 = vector.shape_cast %get3A_222 : vector<1x16xf32> to vector<16xf32>
          %get3A_224 = arith.index_cast %scan3A_109 : i32 to index
          %get3A_225 = arith.constant 128 : index
          %get3A_226 = tpu.vector_load %arg7[%get3A_224, %get3A_225] {strides = array<i32>} : memref<40x768xf32, #tpu.memory_space<vmem>>, vector<1x16xf32>,
          %get3A_227 = vector.shape_cast %get3A_226 : vector<1x16xf32> to vector<16xf32>
          %add3A_228 = arith.addf %get3A_223, %get3A_227 : vector<16xf32>
          %swap3A_229 = arith.index_cast %scan3A_109 : i32 to index
          %swap3A_230 = arith.constant 128 : index
          %swap3A_231 = tpu.vector_load %arg9[%swap3A_229, %swap3A_230] {strides = array<i32>} : memref<40x768xf32, #tpu.memory_space<vmem>>, vector<1x16xf32>,
          %swap3A_232 = vector.shape_cast %swap3A_231 : vector<1x16xf32> to vector<16xf32>
          %swap3A_233 = vector.shape_cast %add3A_228 : vector<16xf32> to vector<1x16xf32>
          tpu.vector_store %arg9[%swap3A_229, %swap3A_230], %swap3A_233 {strides = array<i32>} : memref<40x768xf32, #tpu.memory_space<vmem>>, vector<1x16xf32>,
          %get3A_234 = arith.index_cast %scan3A_109 : i32 to index
          %get3A_235 = arith.constant 144 : index
          %get3A_236 = tpu.vector_load %arg9[%get3A_234, %get3A_235] {strides = array<i32>} : memref<40x768xf32, #tpu.memory_space<vmem>>, vector<1x16xf32>,
          %get3A_237 = vector.shape_cast %get3A_236 : vector<1x16xf32> to vector<16xf32>
          %get3A_238 = arith.index_cast %scan3A_109 : i32 to index
          %get3A_239 = arith.constant 144 : index
          %get3A_240 = tpu.vector_load %arg7[%get3A_238, %get3A_239] {strides = array<i32>} : memref<40x768xf32, #tpu.memory_space<vmem>>, vector<1x16xf32>,
          %get3A_241 = vector.shape_cast %get3A_240 : vector<1x16xf32> to vector<16xf32>
          %add3A_242 = arith.addf %get3A_237, %get3A_241 : vector<16xf32>
          %swap3A_243 = arith.index_cast %scan3A_109 : i32 to index
          %swap3A_244 = arith.constant 144 : index
          %swap3A_245 = tpu.vector_load %arg9[%swap3A_243, %swap3A_244] {strides = array<i32>} : memref<40x768xf32, #tpu.memory_space<vmem>>, vector<1x16xf32>,
          %swap3A_246 = vector.shape_cast %swap3A_245 : vector<1x16xf32> to vector<16xf32>
          %swap3A_247 = vector.shape_cast %add3A_242 : vector<16xf32> to vector<1x16xf32>
          tpu.vector_store %arg9[%swap3A_243, %swap3A_244], %swap3A_247 {strides = array<i32>} : memref<40x768xf32, #tpu.memory_space<vmem>>, vector<1x16xf32>,
          %get3A_248 = arith.index_cast %scan3A_109 : i32 to index
          %get3A_249 = arith.constant 160 : index
          %get3A_250 = tpu.vector_load %arg9[%get3A_248, %get3A_249] {strides = array<i32>} : memref<40x768xf32, #tpu.memory_space<vmem>>, vector<1x16xf32>,
          %get3A_251 = vector.shape_cast %get3A_250 : vector<1x16xf32> to vector<16xf32>
          %get3A_252 = arith.index_cast %scan3A_109 : i32 to index
          %get3A_253 = arith.constant 160 : index
          %get3A_254 = tpu.vector_load %arg7[%get3A_252, %get3A_253] {strides = array<i32>} : memref<40x768xf32, #tpu.memory_space<vmem>>, vector<1x16xf32>,
          %get3A_255 = vector.shape_cast %get3A_254 : vector<1x16xf32> to vector<16xf32>
          %add3A_256 = arith.addf %get3A_251, %get3A_255 : vector<16xf32>
          %swap3A_257 = arith.index_cast %scan3A_109 : i32 to index
          %swap3A_258 = arith.constant 160 : index
          %swap3A_259 = tpu.vector_load %arg9[%swap3A_257, %swap3A_258] {strides = array<i32>} : memref<40x768xf32, #tpu.memory_space<vmem>>, vector<1x16xf32>,
          %swap3A_260 = vector.shape_cast %swap3A_259 : vector<1x16xf32> to vector<16xf32>
          %swap3A_261 = vector.shape_cast %add3A_256 : vector<16xf32> to vector<1x16xf32>
          tpu.vector_store %arg9[%swap3A_257, %swap3A_258], %swap3A_261 {strides = array<i32>} : memref<40x768xf32, #tpu.memory_space<vmem>>, vector<1x16xf32>,
          %get3A_262 = arith.index_cast %scan3A_109 : i32 to index
          %get3A_263 = arith.constant 176 : index
          %get3A_264 = tpu.vector_load %arg9[%get3A_262, %get3A_263] {strides = array<i32>} : memref<40x768xf32, #tpu.memory_space<vmem>>, vector<1x16xf32>,
          %get3A_265 = vector.shape_cast %get3A_264 : vector<1x16xf32> to vector<16xf32>
          %get3A_266 = arith.index_cast %scan3A_109 : i32 to index
          %get3A_267 = arith.constant 176 : index
          %get3A_268 = tpu.vector_load %arg7[%get3A_266, %get3A_267] {strides = array<i32>} : memref<40x768xf32, #tpu.memory_space<vmem>>, vector<1x16xf32>,
          %get3A_269 = vector.shape_cast %get3A_268 : vector<1x16xf32> to vector<16xf32>
          %add3A_270 = arith.addf %get3A_265, %get3A_269 : vector<16xf32>
          %swap3A_271 = arith.index_cast %scan3A_109 : i32 to index
          %swap3A_272 = arith.constant 176 : index
          %swap3A_273 = tpu.vector_load %arg9[%swap3A_271, %swap3A_272] {strides = array<i32>} : memref<40x768xf32, #tpu.memory_space<vmem>>, vector<1x16xf32>,
          %swap3A_274 = vector.shape_cast %swap3A_273 : vector<1x16xf32> to vector<16xf32>
          %swap3A_275 = vector.shape_cast %add3A_270 : vector<16xf32> to vector<1x16xf32>
          tpu.vector_store %arg9[%swap3A_271, %swap3A_272], %swap3A_275 {strides = array<i32>} : memref<40x768xf32, #tpu.memory_space<vmem>>, vector<1x16xf32>,
          %get3A_276 = arith.index_cast %scan3A_109 : i32 to index
          %get3A_277 = arith.constant 192 : index
          %get3A_278 = tpu.vector_load %arg9[%get3A_276, %get3A_277] {strides = array<i32>} : memref<40x768xf32, #tpu.memory_space<vmem>>, vector<1x16xf32>,
          %get3A_279 = vector.shape_cast %get3A_278 : vector<1x16xf32> to vector<16xf32>
          %get3A_280 = arith.index_cast %scan3A_109 : i32 to index
          %get3A_281 = arith.constant 192 : index
          %get3A_282 = tpu.vector_load %arg7[%get3A_280, %get3A_281] {strides = array<i32>} : memref<40x768xf32, #tpu.memory_space<vmem>>, vector<1x16xf32>,
          %get3A_283 = vector.shape_cast %get3A_282 : vector<1x16xf32> to vector<16xf32>
          %add3A_284 = arith.addf %get3A_279, %get3A_283 : vector<16xf32>
          %swap3A_285 = arith.index_cast %scan3A_109 : i32 to index
          %swap3A_286 = arith.constant 192 : index
          %swap3A_287 = tpu.vector_load %arg9[%swap3A_285, %swap3A_286] {strides = array<i32>} : memref<40x768xf32, #tpu.memory_space<vmem>>, vector<1x16xf32>,
          %swap3A_288 = vector.shape_cast %swap3A_287 : vector<1x16xf32> to vector<16xf32>
          %swap3A_289 = vector.shape_cast %add3A_284 : vector<16xf32> to vector<1x16xf32>
          tpu.vector_store %arg9[%swap3A_285, %swap3A_286], %swap3A_289 {strides = array<i32>} : memref<40x768xf32, #tpu.memory_space<vmem>>, vector<1x16xf32>,
          %get3A_290 = arith.index_cast %scan3A_109 : i32 to index
          %get3A_291 = arith.constant 208 : index
          %get3A_292 = tpu.vector_load %arg9[%get3A_290, %get3A_291] {strides = array<i32>} : memref<40x768xf32, #tpu.memory_space<vmem>>, vector<1x16xf32>,
          %get3A_293 = vector.shape_cast %get3A_292 : vector<1x16xf32> to vector<16xf32>
          %get3A_294 = arith.index_cast %scan3A_109 : i32 to index
          %get3A_295 = arith.constant 208 : index
          %get3A_296 = tpu.vector_load %arg7[%get3A_294, %get3A_295] {strides = array<i32>} : memref<40x768xf32, #tpu.memory_space<vmem>>, vector<1x16xf32>,
          %get3A_297 = vector.shape_cast %get3A_296 : vector<1x16xf32> to vector<16xf32>
          %add3A_298 = arith.addf %get3A_293, %get3A_297 : vector<16xf32>
          %swap3A_299 = arith.index_cast %scan3A_109 : i32 to index
          %swap3A_300 = arith.constant 208 : index
          %swap3A_301 = tpu.vector_load %arg9[%swap3A_299, %swap3A_300] {strides = array<i32>} : memref<40x768xf32, #tpu.memory_space<vmem>>, vector<1x16xf32>,
          %swap3A_302 = vector.shape_cast %swap3A_301 : vector<1x16xf32> to vector<16xf32>
          %swap3A_303 = vector.shape_cast %add3A_298 : vector<16xf32> to vector<1x16xf32>
          tpu.vector_store %arg9[%swap3A_299, %swap3A_300], %swap3A_303 {strides = array<i32>} : memref<40x768xf32, #tpu.memory_space<vmem>>, vector<1x16xf32>,
          %get3A_304 = arith.index_cast %scan3A_109 : i32 to index
          %get3A_305 = arith.constant 224 : index
          %get3A_306 = tpu.vector_load %arg9[%get3A_304, %get3A_305] {strides = array<i32>} : memref<40x768xf32, #tpu.memory_space<vmem>>, vector<1x16xf32>,
          %get3A_307 = vector.shape_cast %get3A_306 : vector<1x16xf32> to vector<16xf32>
          %get3A_308 = arith.index_cast %scan3A_109 : i32 to index
          %get3A_309 = arith.constant 224 : index
          %get3A_310 = tpu.vector_load %arg7[%get3A_308, %get3A_309] {strides = array<i32>} : memref<40x768xf32, #tpu.memory_space<vmem>>, vector<1x16xf32>,
          %get3A_311 = vector.shape_cast %get3A_310 : vector<1x16xf32> to vector<16xf32>
          %add3A_312 = arith.addf %get3A_307, %get3A_311 : vector<16xf32>
          %swap3A_313 = arith.index_cast %scan3A_109 : i32 to index
          %swap3A_314 = arith.constant 224 : index
          %swap3A_315 = tpu.vector_load %arg9[%swap3A_313, %swap3A_314] {strides = array<i32>} : memref<40x768xf32, #tpu.memory_space<vmem>>, vector<1x16xf32>,
          %swap3A_316 = vector.shape_cast %swap3A_315 : vector<1x16xf32> to vector<16xf32>
          %swap3A_317 = vector.shape_cast %add3A_312 : vector<16xf32> to vector<1x16xf32>
          tpu.vector_store %arg9[%swap3A_313, %swap3A_314], %swap3A_317 {strides = array<i32>} : memref<40x768xf32, #tpu.memory_space<vmem>>, vector<1x16xf32>,
          %get3A_318 = arith.index_cast %scan3A_109 : i32 to index
          %get3A_319 = arith.constant 240 : index
          %get3A_320 = tpu.vector_load %arg9[%get3A_318, %get3A_319] {strides = array<i32>} : memref<40x768xf32, #tpu.memory_space<vmem>>, vector<1x16xf32>,
          %get3A_321 = vector.shape_cast %get3A_320 : vector<1x16xf32> to vector<16xf32>
          %get3A_322 = arith.index_cast %scan3A_109 : i32 to index
          %get3A_323 = arith.constant 240 : index
          %get3A_324 = tpu.vector_load %arg7[%get3A_322, %get3A_323] {strides = array<i32>} : memref<40x768xf32, #tpu.memory_space<vmem>>, vector<1x16xf32>,
          %get3A_325 = vector.shape_cast %get3A_324 : vector<1x16xf32> to vector<16xf32>
          %add3A_326 = arith.addf %get3A_321, %get3A_325 : vector<16xf32>
          %swap3A_327 = arith.index_cast %scan3A_109 : i32 to index
          %swap3A_328 = arith.constant 240 : index
          %swap3A_329 = tpu.vector_load %arg9[%swap3A_327, %swap3A_328] {strides = array<i32>} : memref<40x768xf32, #tpu.memory_space<vmem>>, vector<1x16xf32>,
          %swap3A_330 = vector.shape_cast %swap3A_329 : vector<1x16xf32> to vector<16xf32>
          %swap3A_331 = vector.shape_cast %add3A_326 : vector<16xf32> to vector<1x16xf32>
          tpu.vector_store %arg9[%swap3A_327, %swap3A_328], %swap3A_331 {strides = array<i32>} : memref<40x768xf32, #tpu.memory_space<vmem>>, vector<1x16xf32>,
          %get3A_332 = arith.index_cast %scan3A_109 : i32 to index
          %get3A_333 = arith.constant 256 : index
          %get3A_334 = tpu.vector_load %arg9[%get3A_332, %get3A_333] {strides = array<i32>} : memref<40x768xf32, #tpu.memory_space<vmem>>, vector<1x16xf32>,
          %get3A_335 = vector.shape_cast %get3A_334 : vector<1x16xf32> to vector<16xf32>
          %get3A_336 = arith.index_cast %scan3A_109 : i32 to index
          %get3A_337 = arith.constant 256 : index
          %get3A_338 = tpu.vector_load %arg7[%get3A_336, %get3A_337] {strides = array<i32>} : memref<40x768xf32, #tpu.memory_space<vmem>>, vector<1x16xf32>,
          %get3A_339 = vector.shape_cast %get3A_338 : vector<1x16xf32> to vector<16xf32>
          %add3A_340 = arith.addf %get3A_335, %get3A_339 : vector<16xf32>
          %swap3A_341 = arith.index_cast %scan3A_109 : i32 to index
          %swap3A_342 = arith.constant 256 : index
          %swap3A_343 = tpu.vector_load %arg9[%swap3A_341, %swap3A_342] {strides = array<i32>} : memref<40x768xf32, #tpu.memory_space<vmem>>, vector<1x16xf32>,
          %swap3A_344 = vector.shape_cast %swap3A_343 : vector<1x16xf32> to vector<16xf32>
          %swap3A_345 = vector.shape_cast %add3A_340 : vector<16xf32> to vector<1x16xf32>
          tpu.vector_store %arg9[%swap3A_341, %swap3A_342], %swap3A_345 {strides = array<i32>} : memref<40x768xf32, #tpu.memory_space<vmem>>, vector<1x16xf32>,
          %get3A_346 = arith.index_cast %scan3A_109 : i32 to index
          %get3A_347 = arith.constant 272 : index
          %get3A_348 = tpu.vector_load %arg9[%get3A_346, %get3A_347] {strides = array<i32>} : memref<40x768xf32, #tpu.memory_space<vmem>>, vector<1x16xf32>,
          %get3A_349 = vector.shape_cast %get3A_348 : vector<1x16xf32> to vector<16xf32>
          %get3A_350 = arith.index_cast %scan3A_109 : i32 to index
          %get3A_351 = arith.constant 272 : index
          %get3A_352 = tpu.vector_load %arg7[%get3A_350, %get3A_351] {strides = array<i32>} : memref<40x768xf32, #tpu.memory_space<vmem>>, vector<1x16xf32>,
          %get3A_353 = vector.shape_cast %get3A_352 : vector<1x16xf32> to vector<16xf32>
          %add3A_354 = arith.addf %get3A_349, %get3A_353 : vector<16xf32>
          %swap3A_355 = arith.index_cast %scan3A_109 : i32 to index
          %swap3A_356 = arith.constant 272 : index
          %swap3A_357 = tpu.vector_load %arg9[%swap3A_355, %swap3A_356] {strides = array<i32>} : memref<40x768xf32, #tpu.memory_space<vmem>>, vector<1x16xf32>,
          %swap3A_358 = vector.shape_cast %swap3A_357 : vector<1x16xf32> to vector<16xf32>
          %swap3A_359 = vector.shape_cast %add3A_354 : vector<16xf32> to vector<1x16xf32>
          tpu.vector_store %arg9[%swap3A_355, %swap3A_356], %swap3A_359 {strides = array<i32>} : memref<40x768xf32, #tpu.memory_space<vmem>>, vector<1x16xf32>,
          %get3A_360 = arith.index_cast %scan3A_109 : i32 to index
          %get3A_361 = arith.constant 288 : index
          %get3A_362 = tpu.vector_load %arg9[%get3A_360, %get3A_361] {strides = array<i32>} : memref<40x768xf32, #tpu.memory_space<vmem>>, vector<1x16xf32>,
          %get3A_363 = vector.shape_cast %get3A_362 : vector<1x16xf32> to vector<16xf32>
          %get3A_364 = arith.index_cast %scan3A_109 : i32 to index
          %get3A_365 = arith.constant 288 : index
          %get3A_366 = tpu.vector_load %arg7[%get3A_364, %get3A_365] {strides = array<i32>} : memref<40x768xf32, #tpu.memory_space<vmem>>, vector<1x16xf32>,
          %get3A_367 = vector.shape_cast %get3A_366 : vector<1x16xf32> to vector<16xf32>
          %add3A_368 = arith.addf %get3A_363, %get3A_367 : vector<16xf32>
          %swap3A_369 = arith.index_cast %scan3A_109 : i32 to index
          %swap3A_370 = arith.constant 288 : index
          %swap3A_371 = tpu.vector_load %arg9[%swap3A_369, %swap3A_370] {strides = array<i32>} : memref<40x768xf32, #tpu.memory_space<vmem>>, vector<1x16xf32>,
          %swap3A_372 = vector.shape_cast %swap3A_371 : vector<1x16xf32> to vector<16xf32>
          %swap3A_373 = vector.shape_cast %add3A_368 : vector<16xf32> to vector<1x16xf32>
          tpu.vector_store %arg9[%swap3A_369, %swap3A_370], %swap3A_373 {strides = array<i32>} : memref<40x768xf32, #tpu.memory_space<vmem>>, vector<1x16xf32>,
          %get3A_374 = arith.index_cast %scan3A_109 : i32 to index
          %get3A_375 = arith.constant 304 : index
          %get3A_376 = tpu.vector_load %arg9[%get3A_374, %get3A_375] {strides = array<i32>} : memref<40x768xf32, #tpu.memory_space<vmem>>, vector<1x16xf32>,
          %get3A_377 = vector.shape_cast %get3A_376 : vector<1x16xf32> to vector<16xf32>
          %get3A_378 = arith.index_cast %scan3A_109 : i32 to index
          %get3A_379 = arith.constant 304 : index
          %get3A_380 = tpu.vector_load %arg7[%get3A_378, %get3A_379] {strides = array<i32>} : memref<40x768xf32, #tpu.memory_space<vmem>>, vector<1x16xf32>,
          %get3A_381 = vector.shape_cast %get3A_380 : vector<1x16xf32> to vector<16xf32>
          %add3A_382 = arith.addf %get3A_377, %get3A_381 : vector<16xf32>
          %swap3A_383 = arith.index_cast %scan3A_109 : i32 to index
          %swap3A_384 = arith.constant 304 : index
          %swap3A_385 = tpu.vector_load %arg9[%swap3A_383, %swap3A_384] {strides = array<i32>} : memref<40x768xf32, #tpu.memory_space<vmem>>, vector<1x16xf32>,
          %swap3A_386 = vector.shape_cast %swap3A_385 : vector<1x16xf32> to vector<16xf32>
          %swap3A_387 = vector.shape_cast %add3A_382 : vector<16xf32> to vector<1x16xf32>
          tpu.vector_store %arg9[%swap3A_383, %swap3A_384], %swap3A_387 {strides = array<i32>} : memref<40x768xf32, #tpu.memory_space<vmem>>, vector<1x16xf32>,
          %get3A_388 = arith.index_cast %scan3A_109 : i32 to index
          %get3A_389 = arith.constant 320 : index
          %get3A_390 = tpu.vector_load %arg9[%get3A_388, %get3A_389] {strides = array<i32>} : memref<40x768xf32, #tpu.memory_space<vmem>>, vector<1x16xf32>,
          %get3A_391 = vector.shape_cast %get3A_390 : vector<1x16xf32> to vector<16xf32>
          %get3A_392 = arith.index_cast %scan3A_109 : i32 to index
          %get3A_393 = arith.constant 320 : index
          %get3A_394 = tpu.vector_load %arg7[%get3A_392, %get3A_393] {strides = array<i32>} : memref<40x768xf32, #tpu.memory_space<vmem>>, vector<1x16xf32>,
          %get3A_395 = vector.shape_cast %get3A_394 : vector<1x16xf32> to vector<16xf32>
          %add3A_396 = arith.addf %get3A_391, %get3A_395 : vector<16xf32>
          %swap3A_397 = arith.index_cast %scan3A_109 : i32 to index
          %swap3A_398 = arith.constant 320 : index
          %swap3A_399 = tpu.vector_load %arg9[%swap3A_397, %swap3A_398] {strides = array<i32>} : memref<40x768xf32, #tpu.memory_space<vmem>>, vector<1x16xf32>,
          %swap3A_400 = vector.shape_cast %swap3A_399 : vector<1x16xf32> to vector<16xf32>
          %swap3A_401 = vector.shape_cast %add3A_396 : vector<16xf32> to vector<1x16xf32>
          tpu.vector_store %arg9[%swap3A_397, %swap3A_398], %swap3A_401 {strides = array<i32>} : memref<40x768xf32, #tpu.memory_space<vmem>>, vector<1x16xf32>,
          %get3A_402 = arith.index_cast %scan3A_109 : i32 to index
          %get3A_403 = arith.constant 336 : index
          %get3A_404 = tpu.vector_load %arg9[%get3A_402, %get3A_403] {strides = array<i32>} : memref<40x768xf32, #tpu.memory_space<vmem>>, vector<1x16xf32>,
          %get3A_405 = vector.shape_cast %get3A_404 : vector<1x16xf32> to vector<16xf32>
          %get3A_406 = arith.index_cast %scan3A_109 : i32 to index
          %get3A_407 = arith.constant 336 : index
          %get3A_408 = tpu.vector_load %arg7[%get3A_406, %get3A_407] {strides = array<i32>} : memref<40x768xf32, #tpu.memory_space<vmem>>, vector<1x16xf32>,
          %get3A_409 = vector.shape_cast %get3A_408 : vector<1x16xf32> to vector<16xf32>
          %add3A_410 = arith.addf %get3A_405, %get3A_409 : vector<16xf32>
          %swap3A_411 = arith.index_cast %scan3A_109 : i32 to index
          %swap3A_412 = arith.constant 336 : index
          %swap3A_413 = tpu.vector_load %arg9[%swap3A_411, %swap3A_412] {strides = array<i32>} : memref<40x768xf32, #tpu.memory_space<vmem>>, vector<1x16xf32>,
          %swap3A_414 = vector.shape_cast %swap3A_413 : vector<1x16xf32> to vector<16xf32>
          %swap3A_415 = vector.shape_cast %add3A_410 : vector<16xf32> to vector<1x16xf32>
          tpu.vector_store %arg9[%swap3A_411, %swap3A_412], %swap3A_415 {strides = array<i32>} : memref<40x768xf32, #tpu.memory_space<vmem>>, vector<1x16xf32>,
          %get3A_416 = arith.index_cast %scan3A_109 : i32 to index
          %get3A_417 = arith.constant 352 : index
          %get3A_418 = tpu.vector_load %arg9[%get3A_416, %get3A_417] {strides = array<i32>} : memref<40x768xf32, #tpu.memory_space<vmem>>, vector<1x16xf32>,
          %get3A_419 = vector.shape_cast %get3A_418 : vector<1x16xf32> to vector<16xf32>
          %get3A_420 = arith.index_cast %scan3A_109 : i32 to index
          %get3A_421 = arith.constant 352 : index
          %get3A_422 = tpu.vector_load %arg7[%get3A_420, %get3A_421] {strides = array<i32>} : memref<40x768xf32, #tpu.memory_space<vmem>>, vector<1x16xf32>,
          %get3A_423 = vector.shape_cast %get3A_422 : vector<1x16xf32> to vector<16xf32>
          %add3A_424 = arith.addf %get3A_419, %get3A_423 : vector<16xf32>
          %swap3A_425 = arith.index_cast %scan3A_109 : i32 to index
          %swap3A_426 = arith.constant 352 : index
          %swap3A_427 = tpu.vector_load %arg9[%swap3A_425, %swap3A_426] {strides = array<i32>} : memref<40x768xf32, #tpu.memory_space<vmem>>, vector<1x16xf32>,
          %swap3A_428 = vector.shape_cast %swap3A_427 : vector<1x16xf32> to vector<16xf32>
          %swap3A_429 = vector.shape_cast %add3A_424 : vector<16xf32> to vector<1x16xf32>
          tpu.vector_store %arg9[%swap3A_425, %swap3A_426], %swap3A_429 {strides = array<i32>} : memref<40x768xf32, #tpu.memory_space<vmem>>, vector<1x16xf32>,
          %get3A_430 = arith.index_cast %scan3A_109 : i32 to index
          %get3A_431 = arith.constant 368 : index
          %get3A_432 = tpu.vector_load %arg9[%get3A_430, %get3A_431] {strides = array<i32>} : memref<40x768xf32, #tpu.memory_space<vmem>>, vector<1x16xf32>,
          %get3A_433 = vector.shape_cast %get3A_432 : vector<1x16xf32> to vector<16xf32>
          %get3A_434 = arith.index_cast %scan3A_109 : i32 to index
          %get3A_435 = arith.constant 368 : index
          %get3A_436 = tpu.vector_load %arg7[%get3A_434, %get3A_435] {strides = array<i32>} : memref<40x768xf32, #tpu.memory_space<vmem>>, vector<1x16xf32>,
          %get3A_437 = vector.shape_cast %get3A_436 : vector<1x16xf32> to vector<16xf32>
          %add3A_438 = arith.addf %get3A_433, %get3A_437 : vector<16xf32>
          %swap3A_439 = arith.index_cast %scan3A_109 : i32 to index
          %swap3A_440 = arith.constant 368 : index
          %swap3A_441 = tpu.vector_load %arg9[%swap3A_439, %swap3A_440] {strides = array<i32>} : memref<40x768xf32, #tpu.memory_space<vmem>>, vector<1x16xf32>,
          %swap3A_442 = vector.shape_cast %swap3A_441 : vector<1x16xf32> to vector<16xf32>
          %swap3A_443 = vector.shape_cast %add3A_438 : vector<16xf32> to vector<1x16xf32>
          tpu.vector_store %arg9[%swap3A_439, %swap3A_440], %swap3A_443 {strides = array<i32>} : memref<40x768xf32, #tpu.memory_space<vmem>>, vector<1x16xf32>,
          %get3A_444 = arith.index_cast %scan3A_109 : i32 to index
          %get3A_445 = arith.constant 384 : index
          %get3A_446 = tpu.vector_load %arg9[%get3A_444, %get3A_445] {strides = array<i32>} : memref<40x768xf32, #tpu.memory_space<vmem>>, vector<1x16xf32>,
          %get3A_447 = vector.shape_cast %get3A_446 : vector<1x16xf32> to vector<16xf32>
          %get3A_448 = arith.index_cast %scan3A_109 : i32 to index
          %get3A_449 = arith.constant 384 : index
          %get3A_450 = tpu.vector_load %arg7[%get3A_448, %get3A_449] {strides = array<i32>} : memref<40x768xf32, #tpu.memory_space<vmem>>, vector<1x16xf32>,
          %get3A_451 = vector.shape_cast %get3A_450 : vector<1x16xf32> to vector<16xf32>
          %add3A_452 = arith.addf %get3A_447, %get3A_451 : vector<16xf32>
          %swap3A_453 = arith.index_cast %scan3A_109 : i32 to index
          %swap3A_454 = arith.constant 384 : index
          %swap3A_455 = tpu.vector_load %arg9[%swap3A_453, %swap3A_454] {strides = array<i32>} : memref<40x768xf32, #tpu.memory_space<vmem>>, vector<1x16xf32>,
          %swap3A_456 = vector.shape_cast %swap3A_455 : vector<1x16xf32> to vector<16xf32>
          %swap3A_457 = vector.shape_cast %add3A_452 : vector<16xf32> to vector<1x16xf32>
          tpu.vector_store %arg9[%swap3A_453, %swap3A_454], %swap3A_457 {strides = array<i32>} : memref<40x768xf32, #tpu.memory_space<vmem>>, vector<1x16xf32>,
          %get3A_458 = arith.index_cast %scan3A_109 : i32 to index
          %get3A_459 = arith.constant 400 : index
          %get3A_460 = tpu.vector_load %arg9[%get3A_458, %get3A_459] {strides = array<i32>} : memref<40x768xf32, #tpu.memory_space<vmem>>, vector<1x16xf32>,
          %get3A_461 = vector.shape_cast %get3A_460 : vector<1x16xf32> to vector<16xf32>
          %get3A_462 = arith.index_cast %scan3A_109 : i32 to index
          %get3A_463 = arith.constant 400 : index
          %get3A_464 = tpu.vector_load %arg7[%get3A_462, %get3A_463] {strides = array<i32>} : memref<40x768xf32, #tpu.memory_space<vmem>>, vector<1x16xf32>,
          %get3A_465 = vector.shape_cast %get3A_464 : vector<1x16xf32> to vector<16xf32>
          %add3A_466 = arith.addf %get3A_461, %get3A_465 : vector<16xf32>
          %swap3A_467 = arith.index_cast %scan3A_109 : i32 to index
          %swap3A_468 = arith.constant 400 : index
          %swap3A_469 = tpu.vector_load %arg9[%swap3A_467, %swap3A_468] {strides = array<i32>} : memref<40x768xf32, #tpu.memory_space<vmem>>, vector<1x16xf32>,
          %swap3A_470 = vector.shape_cast %swap3A_469 : vector<1x16xf32> to vector<16xf32>
          %swap3A_471 = vector.shape_cast %add3A_466 : vector<16xf32> to vector<1x16xf32>
          tpu.vector_store %arg9[%swap3A_467, %swap3A_468], %swap3A_471 {strides = array<i32>} : memref<40x768xf32, #tpu.memory_space<vmem>>, vector<1x16xf32>,
          %get3A_472 = arith.index_cast %scan3A_109 : i32 to index
          %get3A_473 = arith.constant 416 : index
          %get3A_474 = tpu.vector_load %arg9[%get3A_472, %get3A_473] {strides = array<i32>} : memref<40x768xf32, #tpu.memory_space<vmem>>, vector<1x16xf32>,
          %get3A_475 = vector.shape_cast %get3A_474 : vector<1x16xf32> to vector<16xf32>
          %get3A_476 = arith.index_cast %scan3A_109 : i32 to index
          %get3A_477 = arith.constant 416 : index
          %get3A_478 = tpu.vector_load %arg7[%get3A_476, %get3A_477] {strides = array<i32>} : memref<40x768xf32, #tpu.memory_space<vmem>>, vector<1x16xf32>,
          %get3A_479 = vector.shape_cast %get3A_478 : vector<1x16xf32> to vector<16xf32>
          %add3A_480 = arith.addf %get3A_475, %get3A_479 : vector<16xf32>
          %swap3A_481 = arith.index_cast %scan3A_109 : i32 to index
          %swap3A_482 = arith.constant 416 : index
          %swap3A_483 = tpu.vector_load %arg9[%swap3A_481, %swap3A_482] {strides = array<i32>} : memref<40x768xf32, #tpu.memory_space<vmem>>, vector<1x16xf32>,
          %swap3A_484 = vector.shape_cast %swap3A_483 : vector<1x16xf32> to vector<16xf32>
          %swap3A_485 = vector.shape_cast %add3A_480 : vector<16xf32> to vector<1x16xf32>
          tpu.vector_store %arg9[%swap3A_481, %swap3A_482], %swap3A_485 {strides = array<i32>} : memref<40x768xf32, #tpu.memory_space<vmem>>, vector<1x16xf32>,
          %get3A_486 = arith.index_cast %scan3A_109 : i32 to index
          %get3A_487 = arith.constant 432 : index
          %get3A_488 = tpu.vector_load %arg9[%get3A_486, %get3A_487] {strides = array<i32>} : memref<40x768xf32, #tpu.memory_space<vmem>>, vector<1x16xf32>,
          %get3A_489 = vector.shape_cast %get3A_488 : vector<1x16xf32> to vector<16xf32>
          %get3A_490 = arith.index_cast %scan3A_109 : i32 to index
          %get3A_491 = arith.constant 432 : index
          %get3A_492 = tpu.vector_load %arg7[%get3A_490, %get3A_491] {strides = array<i32>} : memref<40x768xf32, #tpu.memory_space<vmem>>, vector<1x16xf32>,
          %get3A_493 = vector.shape_cast %get3A_492 : vector<1x16xf32> to vector<16xf32>
          %add3A_494 = arith.addf %get3A_489, %get3A_493 : vector<16xf32>
          %swap3A_495 = arith.index_cast %scan3A_109 : i32 to index
          %swap3A_496 = arith.constant 432 : index
          %swap3A_497 = tpu.vector_load %arg9[%swap3A_495, %swap3A_496] {strides = array<i32>} : memref<40x768xf32, #tpu.memory_space<vmem>>, vector<1x16xf32>,
          %swap3A_498 = vector.shape_cast %swap3A_497 : vector<1x16xf32> to vector<16xf32>
          %swap3A_499 = vector.shape_cast %add3A_494 : vector<16xf32> to vector<1x16xf32>
          tpu.vector_store %arg9[%swap3A_495, %swap3A_496], %swap3A_499 {strides = array<i32>} : memref<40x768xf32, #tpu.memory_space<vmem>>, vector<1x16xf32>,
          %get3A_500 = arith.index_cast %scan3A_109 : i32 to index
          %get3A_501 = arith.constant 448 : index
          %get3A_502 = tpu.vector_load %arg9[%get3A_500, %get3A_501] {strides = array<i32>} : memref<40x768xf32, #tpu.memory_space<vmem>>, vector<1x16xf32>,
          %get3A_503 = vector.shape_cast %get3A_502 : vector<1x16xf32> to vector<16xf32>
          %get3A_504 = arith.index_cast %scan3A_109 : i32 to index
          %get3A_505 = arith.constant 448 : index
          %get3A_506 = tpu.vector_load %arg7[%get3A_504, %get3A_505] {strides = array<i32>} : memref<40x768xf32, #tpu.memory_space<vmem>>, vector<1x16xf32>,
          %get3A_507 = vector.shape_cast %get3A_506 : vector<1x16xf32> to vector<16xf32>
          %add3A_508 = arith.addf %get3A_503, %get3A_507 : vector<16xf32>
          %swap3A_509 = arith.index_cast %scan3A_109 : i32 to index
          %swap3A_510 = arith.constant 448 : index
          %swap3A_511 = tpu.vector_load %arg9[%swap3A_509, %swap3A_510] {strides = array<i32>} : memref<40x768xf32, #tpu.memory_space<vmem>>, vector<1x16xf32>,
          %swap3A_512 = vector.shape_cast %swap3A_511 : vector<1x16xf32> to vector<16xf32>
          %swap3A_513 = vector.shape_cast %add3A_508 : vector<16xf32> to vector<1x16xf32>
          tpu.vector_store %arg9[%swap3A_509, %swap3A_510], %swap3A_513 {strides = array<i32>} : memref<40x768xf32, #tpu.memory_space<vmem>>, vector<1x16xf32>,
          %get3A_514 = arith.index_cast %scan3A_109 : i32 to index
          %get3A_515 = arith.constant 464 : index
          %get3A_516 = tpu.vector_load %arg9[%get3A_514, %get3A_515] {strides = array<i32>} : memref<40x768xf32, #tpu.memory_space<vmem>>, vector<1x16xf32>,
          %get3A_517 = vector.shape_cast %get3A_516 : vector<1x16xf32> to vector<16xf32>
          %get3A_518 = arith.index_cast %scan3A_109 : i32 to index
          %get3A_519 = arith.constant 464 : index
          %get3A_520 = tpu.vector_load %arg7[%get3A_518, %get3A_519] {strides = array<i32>} : memref<40x768xf32, #tpu.memory_space<vmem>>, vector<1x16xf32>,
          %get3A_521 = vector.shape_cast %get3A_520 : vector<1x16xf32> to vector<16xf32>
          %add3A_522 = arith.addf %get3A_517, %get3A_521 : vector<16xf32>
          %swap3A_523 = arith.index_cast %scan3A_109 : i32 to index
          %swap3A_524 = arith.constant 464 : index
          %swap3A_525 = tpu.vector_load %arg9[%swap3A_523, %swap3A_524] {strides = array<i32>} : memref<40x768xf32, #tpu.memory_space<vmem>>, vector<1x16xf32>,
          %swap3A_526 = vector.shape_cast %swap3A_525 : vector<1x16xf32> to vector<16xf32>
          %swap3A_527 = vector.shape_cast %add3A_522 : vector<16xf32> to vector<1x16xf32>
          tpu.vector_store %arg9[%swap3A_523, %swap3A_524], %swap3A_527 {strides = array<i32>} : memref<40x768xf32, #tpu.memory_space<vmem>>, vector<1x16xf32>,
          %get3A_528 = arith.index_cast %scan3A_109 : i32 to index
          %get3A_529 = arith.constant 480 : index
          %get3A_530 = tpu.vector_load %arg9[%get3A_528, %get3A_529] {strides = array<i32>} : memref<40x768xf32, #tpu.memory_space<vmem>>, vector<1x16xf32>,
          %get3A_531 = vector.shape_cast %get3A_530 : vector<1x16xf32> to vector<16xf32>
          %get3A_532 = arith.index_cast %scan3A_109 : i32 to index
          %get3A_533 = arith.constant 480 : index
          %get3A_534 = tpu.vector_load %arg7[%get3A_532, %get3A_533] {strides = array<i32>} : memref<40x768xf32, #tpu.memory_space<vmem>>, vector<1x16xf32>,
          %get3A_535 = vector.shape_cast %get3A_534 : vector<1x16xf32> to vector<16xf32>
          %add3A_536 = arith.addf %get3A_531, %get3A_535 : vector<16xf32>
          %swap3A_537 = arith.index_cast %scan3A_109 : i32 to index
          %swap3A_538 = arith.constant 480 : index
          %swap3A_539 = tpu.vector_load %arg9[%swap3A_537, %swap3A_538] {strides = array<i32>} : memref<40x768xf32, #tpu.memory_space<vmem>>, vector<1x16xf32>,
          %swap3A_540 = vector.shape_cast %swap3A_539 : vector<1x16xf32> to vector<16xf32>
          %swap3A_541 = vector.shape_cast %add3A_536 : vector<16xf32> to vector<1x16xf32>
          tpu.vector_store %arg9[%swap3A_537, %swap3A_538], %swap3A_541 {strides = array<i32>} : memref<40x768xf32, #tpu.memory_space<vmem>>, vector<1x16xf32>,
          %get3A_542 = arith.index_cast %scan3A_109 : i32 to index
          %get3A_543 = arith.constant 496 : index
          %get3A_544 = tpu.vector_load %arg9[%get3A_542, %get3A_543] {strides = array<i32>} : memref<40x768xf32, #tpu.memory_space<vmem>>, vector<1x16xf32>,
          %get3A_545 = vector.shape_cast %get3A_544 : vector<1x16xf32> to vector<16xf32>
          %get3A_546 = arith.index_cast %scan3A_109 : i32 to index
          %get3A_547 = arith.constant 496 : index
          %get3A_548 = tpu.vector_load %arg7[%get3A_546, %get3A_547] {strides = array<i32>} : memref<40x768xf32, #tpu.memory_space<vmem>>, vector<1x16xf32>,
          %get3A_549 = vector.shape_cast %get3A_548 : vector<1x16xf32> to vector<16xf32>
          %add3A_550 = arith.addf %get3A_545, %get3A_549 : vector<16xf32>
          %swap3A_551 = arith.index_cast %scan3A_109 : i32 to index
          %swap3A_552 = arith.constant 496 : index
          %swap3A_553 = tpu.vector_load %arg9[%swap3A_551, %swap3A_552] {strides = array<i32>} : memref<40x768xf32, #tpu.memory_space<vmem>>, vector<1x16xf32>,
          %swap3A_554 = vector.shape_cast %swap3A_553 : vector<1x16xf32> to vector<16xf32>
          %swap3A_555 = vector.shape_cast %add3A_550 : vector<16xf32> to vector<1x16xf32>
          tpu.vector_store %arg9[%swap3A_551, %swap3A_552], %swap3A_555 {strides = array<i32>} : memref<40x768xf32, #tpu.memory_space<vmem>>, vector<1x16xf32>,
          %get3A_556 = arith.index_cast %scan3A_109 : i32 to index
          %get3A_557 = arith.constant 512 : index
          %get3A_558 = tpu.vector_load %arg9[%get3A_556, %get3A_557] {strides = array<i32>} : memref<40x768xf32, #tpu.memory_space<vmem>>, vector<1x16xf32>,
          %get3A_559 = vector.shape_cast %get3A_558 : vector<1x16xf32> to vector<16xf32>
          %get3A_560 = arith.index_cast %scan3A_109 : i32 to index
          %get3A_561 = arith.constant 512 : index
          %get3A_562 = tpu.vector_load %arg7[%get3A_560, %get3A_561] {strides = array<i32>} : memref<40x768xf32, #tpu.memory_space<vmem>>, vector<1x16xf32>,
          %get3A_563 = vector.shape_cast %get3A_562 : vector<1x16xf32> to vector<16xf32>
          %add3A_564 = arith.addf %get3A_559, %get3A_563 : vector<16xf32>
          %swap3A_565 = arith.index_cast %scan3A_109 : i32 to index
          %swap3A_566 = arith.constant 512 : index
          %swap3A_567 = tpu.vector_load %arg9[%swap3A_565, %swap3A_566] {strides = array<i32>} : memref<40x768xf32, #tpu.memory_space<vmem>>, vector<1x16xf32>,
          %swap3A_568 = vector.shape_cast %swap3A_567 : vector<1x16xf32> to vector<16xf32>
          %swap3A_569 = vector.shape_cast %add3A_564 : vector<16xf32> to vector<1x16xf32>
          tpu.vector_store %arg9[%swap3A_565, %swap3A_566], %swap3A_569 {strides = array<i32>} : memref<40x768xf32, #tpu.memory_space<vmem>>, vector<1x16xf32>,
          %get3A_570 = arith.index_cast %scan3A_109 : i32 to index
          %get3A_571 = arith.constant 528 : index
          %get3A_572 = tpu.vector_load %arg9[%get3A_570, %get3A_571] {strides = array<i32>} : memref<40x768xf32, #tpu.memory_space<vmem>>, vector<1x16xf32>,
          %get3A_573 = vector.shape_cast %get3A_572 : vector<1x16xf32> to vector<16xf32>
          %get3A_574 = arith.index_cast %scan3A_109 : i32 to index
          %get3A_575 = arith.constant 528 : index
          %get3A_576 = tpu.vector_load %arg7[%get3A_574, %get3A_575] {strides = array<i32>} : memref<40x768xf32, #tpu.memory_space<vmem>>, vector<1x16xf32>,
          %get3A_577 = vector.shape_cast %get3A_576 : vector<1x16xf32> to vector<16xf32>
          %add3A_578 = arith.addf %get3A_573, %get3A_577 : vector<16xf32>
          %swap3A_579 = arith.index_cast %scan3A_109 : i32 to index
          %swap3A_580 = arith.constant 528 : index
          %swap3A_581 = tpu.vector_load %arg9[%swap3A_579, %swap3A_580] {strides = array<i32>} : memref<40x768xf32, #tpu.memory_space<vmem>>, vector<1x16xf32>,
          %swap3A_582 = vector.shape_cast %swap3A_581 : vector<1x16xf32> to vector<16xf32>
          %swap3A_583 = vector.shape_cast %add3A_578 : vector<16xf32> to vector<1x16xf32>
          tpu.vector_store %arg9[%swap3A_579, %swap3A_580], %swap3A_583 {strides = array<i32>} : memref<40x768xf32, #tpu.memory_space<vmem>>, vector<1x16xf32>,
          %get3A_584 = arith.index_cast %scan3A_109 : i32 to index
          %get3A_585 = arith.constant 544 : index
          %get3A_586 = tpu.vector_load %arg9[%get3A_584, %get3A_585] {strides = array<i32>} : memref<40x768xf32, #tpu.memory_space<vmem>>, vector<1x16xf32>,
          %get3A_587 = vector.shape_cast %get3A_586 : vector<1x16xf32> to vector<16xf32>
          %get3A_588 = arith.index_cast %scan3A_109 : i32 to index
          %get3A_589 = arith.constant 544 : index
          %get3A_590 = tpu.vector_load %arg7[%get3A_588, %get3A_589] {strides = array<i32>} : memref<40x768xf32, #tpu.memory_space<vmem>>, vector<1x16xf32>,
          %get3A_591 = vector.shape_cast %get3A_590 : vector<1x16xf32> to vector<16xf32>
          %add3A_592 = arith.addf %get3A_587, %get3A_591 : vector<16xf32>
          %swap3A_593 = arith.index_cast %scan3A_109 : i32 to index
          %swap3A_594 = arith.constant 544 : index
          %swap3A_595 = tpu.vector_load %arg9[%swap3A_593, %swap3A_594] {strides = array<i32>} : memref<40x768xf32, #tpu.memory_space<vmem>>, vector<1x16xf32>,
          %swap3A_596 = vector.shape_cast %swap3A_595 : vector<1x16xf32> to vector<16xf32>
          %swap3A_597 = vector.shape_cast %add3A_592 : vector<16xf32> to vector<1x16xf32>
          tpu.vector_store %arg9[%swap3A_593, %swap3A_594], %swap3A_597 {strides = array<i32>} : memref<40x768xf32, #tpu.memory_space<vmem>>, vector<1x16xf32>,
          %get3A_598 = arith.index_cast %scan3A_109 : i32 to index
          %get3A_599 = arith.constant 560 : index
          %get3A_600 = tpu.vector_load %arg9[%get3A_598, %get3A_599] {strides = array<i32>} : memref<40x768xf32, #tpu.memory_space<vmem>>, vector<1x16xf32>,
          %get3A_601 = vector.shape_cast %get3A_600 : vector<1x16xf32> to vector<16xf32>
          %get3A_602 = arith.index_cast %scan3A_109 : i32 to index
          %get3A_603 = arith.constant 560 : index
          %get3A_604 = tpu.vector_load %arg7[%get3A_602, %get3A_603] {strides = array<i32>} : memref<40x768xf32, #tpu.memory_space<vmem>>, vector<1x16xf32>,
          %get3A_605 = vector.shape_cast %get3A_604 : vector<1x16xf32> to vector<16xf32>
          %add3A_606 = arith.addf %get3A_601, %get3A_605 : vector<16xf32>
          %swap3A_607 = arith.index_cast %scan3A_109 : i32 to index
          %swap3A_608 = arith.constant 560 : index
          %swap3A_609 = tpu.vector_load %arg9[%swap3A_607, %swap3A_608] {strides = array<i32>} : memref<40x768xf32, #tpu.memory_space<vmem>>, vector<1x16xf32>,
          %swap3A_610 = vector.shape_cast %swap3A_609 : vector<1x16xf32> to vector<16xf32>
          %swap3A_611 = vector.shape_cast %add3A_606 : vector<16xf32> to vector<1x16xf32>
          tpu.vector_store %arg9[%swap3A_607, %swap3A_608], %swap3A_611 {strides = array<i32>} : memref<40x768xf32, #tpu.memory_space<vmem>>, vector<1x16xf32>,
          %get3A_612 = arith.index_cast %scan3A_109 : i32 to index
          %get3A_613 = arith.constant 576 : index
          %get3A_614 = tpu.vector_load %arg9[%get3A_612, %get3A_613] {strides = array<i32>} : memref<40x768xf32, #tpu.memory_space<vmem>>, vector<1x16xf32>,
          %get3A_615 = vector.shape_cast %get3A_614 : vector<1x16xf32> to vector<16xf32>
          %get3A_616 = arith.index_cast %scan3A_109 : i32 to index
          %get3A_617 = arith.constant 576 : index
          %get3A_618 = tpu.vector_load %arg7[%get3A_616, %get3A_617] {strides = array<i32>} : memref<40x768xf32, #tpu.memory_space<vmem>>, vector<1x16xf32>,
          %get3A_619 = vector.shape_cast %get3A_618 : vector<1x16xf32> to vector<16xf32>
          %add3A_620 = arith.addf %get3A_615, %get3A_619 : vector<16xf32>
          %swap3A_621 = arith.index_cast %scan3A_109 : i32 to index
          %swap3A_622 = arith.constant 576 : index
          %swap3A_623 = tpu.vector_load %arg9[%swap3A_621, %swap3A_622] {strides = array<i32>} : memref<40x768xf32, #tpu.memory_space<vmem>>, vector<1x16xf32>,
          %swap3A_624 = vector.shape_cast %swap3A_623 : vector<1x16xf32> to vector<16xf32>
          %swap3A_625 = vector.shape_cast %add3A_620 : vector<16xf32> to vector<1x16xf32>
          tpu.vector_store %arg9[%swap3A_621, %swap3A_622], %swap3A_625 {strides = array<i32>} : memref<40x768xf32, #tpu.memory_space<vmem>>, vector<1x16xf32>,
          %get3A_626 = arith.index_cast %scan3A_109 : i32 to index
          %get3A_627 = arith.constant 592 : index
          %get3A_628 = tpu.vector_load %arg9[%get3A_626, %get3A_627] {strides = array<i32>} : memref<40x768xf32, #tpu.memory_space<vmem>>, vector<1x16xf32>,
          %get3A_629 = vector.shape_cast %get3A_628 : vector<1x16xf32> to vector<16xf32>
          %get3A_630 = arith.index_cast %scan3A_109 : i32 to index
          %get3A_631 = arith.constant 592 : index
          %get3A_632 = tpu.vector_load %arg7[%get3A_630, %get3A_631] {strides = array<i32>} : memref<40x768xf32, #tpu.memory_space<vmem>>, vector<1x16xf32>,
          %get3A_633 = vector.shape_cast %get3A_632 : vector<1x16xf32> to vector<16xf32>
          %add3A_634 = arith.addf %get3A_629, %get3A_633 : vector<16xf32>
          %swap3A_635 = arith.index_cast %scan3A_109 : i32 to index
          %swap3A_636 = arith.constant 592 : index
          %swap3A_637 = tpu.vector_load %arg9[%swap3A_635, %swap3A_636] {strides = array<i32>} : memref<40x768xf32, #tpu.memory_space<vmem>>, vector<1x16xf32>,
          %swap3A_638 = vector.shape_cast %swap3A_637 : vector<1x16xf32> to vector<16xf32>
          %swap3A_639 = vector.shape_cast %add3A_634 : vector<16xf32> to vector<1x16xf32>
          tpu.vector_store %arg9[%swap3A_635, %swap3A_636], %swap3A_639 {strides = array<i32>} : memref<40x768xf32, #tpu.memory_space<vmem>>, vector<1x16xf32>,
          %get3A_640 = arith.index_cast %scan3A_109 : i32 to index
          %get3A_641 = arith.constant 608 : index
          %get3A_642 = tpu.vector_load %arg9[%get3A_640, %get3A_641] {strides = array<i32>} : memref<40x768xf32, #tpu.memory_space<vmem>>, vector<1x16xf32>,
          %get3A_643 = vector.shape_cast %get3A_642 : vector<1x16xf32> to vector<16xf32>
          %get3A_644 = arith.index_cast %scan3A_109 : i32 to index
          %get3A_645 = arith.constant 608 : index
          %get3A_646 = tpu.vector_load %arg7[%get3A_644, %get3A_645] {strides = array<i32>} : memref<40x768xf32, #tpu.memory_space<vmem>>, vector<1x16xf32>,
          %get3A_647 = vector.shape_cast %get3A_646 : vector<1x16xf32> to vector<16xf32>
          %add3A_648 = arith.addf %get3A_643, %get3A_647 : vector<16xf32>
          %swap3A_649 = arith.index_cast %scan3A_109 : i32 to index
          %swap3A_650 = arith.constant 608 : index
          %swap3A_651 = tpu.vector_load %arg9[%swap3A_649, %swap3A_650] {strides = array<i32>} : memref<40x768xf32, #tpu.memory_space<vmem>>, vector<1x16xf32>,
          %swap3A_652 = vector.shape_cast %swap3A_651 : vector<1x16xf32> to vector<16xf32>
          %swap3A_653 = vector.shape_cast %add3A_648 : vector<16xf32> to vector<1x16xf32>
          tpu.vector_store %arg9[%swap3A_649, %swap3A_650], %swap3A_653 {strides = array<i32>} : memref<40x768xf32, #tpu.memory_space<vmem>>, vector<1x16xf32>,
          %get3A_654 = arith.index_cast %scan3A_109 : i32 to index
          %get3A_655 = arith.constant 624 : index
          %get3A_656 = tpu.vector_load %arg9[%get3A_654, %get3A_655] {strides = array<i32>} : memref<40x768xf32, #tpu.memory_space<vmem>>, vector<1x16xf32>,
          %get3A_657 = vector.shape_cast %get3A_656 : vector<1x16xf32> to vector<16xf32>
          %get3A_658 = arith.index_cast %scan3A_109 : i32 to index
          %get3A_659 = arith.constant 624 : index
          %get3A_660 = tpu.vector_load %arg7[%get3A_658, %get3A_659] {strides = array<i32>} : memref<40x768xf32, #tpu.memory_space<vmem>>, vector<1x16xf32>,
          %get3A_661 = vector.shape_cast %get3A_660 : vector<1x16xf32> to vector<16xf32>
          %add3A_662 = arith.addf %get3A_657, %get3A_661 : vector<16xf32>
          %swap3A_663 = arith.index_cast %scan3A_109 : i32 to index
          %swap3A_664 = arith.constant 624 : index
          %swap3A_665 = tpu.vector_load %arg9[%swap3A_663, %swap3A_664] {strides = array<i32>} : memref<40x768xf32, #tpu.memory_space<vmem>>, vector<1x16xf32>,
          %swap3A_666 = vector.shape_cast %swap3A_665 : vector<1x16xf32> to vector<16xf32>
          %swap3A_667 = vector.shape_cast %add3A_662 : vector<16xf32> to vector<1x16xf32>
          tpu.vector_store %arg9[%swap3A_663, %swap3A_664], %swap3A_667 {strides = array<i32>} : memref<40x768xf32, #tpu.memory_space<vmem>>, vector<1x16xf32>,
          %get3A_668 = arith.index_cast %scan3A_109 : i32 to index
          %get3A_669 = arith.constant 640 : index
          %get3A_670 = tpu.vector_load %arg9[%get3A_668, %get3A_669] {strides = array<i32>} : memref<40x768xf32, #tpu.memory_space<vmem>>, vector<1x16xf32>,
          %get3A_671 = vector.shape_cast %get3A_670 : vector<1x16xf32> to vector<16xf32>
          %get3A_672 = arith.index_cast %scan3A_109 : i32 to index
          %get3A_673 = arith.constant 640 : index
          %get3A_674 = tpu.vector_load %arg7[%get3A_672, %get3A_673] {strides = array<i32>} : memref<40x768xf32, #tpu.memory_space<vmem>>, vector<1x16xf32>,
          %get3A_675 = vector.shape_cast %get3A_674 : vector<1x16xf32> to vector<16xf32>
          %add3A_676 = arith.addf %get3A_671, %get3A_675 : vector<16xf32>
          %swap3A_677 = arith.index_cast %scan3A_109 : i32 to index
          %swap3A_678 = arith.constant 640 : index
          %swap3A_679 = tpu.vector_load %arg9[%swap3A_677, %swap3A_678] {strides = array<i32>} : memref<40x768xf32, #tpu.memory_space<vmem>>, vector<1x16xf32>,
          %swap3A_680 = vector.shape_cast %swap3A_679 : vector<1x16xf32> to vector<16xf32>
          %swap3A_681 = vector.shape_cast %add3A_676 : vector<16xf32> to vector<1x16xf32>
          tpu.vector_store %arg9[%swap3A_677, %swap3A_678], %swap3A_681 {strides = array<i32>} : memref<40x768xf32, #tpu.memory_space<vmem>>, vector<1x16xf32>,
          %get3A_682 = arith.index_cast %scan3A_109 : i32 to index
          %get3A_683 = arith.constant 656 : index
          %get3A_684 = tpu.vector_load %arg9[%get3A_682, %get3A_683] {strides = array<i32>} : memref<40x768xf32, #tpu.memory_space<vmem>>, vector<1x16xf32>,
          %get3A_685 = vector.shape_cast %get3A_684 : vector<1x16xf32> to vector<16xf32>
          %get3A_686 = arith.index_cast %scan3A_109 : i32 to index
          %get3A_687 = arith.constant 656 : index
          %get3A_688 = tpu.vector_load %arg7[%get3A_686, %get3A_687] {strides = array<i32>} : memref<40x768xf32, #tpu.memory_space<vmem>>, vector<1x16xf32>,
          %get3A_689 = vector.shape_cast %get3A_688 : vector<1x16xf32> to vector<16xf32>
          %add3A_690 = arith.addf %get3A_685, %get3A_689 : vector<16xf32>
          %swap3A_691 = arith.index_cast %scan3A_109 : i32 to index
          %swap3A_692 = arith.constant 656 : index
          %swap3A_693 = tpu.vector_load %arg9[%swap3A_691, %swap3A_692] {strides = array<i32>} : memref<40x768xf32, #tpu.memory_space<vmem>>, vector<1x16xf32>,
          %swap3A_694 = vector.shape_cast %swap3A_693 : vector<1x16xf32> to vector<16xf32>
          %swap3A_695 = vector.shape_cast %add3A_690 : vector<16xf32> to vector<1x16xf32>
          tpu.vector_store %arg9[%swap3A_691, %swap3A_692], %swap3A_695 {strides = array<i32>} : memref<40x768xf32, #tpu.memory_space<vmem>>, vector<1x16xf32>,
          %get3A_696 = arith.index_cast %scan3A_109 : i32 to index
          %get3A_697 = arith.constant 672 : index
          %get3A_698 = tpu.vector_load %arg9[%get3A_696, %get3A_697] {strides = array<i32>} : memref<40x768xf32, #tpu.memory_space<vmem>>, vector<1x16xf32>,
          %get3A_699 = vector.shape_cast %get3A_698 : vector<1x16xf32> to vector<16xf32>
          %get3A_700 = arith.index_cast %scan3A_109 : i32 to index
          %get3A_701 = arith.constant 672 : index
          %get3A_702 = tpu.vector_load %arg7[%get3A_700, %get3A_701] {strides = array<i32>} : memref<40x768xf32, #tpu.memory_space<vmem>>, vector<1x16xf32>,
          %get3A_703 = vector.shape_cast %get3A_702 : vector<1x16xf32> to vector<16xf32>
          %add3A_704 = arith.addf %get3A_699, %get3A_703 : vector<16xf32>
          %swap3A_705 = arith.index_cast %scan3A_109 : i32 to index
          %swap3A_706 = arith.constant 672 : index
          %swap3A_707 = tpu.vector_load %arg9[%swap3A_705, %swap3A_706] {strides = array<i32>} : memref<40x768xf32, #tpu.memory_space<vmem>>, vector<1x16xf32>,
          %swap3A_708 = vector.shape_cast %swap3A_707 : vector<1x16xf32> to vector<16xf32>
          %swap3A_709 = vector.shape_cast %add3A_704 : vector<16xf32> to vector<1x16xf32>
          tpu.vector_store %arg9[%swap3A_705, %swap3A_706], %swap3A_709 {strides = array<i32>} : memref<40x768xf32, #tpu.memory_space<vmem>>, vector<1x16xf32>,
          %get3A_710 = arith.index_cast %scan3A_109 : i32 to index
          %get3A_711 = arith.constant 688 : index
          %get3A_712 = tpu.vector_load %arg9[%get3A_710, %get3A_711] {strides = array<i32>} : memref<40x768xf32, #tpu.memory_space<vmem>>, vector<1x16xf32>,
          %get3A_713 = vector.shape_cast %get3A_712 : vector<1x16xf32> to vector<16xf32>
          %get3A_714 = arith.index_cast %scan3A_109 : i32 to index
          %get3A_715 = arith.constant 688 : index
          %get3A_716 = tpu.vector_load %arg7[%get3A_714, %get3A_715] {strides = array<i32>} : memref<40x768xf32, #tpu.memory_space<vmem>>, vector<1x16xf32>,
          %get3A_717 = vector.shape_cast %get3A_716 : vector<1x16xf32> to vector<16xf32>
          %add3A_718 = arith.addf %get3A_713, %get3A_717 : vector<16xf32>
          %swap3A_719 = arith.index_cast %scan3A_109 : i32 to index
          %swap3A_720 = arith.constant 688 : index
          %swap3A_721 = tpu.vector_load %arg9[%swap3A_719, %swap3A_720] {strides = array<i32>} : memref<40x768xf32, #tpu.memory_space<vmem>>, vector<1x16xf32>,
          %swap3A_722 = vector.shape_cast %swap3A_721 : vector<1x16xf32> to vector<16xf32>
          %swap3A_723 = vector.shape_cast %add3A_718 : vector<16xf32> to vector<1x16xf32>
          tpu.vector_store %arg9[%swap3A_719, %swap3A_720], %swap3A_723 {strides = array<i32>} : memref<40x768xf32, #tpu.memory_space<vmem>>, vector<1x16xf32>,
          %get3A_724 = arith.index_cast %scan3A_109 : i32 to index
          %get3A_725 = arith.constant 704 : index
          %get3A_726 = tpu.vector_load %arg9[%get3A_724, %get3A_725] {strides = array<i32>} : memref<40x768xf32, #tpu.memory_space<vmem>>, vector<1x16xf32>,
          %get3A_727 = vector.shape_cast %get3A_726 : vector<1x16xf32> to vector<16xf32>
          %get3A_728 = arith.index_cast %scan3A_109 : i32 to index
          %get3A_729 = arith.constant 704 : index
          %get3A_730 = tpu.vector_load %arg7[%get3A_728, %get3A_729] {strides = array<i32>} : memref<40x768xf32, #tpu.memory_space<vmem>>, vector<1x16xf32>,
          %get3A_731 = vector.shape_cast %get3A_730 : vector<1x16xf32> to vector<16xf32>
          %add3A_732 = arith.addf %get3A_727, %get3A_731 : vector<16xf32>
          %swap3A_733 = arith.index_cast %scan3A_109 : i32 to index
          %swap3A_734 = arith.constant 704 : index
          %swap3A_735 = tpu.vector_load %arg9[%swap3A_733, %swap3A_734] {strides = array<i32>} : memref<40x768xf32, #tpu.memory_space<vmem>>, vector<1x16xf32>,
          %swap3A_736 = vector.shape_cast %swap3A_735 : vector<1x16xf32> to vector<16xf32>
          %swap3A_737 = vector.shape_cast %add3A_732 : vector<16xf32> to vector<1x16xf32>
          tpu.vector_store %arg9[%swap3A_733, %swap3A_734], %swap3A_737 {strides = array<i32>} : memref<40x768xf32, #tpu.memory_space<vmem>>, vector<1x16xf32>,
          %get3A_738 = arith.index_cast %scan3A_109 : i32 to index
          %get3A_739 = arith.constant 720 : index
          %get3A_740 = tpu.vector_load %arg9[%get3A_738, %get3A_739] {strides = array<i32>} : memref<40x768xf32, #tpu.memory_space<vmem>>, vector<1x16xf32>,
          %get3A_741 = vector.shape_cast %get3A_740 : vector<1x16xf32> to vector<16xf32>
          %get3A_742 = arith.index_cast %scan3A_109 : i32 to index
          %get3A_743 = arith.constant 720 : index
          %get3A_744 = tpu.vector_load %arg7[%get3A_742, %get3A_743] {strides = array<i32>} : memref<40x768xf32, #tpu.memory_space<vmem>>, vector<1x16xf32>,
          %get3A_745 = vector.shape_cast %get3A_744 : vector<1x16xf32> to vector<16xf32>
          %add3A_746 = arith.addf %get3A_741, %get3A_745 : vector<16xf32>
          %swap3A_747 = arith.index_cast %scan3A_109 : i32 to index
          %swap3A_748 = arith.constant 720 : index
          %swap3A_749 = tpu.vector_load %arg9[%swap3A_747, %swap3A_748] {strides = array<i32>} : memref<40x768xf32, #tpu.memory_space<vmem>>, vector<1x16xf32>,
          %swap3A_750 = vector.shape_cast %swap3A_749 : vector<1x16xf32> to vector<16xf32>
          %swap3A_751 = vector.shape_cast %add3A_746 : vector<16xf32> to vector<1x16xf32>
          tpu.vector_store %arg9[%swap3A_747, %swap3A_748], %swap3A_751 {strides = array<i32>} : memref<40x768xf32, #tpu.memory_space<vmem>>, vector<1x16xf32>,
          %get3A_752 = arith.index_cast %scan3A_109 : i32 to index
          %get3A_753 = arith.constant 736 : index
          %get3A_754 = tpu.vector_load %arg9[%get3A_752, %get3A_753] {strides = array<i32>} : memref<40x768xf32, #tpu.memory_space<vmem>>, vector<1x16xf32>,
          %get3A_755 = vector.shape_cast %get3A_754 : vector<1x16xf32> to vector<16xf32>
          %get3A_756 = arith.index_cast %scan3A_109 : i32 to index
          %get3A_757 = arith.constant 736 : index
          %get3A_758 = tpu.vector_load %arg7[%get3A_756, %get3A_757] {strides = array<i32>} : memref<40x768xf32, #tpu.memory_space<vmem>>, vector<1x16xf32>,
          %get3A_759 = vector.shape_cast %get3A_758 : vector<1x16xf32> to vector<16xf32>
          %add3A_760 = arith.addf %get3A_755, %get3A_759 : vector<16xf32>
          %swap3A_761 = arith.index_cast %scan3A_109 : i32 to index
          %swap3A_762 = arith.constant 736 : index
          %swap3A_763 = tpu.vector_load %arg9[%swap3A_761, %swap3A_762] {strides = array<i32>} : memref<40x768xf32, #tpu.memory_space<vmem>>, vector<1x16xf32>,
          %swap3A_764 = vector.shape_cast %swap3A_763 : vector<1x16xf32> to vector<16xf32>
          %swap3A_765 = vector.shape_cast %add3A_760 : vector<16xf32> to vector<1x16xf32>
          tpu.vector_store %arg9[%swap3A_761, %swap3A_762], %swap3A_765 {strides = array<i32>} : memref<40x768xf32, #tpu.memory_space<vmem>>, vector<1x16xf32>,
          %get3A_766 = arith.index_cast %scan3A_109 : i32 to index
          %get3A_767 = arith.constant 752 : index
          %get3A_768 = tpu.vector_load %arg9[%get3A_766, %get3A_767] {strides = array<i32>} : memref<40x768xf32, #tpu.memory_space<vmem>>, vector<1x16xf32>,
          %get3A_769 = vector.shape_cast %get3A_768 : vector<1x16xf32> to vector<16xf32>
          %get3A_770 = arith.index_cast %scan3A_109 : i32 to index
          %get3A_771 = arith.constant 752 : index
          %get3A_772 = tpu.vector_load %arg7[%get3A_770, %get3A_771] {strides = array<i32>} : memref<40x768xf32, #tpu.memory_space<vmem>>, vector<1x16xf32>,
          %get3A_773 = vector.shape_cast %get3A_772 : vector<1x16xf32> to vector<16xf32>
          %add3A_774 = arith.addf %get3A_769, %get3A_773 : vector<16xf32>
          %swap3A_775 = arith.index_cast %scan3A_109 : i32 to index
          %swap3A_776 = arith.constant 752 : index
          %swap3A_777 = tpu.vector_load %arg9[%swap3A_775, %swap3A_776] {strides = array<i32>} : memref<40x768xf32, #tpu.memory_space<vmem>>, vector<1x16xf32>,
          %swap3A_778 = vector.shape_cast %swap3A_777 : vector<1x16xf32> to vector<16xf32>
          %swap3A_779 = vector.shape_cast %add3A_774 : vector<16xf32> to vector<1x16xf32>
          tpu.vector_store %arg9[%swap3A_775, %swap3A_776], %swap3A_779 {strides = array<i32>} : memref<40x768xf32, #tpu.memory_space<vmem>>, vector<1x16xf32>,
        }
        %scan3A_99 = arith.constant 40 : i32
        %add3A_100 = arith.addi %mul3A_0, %add3A_73 : i32
        %dma_start3A_101 = arith.constant 40 : i32
        %dma_start3A_102 = arith.constant 0 : i32
        %dma_start3A_103 = tpu.memref_slice %arg5[%add3A_100, %dma_start3A_101, %dma_start3A_102] : memref<4096x80x768xf32, #tpu.memory_space<hbm>> -> memref<1x40x768xf32, #tpu.memory_space<hbm>>
        %dma_start3A_104 = tpu.memref_squeeze %dma_start3A_103 : memref<1x40x768xf32, #tpu.memory_space<hbm>> -> memref<40x768xf32, #tpu.memory_space<hbm>>
        %dma_start3A_105 = arith.constant 40 : i32
        %dma_start3A_106 = arith.constant 0 : i32
        %dma_start3A_107 = tpu.memref_slice %arg5[%add3A_100, %dma_start3A_105, %dma_start3A_106] : memref<4096x80x768xf32, #tpu.memory_space<hbm>> -> memref<1x40x768xf32, #tpu.memory_space<hbm>>
        %dma_start3A_108 = tpu.memref_squeeze %dma_start3A_107 : memref<1x40x768xf32, #tpu.memory_space<hbm>> -> memref<40x768xf32, #tpu.memory_space<hbm>>
        tpu.enqueue_dma source(%arg9 : memref<40x768xf32, #tpu.memory_space<vmem>>) target(%dma_start3A_108 : memref<40x768xf32, #tpu.memory_space<hbm>>) target_semaphore(%arg13 : memref<!tpu.dma_semaphore, #tpu.memory_space<semaphore_mem>>)
      }
      %scan3A_21 = arith.constant 128 : i32
      %add3A_22 = arith.constant 255 : i32
      %add3A_23 = arith.addi %mul3A_0, %add3A_22 : i32
      %dma_wait3A = arith.constant 40 : i32
      %dma_wait3A_24 = arith.constant 0 : i32
      %dma_wait3A_25 = tpu.memref_slice %arg5[%add3A_23, %dma_wait3A, %dma_wait3A_24] : memref<4096x80x768xf32, #tpu.memory_space<hbm>> -> memref<1x40x768xf32, #tpu.memory_space<hbm>>
      %dma_wait3A_26 = tpu.memref_squeeze %dma_wait3A_25 : memref<1x40x768xf32, #tpu.memory_space<hbm>> -> memref<40x768xf32, #tpu.memory_space<hbm>>
      %dma_wait3A_27 = arith.constant 40 : i32
      %dma_wait3A_28 = arith.constant 0 : i32
      %dma_wait3A_29 = tpu.memref_slice %arg5[%add3A_23, %dma_wait3A_27, %dma_wait3A_28] : memref<4096x80x768xf32, #tpu.memory_space<hbm>> -> memref<1x40x768xf32, #tpu.memory_space<hbm>>
      %dma_wait3A_30 = tpu.memref_squeeze %dma_wait3A_29 : memref<1x40x768xf32, #tpu.memory_space<hbm>> -> memref<40x768xf32, #tpu.memory_space<hbm>>
      tpu.wait_dma2 semaphore(%arg13 : memref<!tpu.dma_semaphore, #tpu.memory_space<semaphore_mem>>) src(%arg9 : memref<40x768xf32, #tpu.memory_space<vmem>>) dst(%dma_wait3A_30 : memref<40x768xf32, #tpu.memory_space<hbm>>)
    } else {
    }
    return
  }
}

</mosaic_0001>

<sc_bundles>
// kernel: kernel.3.cloned.1.call-start
scs
__scs_entry_jumppad:
0x0: {  	(pc) =	sbr.rel $0x88, $3  }
0x1: {  	(tag) =	ssettag $0x0;
	lr =	simm.s32 $0x1  }
0x2: {  	[smem:$0x3F9E] =	sst lr;
	_ =	strace $0xD0000000  }
0x3: {  	_ = 	snop  }
0x4: {  	_ = 	snop  }
0x5: {  	_ = 	snop  }
0x6: {  	_ = 	snop  }
0x7: {  	_ = 	snop  }
__scs_overlays_trampoline_lowered:
0x8: {  	[smem:$0x3FAD] =	sst s0  }
0x9: {  	[smem:$0x3FAE] =	sst s1  }
0xa: {  	[smem:$0x3FAF] =	sst s2  }
0xb: {  	[smem:$0x3FB0] =	sst s3  }
0xc: {  	[smem:$0x3FB1] =	sst s4  }
0xd: {  	[smem:$0x3FB2] =	sst s5  }
0xe: {  	[smem:$0x3FB3] =	sst s6  }
0xf: {  	[smem:$0x3FB4] =	sst s7  }
0x10: {  	[smem:$0x3FB5] =	sst s8  }
0x11: {  	[smem:$0x3FB6] =	sst s9;
	s0 =	simm.s32 @!p0 $0x0  }
0x12: {  	s1 =	sld [smem:$0x3F9C];
	s0 =	simm.s32 @p0 $0x1  }
0x13: {  	[smem:$0x3FB7] =	sst s0;
	s0 =	simm.s32 @!p1 $0x0  }
0x14: {  	s2 =	sld [smem:$0x3F9B];
	s0 =	simm.s32 @p1 $0x1  }
0x15: {  	[smem:$0x3FB8] =	sst s0;
	s0 =	simm.s32 @!p2 $0x0  }
0x16: {  	s3 =	sld [smem:$0x3FDB];
	s0 =	simm.s32 @p2 $0x1  }
0x17: {  	s4 =	simm.s32 $0x1BF5;
	[smem:$0x3FBA] =	sst s0  }
0x18: {  	s0 =	sld [smem:$0x3F9D];
	_ =	swait.ge [sflag:s4], $0x0  }
0x19: {  	s7 =	sld [smem:$0x3F9E]  }
0x1a: {  	s8 =	sadd.s32 $0xFFFFE003, lr  }
0x1b: {  	s9 =	sadd.s32 $0xFFFFFEF7, lr;
	s5 =	simm.s32 $0xFFFFFFFF;
	p2 =	slt.u32 s8, $0xFFFFF086  }
0x1c: {  	p1 =	slt.u32 s9, $0xF7A;
	s5 =	simm.s32 @!p2 $0x0  }
0x1d: {  	s5 =	simm.s32 @p1 $0x1;
	p0 =	seq.s32 s7, s2  }
0x1e: {  	s7 =	smul.u32 @!p0 $0xF7A, s2;
	p2 =	seq.s32 @!p0 s5, $0x0  }
0x1f: {  	s9 =	smul.u32 $0xF7A, s1;
	s8 =	simm.s32 @!p0 $0x1BF5;
	p2 =	por !p2, p0  }
0x20: {  	[sflag:s8] =	ssyncset.s32 @!p0 $0xFFFFF086;
	s6 =	sadd.s32 @!p0 s3, s7;
	s7 =	simm.s32 @!p0 $0x108  }
0x21: {  	s3 =	sadd.s32 s3, s9;
	s6 =	sadd.s32 @!p0 $0x88, s6;
	s7 =	simm.s32 @p2 $0x1082  }
0x22: {  	[simem:s7], [sflag:s8] =	dma.local @!p0 [hbm:s6], $0xF7A  }
0x23: {  	s9 =	sor.u32 $0xD0000000, s2;
	s6 =	simm.s32 $0x108;
	_ =	swait.ge @!p0 [sflag:s8], $0x0  }
0x24: {  	s3 =	sadd.s32 $0x88, s3;
	s6 =	simm.s32 @!p1 $0x1082;
	[sflag:s4] =	ssyncset.s32 $0xFFFFF086  }
0x25: {  	[simem:s6], [sflag:s4] =	dma.local [hbm:s3], $0xF7A  }
0x26: {  	[smem:$0x3F9E] =	sst s1;
	(tag) =	ssettag s2;
	_ =	strace s9  }
0x27: {  	s1 =	sld [smem:$0x3FAE]  }
0x28: {  	s2 =	sld [smem:$0x3FAF]  }
0x29: {  	s4 =	sld [smem:$0x3FB1]  }
0x2a: {  	p0 =	seq.s32 s5, $0x0;
	s5 =	sld [smem:$0x3FB2]  }
0x2b: {  	s6 =	sld [smem:$0x3FB3]  }
0x2c: {  	s7 =	sld [smem:$0x3FB4]  }
0x2d: {  	s3 =	simm.s32 $0x108;
	s8 =	sld [smem:$0x3FB5]  }
0x2e: {  	s3 =	simm.s32 @!p0 $0x1082;
	s9 =	sld [smem:$0x3FB6]  }
0x2f: {  	lr =	sadd.s32 s0, s3;
	s0 =	sld [smem:$0x3FAD]  }
0x30: {  	s3 =	sld [smem:$0x3FB0]  }
0x31: {  	[smem:$0x3FB9] =	sst s10  }
0x32: {  	s10 =	sld [smem:$0x3FB7];
	_ =	sdelay $0x3  }
0x33: {  	p0 =	seq.s32 s10, $0x1;
	s10 =	sld [smem:$0x3FB9];
	_ =	sdelay $0x3  }
0x34: {  	[smem:$0x3FB9] =	sst s10  }
0x35: {  	s10 =	sld [smem:$0x3FB8];
	_ =	sdelay $0x3  }
0x36: {  	p1 =	seq.s32 s10, $0x1;
	s10 =	sld [smem:$0x3FB9];
	_ =	sdelay $0x3  }
0x37: {  	[smem:$0x3FB9] =	sst s10  }
0x38: {  	s10 =	sld [smem:$0x3FBA]  }
0x39: {  	_ = 	snop;
	(pc) =	sbr.ind lr, $3  }
0x3a: {  	_ = 	snop  }
0x3b: {  	_ = 	snop  }
0x3c: {  	p2 =	seq.s32 s10, $0x1;
	s10 =	sld [smem:$0x3FB9]  }
0x3d: {  	_ =	shalt  }
0x3e: {  	_ =	shalt  }
0x3f: {  	_ =	shalt  }
0x40: {  	_ =	shalt  }
0x41: {  	_ =	shalt  }
0x42: {  	_ =	shalt  }
0x43: {  	_ =	shalt  }
0x44: {  	_ =	shalt  }
0x45: {  	_ =	shalt  }
0x46: {  	_ =	shalt  }
0x47: {  	_ =	shalt  }
0x48: {  	_ =	shalt  }
0x49: {  	_ =	shalt  }
0x4a: {  	_ =	shalt  }
0x4b: {  	_ =	shalt  }
0x4c: {  	_ =	shalt  }
0x4d: {  	_ =	shalt  }
0x4e: {  	_ =	shalt  }
0x4f: {  	_ =	shalt  }
0x50: {  	_ =	shalt  }
0x51: {  	_ =	shalt  }
0x52: {  	_ =	shalt  }
0x53: {  	_ =	shalt  }
0x54: {  	_ =	shalt  }
0x55: {  	_ =	shalt  }
0x56: {  	_ =	shalt  }
0x57: {  	_ =	shalt  }
0x58: {  	_ =	shalt  }
0x59: {  	_ =	shalt  }
0x5a: {  	_ =	shalt  }
0x5b: {  	_ =	shalt  }
0x5c: {  	_ =	shalt  }
0x5d: {  	_ =	shalt  }
0x5e: {  	_ =	shalt  }
0x5f: {  	_ =	shalt  }
0x60: {  	_ =	shalt  }
0x61: {  	_ =	shalt  }
0x62: {  	_ =	shalt  }
0x63: {  	_ =	shalt  }
0x64: {  	_ =	shalt  }
0x65: {  	_ =	shalt  }
0x66: {  	_ =	shalt  }
0x67: {  	_ =	shalt  }
0x68: {  	_ =	shalt  }
0x69: {  	_ =	shalt  }
0x6a: {  	_ =	shalt  }
0x6b: {  	_ =	shalt  }
0x6c: {  	_ =	shalt  }
0x6d: {  	_ =	shalt  }
0x6e: {  	_ =	shalt  }
0x6f: {  	_ =	shalt  }
0x70: {  	_ =	shalt  }
0x71: {  	_ =	shalt  }
0x72: {  	_ =	shalt  }
0x73: {  	_ =	shalt  }
0x74: {  	_ =	shalt  }
0x75: {  	_ =	shalt  }
0x76: {  	_ =	shalt  }
0x77: {  	_ =	shalt  }
0x78: {  	_ =	shalt  }
0x79: {  	_ =	shalt  }
0x7a: {  	_ =	shalt  }
0x7b: {  	_ =	shalt  }
0x7c: {  	_ =	shalt  }
0x7d: {  	_ =	shalt  }
0x7e: {  	_ =	shalt  }
0x7f: {  	_ =	shalt  }
0x80: {  	_ =	shalt  }
0x81: {  	_ =	shalt  }
0x82: {  	_ =	shalt  }
0x83: {  	_ =	shalt  }
0x84: {  	_ =	shalt  }
0x85: {  	_ =	shalt  }
0x86: {  	_ =	shalt  }
0x87: {  	_ =	shalt  }
.Lfunc_end0:
.L_simem_size_0:
called_computation.1_lowered:
.L_overlay_start_0:
0x88: {  	s2 =	sld [smem:$0x3FD9]  }
0x89: {  	s3 =	sld [smem:$0x3FFE];
	_ =	sdelay $0x1  }
0x8a: {  	s1 =	srdreg.scid  }
0x8b: {  	s0 =	sand.u32 $0x1, s1  }
0x8c: {  	s17 =	sshll.u32 s0, $0xA;
	s2 =	sadd.s32 s3, s2  }
0x8d: {  	s2 =	sadd.s32 s2, s17  }
0x8e: {  	[smem:$0x3FC5] =	sst s2  }
0x8f: {  	_ = 	snop  }
0x90: {  	s2 =	sld [smem:$0x3FC8]  }
0x91: {  	s18 =	sld [smem:$0x3FD0];
	(tm) =	ssettm $0x1  }
0x92: {  	s4 =	sld [smem:$0x3FFB];
	_ =	sdelay $0x3  }
0x93: {  	_ =	strace s4  }
0x94: {  	s4 =	sld [smem:$0x3FFC];
	_ =	sdelay $0x3  }
0x95: {  	_ =	strace s4  }
0x96: {  	s4 =	sld [smem:$0x3FFD];
	_ =	sdelay $0x3  }
0x97: {  	_ =	strace s4  }
0x98: {  	_ =	strace $0x8FFFFFFF  }
0x99: {  	s19 =	sld [smem:$0x3FDB];
	_ =	sdelay $0x1  }
0x9a: {  	s5 =	simm.s32 $_scs_section_size  }
0x9b: {  	s6 =	simm.s32 $_size__tile_overlayer_lowered;
	s7 =	simm.s32 $_tile_overlayer_lowered  }
0x9c: {  	s22 =	simm.s32 $0x1BFF;
	s21 =	sshll.u32 s7, $0x1;
	s4 =	sadd.s32 s5, s19  }
0x9d: {  	s8 =	simm.s32 $0x0;
	s20 =	sshll.u32 s6, $0x1;
	s6 =	sadd.s32 s21, s4  }
0x9e: {  	[timem:s8], [sflag:s22] =	dma.local [hbm:s6], s20  }
0x9f: {  	_ =	swait.ge [sflag:s22], s20  }
0xa0: {  	s5 =	ssub.s32 $0x0, s20;
	[sflag:s22] =	ssyncset.done $0x0  }
0xa1: {  	[sflag:s22] =	ssyncadd.s32 s5;
	_ =	sdelay $0x1  }
0xa2: {  	s23 =	simm.s32 $0x1B8B  }
0xa3: {  	_ =	swait.ge [sflag:s23], $0x1  }
0xa4: {  	[sflag:s23] =	ssyncset.done $0x0  }
0xa5: {  	s25 =	simm.s32 $0x1B8E;
	s24 =	sld [smem:$0x3FFE];
	[sflag:s23] =	ssyncadd.s32 $0xFFFFFFFF  }
0xa6: {  	s26 =	simm.s32 $execute0_lowered;
	[smem:$0x3FD2] =	sst s25  }
0xa7: {  	s6 =	sshll.u32 s26, $0x1;
	_ =	strace $0x80000046;
	[dreg:$0x1] =	wrdreg $0xFFFFFFFF  }
0xa8: {  	s28 =	simm.s32 $_size_execute0_lowered;
	s4 =	sadd.s32 s4, s6;
	[dreg:$0x0] =	wrdreg $0x0  }
0xa9: {  	s6 =	sshll.u32 s28, $0x1;
	[dreg:$0x2] =	wrdreg s4  }
0xaa: {  	[dreg:$0x3] =	wrdreg s6  }
0xab: {  	[dreg:$0x4] =	wrdreg $0xC0  }
0xac: {  	_ =	task [dreg:s8], $0x5FFFF  }
0xad: {  	[dreg:$0x1] =	wrdreg $0xFFFFFFFF  }
0xae: {  	[dreg:$0x0] =	wrdreg $0x60  }
0xaf: {  	[dreg:$0x2] =	wrdreg s18  }
0xb0: {  	[dreg:$0x3] =	wrdreg s2  }
0xb1: {  	[dreg:$0x4] =	wrdreg s24  }
0xb2: {  	[dreg:$0x5] =	wrdreg $0x9  }
0xb3: {  	_ =	task.clear_ibuf [dreg:s8], $0x6FFFF;
	_ =	strace $0x90000046  }
0xb4: {  	s29 =	simm.s32 $0x9;
	_ =	strace $0x80000048  }
0xb5: {  	_ =	swait.ge [sflag:s29], $0x1  }
0xb6: {  	[sflag:s29] =	ssyncadd.s32 $0xFFFFFFFF  }
0xb7: {  	_ =	strace $0x90000048  }
0xb8: {  	_ =	sfence  }
0xb9: {  	s30 =	sld [smem:$0x0];
	_ =	sdelay $0x2  }
0xba: {  	s31 =	sshll.u32 s1, $0xD;
	s1 =	sshrl.u32 s1, $0x2  }
0xbb: {  	s3 =	sand.u32 $0x4000, s31;
	s1 =	sadd.s32 s1, s30  }
0xbc: {  	s0 =	sor.u32 s3, s0;
	s1 =	sshll.u32 s1, $0x11  }
0xbd: {  	s0 =	sor.u32 s1, s0  }
0xbe: {  	s0 =	sadd.s32 $0x8F2B, s0  }
0xbf: {  	[sflag:s0] =	ssyncadd.remote.s32 $0x1  }
0xc0: {  	_ =	sfence.sel $0xFFFF  }
0xc1: {  	[dreg:$0x0] =	wrdreg $0xFFFFFFFF;
	(pc) =	sbr.abs _section_cstart, $3  }
0xc2: {  	[dreg:$0x1] =	wrdreg $0xFFFFFFFF  }
0xc3: {  	_ =	task.clear_ibuf [dreg:s8], $0x2FFFF;
	_ =	strace $0x9FFFFFFF  }
0xc4: {  	(tm) =	ssettm $0x7FFFFFFF  }
0xc5: {  	_ =	shalt  }
tec
execute0_lowered:
.L_overlay_start_1:
0x0: {  	(tag) =	ssettag $0x1  }
0x1: {  	s0 =	rddreg [dreg:$0x0]  }
0x2: {  	s2 =	rddreg [dreg:$0x1]  }
0x3: {  	s1 =	rddreg [dreg:$0x2]  }
0x4: {  	s4 =	srdreg.scid;
	s9 =	stileid.u32  }
0x5: {  	s3 =	simm.s32 $0x0;
	s14 =	simm.s32 $0xA000;
	s30 =	simm.s32 $0x1  }
0x6: {  	s31 =	simm.s32 $0x11800;
	s15 =	simm.s32 $0x13800;
	s16 =	simm.s32 $0x14000  }
0x7: {  	s17 =	simm.s32 $0x14800;
	s18 =	simm.s32 $0x15000;
	s19 =	simm.s32 $0x15800  }
0x8: {  	s20 =	simm.s32 $0x16000;
	s21 =	simm.s32 $0x16800;
	s22 =	simm.s32 $0x17000  }
0x9: {  	s23 =	simm.s32 $0x17800;
	s24 =	simm.s32 $0x18000;
	s28 =	simm.s32 $0x3  }
0xa: {  	s4 =	sand.u32 $0x1, s4;
	s5 =	sshll.u32 s9, $0x1;
	[smem:$0x7FF] =	sst s3  }
0xb: {  	s25 =	sadd.s32 $0xA00, s1;
	s26 =	sadd.s32 $0x1900, s1;
	s5 =	sor.u32 s4, s5  }
0xc: {  	_ =	strace $0x80000047;
	s6 =	ssub.s32 $0x2, s4;
	[dreg:$0x4] =	wrdreg s25  }
0xd: {  	p0 =	seq.s32 s4, $0x1;
	[dreg:$0x6] =	wrdreg s26;
	s7 =	smul.u32 $0x500, s5  }
.Ltmp0:
0xe: {  	s25 =	simm.s32 $0x18800;
	s26 =	simm.s32 $0x2;
	(pc) =	sbr.rel .LBB2_1-.Ltmp0, $4  }
0xf: {  	s4 =	simm.s32 $0x0;
	s5 =	sadd.s32 $0x2800, s1;
	s8 =	sshrl.u32 s6, $0x1  }
0x10: {  	v2 =	vlaneseq.u32;
	s1 =	simm.s32 $0x5;
	s10 =	ssub.s32 s6, s8;
	s0 =	sadd.s32 s0, s7  }
0x11: {  	vm0 =	vmmov $0xffff;
	v1 =	vshrl.u32 v2, $0x3;
	s6 =	sshll.u32 s9, $0x8;
	s29 =	smax.u32 s10, $0x1;
	[dreg:$0x5] =	wrdreg s0  }
0x12: {  	v0 =	vand.u32 $0x7, v2;
	v2 =	vor.u32 $0x8, v2;
	v1 =	vmul.u32 $0x8, v1;
	s8 =	sadd.s32 $0x100, s2;
	s9 =	sadd.s32 $0x200, s2;
	[dreg:$0x7] =	wrdreg s29  }
.LBB2_14:
0x13: {  	s1 =	simm.s32 $0x4  }
0x14: {  	_ =	swait.ge [sflag:s1], $0x7800  }
0x15: {  	s4 =	rddreg [dreg:$0x8]  }
0x16: {  	s0 =	rddreg [dreg:$0x7];
	s4 =	sadd.s32 $0x1, s4  }
0x17: {  	p1 =	sne.s32 s4, s0  }
.Ltmp1:
0x18: {  	_ = 	snop;
	(pc) =	sbr.rel @!p1 .LBB2_15-.Ltmp1, $3  }
0x19: {  	_ =	sdelay $0x1  }
0x1a: {  	[sflag:s1] =	ssyncset.done $0x0  }
0x1b: {  	[sflag:s1] =	ssyncadd.s32 $0xFFFF8800;
	s1 =	simm.s32 $0x5  }
.LBB2_1:
0x1c: {  	[dreg:$0x8] =	wrdreg s4  }
.Ltmp2:
0x1d: {  	s0 =	rddreg [dreg:$0x5];
	(pc) =	sbr.rel @!p0 .LBB2_2-.Ltmp2, $4  }
0x1e: {  	[tilespmem:s3], [sflag:$0x5] =	stream.linear.gather [hbm4b:s0+s3], $0x2800, $0x38;
	[tilespmem:$0x19000] =	vst v63  }
0x1f: {  	_ =	swait.ge [sflag:s1], $0x2800  }
0x20: {  	[sflag:s1] =	ssyncset.done $0x0  }
0x21: {  	s10 =	simm.s32 $0x0;
	[sflag:s1] =	ssyncadd.s32 $0xFFFFD800  }
0x22: {  	s0 =	rddreg [dreg:$0x6];
	s4 =	simm.s32 $0x2800  }
0x23: {  	[tilespmem:s4], [sflag:$0x5] =	stream.linear.gather [hbm4b:s0+s10], $0x7800, $0x38;
	[tilespmem:$0x19000] =	vst v63  }
0x24: {  	_ =	swait.ge [sflag:s1], $0x7800  }
0x25: {  	[sflag:s1] =	ssyncset.done $0x0  }
0x26: {  	[sflag:s1] =	ssyncadd.s32 $0xFFFF8800  }
0x27: {  	v3 =	vld [tilespmem:$0x0];
	_ =	sdelay $0x4  }
0x28: {  	v4 =	vshrl.u32 v3, $0x3  }
0x29: {  	v4 =	vmul.u32 $0x30, v4  }
0x2a: {  	v3 =	vand.u32 $0x7, v3  }
0x2b: {  	v3 =	vor.u32 v3, v4  }
0x2c: {  	v4 =	vperm.xlane v3, v0;
	_ =	sdelay $0x1  }
0x2d: {  	v4 =	vadd.s32 v1, v4;
	_ =	sdelay $0x3  }
0x2e: {  	v3 =	vperm.xlane v3, v2  }
0x2f: {  	[tilespmem:s14], [sflag:$0x1] =	stream.indirect_vreg.gather [hbm4b:s2+s10], $0x80, v4, vm0, $0xb8;
	[tilespmem:$0x19000] =	vst v63  }
0x30: {  	s1 =	simm.s32 $0xA800;
	v3 =	vadd.s32 v1, v3  }
0x31: {  	[tilespmem:s1], [sflag:$0x1] =	stream.indirect_vreg.gather [hbm4b:s8+s10], $0x80, v4, vm0, $0xb8;
	[tilespmem:$0x19000] =	vst v63  }
0x32: {  	s4 =	simm.s32 $0xB000  }
0x33: {  	[tilespmem:s4], [sflag:$0x1] =	stream.indirect_vreg.gather [hbm4b:s9+s10], $0x80, v4, vm0, $0xb8;
	[tilespmem:$0x19000] =	vst v63  }
0x34: {  	s7 =	simm.s32 $0xB800  }
0x35: {  	[tilespmem:s7], [sflag:$0x1] =	stream.indirect_vreg.gather [hbm4b:s2+s10], $0x80, v3, vm0, $0xb8;
	[tilespmem:$0x19000] =	vst v63  }
0x36: {  	s11 =	simm.s32 $0xC000  }
0x37: {  	[tilespmem:s11], [sflag:$0x1] =	stream.indirect_vreg.gather [hbm4b:s8+s10], $0x80, v3, vm0, $0xb8;
	[tilespmem:$0x19000] =	vst v63  }
0x38: {  	s12 =	simm.s32 $0xC800  }
0x39: {  	[tilespmem:s12], [sflag:$0x1] =	stream.indirect_vreg.gather [hbm4b:s9+s10], $0x80, v3, vm0, $0xb8;
	[tilespmem:$0x19000] =	vst v63  }
0x3a: {  	v3 =	vld [tilespmem:$0x10];
	_ =	sdelay $0x4  }
0x3b: {  	v62 =	vshrl.u32 v3, $0x3  }
0x3c: {  	v4 =	vmul.u32 $0x30, v62  }
0x3d: {  	v3 =	vand.u32 $0x7, v3  }
0x3e: {  	v3 =	vor.u32 v3, v4  }
0x3f: {  	v4 =	vperm.xlane v3, v0;
	_ =	sdelay $0x1  }
0x40: {  	v4 =	vadd.s32 v1, v4;
	_ =	sdelay $0x3  }
0x41: {  	s13 =	simm.s32 $0xD000;
	v3 =	vperm.xlane v3, v2  }
0x42: {  	[tilespmem:s13], [sflag:$0x1] =	stream.indirect_vreg.gather [hbm4b:s2+s10], $0x80, v4, vm0, $0xb8;
	[tilespmem:$0x19000] =	vst v63  }
0x43: {  	s29 =	simm.s32 $0xD800;
	v3 =	vadd.s32 v1, v3  }
0x44: {  	[tilespmem:s29], [sflag:$0x1] =	stream.indirect_vreg.gather [hbm4b:s8+s10], $0x80, v4, vm0, $0xb8;
	[tilespmem:$0x19000] =	vst v63  }
0x45: {  	s1 =	simm.s32 $0xE000  }
0x46: {  	[tilespmem:s1], [sflag:$0x1] =	stream.indirect_vreg.gather [hbm4b:s9+s10], $0x80, v4, vm0, $0xb8;
	[tilespmem:$0x19000] =	vst v63  }
0x47: {  	s4 =	simm.s32 $0xE800  }
0x48: {  	[tilespmem:s4], [sflag:$0x1] =	stream.indirect_vreg.gather [hbm4b:s2+s10], $0x80, v3, vm0, $0xb8;
	[tilespmem:$0x19000] =	vst v63  }
0x49: {  	s7 =	simm.s32 $0xF000  }
0x4a: {  	[tilespmem:s7], [sflag:$0x1] =	stream.indirect_vreg.gather [hbm4b:s8+s10], $0x80, v3, vm0, $0xb8;
	[tilespmem:$0x19000] =	vst v63  }
0x4b: {  	s11 =	simm.s32 $0xF800  }
0x4c: {  	[tilespmem:s11], [sflag:$0x1] =	stream.indirect_vreg.gather [hbm4b:s9+s10], $0x80, v3, vm0, $0xb8;
	[tilespmem:$0x19000] =	vst v63  }
0x4d: {  	v3 =	vld.msk [tilespmem:$0x20], $0xff;
	_ =	sdelay $0x4  }
0x4e: {  	v63 =	vshrl.u32 v3, $0x3  }
0x4f: {  	v4 =	vmul.u32 $0x30, v63  }
0x50: {  	v3 =	vand.u32 $0x7, v3  }
0x51: {  	v3 =	vor.u32 v3, v4  }
0x52: {  	v3 =	vperm.xlane v3, v0;
	_ =	sdelay $0x1  }
0x53: {  	v3 =	vadd.s32 v1, v3;
	_ =	sdelay $0x3  }
0x54: {  	s12 =	simm.s32 $0x10000  }
0x55: {  	[tilespmem:s12], [sflag:$0x1] =	stream.indirect_vreg.gather [hbm4b:s2+s10], $0x80, v3, vm0, $0xb8;
	[tilespmem:$0x19000] =	vst v63  }
0x56: {  	s13 =	simm.s32 $0x10800  }
0x57: {  	[tilespmem:s13], [sflag:$0x1] =	stream.indirect_vreg.gather [hbm4b:s8+s10], $0x80, v3, vm0, $0xb8;
	[tilespmem:$0x19000] =	vst v63  }
0x58: {  	s29 =	simm.s32 $0x11000;
	s7 =	simm.s32 $0x0  }
0x59: {  	[tilespmem:s29], [sflag:$0x1] =	stream.indirect_vreg.gather [hbm4b:s9+s10], $0x80, v3, vm0, $0xb8;
	[tilespmem:$0x19000] =	vst v63  }
.LBB2_9:
0x5a: {  	_ =	swait.ge [sflag:s30], $0x7800  }
0x5b: {  	s29 =	sshll.u32 s7, $0x1;
	p1 =	seq.s32 s7, $0x0;
	[sflag:s30] =	ssyncset.done $0x0  }
0x5c: {  	s0 =	simm.s32 @!p1 $0x4;
	s11 =	sor.u32 $0x1, s29;
	[sflag:s30] =	ssyncadd.s32 $0xFFFF8800  }
0x5d: {  	s1 =	smul.u32 $0xA0, s11;
	_ =	swait.ge @!p1 [sflag:s0], $0x7800  }
0x5e: {  	[sflag:s0] =	ssyncset.done @!p1 $0x0  }
0x5f: {  	[sflag:s0] =	ssyncadd.s32 @!p1 $0xFFFF8800;
	s0 =	sshra.s32 s1, $0x2  }
0x60: {  	v3 =	vld [tilespmem:s0+$0x0];
	_ =	sdelay $0x4  }
0x61: {  	v4 =	vshrl.u32 v3, $0x3  }
0x62: {  	v4 =	vmul.u32 $0x30, v4  }
0x63: {  	v3 =	vand.u32 $0x7, v3  }
0x64: {  	v3 =	vor.u32 v3, v4  }
0x65: {  	v4 =	vperm.xlane v3, v0;
	_ =	sdelay $0x1  }
0x66: {  	v4 =	vadd.s32 v1, v4;
	_ =	sdelay $0x3  }
0x67: {  	v3 =	vperm.xlane v3, v2  }
0x68: {  	[tilespmem:s31], [sflag:$0x2] =	stream.indirect_vreg.gather [hbm4b:s2+s10], $0x80, v4, vm0, $0xb8;
	[tilespmem:$0x19000] =	vst v63  }
0x69: {  	s12 =	simm.s32 $0x12000;
	v3 =	vadd.s32 v1, v3  }
0x6a: {  	[tilespmem:s12], [sflag:$0x2] =	stream.indirect_vreg.gather [hbm4b:s8+s10], $0x80, v4, vm0, $0xb8;
	[tilespmem:$0x19000] =	vst v63  }
0x6b: {  	s13 =	simm.s32 $0x12800  }
0x6c: {  	[tilespmem:s13], [sflag:$0x2] =	stream.indirect_vreg.gather [hbm4b:s9+s10], $0x80, v4, vm0, $0xb8;
	[tilespmem:$0x19000] =	vst v63  }
0x6d: {  	s4 =	simm.s32 $0x13000  }
0x6e: {  	[tilespmem:s4], [sflag:$0x2] =	stream.indirect_vreg.gather [hbm4b:s2+s10], $0x80, v3, vm0, $0xb8;
	[tilespmem:$0x19000] =	vst v63  }
0x6f: {  	_ = 	snop  }
0x70: {  	[tilespmem:s15], [sflag:$0x2] =	stream.indirect_vreg.gather [hbm4b:s8+s10], $0x80, v3, vm0, $0xb8;
	[tilespmem:$0x19000] =	vst v63  }
0x71: {  	_ = 	snop  }
0x72: {  	[tilespmem:s16], [sflag:$0x2] =	stream.indirect_vreg.gather [hbm4b:s9+s10], $0x80, v3, vm0, $0xb8;
	[tilespmem:$0x19000] =	vst v63  }
0x73: {  	v3 =	vld [tilespmem:s0+$0x10];
	_ =	sdelay $0x4  }
0x74: {  	v4 =	vshrl.u32 v3, $0x3  }
0x75: {  	v4 =	vmul.u32 $0x30, v4  }
0x76: {  	v3 =	vand.u32 $0x7, v3  }
0x77: {  	v3 =	vor.u32 v3, v4  }
0x78: {  	v4 =	vperm.xlane v3, v0;
	_ =	sdelay $0x1  }
0x79: {  	v4 =	vadd.s32 v1, v4;
	_ =	sdelay $0x3  }
0x7a: {  	v3 =	vperm.xlane v3, v2  }
0x7b: {  	[tilespmem:s17], [sflag:$0x2] =	stream.indirect_vreg.gather [hbm4b:s2+s10], $0x80, v4, vm0, $0xb8;
	[tilespmem:$0x19000] =	vst v63  }
0x7c: {  	v3 =	vadd.s32 v1, v3  }
0x7d: {  	[tilespmem:s18], [sflag:$0x2] =	stream.indirect_vreg.gather [hbm4b:s8+s10], $0x80, v4, vm0, $0xb8;
	[tilespmem:$0x19000] =	vst v63  }
0x7e: {  	_ = 	snop  }
0x7f: {  	[tilespmem:s19], [sflag:$0x2] =	stream.indirect_vreg.gather [hbm4b:s9+s10], $0x80, v4, vm0, $0xb8;
	[tilespmem:$0x19000] =	vst v63  }
0x80: {  	_ = 	snop  }
0x81: {  	[tilespmem:s20], [sflag:$0x2] =	stream.indirect_vreg.gather [hbm4b:s2+s10], $0x80, v3, vm0, $0xb8;
	[tilespmem:$0x19000] =	vst v63  }
0x82: {  	_ = 	snop  }
0x83: {  	[tilespmem:s21], [sflag:$0x2] =	stream.indirect_vreg.gather [hbm4b:s8+s10], $0x80, v3, vm0, $0xb8;
	[tilespmem:$0x19000] =	vst v63  }
0x84: {  	_ = 	snop  }
0x85: {  	[tilespmem:s22], [sflag:$0x2] =	stream.indirect_vreg.gather [hbm4b:s9+s10], $0x80, v3, vm0, $0xb8;
	[tilespmem:$0x19000] =	vst v63  }
0x86: {  	v3 =	vld.msk [tilespmem:s0+$0x20], $0xff;
	_ =	sdelay $0x4  }
0x87: {  	v4 =	vshrl.u32 v3, $0x3  }
0x88: {  	v4 =	vmul.u32 $0x30, v4  }
0x89: {  	v3 =	vand.u32 $0x7, v3  }
0x8a: {  	v3 =	vor.u32 v3, v4  }
0x8b: {  	v3 =	vperm.xlane v3, v0;
	_ =	sdelay $0x1  }
0x8c: {  	v3 =	vadd.s32 v1, v3;
	_ =	sdelay $0x3  }
0x8d: {  	s12 =	simm.s32 $0x0  }
0x8e: {  	[tilespmem:s23], [sflag:$0x2] =	stream.indirect_vreg.gather [hbm4b:s2+s10], $0x80, v3, vm0, $0xb8;
	[tilespmem:$0x19000] =	vst v63  }
0x8f: {  	s13 =	sand.u32 $0x380, s10;
	s0 =	smul.u32 $0x1800, s12  }
0x90: {  	[tilespmem:s24], [sflag:$0x2] =	stream.indirect_vreg.gather [hbm4b:s8+s10], $0x80, v3, vm0, $0xb8;
	[tilespmem:$0x19000] =	vst v63  }
0x91: {  	s12 =	sor.u32 s13, s0  }
0x92: {  	[tilespmem:s25], [sflag:$0x2] =	stream.indirect_vreg.gather [hbm4b:s9+s10], $0x80, v3, vm0, $0xb8;
	[tilespmem:$0x19000] =	vst v63  }
0x93: {  	v12 =	vld [tilespmem:s12+$0x2800]  }
0x94: {  	v13 =	vld [tilespmem:s12+$0x2810]  }
0x95: {  	v14 =	vld [tilespmem:s12+$0x2820]  }
0x96: {  	v15 =	vld [tilespmem:s12+$0x2830]  }
0x97: {  	v16 =	vld [tilespmem:s12+$0x2840]  }
0x98: {  	v17 =	vld [tilespmem:s12+$0x2850]  }
0x99: {  	v18 =	vld [tilespmem:s12+$0x2860]  }
0x9a: {  	v19 =	vld [tilespmem:s12+$0x2870]  }
0x9b: {  	v20 =	vld [tilespmem:s12+$0x2C00]  }
0x9c: {  	v21 =	vld [tilespmem:s12+$0x2C10]  }
0x9d: {  	v22 =	vld [tilespmem:s12+$0x2C20]  }
0x9e: {  	v23 =	vld [tilespmem:s12+$0x2C30]  }
0x9f: {  	v24 =	vld [tilespmem:s12+$0x2C40]  }
0xa0: {  	v25 =	vld [tilespmem:s12+$0x2C50]  }
0xa1: {  	v26 =	vld [tilespmem:s12+$0x2C60]  }
0xa2: {  	v27 =	vld [tilespmem:s12+$0x2C70]  }
0xa3: {  	v28 =	vld [tilespmem:s12+$0x3000]  }
0xa4: {  	v29 =	vld [tilespmem:s12+$0x3010]  }
0xa5: {  	v30 =	vld [tilespmem:s12+$0x3020]  }
0xa6: {  	v31 =	vld [tilespmem:s12+$0x3030]  }
0xa7: {  	v32 =	vld [tilespmem:s12+$0x3040]  }
0xa8: {  	v33 =	vld [tilespmem:s12+$0x3050]  }
0xa9: {  	v34 =	vld [tilespmem:s12+$0x3060]  }
0xaa: {  	v35 =	vld [tilespmem:s12+$0x3070]  }
0xab: {  	v36 =	vld [tilespmem:s12+$0x3400]  }
0xac: {  	v37 =	vld [tilespmem:s12+$0x3410]  }
0xad: {  	v38 =	vld [tilespmem:s12+$0x3420]  }
0xae: {  	v39 =	vld [tilespmem:s12+$0x3430]  }
0xaf: {  	v40 =	vld [tilespmem:s12+$0x3440]  }
0xb0: {  	v41 =	vld [tilespmem:s12+$0x3450]  }
0xb1: {  	v42 =	vld [tilespmem:s12+$0x3460]  }
0xb2: {  	v43 =	vld [tilespmem:s12+$0x3470]  }
0xb3: {  	v44 =	vld [tilespmem:s12+$0x3800]  }
0xb4: {  	v45 =	vld [tilespmem:s12+$0x3810]  }
0xb5: {  	v46 =	vld [tilespmem:s12+$0x3820]  }
0xb6: {  	v47 =	vld [tilespmem:s12+$0x3830]  }
0xb7: {  	v48 =	vld [tilespmem:s12+$0x3840]  }
0xb8: {  	v49 =	vld [tilespmem:s12+$0x3850]  }
0xb9: {  	v50 =	vld [tilespmem:s12+$0x3860]  }
0xba: {  	v11 =	vld [tilespmem:s12+$0x3870]  }
0xbb: {  	v10 =	vld [tilespmem:s12+$0x3C00]  }
0xbc: {  	v9 =	vld [tilespmem:s12+$0x3C10]  }
0xbd: {  	v8 =	vld [tilespmem:s12+$0x3C20]  }
0xbe: {  	v7 =	vld [tilespmem:s12+$0x3C30]  }
0xbf: {  	v6 =	vld [tilespmem:s12+$0x3C40]  }
0xc0: {  	v51 =	vld [tilespmem:s12+$0xA000]  }
0xc1: {  	v52 =	vld [tilespmem:s12+$0xA010]  }
0xc2: {  	v53 =	vld [tilespmem:s12+$0xA020]  }
0xc3: {  	v54 =	vld [tilespmem:s12+$0xA030]  }
0xc4: {  	v55 =	vld [tilespmem:s12+$0xA040]  }
0xc5: {  	v62 =	vld [tilespmem:s12+$0xA050];
	v12 =	vadd.f32 v12, v51  }
0xc6: {  	v63 =	vld [tilespmem:s12+$0xA060];
	v13 =	vadd.f32 v13, v52  }
0xc7: {  	[tilespmem:s12+$0xA000] =	vst v12;
	v12 =	vadd.f32 v14, v53;
	v14 =	vld [tilespmem:s12+$0xA070]  }
0xc8: {  	[tilespmem:s12+$0xA010] =	vst v13;
	v13 =	vadd.f32 v15, v54;
	v15 =	vld [tilespmem:s12+$0xA400]  }
0xc9: {  	[tilespmem:s12+$0xA020] =	vst v12;
	v12 =	vadd.f32 v16, v55;
	v16 =	vld [tilespmem:s12+$0xA410]  }
0xca: {  	[tilespmem:s12+$0xA030] =	vst v13;
	v13 =	vadd.f32 v17, v62;
	v17 =	vld [tilespmem:s12+$0xA420]  }
0xcb: {  	v5 =	vld [tilespmem:s12+$0x3C50]  }
0xcc: {  	[tilespmem:s12+$0xA040] =	vst v12;
	v12 =	vadd.f32 v18, v63;
	v18 =	vld [tilespmem:s12+$0xA470]  }
0xcd: {  	[tilespmem:s12+$0xA050] =	vst v13;
	v13 =	vadd.f32 v19, v14;
	v14 =	vld [tilespmem:s12+$0xA430]  }
0xce: {  	[tilespmem:s12+$0xA060] =	vst v12;
	v12 =	vadd.f32 v20, v15;
	v15 =	vld [tilespmem:s12+$0xA440]  }
0xcf: {  	[tilespmem:s12+$0xA070] =	vst v13;
	v13 =	vadd.f32 v21, v16;
	v16 =	vadd.f32 v22, v17;
	v17 =	vld [tilespmem:s12+$0xA460]  }
0xd0: {  	[tilespmem:s12+$0xA400] =	vst v12;
	v12 =	vld [tilespmem:s12+$0xA450]  }
0xd1: {  	[tilespmem:s12+$0xA410] =	vst v13;
	v13 =	vld [tilespmem:s12+$0xA800];
	v18 =	vadd.f32 v27, v18  }
0xd2: {  	[tilespmem:s12+$0xA420] =	vst v16;
	v16 =	vld [tilespmem:s12+$0xA810];
	v14 =	vadd.f32 v23, v14  }
0xd3: {  	v4 =	vld [tilespmem:s12+$0x3C60];
	v15 =	vadd.f32 v24, v15;
	[tilespmem:s12+$0xA470] =	vst v18  }
0xd4: {  	[tilespmem:s12+$0xA430] =	vst v14;
	v14 =	vld [tilespmem:s12+$0xA820];
	v17 =	vadd.f32 v26, v17  }
0xd5: {  	v12 =	vadd.f32 v25, v12;
	[tilespmem:s12+$0xA440] =	vst v15;
	v15 =	vld [tilespmem:s12+$0xA830]  }
0xd6: {  	v18 =	vld [tilespmem:s12+$0xA870];
	[tilespmem:s12+$0xA460] =	vst v17;
	v13 =	vadd.f32 v28, v13  }
0xd7: {  	v16 =	vadd.f32 v29, v16;
	[tilespmem:s12+$0xA450] =	vst v12;
	v12 =	vld [tilespmem:s12+$0xA840]  }
0xd8: {  	v17 =	vld [tilespmem:s12+$0xA850];
	[tilespmem:s12+$0xA800] =	vst v13  }
0xd9: {  	[tilespmem:s12+$0xA810] =	vst v16;
	v16 =	vld [tilespmem:s12+$0xA860];
	v13 =	vadd.f32 v30, v14  }
0xda: {  	v14 =	vld [tilespmem:s12+$0xAC00];
	v15 =	vadd.f32 v31, v15  }
0xdb: {  	[tilespmem:s12+$0xA820] =	vst v13;
	v13 =	vld [tilespmem:s12+$0xAC10]  }
0xdc: {  	v12 =	vadd.f32 v32, v12;
	[tilespmem:s12+$0xA830] =	vst v15;
	v15 =	vld [tilespmem:s12+$0xAC20]  }
0xdd: {  	v3 =	vld [tilespmem:s12+$0x3C70];
	v17 =	vadd.f32 v33, v17  }
0xde: {  	v16 =	vadd.f32 v34, v16;
	[tilespmem:s12+$0xA840] =	vst v12;
	v12 =	vld [tilespmem:s12+$0xAC30]  }
0xdf: {  	[tilespmem:s12+$0xA850] =	vst v17;
	v17 =	vld [tilespmem:s12+$0xAC40];
	v14 =	vadd.f32 v36, v14  }
0xe0: {  	v18 =	vadd.f32 v35, v18;
	[tilespmem:s12+$0xA860] =	vst v16;
	v16 =	vld [tilespmem:s12+$0xAC50]  }
0xe1: {  	v13 =	vadd.f32 v37, v13;
	[tilespmem:s12+$0xAC00] =	vst v14;
	v14 =	vadd.f32 v38, v15;
	v15 =	vld [tilespmem:s12+$0xAC60]  }
0xe2: {  	[tilespmem:s12+$0xA870] =	vst v18;
	v18 =	vld [tilespmem:s12+$0xAC70]  }
0xe3: {  	[tilespmem:s12+$0xAC10] =	vst v13;
	v13 =	vld [tilespmem:s12+$0xB000];
	v12 =	vadd.f32 v39, v12  }
0xe4: {  	v17 =	vadd.f32 v40, v17;
	[tilespmem:s12+$0xAC20] =	vst v14;
	v14 =	vld [tilespmem:s12+$0xB010]  }
0xe5: {  	v16 =	vadd.f32 v41, v16;
	[tilespmem:s12+$0xAC30] =	vst v12;
	v12 =	vld [tilespmem:s12+$0xB020]  }
0xe6: {  	[tilespmem:s12+$0xAC40] =	vst v17;
	v17 =	vld [tilespmem:s12+$0xB030];
	v15 =	vadd.f32 v42, v15  }
0xe7: {  	v19 =	vld [tilespmem:s12+$0xB040];
	[tilespmem:s12+$0xAC50] =	vst v16;
	v16 =	vadd.f32 v43, v18  }
0xe8: {  	v18 =	vld [tilespmem:s12+$0xB050];
	v13 =	vadd.f32 v44, v13;
	[tilespmem:s12+$0xAC60] =	vst v15  }
0xe9: {  	v20 =	vld [tilespmem:s12+$0xB060];
	[tilespmem:s12+$0xAC70] =	vst v16;
	v14 =	vadd.f32 v45, v14  }
0xea: {  	v16 =	vld [tilespmem:s12+$0xB070];
	[tilespmem:s12+$0xB000] =	vst v13;
	v12 =	vadd.f32 v46, v12  }
0xeb: {  	v15 =	vld [tilespmem:s12+$0xB400];
	v13 =	vadd.f32 v47, v17;
	[tilespmem:s12+$0xB010] =	vst v14  }
0xec: {  	v14 =	vld [tilespmem:s12+$0xB410];
	[tilespmem:s12+$0xB020] =	vst v12;
	v12 =	vadd.f32 v48, v19  }
0xed: {  	[tilespmem:s12+$0xB030] =	vst v13;
	v13 =	vld [tilespmem:s12+$0xB420];
	v18 =	vadd.f32 v49, v18  }
0xee: {  	s4 =	simm.s32 $0x1;
	s0 =	simm.s32 $0x0;
	v17 =	vadd.f32 v50, v20;
	[tilespmem:s12+$0xB040] =	vst v12;
	v12 =	vld [tilespmem:s12+$0xB430]  }
.LBB2_10:
0xef: {  	s1 =	sshrl.u32 s4, $0x3;
	p1 =	sne.s32 s4, $0x27;
	[tilespmem:s12+$0xB050] =	vst v18;
	v11 =	vadd.f32 v11, v16;
	v16 =	vld [tilespmem:s12+$0xB440]  }
0xf0: {  	s0 =	sadd.s32 $0x80, s0;
	s1 =	smul.u32 $0x1800, s1;
	[tilespmem:s12+$0xB060] =	vst v17;
	v10 =	vadd.f32 v10, v15;
	v15 =	vld [tilespmem:s12+$0xB450]  }
0xf1: {  	s13 =	sand.u32 $0x380, s0;
	[tilespmem:s12+$0xB070] =	vst v11;
	v9 =	vadd.f32 v9, v14;
	v11 =	vld [tilespmem:s12+$0xB460]  }
0xf2: {  	s1 =	sor.u32 s13, s1;
	[tilespmem:s12+$0xB400] =	vst v10;
	v8 =	vadd.f32 v8, v13;
	v10 =	vld [tilespmem:s12+$0xB470]  }
0xf3: {  	v39 =	vld [tilespmem:s1+$0x2800];
	[tilespmem:s12+$0xB410] =	vst v9;
	v7 =	vadd.f32 v7, v12  }
0xf4: {  	v40 =	vld [tilespmem:s1+$0x2810];
	[tilespmem:s12+$0xB420] =	vst v8;
	v6 =	vadd.f32 v6, v16  }
0xf5: {  	v41 =	vld [tilespmem:s1+$0x2820];
	[tilespmem:s12+$0xB430] =	vst v7;
	v5 =	vadd.f32 v5, v15  }
0xf6: {  	v42 =	vld [tilespmem:s1+$0x2830];
	[tilespmem:s12+$0xB440] =	vst v6;
	v4 =	vadd.f32 v4, v11  }
0xf7: {  	v43 =	vld [tilespmem:s1+$0x2840];
	[tilespmem:s12+$0xB450] =	vst v5;
	v3 =	vadd.f32 v3, v10  }
0xf8: {  	v44 =	vld [tilespmem:s1+$0x2850];
	[tilespmem:s12+$0xB460] =	vst v4  }
0xf9: {  	v45 =	vld [tilespmem:s1+$0x2860];
	[tilespmem:s12+$0xB470] =	vst v3;
	s12 =	smov.u32 s1  }
0xfa: {  	v46 =	vld [tilespmem:s12+$0x2870]  }
0xfb: {  	v47 =	vld [tilespmem:s12+$0x2C00]  }
0xfc: {  	v48 =	vld [tilespmem:s12+$0x2C10]  }
0xfd: {  	v49 =	vld [tilespmem:s12+$0x2C20]  }
0xfe: {  	v50 =	vld [tilespmem:s12+$0x2C30]  }
0xff: {  	v38 =	vld [tilespmem:s12+$0x2C40]  }
0x100: {  	v37 =	vld [tilespmem:s12+$0x2C50]  }
0x101: {  	v36 =	vld [tilespmem:s12+$0x2C60]  }
0x102: {  	v35 =	vld [tilespmem:s12+$0x2C70]  }
0x103: {  	v34 =	vld [tilespmem:s12+$0x3000]  }
0x104: {  	v33 =	vld [tilespmem:s12+$0x3010]  }
0x105: {  	v32 =	vld [tilespmem:s12+$0x3020]  }
0x106: {  	v31 =	vld [tilespmem:s12+$0x3030]  }
0x107: {  	v30 =	vld [tilespmem:s12+$0x3040]  }
0x108: {  	v29 =	vld [tilespmem:s12+$0x3050]  }
0x109: {  	v28 =	vld [tilespmem:s12+$0x3060]  }
0x10a: {  	v27 =	vld [tilespmem:s12+$0x3070]  }
0x10b: {  	v26 =	vld [tilespmem:s12+$0x3400]  }
0x10c: {  	v25 =	vld [tilespmem:s12+$0x3410]  }
0x10d: {  	v24 =	vld [tilespmem:s12+$0x3420]  }
0x10e: {  	v23 =	vld [tilespmem:s12+$0x3430]  }
0x10f: {  	v22 =	vld [tilespmem:s12+$0x3440]  }
0x110: {  	v21 =	vld [tilespmem:s12+$0x3450]  }
0x111: {  	v20 =	vld [tilespmem:s12+$0x3460]  }
0x112: {  	v19 =	vld [tilespmem:s12+$0x3470]  }
0x113: {  	v18 =	vld [tilespmem:s12+$0x3800]  }
0x114: {  	v17 =	vld [tilespmem:s12+$0x3810]  }
0x115: {  	v16 =	vld [tilespmem:s12+$0x3820]  }
0x116: {  	v15 =	vld [tilespmem:s12+$0x3830]  }
0x117: {  	v14 =	vld [tilespmem:s12+$0x3840]  }
0x118: {  	v13 =	vld [tilespmem:s12+$0x3850]  }
0x119: {  	v12 =	vld [tilespmem:s12+$0x3860]  }
0x11a: {  	v11 =	vld [tilespmem:s12+$0x3870]  }
0x11b: {  	v10 =	vld [tilespmem:s12+$0x3C00]  }
0x11c: {  	v9 =	vld [tilespmem:s12+$0x3C10]  }
0x11d: {  	v8 =	vld [tilespmem:s12+$0x3C20]  }
0x11e: {  	v7 =	vld [tilespmem:s12+$0x3C30]  }
0x11f: {  	v6 =	vld [tilespmem:s12+$0x3C40]  }
0x120: {  	v5 =	vld [tilespmem:s12+$0x3C50]  }
0x121: {  	v4 =	vld [tilespmem:s12+$0x3C60]  }
0x122: {  	v3 =	vld [tilespmem:s12+$0x3C70]  }
0x123: {  	v51 =	vld [tilespmem:s12+$0xA000]  }
0x124: {  	v52 =	vld [tilespmem:s12+$0xA010]  }
0x125: {  	v53 =	vld [tilespmem:s12+$0xA020]  }
0x126: {  	v54 =	vld [tilespmem:s12+$0xA030]  }
0x127: {  	v55 =	vld [tilespmem:s12+$0xA040]  }
0x128: {  	v39 =	vadd.f32 v39, v51;
	v51 =	vld [tilespmem:s12+$0xA050]  }
0x129: {  	v40 =	vadd.f32 v40, v52;
	v52 =	vld [tilespmem:s12+$0xA060]  }
0x12a: {  	[tilespmem:s12+$0xA000] =	vst v39;
	v39 =	vadd.f32 v41, v53;
	v41 =	vld [tilespmem:s12+$0xA070]  }
0x12b: {  	[tilespmem:s12+$0xA010] =	vst v40;
	v40 =	vadd.f32 v42, v54;
	v42 =	vld [tilespmem:s12+$0xA400]  }
0x12c: {  	[tilespmem:s12+$0xA020] =	vst v39;
	v39 =	vadd.f32 v43, v55;
	v43 =	vld [tilespmem:s12+$0xA410]  }
0x12d: {  	[tilespmem:s12+$0xA030] =	vst v40;
	v40 =	vadd.f32 v44, v51;
	v44 =	vld [tilespmem:s12+$0xA420]  }
0x12e: {  	[tilespmem:s12+$0xA040] =	vst v39;
	v39 =	vadd.f32 v45, v52;
	v45 =	vld [tilespmem:s12+$0xA430]  }
0x12f: {  	[tilespmem:s12+$0xA050] =	vst v40;
	v40 =	vadd.f32 v46, v41;
	v41 =	vld [tilespmem:s12+$0xA440]  }
0x130: {  	[tilespmem:s12+$0xA060] =	vst v39;
	v39 =	vadd.f32 v47, v42;
	v42 =	vld [tilespmem:s12+$0xA450]  }
0x131: {  	[tilespmem:s12+$0xA070] =	vst v40;
	v40 =	vadd.f32 v48, v43;
	v43 =	vld [tilespmem:s12+$0xA460]  }
0x132: {  	[tilespmem:s12+$0xA400] =	vst v39;
	v39 =	vadd.f32 v49, v44;
	v44 =	vld [tilespmem:s12+$0xA470]  }
0x133: {  	[tilespmem:s12+$0xA410] =	vst v40;
	v40 =	vadd.f32 v50, v45;
	v45 =	vld [tilespmem:s12+$0xA800]  }
0x134: {  	[tilespmem:s12+$0xA420] =	vst v39;
	v38 =	vadd.f32 v38, v41;
	v39 =	vld [tilespmem:s12+$0xA810]  }
0x135: {  	[tilespmem:s12+$0xA430] =	vst v40;
	v37 =	vadd.f32 v37, v42;
	v40 =	vld [tilespmem:s12+$0xA820]  }
0x136: {  	[tilespmem:s12+$0xA440] =	vst v38;
	v36 =	vadd.f32 v36, v43;
	v38 =	vld [tilespmem:s12+$0xA830]  }
0x137: {  	[tilespmem:s12+$0xA450] =	vst v37;
	v35 =	vadd.f32 v35, v44;
	v37 =	vld [tilespmem:s12+$0xA840]  }
0x138: {  	[tilespmem:s12+$0xA460] =	vst v36;
	v34 =	vadd.f32 v34, v45;
	v36 =	vld [tilespmem:s12+$0xA850]  }
0x139: {  	[tilespmem:s12+$0xA470] =	vst v35;
	v33 =	vadd.f32 v33, v39;
	v35 =	vld [tilespmem:s12+$0xA860]  }
0x13a: {  	[tilespmem:s12+$0xA800] =	vst v34;
	v32 =	vadd.f32 v32, v40;
	v34 =	vld [tilespmem:s12+$0xA870]  }
0x13b: {  	[tilespmem:s12+$0xA810] =	vst v33;
	v31 =	vadd.f32 v31, v38;
	v33 =	vld [tilespmem:s12+$0xAC00]  }
0x13c: {  	[tilespmem:s12+$0xA820] =	vst v32;
	v30 =	vadd.f32 v30, v37;
	v32 =	vld [tilespmem:s12+$0xAC10]  }
0x13d: {  	[tilespmem:s12+$0xA830] =	vst v31;
	v29 =	vadd.f32 v29, v36;
	v31 =	vld [tilespmem:s12+$0xAC20]  }
0x13e: {  	[tilespmem:s12+$0xA840] =	vst v30;
	v28 =	vadd.f32 v28, v35;
	v30 =	vld [tilespmem:s12+$0xAC30]  }
0x13f: {  	[tilespmem:s12+$0xA850] =	vst v29;
	v27 =	vadd.f32 v27, v34;
	v29 =	vld [tilespmem:s12+$0xAC40]  }
0x140: {  	[tilespmem:s12+$0xA860] =	vst v28;
	v26 =	vadd.f32 v26, v33;
	v28 =	vld [tilespmem:s12+$0xAC50]  }
0x141: {  	[tilespmem:s12+$0xA870] =	vst v27;
	v25 =	vadd.f32 v25, v32;
	v27 =	vld [tilespmem:s12+$0xAC60]  }
0x142: {  	[tilespmem:s12+$0xAC00] =	vst v26;
	v24 =	vadd.f32 v24, v31;
	v26 =	vld [tilespmem:s12+$0xAC70]  }
0x143: {  	[tilespmem:s12+$0xAC10] =	vst v25;
	v23 =	vadd.f32 v23, v30;
	v25 =	vld [tilespmem:s12+$0xB000]  }
0x144: {  	[tilespmem:s12+$0xAC20] =	vst v24;
	v22 =	vadd.f32 v22, v29;
	v24 =	vld [tilespmem:s12+$0xB010]  }
0x145: {  	[tilespmem:s12+$0xAC30] =	vst v23;
	v21 =	vadd.f32 v21, v28;
	v23 =	vld [tilespmem:s12+$0xB020]  }
0x146: {  	[tilespmem:s12+$0xAC40] =	vst v22;
	v20 =	vadd.f32 v20, v27;
	v22 =	vld [tilespmem:s12+$0xB030]  }
0x147: {  	[tilespmem:s12+$0xAC50] =	vst v21;
	v19 =	vadd.f32 v19, v26;
	v21 =	vld [tilespmem:s12+$0xB040]  }
0x148: {  	[tilespmem:s12+$0xAC60] =	vst v20;
	v18 =	vadd.f32 v18, v25;
	v20 =	vld [tilespmem:s12+$0xB050]  }
0x149: {  	[tilespmem:s12+$0xAC70] =	vst v19;
	v17 =	vadd.f32 v17, v24;
	v19 =	vld [tilespmem:s12+$0xB060]  }
.Ltmp3:
0x14a: {  	[tilespmem:s12+$0xB000] =	vst v18;
	v18 =	vadd.f32 v16, v23;
	v16 =	vld [tilespmem:s12+$0xB070];
	(pc) =	sbr.rel @p1 .LBB2_10-.Ltmp3, $4  }
0x14b: {  	[tilespmem:s12+$0xB010] =	vst v17;
	v17 =	vadd.f32 v15, v22;
	v15 =	vld [tilespmem:s12+$0xB400]  }
0x14c: {  	[tilespmem:s12+$0xB020] =	vst v18;
	v21 =	vadd.f32 v14, v21;
	v14 =	vld [tilespmem:s12+$0xB410]  }
0x14d: {  	[tilespmem:s12+$0xB030] =	vst v17;
	v18 =	vadd.f32 v13, v20;
	v13 =	vld [tilespmem:s12+$0xB420]  }
0x14e: {  	s4 =	sadd.s32 $0x1, s4;
	[tilespmem:s12+$0xB040] =	vst v21;
	v17 =	vadd.f32 v12, v19;
	v12 =	vld [tilespmem:s12+$0xB430]  }
0x14f: {  	[tilespmem:s12+$0xB050] =	vst v18;
	v18 =	vld [tilespmem:s12+$0xB440];
	v11 =	vadd.f32 v11, v16  }
0x150: {  	v16 =	vld [tilespmem:s12+$0xB450];
	[tilespmem:s12+$0xB060] =	vst v17;
	v10 =	vadd.f32 v10, v15  }
0x151: {  	[tilespmem:s12+$0xB070] =	vst v11;
	v9 =	vadd.f32 v9, v14;
	v11 =	vld [tilespmem:s12+$0xB460]  }
0x152: {  	[tilespmem:s12+$0xB400] =	vst v10;
	v8 =	vadd.f32 v8, v13;
	v10 =	vld [tilespmem:s12+$0xB470]  }
0x153: {  	[tilespmem:s12+$0xB410] =	vst v9;
	v7 =	vadd.f32 v7, v12  }
0x154: {  	s0 =	sadd.s32 s6, s29;
	[tilespmem:s12+$0xB420] =	vst v8;
	v6 =	vadd.f32 v6, v18  }
0x155: {  	s0 =	smul.u32 $0xF000, s0;
	v5 =	vadd.f32 v5, v16;
	[tilespmem:s12+$0xB430] =	vst v7  }
0x156: {  	[tilespmem:s12+$0xB440] =	vst v6;
	v4 =	vadd.f32 v4, v11  }
0x157: {  	s0 =	sshrl.u32 s0, $0x3;
	[tilespmem:s12+$0xB450] =	vst v5;
	v3 =	vadd.f32 v3, v10  }
0x158: {  	s0 =	sadd.s32 s5, s0;
	[tilespmem:s12+$0xB460] =	vst v4  }
0x159: {  	s0 =	sadd.s32 $0xF00, s0;
	[tilespmem:s12+$0xB470] =	vst v3  }
0x15a: {  	[hbm4b:s0+s3] =	stream.linear.scatter [tilespmem:s14], [sflag:$0x3], $0x7800, $0x38;
	[tilespmem:$0x19000] =	vst v63  }
0x15b: {  	_ =	swait.ge [sflag:s26], $0x7800  }
0x15c: {  	[sflag:s26] =	ssyncset.done $0x0  }
0x15d: {  	p1 =	seq.s32 s7, $0x7F;
	[sflag:s26] =	ssyncadd.s32 $0xFFFF8800  }
0x15e: {  	s0 =	smul.u32 @!p1 $0x140, s7;
	_ =	swait.ge [sflag:s28], $0x7800  }
0x15f: {  	[sflag:s28] =	ssyncset.done $0x0  }
0x160: {  	s0 =	sshra.s32 @!p1 s0, $0x2;
	[sflag:s28] =	ssyncadd.s32 $0xFFFF8800  }
0x161: {  	v3 =	vld @!p1 [tilespmem:s0+$0x50];
	_ =	sdelay $0x4  }
0x162: {  	v4 =	vshrl.u32 @!p1 v3, $0x3  }
0x163: {  	v4 =	vmul.u32 @!p1 $0x30, v4  }
0x164: {  	v5 =	vlaneseq.u32 @!p1;
	v3 =	vand.u32 @!p1 $0x7, v3  }
0x165: {  	v6 =	vshrl.u32 @!p1 v5, $0x3;
	v3 =	vor.u32 @!p1 v3, v4;
	v4 =	vand.u32 @!p1 $0x7, v5  }
0x166: {  	v6 =	vmul.u32 @!p1 $0x8, v6;
	v7 =	vperm.xlane @!p1 v3, v4;
	_ =	sdelay $0x1  }
0x167: {  	v7 =	vadd.s32 @!p1 v6, v7;
	_ =	sdelay $0x2  }
0x168: {  	v5 =	vor.u32 @!p1 $0x8, v5  }
0x169: {  	vm1 =	vmmov @!p1 $0xffff;
	s1 =	simm.s32 @!p1 $0x0;
	s4 =	simm.s32 @!p1 $0xA000;
	v3 =	vperm.xlane @!p1 v3, v5  }
0x16a: {  	[tilespmem:s4], [sflag:$0x1] =	stream.indirect_vreg.gather @!p1 [hbm4b:s2+s1], $0x80, v7, vm1, $0xb8;
	[tilespmem:$0x19000] =	vst v63  }
0x16b: {  	v3 =	vadd.s32 @!p1 v6, v3;
	s4 =	simm.s32 @!p1 $0xA800  }
0x16c: {  	[tilespmem:s4], [sflag:$0x1] =	stream.indirect_vreg.gather @!p1 [hbm4b:s8+s1], $0x80, v7, vm1, $0xb8;
	[tilespmem:$0x19000] =	vst v63  }
0x16d: {  	s4 =	simm.s32 @!p1 $0xB000  }
0x16e: {  	[tilespmem:s4], [sflag:$0x1] =	stream.indirect_vreg.gather @!p1 [hbm4b:s9+s1], $0x80, v7, vm1, $0xb8;
	[tilespmem:$0x19000] =	vst v63  }
0x16f: {  	s4 =	simm.s32 @!p1 $0xB800  }
0x170: {  	[tilespmem:s4], [sflag:$0x1] =	stream.indirect_vreg.gather @!p1 [hbm4b:s2+s1], $0x80, v3, vm1, $0xb8;
	[tilespmem:$0x19000] =	vst v63  }
0x171: {  	s4 =	simm.s32 @!p1 $0xC000  }
0x172: {  	[tilespmem:s4], [sflag:$0x1] =	stream.indirect_vreg.gather @!p1 [hbm4b:s8+s1], $0x80, v3, vm1, $0xb8;
	[tilespmem:$0x19000] =	vst v63  }
0x173: {  	s4 =	simm.s32 @!p1 $0xC800  }
0x174: {  	[tilespmem:s4], [sflag:$0x1] =	stream.indirect_vreg.gather @!p1 [hbm4b:s9+s1], $0x80, v3, vm1, $0xb8;
	[tilespmem:$0x19000] =	vst v63  }
0x175: {  	v3 =	vld @!p1 [tilespmem:s0+$0x60];
	_ =	sdelay $0x4  }
0x176: {  	v7 =	vshrl.u32 @!p1 v3, $0x3  }
0x177: {  	v7 =	vmul.u32 @!p1 $0x30, v7  }
0x178: {  	v3 =	vand.u32 @!p1 $0x7, v3  }
0x179: {  	v3 =	vor.u32 @!p1 v3, v7  }
0x17a: {  	v7 =	vperm.xlane @!p1 v3, v4;
	_ =	sdelay $0x1  }
0x17b: {  	v7 =	vadd.s32 @!p1 v6, v7;
	_ =	sdelay $0x3  }
0x17c: {  	s4 =	simm.s32 @!p1 $0xD000;
	v3 =	vperm.xlane @!p1 v3, v5  }
0x17d: {  	[tilespmem:s4], [sflag:$0x1] =	stream.indirect_vreg.gather @!p1 [hbm4b:s2+s1], $0x80, v7, vm1, $0xb8;
	[tilespmem:$0x19000] =	vst v63  }
0x17e: {  	v3 =	vadd.s32 @!p1 v6, v3;
	s4 =	simm.s32 @!p1 $0xD800  }
0x17f: {  	[tilespmem:s4], [sflag:$0x1] =	stream.indirect_vreg.gather @!p1 [hbm4b:s8+s1], $0x80, v7, vm1, $0xb8;
	[tilespmem:$0x19000] =	vst v63  }
0x180: {  	s4 =	simm.s32 @!p1 $0xE000  }
0x181: {  	[tilespmem:s4], [sflag:$0x1] =	stream.indirect_vreg.gather @!p1 [hbm4b:s9+s1], $0x80, v7, vm1, $0xb8;
	[tilespmem:$0x19000] =	vst v63  }
0x182: {  	s4 =	simm.s32 @!p1 $0xE800  }
0x183: {  	[tilespmem:s4], [sflag:$0x1] =	stream.indirect_vreg.gather @!p1 [hbm4b:s2+s1], $0x80, v3, vm1, $0xb8;
	[tilespmem:$0x19000] =	vst v63  }
0x184: {  	s4 =	simm.s32 @!p1 $0xF000  }
0x185: {  	[tilespmem:s4], [sflag:$0x1] =	stream.indirect_vreg.gather @!p1 [hbm4b:s8+s1], $0x80, v3, vm1, $0xb8;
	[tilespmem:$0x19000] =	vst v63  }
0x186: {  	s4 =	simm.s32 @!p1 $0xF800  }
0x187: {  	[tilespmem:s4], [sflag:$0x1] =	stream.indirect_vreg.gather @!p1 [hbm4b:s9+s1], $0x80, v3, vm1, $0xb8;
	[tilespmem:$0x19000] =	vst v63  }
0x188: {  	v3 =	vld.msk @!p1 [tilespmem:s0+$0x70], $0xff;
	_ =	sdelay $0x4  }
0x189: {  	v5 =	vshrl.u32 @!p1 v3, $0x3  }
0x18a: {  	v5 =	vmul.u32 @!p1 $0x30, v5  }
0x18b: {  	v3 =	vand.u32 @!p1 $0x7, v3  }
0x18c: {  	v3 =	vor.u32 @!p1 v3, v5  }
0x18d: {  	v3 =	vperm.xlane @!p1 v3, v4;
	_ =	sdelay $0x1  }
0x18e: {  	v3 =	vadd.s32 @!p1 v6, v3;
	_ =	sdelay $0x3  }
0x18f: {  	s0 =	simm.s32 @!p1 $0x10000  }
0x190: {  	[tilespmem:s0], [sflag:$0x1] =	stream.indirect_vreg.gather @!p1 [hbm4b:s2+s1], $0x80, v3, vm1, $0xb8;
	[tilespmem:$0x19000] =	vst v63  }
0x191: {  	s0 =	simm.s32 @!p1 $0x10800  }
0x192: {  	[tilespmem:s0], [sflag:$0x1] =	stream.indirect_vreg.gather @!p1 [hbm4b:s8+s1], $0x80, v3, vm1, $0xb8;
	[tilespmem:$0x19000] =	vst v63  }
0x193: {  	s12 =	simm.s32 $0x0;
	s0 =	simm.s32 @!p1 $0x11000  }
0x194: {  	[tilespmem:s0], [sflag:$0x1] =	stream.indirect_vreg.gather @!p1 [hbm4b:s9+s1], $0x80, v3, vm1, $0xb8;
	[tilespmem:$0x19000] =	vst v63  }
0x195: {  	s29 =	simm.s32 $0x0;
	s0 =	smul.u32 $0x1800, s12  }
0x196: {  	s13 =	sand.u32 $0x380, s29  }
0x197: {  	s12 =	sor.u32 s13, s0  }
0x198: {  	v12 =	vld [tilespmem:s12+$0x2800]  }
0x199: {  	v13 =	vld [tilespmem:s12+$0x2810]  }
0x19a: {  	v14 =	vld [tilespmem:s12+$0x2820]  }
0x19b: {  	v15 =	vld [tilespmem:s12+$0x2830]  }
0x19c: {  	v16 =	vld [tilespmem:s12+$0x2840]  }
0x19d: {  	v17 =	vld [tilespmem:s12+$0x2850]  }
0x19e: {  	v18 =	vld [tilespmem:s12+$0x2860]  }
0x19f: {  	v19 =	vld [tilespmem:s12+$0x2870]  }
0x1a0: {  	v20 =	vld [tilespmem:s12+$0x2C00]  }
0x1a1: {  	v21 =	vld [tilespmem:s12+$0x2C10]  }
0x1a2: {  	v22 =	vld [tilespmem:s12+$0x2C20]  }
0x1a3: {  	v23 =	vld [tilespmem:s12+$0x2C30]  }
0x1a4: {  	v24 =	vld [tilespmem:s12+$0x2C40]  }
0x1a5: {  	v25 =	vld [tilespmem:s12+$0x2C50]  }
0x1a6: {  	v26 =	vld [tilespmem:s12+$0x2C60]  }
0x1a7: {  	v27 =	vld [tilespmem:s12+$0x2C70]  }
0x1a8: {  	v28 =	vld [tilespmem:s12+$0x3000]  }
0x1a9: {  	v29 =	vld [tilespmem:s12+$0x3010]  }
0x1aa: {  	v30 =	vld [tilespmem:s12+$0x3020]  }
0x1ab: {  	v31 =	vld [tilespmem:s12+$0x3030]  }
0x1ac: {  	v32 =	vld [tilespmem:s12+$0x3040]  }
0x1ad: {  	v33 =	vld [tilespmem:s12+$0x3050]  }
0x1ae: {  	v34 =	vld [tilespmem:s12+$0x3060]  }
0x1af: {  	v35 =	vld [tilespmem:s12+$0x3070]  }
0x1b0: {  	v36 =	vld [tilespmem:s12+$0x3400]  }
0x1b1: {  	v37 =	vld [tilespmem:s12+$0x3410]  }
0x1b2: {  	v38 =	vld [tilespmem:s12+$0x3420]  }
0x1b3: {  	v39 =	vld [tilespmem:s12+$0x3430]  }
0x1b4: {  	v40 =	vld [tilespmem:s12+$0x3440]  }
0x1b5: {  	v41 =	vld [tilespmem:s12+$0x3450]  }
0x1b6: {  	v42 =	vld [tilespmem:s12+$0x3460]  }
0x1b7: {  	v43 =	vld [tilespmem:s12+$0x3470]  }
0x1b8: {  	v44 =	vld [tilespmem:s12+$0x3800]  }
0x1b9: {  	v45 =	vld [tilespmem:s12+$0x3810]  }
0x1ba: {  	v46 =	vld [tilespmem:s12+$0x3820]  }
0x1bb: {  	v47 =	vld [tilespmem:s12+$0x3830]  }
0x1bc: {  	v48 =	vld [tilespmem:s12+$0x3840]  }
0x1bd: {  	v49 =	vld [tilespmem:s12+$0x3850]  }
0x1be: {  	v50 =	vld [tilespmem:s12+$0x3860]  }
0x1bf: {  	v11 =	vld [tilespmem:s12+$0x3870]  }
0x1c0: {  	v10 =	vld [tilespmem:s12+$0x3C00]  }
0x1c1: {  	v9 =	vld [tilespmem:s12+$0x3C10]  }
0x1c2: {  	v8 =	vld [tilespmem:s12+$0x3C20]  }
0x1c3: {  	v7 =	vld [tilespmem:s12+$0x3C30]  }
0x1c4: {  	v6 =	vld [tilespmem:s12+$0x3C40]  }
0x1c5: {  	v51 =	vld [tilespmem:s12+$0x11800]  }
0x1c6: {  	v52 =	vld [tilespmem:s12+$0x11810]  }
0x1c7: {  	v53 =	vld [tilespmem:s12+$0x11820]  }
0x1c8: {  	v54 =	vld [tilespmem:s12+$0x11830]  }
0x1c9: {  	v55 =	vld [tilespmem:s12+$0x11840]  }
0x1ca: {  	v62 =	vld [tilespmem:s12+$0x11850];
	v12 =	vadd.f32 v12, v51  }
0x1cb: {  	v63 =	vld [tilespmem:s12+$0x11860];
	v13 =	vadd.f32 v13, v52  }
0x1cc: {  	[tilespmem:s12+$0x11800] =	vst v12;
	v12 =	vadd.f32 v14, v53;
	v14 =	vld [tilespmem:s12+$0x11870]  }
0x1cd: {  	[tilespmem:s12+$0x11810] =	vst v13;
	v13 =	vadd.f32 v15, v54;
	v15 =	vld [tilespmem:s12+$0x11C00]  }
0x1ce: {  	[tilespmem:s12+$0x11820] =	vst v12;
	v12 =	vadd.f32 v16, v55;
	v16 =	vld [tilespmem:s12+$0x11C10]  }
0x1cf: {  	[tilespmem:s12+$0x11830] =	vst v13;
	v13 =	vadd.f32 v17, v62;
	v17 =	vld [tilespmem:s12+$0x11C20]  }
0x1d0: {  	v5 =	vld [tilespmem:s12+$0x3C50]  }
0x1d1: {  	[tilespmem:s12+$0x11840] =	vst v12;
	v12 =	vadd.f32 v18, v63;
	v18 =	vld [tilespmem:s12+$0x11C70]  }
0x1d2: {  	[tilespmem:s12+$0x11850] =	vst v13;
	v13 =	vadd.f32 v19, v14;
	v14 =	vld [tilespmem:s12+$0x11C30]  }
0x1d3: {  	[tilespmem:s12+$0x11860] =	vst v12;
	v12 =	vadd.f32 v20, v15;
	v15 =	vld [tilespmem:s12+$0x11C40]  }
0x1d4: {  	[tilespmem:s12+$0x11870] =	vst v13;
	v13 =	vadd.f32 v21, v16;
	v16 =	vadd.f32 v22, v17;
	v17 =	vld [tilespmem:s12+$0x11C60]  }
0x1d5: {  	[tilespmem:s12+$0x11C00] =	vst v12;
	v12 =	vld [tilespmem:s12+$0x11C50]  }
0x1d6: {  	[tilespmem:s12+$0x11C10] =	vst v13;
	v13 =	vld [tilespmem:s12+$0x12000];
	v18 =	vadd.f32 v27, v18  }
0x1d7: {  	[tilespmem:s12+$0x11C20] =	vst v16;
	v16 =	vld [tilespmem:s12+$0x12010];
	v14 =	vadd.f32 v23, v14  }
0x1d8: {  	v4 =	vld [tilespmem:s12+$0x3C60];
	v15 =	vadd.f32 v24, v15;
	[tilespmem:s12+$0x11C70] =	vst v18  }
0x1d9: {  	[tilespmem:s12+$0x11C30] =	vst v14;
	v14 =	vld [tilespmem:s12+$0x12020];
	v17 =	vadd.f32 v26, v17  }
0x1da: {  	v12 =	vadd.f32 v25, v12;
	[tilespmem:s12+$0x11C40] =	vst v15;
	v15 =	vld [tilespmem:s12+$0x12030]  }
0x1db: {  	v18 =	vld [tilespmem:s12+$0x12070];
	[tilespmem:s12+$0x11C60] =	vst v17;
	v13 =	vadd.f32 v28, v13  }
0x1dc: {  	v16 =	vadd.f32 v29, v16;
	[tilespmem:s12+$0x11C50] =	vst v12;
	v12 =	vld [tilespmem:s12+$0x12040]  }
0x1dd: {  	v17 =	vld [tilespmem:s12+$0x12050];
	[tilespmem:s12+$0x12000] =	vst v13  }
0x1de: {  	[tilespmem:s12+$0x12010] =	vst v16;
	v16 =	vld [tilespmem:s12+$0x12060];
	v13 =	vadd.f32 v30, v14  }
0x1df: {  	v14 =	vld [tilespmem:s12+$0x12400];
	v15 =	vadd.f32 v31, v15  }
0x1e0: {  	[tilespmem:s12+$0x12020] =	vst v13;
	v13 =	vld [tilespmem:s12+$0x12410]  }
0x1e1: {  	v12 =	vadd.f32 v32, v12;
	[tilespmem:s12+$0x12030] =	vst v15;
	v15 =	vld [tilespmem:s12+$0x12420]  }
0x1e2: {  	v3 =	vld [tilespmem:s12+$0x3C70];
	v17 =	vadd.f32 v33, v17  }
0x1e3: {  	v16 =	vadd.f32 v34, v16;
	[tilespmem:s12+$0x12040] =	vst v12;
	v12 =	vld [tilespmem:s12+$0x12430]  }
0x1e4: {  	[tilespmem:s12+$0x12050] =	vst v17;
	v17 =	vld [tilespmem:s12+$0x12440];
	v14 =	vadd.f32 v36, v14  }
0x1e5: {  	v18 =	vadd.f32 v35, v18;
	[tilespmem:s12+$0x12060] =	vst v16;
	v16 =	vld [tilespmem:s12+$0x12450]  }
0x1e6: {  	v13 =	vadd.f32 v37, v13;
	[tilespmem:s12+$0x12400] =	vst v14;
	v14 =	vadd.f32 v38, v15;
	v15 =	vld [tilespmem:s12+$0x12460]  }
0x1e7: {  	[tilespmem:s12+$0x12070] =	vst v18;
	v18 =	vld [tilespmem:s12+$0x12470]  }
0x1e8: {  	[tilespmem:s12+$0x12410] =	vst v13;
	v13 =	vld [tilespmem:s12+$0x12800];
	v12 =	vadd.f32 v39, v12  }
0x1e9: {  	v17 =	vadd.f32 v40, v17;
	[tilespmem:s12+$0x12420] =	vst v14;
	v14 =	vld [tilespmem:s12+$0x12810]  }
0x1ea: {  	v16 =	vadd.f32 v41, v16;
	[tilespmem:s12+$0x12430] =	vst v12;
	v12 =	vld [tilespmem:s12+$0x12820]  }
0x1eb: {  	[tilespmem:s12+$0x12440] =	vst v17;
	v17 =	vld [tilespmem:s12+$0x12830];
	v15 =	vadd.f32 v42, v15  }
0x1ec: {  	v19 =	vld [tilespmem:s12+$0x12840];
	[tilespmem:s12+$0x12450] =	vst v16;
	v16 =	vadd.f32 v43, v18  }
0x1ed: {  	v18 =	vld [tilespmem:s12+$0x12850];
	v13 =	vadd.f32 v44, v13;
	[tilespmem:s12+$0x12460] =	vst v15  }
0x1ee: {  	v20 =	vld [tilespmem:s12+$0x12860];
	[tilespmem:s12+$0x12470] =	vst v16;
	v14 =	vadd.f32 v45, v14  }
0x1ef: {  	v16 =	vld [tilespmem:s12+$0x12870];
	[tilespmem:s12+$0x12800] =	vst v13;
	v12 =	vadd.f32 v46, v12  }
0x1f0: {  	v15 =	vld [tilespmem:s12+$0x12C00];
	v13 =	vadd.f32 v47, v17;
	[tilespmem:s12+$0x12810] =	vst v14  }
0x1f1: {  	v14 =	vld [tilespmem:s12+$0x12C10];
	[tilespmem:s12+$0x12820] =	vst v12;
	v12 =	vadd.f32 v48, v19  }
0x1f2: {  	[tilespmem:s12+$0x12830] =	vst v13;
	v13 =	vld [tilespmem:s12+$0x12C20];
	v18 =	vadd.f32 v49, v18  }
0x1f3: {  	s0 =	simm.s32 $0x1;
	v17 =	vadd.f32 v50, v20;
	[tilespmem:s12+$0x12840] =	vst v12;
	v12 =	vld [tilespmem:s12+$0x12C30]  }
.LBB2_12:
0x1f4: {  	s1 =	sshrl.u32 s0, $0x3;
	p1 =	sne.s32 s0, $0x27;
	[tilespmem:s12+$0x12850] =	vst v18;
	v11 =	vadd.f32 v11, v16;
	v16 =	vld [tilespmem:s12+$0x12C40]  }
0x1f5: {  	s29 =	sadd.s32 $0x80, s29;
	s1 =	smul.u32 $0x1800, s1;
	[tilespmem:s12+$0x12860] =	vst v17;
	v10 =	vadd.f32 v10, v15;
	v15 =	vld [tilespmem:s12+$0x12C50]  }
0x1f6: {  	s4 =	sand.u32 $0x380, s29;
	[tilespmem:s12+$0x12870] =	vst v11;
	v9 =	vadd.f32 v9, v14;
	v11 =	vld [tilespmem:s12+$0x12C60]  }
0x1f7: {  	s1 =	sor.u32 s4, s1;
	[tilespmem:s12+$0x12C00] =	vst v10;
	v8 =	vadd.f32 v8, v13;
	v10 =	vld [tilespmem:s12+$0x12C70]  }
0x1f8: {  	v39 =	vld [tilespmem:s1+$0x2800];
	[tilespmem:s12+$0x12C10] =	vst v9;
	v7 =	vadd.f32 v7, v12  }
0x1f9: {  	v40 =	vld [tilespmem:s1+$0x2810];
	[tilespmem:s12+$0x12C20] =	vst v8;
	v6 =	vadd.f32 v6, v16  }
0x1fa: {  	v41 =	vld [tilespmem:s1+$0x2820];
	[tilespmem:s12+$0x12C30] =	vst v7;
	v5 =	vadd.f32 v5, v15  }
0x1fb: {  	v42 =	vld [tilespmem:s1+$0x2830];
	[tilespmem:s12+$0x12C40] =	vst v6;
	v4 =	vadd.f32 v4, v11  }
0x1fc: {  	v43 =	vld [tilespmem:s1+$0x2840];
	[tilespmem:s12+$0x12C50] =	vst v5;
	v3 =	vadd.f32 v3, v10  }
0x1fd: {  	v44 =	vld [tilespmem:s1+$0x2850];
	[tilespmem:s12+$0x12C60] =	vst v4  }
0x1fe: {  	v45 =	vld [tilespmem:s1+$0x2860];
	[tilespmem:s12+$0x12C70] =	vst v3;
	s12 =	smov.u32 s1  }
0x1ff: {  	v46 =	vld [tilespmem:s12+$0x2870]  }
0x200: {  	v47 =	vld [tilespmem:s12+$0x2C00]  }
0x201: {  	v48 =	vld [tilespmem:s12+$0x2C10]  }
0x202: {  	v49 =	vld [tilespmem:s12+$0x2C20]  }
0x203: {  	v50 =	vld [tilespmem:s12+$0x2C30]  }
0x204: {  	v38 =	vld [tilespmem:s12+$0x2C40]  }
0x205: {  	v37 =	vld [tilespmem:s12+$0x2C50]  }
0x206: {  	v36 =	vld [tilespmem:s12+$0x2C60]  }
0x207: {  	v35 =	vld [tilespmem:s12+$0x2C70]  }
0x208: {  	v34 =	vld [tilespmem:s12+$0x3000]  }
0x209: {  	v33 =	vld [tilespmem:s12+$0x3010]  }
0x20a: {  	v32 =	vld [tilespmem:s12+$0x3020]  }
0x20b: {  	v31 =	vld [tilespmem:s12+$0x3030]  }
0x20c: {  	v30 =	vld [tilespmem:s12+$0x3040]  }
0x20d: {  	v29 =	vld [tilespmem:s12+$0x3050]  }
0x20e: {  	v28 =	vld [tilespmem:s12+$0x3060]  }
0x20f: {  	v27 =	vld [tilespmem:s12+$0x3070]  }
0x210: {  	v26 =	vld [tilespmem:s12+$0x3400]  }
0x211: {  	v25 =	vld [tilespmem:s12+$0x3410]  }
0x212: {  	v24 =	vld [tilespmem:s12+$0x3420]  }
0x213: {  	v23 =	vld [tilespmem:s12+$0x3430]  }
0x214: {  	v22 =	vld [tilespmem:s12+$0x3440]  }
0x215: {  	v21 =	vld [tilespmem:s12+$0x3450]  }
0x216: {  	v20 =	vld [tilespmem:s12+$0x3460]  }
0x217: {  	v19 =	vld [tilespmem:s12+$0x3470]  }
0x218: {  	v18 =	vld [tilespmem:s12+$0x3800]  }
0x219: {  	v17 =	vld [tilespmem:s12+$0x3810]  }
0x21a: {  	v16 =	vld [tilespmem:s12+$0x3820]  }
0x21b: {  	v15 =	vld [tilespmem:s12+$0x3830]  }
0x21c: {  	v14 =	vld [tilespmem:s12+$0x3840]  }
0x21d: {  	v13 =	vld [tilespmem:s12+$0x3850]  }
0x21e: {  	v12 =	vld [tilespmem:s12+$0x3860]  }
0x21f: {  	v11 =	vld [tilespmem:s12+$0x3870]  }
0x220: {  	v10 =	vld [tilespmem:s12+$0x3C00]  }
0x221: {  	v9 =	vld [tilespmem:s12+$0x3C10]  }
0x222: {  	v8 =	vld [tilespmem:s12+$0x3C20]  }
0x223: {  	v7 =	vld [tilespmem:s12+$0x3C30]  }
0x224: {  	v6 =	vld [tilespmem:s12+$0x3C40]  }
0x225: {  	v5 =	vld [tilespmem:s12+$0x3C50]  }
0x226: {  	v4 =	vld [tilespmem:s12+$0x3C60]  }
0x227: {  	v3 =	vld [tilespmem:s12+$0x3C70]  }
0x228: {  	v51 =	vld [tilespmem:s12+$0x11800]  }
0x229: {  	v52 =	vld [tilespmem:s12+$0x11810]  }
0x22a: {  	v53 =	vld [tilespmem:s12+$0x11820]  }
0x22b: {  	v54 =	vld [tilespmem:s12+$0x11830]  }
0x22c: {  	v55 =	vld [tilespmem:s12+$0x11840]  }
0x22d: {  	v39 =	vadd.f32 v39, v51;
	v51 =	vld [tilespmem:s12+$0x11850]  }
0x22e: {  	v40 =	vadd.f32 v40, v52;
	v52 =	vld [tilespmem:s12+$0x11860]  }
0x22f: {  	[tilespmem:s12+$0x11800] =	vst v39;
	v39 =	vadd.f32 v41, v53;
	v41 =	vld [tilespmem:s12+$0x11870]  }
0x230: {  	[tilespmem:s12+$0x11810] =	vst v40;
	v40 =	vadd.f32 v42, v54;
	v42 =	vld [tilespmem:s12+$0x11C00]  }
0x231: {  	[tilespmem:s12+$0x11820] =	vst v39;
	v39 =	vadd.f32 v43, v55;
	v43 =	vld [tilespmem:s12+$0x11C10]  }
0x232: {  	[tilespmem:s12+$0x11830] =	vst v40;
	v40 =	vadd.f32 v44, v51;
	v44 =	vld [tilespmem:s12+$0x11C20]  }
0x233: {  	[tilespmem:s12+$0x11840] =	vst v39;
	v39 =	vadd.f32 v45, v52;
	v45 =	vld [tilespmem:s12+$0x11C30]  }
0x234: {  	[tilespmem:s12+$0x11850] =	vst v40;
	v40 =	vadd.f32 v46, v41;
	v41 =	vld [tilespmem:s12+$0x11C40]  }
0x235: {  	[tilespmem:s12+$0x11860] =	vst v39;
	v39 =	vadd.f32 v47, v42;
	v42 =	vld [tilespmem:s12+$0x11C50]  }
0x236: {  	[tilespmem:s12+$0x11870] =	vst v40;
	v40 =	vadd.f32 v48, v43;
	v43 =	vld [tilespmem:s12+$0x11C60]  }
0x237: {  	[tilespmem:s12+$0x11C00] =	vst v39;
	v39 =	vadd.f32 v49, v44;
	v44 =	vld [tilespmem:s12+$0x11C70]  }
0x238: {  	[tilespmem:s12+$0x11C10] =	vst v40;
	v40 =	vadd.f32 v50, v45;
	v45 =	vld [tilespmem:s12+$0x12000]  }
0x239: {  	[tilespmem:s12+$0x11C20] =	vst v39;
	v38 =	vadd.f32 v38, v41;
	v39 =	vld [tilespmem:s12+$0x12010]  }
0x23a: {  	[tilespmem:s12+$0x11C30] =	vst v40;
	v37 =	vadd.f32 v37, v42;
	v40 =	vld [tilespmem:s12+$0x12020]  }
0x23b: {  	[tilespmem:s12+$0x11C40] =	vst v38;
	v36 =	vadd.f32 v36, v43;
	v38 =	vld [tilespmem:s12+$0x12030]  }
0x23c: {  	[tilespmem:s12+$0x11C50] =	vst v37;
	v35 =	vadd.f32 v35, v44;
	v37 =	vld [tilespmem:s12+$0x12040]  }
0x23d: {  	[tilespmem:s12+$0x11C60] =	vst v36;
	v34 =	vadd.f32 v34, v45;
	v36 =	vld [tilespmem:s12+$0x12050]  }
0x23e: {  	[tilespmem:s12+$0x11C70] =	vst v35;
	v33 =	vadd.f32 v33, v39;
	v35 =	vld [tilespmem:s12+$0x12060]  }
0x23f: {  	[tilespmem:s12+$0x12000] =	vst v34;
	v32 =	vadd.f32 v32, v40;
	v34 =	vld [tilespmem:s12+$0x12070]  }
0x240: {  	[tilespmem:s12+$0x12010] =	vst v33;
	v31 =	vadd.f32 v31, v38;
	v33 =	vld [tilespmem:s12+$0x12400]  }
0x241: {  	[tilespmem:s12+$0x12020] =	vst v32;
	v30 =	vadd.f32 v30, v37;
	v32 =	vld [tilespmem:s12+$0x12410]  }
0x242: {  	[tilespmem:s12+$0x12030] =	vst v31;
	v29 =	vadd.f32 v29, v36;
	v31 =	vld [tilespmem:s12+$0x12420]  }
0x243: {  	[tilespmem:s12+$0x12040] =	vst v30;
	v28 =	vadd.f32 v28, v35;
	v30 =	vld [tilespmem:s12+$0x12430]  }
0x244: {  	[tilespmem:s12+$0x12050] =	vst v29;
	v27 =	vadd.f32 v27, v34;
	v29 =	vld [tilespmem:s12+$0x12440]  }
0x245: {  	[tilespmem:s12+$0x12060] =	vst v28;
	v26 =	vadd.f32 v26, v33;
	v28 =	vld [tilespmem:s12+$0x12450]  }
0x246: {  	[tilespmem:s12+$0x12070] =	vst v27;
	v25 =	vadd.f32 v25, v32;
	v27 =	vld [tilespmem:s12+$0x12460]  }
0x247: {  	[tilespmem:s12+$0x12400] =	vst v26;
	v24 =	vadd.f32 v24, v31;
	v26 =	vld [tilespmem:s12+$0x12470]  }
0x248: {  	[tilespmem:s12+$0x12410] =	vst v25;
	v23 =	vadd.f32 v23, v30;
	v25 =	vld [tilespmem:s12+$0x12800]  }
0x249: {  	[tilespmem:s12+$0x12420] =	vst v24;
	v22 =	vadd.f32 v22, v29;
	v24 =	vld [tilespmem:s12+$0x12810]  }
0x24a: {  	[tilespmem:s12+$0x12430] =	vst v23;
	v21 =	vadd.f32 v21, v28;
	v23 =	vld [tilespmem:s12+$0x12820]  }
0x24b: {  	[tilespmem:s12+$0x12440] =	vst v22;
	v20 =	vadd.f32 v20, v27;
	v22 =	vld [tilespmem:s12+$0x12830]  }
0x24c: {  	[tilespmem:s12+$0x12450] =	vst v21;
	v19 =	vadd.f32 v19, v26;
	v21 =	vld [tilespmem:s12+$0x12840]  }
0x24d: {  	[tilespmem:s12+$0x12460] =	vst v20;
	v18 =	vadd.f32 v18, v25;
	v20 =	vld [tilespmem:s12+$0x12850]  }
0x24e: {  	[tilespmem:s12+$0x12470] =	vst v19;
	v17 =	vadd.f32 v17, v24;
	v19 =	vld [tilespmem:s12+$0x12860]  }
.Ltmp4:
0x24f: {  	[tilespmem:s12+$0x12800] =	vst v18;
	v18 =	vadd.f32 v16, v23;
	v16 =	vld [tilespmem:s12+$0x12870];
	(pc) =	sbr.rel @p1 .LBB2_12-.Ltmp4, $4  }
0x250: {  	[tilespmem:s12+$0x12810] =	vst v17;
	v17 =	vadd.f32 v15, v22;
	v15 =	vld [tilespmem:s12+$0x12C00]  }
0x251: {  	[tilespmem:s12+$0x12820] =	vst v18;
	v21 =	vadd.f32 v14, v21;
	v14 =	vld [tilespmem:s12+$0x12C10]  }
0x252: {  	[tilespmem:s12+$0x12830] =	vst v17;
	v18 =	vadd.f32 v13, v20;
	v13 =	vld [tilespmem:s12+$0x12C20]  }
0x253: {  	s0 =	sadd.s32 $0x1, s0;
	[tilespmem:s12+$0x12840] =	vst v21;
	v17 =	vadd.f32 v12, v19;
	v12 =	vld [tilespmem:s12+$0x12C30]  }
0x254: {  	[tilespmem:s12+$0x12850] =	vst v18;
	v60 =	vld [tilespmem:s12+$0x12C40];
	v11 =	vadd.f32 v11, v16  }
0x255: {  	v61 =	vld [tilespmem:s12+$0x12C50];
	[tilespmem:s12+$0x12860] =	vst v17;
	v10 =	vadd.f32 v10, v15  }
0x256: {  	v62 =	vld [tilespmem:s12+$0x12C60];
	[tilespmem:s12+$0x12870] =	vst v11;
	v9 =	vadd.f32 v9, v14  }
0x257: {  	v63 =	vld [tilespmem:s12+$0x12C70];
	[tilespmem:s12+$0x12C00] =	vst v10;
	v8 =	vadd.f32 v8, v13  }
0x258: {  	[tilespmem:s12+$0x12C10] =	vst v9;
	v7 =	vadd.f32 v7, v12  }
0x259: {  	s0 =	sadd.s32 s6, s11;
	s7 =	sadd.s32 $0x1, s7;
	[tilespmem:s12+$0x12C20] =	vst v8;
	v6 =	vadd.f32 v6, v60  }
0x25a: {  	s0 =	smul.u32 $0xF000, s0;
	p1 =	sne.s32 s7, $0x80;
	v5 =	vadd.f32 v5, v61;
	[tilespmem:s12+$0x12C30] =	vst v7  }
.Ltmp5:
0x25b: {  	v4 =	vadd.f32 v4, v62;
	[tilespmem:s12+$0x12C40] =	vst v6;
	(pc) =	sbr.rel @p1 .LBB2_9-.Ltmp5, $4  }
.Ltmp6:
0x25c: {  	s0 =	sshrl.u32 s0, $0x3;
	v3 =	vadd.f32 v3, v63;
	[tilespmem:s12+$0x12C50] =	vst v5;
	(pc) =	sbr.rel @!p1 .LBB2_14-.Ltmp6, $4  }
0x25d: {  	s0 =	sadd.s32 s5, s0;
	[tilespmem:s12+$0x12C60] =	vst v4  }
0x25e: {  	s0 =	sadd.s32 $0xF00, s0;
	[tilespmem:s12+$0x12C70] =	vst v3  }
0x25f: {  	[hbm4b:s0+s3] =	stream.linear.scatter [tilespmem:s31], [sflag:$0x4], $0x7800, $0x38;
	[tilespmem:$0x19000] =	vst v63  }
0x260: {  	_ = 	snop  }
.LBB2_2:
0x261: {  	s0 =	rddreg [dreg:$0x4];
	s4 =	simm.s32 $0x2800  }
0x262: {  	[tilespmem:s4], [sflag:$0x5] =	stream.linear.gather [hbm4b:s0+s10], $0x7800, $0x38;
	[tilespmem:$0x19000] =	vst v63  }
0x263: {  	_ =	swait.ge [sflag:s1], $0x7800  }
0x264: {  	[sflag:s1] =	ssyncset.done $0x0  }
0x265: {  	[sflag:s1] =	ssyncadd.s32 $0xFFFF8800  }
0x266: {  	v3 =	vld [tilespmem:$0x0];
	_ =	sdelay $0x4  }
0x267: {  	v4 =	vshrl.u32 v3, $0x3  }
0x268: {  	v4 =	vmul.u32 $0x30, v4  }
0x269: {  	v3 =	vand.u32 $0x7, v3  }
0x26a: {  	v3 =	vor.u32 v3, v4  }
0x26b: {  	v4 =	vperm.xlane v3, v0;
	_ =	sdelay $0x1  }
0x26c: {  	v4 =	vadd.s32 v1, v4;
	_ =	sdelay $0x3  }
0x26d: {  	v3 =	vperm.xlane v3, v2  }
0x26e: {  	[tilespmem:s14], [sflag:$0x1] =	stream.indirect_vreg.gather [hbm4b:s2+s10], $0x80, v4, vm0, $0xb8;
	[tilespmem:$0x19000] =	vst v63  }
0x26f: {  	s1 =	simm.s32 $0xA800;
	v3 =	vadd.s32 v1, v3  }
0x270: {  	[tilespmem:s1], [sflag:$0x1] =	stream.indirect_vreg.gather [hbm4b:s8+s10], $0x80, v4, vm0, $0xb8;
	[tilespmem:$0x19000] =	vst v63  }
0x271: {  	s4 =	simm.s32 $0xB000  }
0x272: {  	[tilespmem:s4], [sflag:$0x1] =	stream.indirect_vreg.gather [hbm4b:s9+s10], $0x80, v4, vm0, $0xb8;
	[tilespmem:$0x19000] =	vst v63  }
0x273: {  	s7 =	simm.s32 $0xB800  }
0x274: {  	[tilespmem:s7], [sflag:$0x1] =	stream.indirect_vreg.gather [hbm4b:s2+s10], $0x80, v3, vm0, $0xb8;
	[tilespmem:$0x19000] =	vst v63  }
0x275: {  	s11 =	simm.s32 $0xC000  }
0x276: {  	[tilespmem:s11], [sflag:$0x1] =	stream.indirect_vreg.gather [hbm4b:s8+s10], $0x80, v3, vm0, $0xb8;
	[tilespmem:$0x19000] =	vst v63  }
0x277: {  	s12 =	simm.s32 $0xC800  }
0x278: {  	[tilespmem:s12], [sflag:$0x1] =	stream.indirect_vreg.gather [hbm4b:s9+s10], $0x80, v3, vm0, $0xb8;
	[tilespmem:$0x19000] =	vst v63  }
0x279: {  	v3 =	vld [tilespmem:$0x10];
	_ =	sdelay $0x4  }
0x27a: {  	v62 =	vshrl.u32 v3, $0x3  }
0x27b: {  	v4 =	vmul.u32 $0x30, v62  }
0x27c: {  	v3 =	vand.u32 $0x7, v3  }
0x27d: {  	v3 =	vor.u32 v3, v4  }
0x27e: {  	v4 =	vperm.xlane v3, v0;
	_ =	sdelay $0x1  }
0x27f: {  	v4 =	vadd.s32 v1, v4;
	_ =	sdelay $0x3  }
0x280: {  	s13 =	simm.s32 $0xD000;
	v3 =	vperm.xlane v3, v2  }
0x281: {  	[tilespmem:s13], [sflag:$0x1] =	stream.indirect_vreg.gather [hbm4b:s2+s10], $0x80, v4, vm0, $0xb8;
	[tilespmem:$0x19000] =	vst v63  }
0x282: {  	s29 =	simm.s32 $0xD800;
	v3 =	vadd.s32 v1, v3  }
0x283: {  	[tilespmem:s29], [sflag:$0x1] =	stream.indirect_vreg.gather [hbm4b:s8+s10], $0x80, v4, vm0, $0xb8;
	[tilespmem:$0x19000] =	vst v63  }
0x284: {  	s1 =	simm.s32 $0xE000  }
0x285: {  	[tilespmem:s1], [sflag:$0x1] =	stream.indirect_vreg.gather [hbm4b:s9+s10], $0x80, v4, vm0, $0xb8;
	[tilespmem:$0x19000] =	vst v63  }
0x286: {  	s4 =	simm.s32 $0xE800  }
0x287: {  	[tilespmem:s4], [sflag:$0x1] =	stream.indirect_vreg.gather [hbm4b:s2+s10], $0x80, v3, vm0, $0xb8;
	[tilespmem:$0x19000] =	vst v63  }
0x288: {  	s7 =	simm.s32 $0xF000  }
0x289: {  	[tilespmem:s7], [sflag:$0x1] =	stream.indirect_vreg.gather [hbm4b:s8+s10], $0x80, v3, vm0, $0xb8;
	[tilespmem:$0x19000] =	vst v63  }
0x28a: {  	s11 =	simm.s32 $0xF800  }
0x28b: {  	[tilespmem:s11], [sflag:$0x1] =	stream.indirect_vreg.gather [hbm4b:s9+s10], $0x80, v3, vm0, $0xb8;
	[tilespmem:$0x19000] =	vst v63  }
0x28c: {  	v3 =	vld.msk [tilespmem:$0x20], $0xff;
	_ =	sdelay $0x4  }
0x28d: {  	v63 =	vshrl.u32 v3, $0x3  }
0x28e: {  	v4 =	vmul.u32 $0x30, v63  }
0x28f: {  	v3 =	vand.u32 $0x7, v3  }
0x290: {  	v3 =	vor.u32 v3, v4  }
0x291: {  	v3 =	vperm.xlane v3, v0;
	_ =	sdelay $0x1  }
0x292: {  	v3 =	vadd.s32 v1, v3;
	_ =	sdelay $0x3  }
0x293: {  	s12 =	simm.s32 $0x10000  }
0x294: {  	[tilespmem:s12], [sflag:$0x1] =	stream.indirect_vreg.gather [hbm4b:s2+s10], $0x80, v3, vm0, $0xb8;
	[tilespmem:$0x19000] =	vst v63  }
0x295: {  	s13 =	simm.s32 $0x10800  }
0x296: {  	[tilespmem:s13], [sflag:$0x1] =	stream.indirect_vreg.gather [hbm4b:s8+s10], $0x80, v3, vm0, $0xb8;
	[tilespmem:$0x19000] =	vst v63  }
0x297: {  	s29 =	simm.s32 $0x11000;
	s7 =	simm.s32 $0x0  }
0x298: {  	[tilespmem:s29], [sflag:$0x1] =	stream.indirect_vreg.gather [hbm4b:s9+s10], $0x80, v3, vm0, $0xb8;
	[tilespmem:$0x19000] =	vst v63  }
.LBB2_3:
0x299: {  	_ =	swait.ge [sflag:s30], $0x7800  }
0x29a: {  	s29 =	sshll.u32 s7, $0x1;
	p1 =	seq.s32 s7, $0x0;
	[sflag:s30] =	ssyncset.done $0x0  }
0x29b: {  	s0 =	simm.s32 @!p1 $0x4;
	s11 =	sor.u32 $0x1, s29;
	[sflag:s30] =	ssyncadd.s32 $0xFFFF8800  }
0x29c: {  	s4 =	smul.u32 $0xA0, s11;
	_ =	swait.ge @!p1 [sflag:s0], $0x7800  }
0x29d: {  	[sflag:s0] =	ssyncset.done @!p1 $0x0  }
0x29e: {  	s12 =	sshra.s32 s4, $0x2;
	[sflag:s0] =	ssyncadd.s32 @!p1 $0xFFFF8800  }
0x29f: {  	v3 =	vld [tilespmem:s12+$0x0];
	_ =	sdelay $0x4  }
0x2a0: {  	v4 =	vshrl.u32 v3, $0x3  }
0x2a1: {  	v4 =	vmul.u32 $0x30, v4  }
0x2a2: {  	v3 =	vand.u32 $0x7, v3  }
0x2a3: {  	v3 =	vor.u32 v3, v4  }
0x2a4: {  	v4 =	vperm.xlane v3, v0;
	_ =	sdelay $0x1  }
0x2a5: {  	v4 =	vadd.s32 v1, v4;
	_ =	sdelay $0x3  }
0x2a6: {  	v3 =	vperm.xlane v3, v2  }
0x2a7: {  	[tilespmem:s31], [sflag:$0x2] =	stream.indirect_vreg.gather [hbm4b:s2+s10], $0x80, v4, vm0, $0xb8;
	[tilespmem:$0x19000] =	vst v63  }
0x2a8: {  	s1 =	simm.s32 $0x12000;
	v3 =	vadd.s32 v1, v3  }
0x2a9: {  	[tilespmem:s1], [sflag:$0x2] =	stream.indirect_vreg.gather [hbm4b:s8+s10], $0x80, v4, vm0, $0xb8;
	[tilespmem:$0x19000] =	vst v63  }
0x2aa: {  	s13 =	simm.s32 $0x12800  }
0x2ab: {  	[tilespmem:s13], [sflag:$0x2] =	stream.indirect_vreg.gather [hbm4b:s9+s10], $0x80, v4, vm0, $0xb8;
	[tilespmem:$0x19000] =	vst v63  }
0x2ac: {  	s4 =	simm.s32 $0x13000  }
0x2ad: {  	[tilespmem:s4], [sflag:$0x2] =	stream.indirect_vreg.gather [hbm4b:s2+s10], $0x80, v3, vm0, $0xb8;
	[tilespmem:$0x19000] =	vst v63  }
0x2ae: {  	_ = 	snop  }
0x2af: {  	[tilespmem:s15], [sflag:$0x2] =	stream.indirect_vreg.gather [hbm4b:s8+s10], $0x80, v3, vm0, $0xb8;
	[tilespmem:$0x19000] =	vst v63  }
0x2b0: {  	_ = 	snop  }
0x2b1: {  	[tilespmem:s16], [sflag:$0x2] =	stream.indirect_vreg.gather [hbm4b:s9+s10], $0x80, v3, vm0, $0xb8;
	[tilespmem:$0x19000] =	vst v63  }
0x2b2: {  	v3 =	vld [tilespmem:s12+$0x10];
	_ =	sdelay $0x4  }
0x2b3: {  	v4 =	vshrl.u32 v3, $0x3  }
0x2b4: {  	v4 =	vmul.u32 $0x30, v4  }
0x2b5: {  	v3 =	vand.u32 $0x7, v3  }
0x2b6: {  	v3 =	vor.u32 v3, v4  }
0x2b7: {  	v4 =	vperm.xlane v3, v0;
	_ =	sdelay $0x1  }
0x2b8: {  	v4 =	vadd.s32 v1, v4;
	_ =	sdelay $0x3  }
0x2b9: {  	v3 =	vperm.xlane v3, v2  }
0x2ba: {  	[tilespmem:s17], [sflag:$0x2] =	stream.indirect_vreg.gather [hbm4b:s2+s10], $0x80, v4, vm0, $0xb8;
	[tilespmem:$0x19000] =	vst v63  }
0x2bb: {  	v3 =	vadd.s32 v1, v3  }
0x2bc: {  	[tilespmem:s18], [sflag:$0x2] =	stream.indirect_vreg.gather [hbm4b:s8+s10], $0x80, v4, vm0, $0xb8;
	[tilespmem:$0x19000] =	vst v63  }
0x2bd: {  	_ = 	snop  }
0x2be: {  	[tilespmem:s19], [sflag:$0x2] =	stream.indirect_vreg.gather [hbm4b:s9+s10], $0x80, v4, vm0, $0xb8;
	[tilespmem:$0x19000] =	vst v63  }
0x2bf: {  	_ = 	snop  }
0x2c0: {  	[tilespmem:s20], [sflag:$0x2] =	stream.indirect_vreg.gather [hbm4b:s2+s10], $0x80, v3, vm0, $0xb8;
	[tilespmem:$0x19000] =	vst v63  }
0x2c1: {  	_ = 	snop  }
0x2c2: {  	[tilespmem:s21], [sflag:$0x2] =	stream.indirect_vreg.gather [hbm4b:s8+s10], $0x80, v3, vm0, $0xb8;
	[tilespmem:$0x19000] =	vst v63  }
0x2c3: {  	_ = 	snop  }
0x2c4: {  	[tilespmem:s22], [sflag:$0x2] =	stream.indirect_vreg.gather [hbm4b:s9+s10], $0x80, v3, vm0, $0xb8;
	[tilespmem:$0x19000] =	vst v63  }
0x2c5: {  	v3 =	vld.msk [tilespmem:s12+$0x20], $0xff;
	_ =	sdelay $0x4  }
0x2c6: {  	v4 =	vshrl.u32 v3, $0x3  }
0x2c7: {  	v4 =	vmul.u32 $0x30, v4  }
0x2c8: {  	v3 =	vand.u32 $0x7, v3  }
0x2c9: {  	v3 =	vor.u32 v3, v4  }
0x2ca: {  	v3 =	vperm.xlane v3, v0;
	_ =	sdelay $0x1  }
0x2cb: {  	v3 =	vadd.s32 v1, v3;
	_ =	sdelay $0x3  }
0x2cc: {  	s12 =	simm.s32 $0x0  }
0x2cd: {  	[tilespmem:s23], [sflag:$0x2] =	stream.indirect_vreg.gather [hbm4b:s2+s10], $0x80, v3, vm0, $0xb8;
	[tilespmem:$0x19000] =	vst v63  }
0x2ce: {  	s13 =	sand.u32 $0x380, s10;
	s0 =	smul.u32 $0x1800, s12  }
0x2cf: {  	[tilespmem:s24], [sflag:$0x2] =	stream.indirect_vreg.gather [hbm4b:s8+s10], $0x80, v3, vm0, $0xb8;
	[tilespmem:$0x19000] =	vst v63  }
0x2d0: {  	s12 =	sor.u32 s13, s0  }
0x2d1: {  	[tilespmem:s25], [sflag:$0x2] =	stream.indirect_vreg.gather [hbm4b:s9+s10], $0x80, v3, vm0, $0xb8;
	[tilespmem:$0x19000] =	vst v63  }
0x2d2: {  	v12 =	vld [tilespmem:s12+$0x2800]  }
0x2d3: {  	v13 =	vld [tilespmem:s12+$0x2810]  }
0x2d4: {  	v14 =	vld [tilespmem:s12+$0x2820]  }
0x2d5: {  	v15 =	vld [tilespmem:s12+$0x2830]  }
0x2d6: {  	v16 =	vld [tilespmem:s12+$0x2840]  }
0x2d7: {  	v17 =	vld [tilespmem:s12+$0x2850]  }
0x2d8: {  	v18 =	vld [tilespmem:s12+$0x2860]  }
0x2d9: {  	v19 =	vld [tilespmem:s12+$0x2870]  }
0x2da: {  	v20 =	vld [tilespmem:s12+$0x2C00]  }
0x2db: {  	v21 =	vld [tilespmem:s12+$0x2C10]  }
0x2dc: {  	v22 =	vld [tilespmem:s12+$0x2C20]  }
0x2dd: {  	v23 =	vld [tilespmem:s12+$0x2C30]  }
0x2de: {  	v24 =	vld [tilespmem:s12+$0x2C40]  }
0x2df: {  	v25 =	vld [tilespmem:s12+$0x2C50]  }
0x2e0: {  	v26 =	vld [tilespmem:s12+$0x2C60]  }
0x2e1: {  	v27 =	vld [tilespmem:s12+$0x2C70]  }
0x2e2: {  	v28 =	vld [tilespmem:s12+$0x3000]  }
0x2e3: {  	v29 =	vld [tilespmem:s12+$0x3010]  }
0x2e4: {  	v30 =	vld [tilespmem:s12+$0x3020]  }
0x2e5: {  	v31 =	vld [tilespmem:s12+$0x3030]  }
0x2e6: {  	v32 =	vld [tilespmem:s12+$0x3040]  }
0x2e7: {  	v33 =	vld [tilespmem:s12+$0x3050]  }
0x2e8: {  	v34 =	vld [tilespmem:s12+$0x3060]  }
0x2e9: {  	v35 =	vld [tilespmem:s12+$0x3070]  }
0x2ea: {  	v36 =	vld [tilespmem:s12+$0x3400]  }
0x2eb: {  	v37 =	vld [tilespmem:s12+$0x3410]  }
0x2ec: {  	v38 =	vld [tilespmem:s12+$0x3420]  }
0x2ed: {  	v39 =	vld [tilespmem:s12+$0x3430]  }
0x2ee: {  	v40 =	vld [tilespmem:s12+$0x3440]  }
0x2ef: {  	v41 =	vld [tilespmem:s12+$0x3450]  }
0x2f0: {  	v42 =	vld [tilespmem:s12+$0x3460]  }
0x2f1: {  	v43 =	vld [tilespmem:s12+$0x3470]  }
0x2f2: {  	v44 =	vld [tilespmem:s12+$0x3800]  }
0x2f3: {  	v45 =	vld [tilespmem:s12+$0x3810]  }
0x2f4: {  	v46 =	vld [tilespmem:s12+$0x3820]  }
0x2f5: {  	v47 =	vld [tilespmem:s12+$0x3830]  }
0x2f6: {  	v48 =	vld [tilespmem:s12+$0x3840]  }
0x2f7: {  	v49 =	vld [tilespmem:s12+$0x3850]  }
0x2f8: {  	v50 =	vld [tilespmem:s12+$0x3860]  }
0x2f9: {  	v11 =	vld [tilespmem:s12+$0x3870]  }
0x2fa: {  	v10 =	vld [tilespmem:s12+$0x3C00]  }
0x2fb: {  	v9 =	vld [tilespmem:s12+$0x3C10]  }
0x2fc: {  	v8 =	vld [tilespmem:s12+$0x3C20]  }
0x2fd: {  	v7 =	vld [tilespmem:s12+$0x3C30]  }
0x2fe: {  	v6 =	vld [tilespmem:s12+$0x3C40]  }
0x2ff: {  	v51 =	vld [tilespmem:s12+$0xA000]  }
0x300: {  	v52 =	vld [tilespmem:s12+$0xA010]  }
0x301: {  	v53 =	vld [tilespmem:s12+$0xA020]  }
0x302: {  	v54 =	vld [tilespmem:s12+$0xA030]  }
0x303: {  	v55 =	vld [tilespmem:s12+$0xA040]  }
0x304: {  	v62 =	vld [tilespmem:s12+$0xA050];
	v12 =	vadd.f32 v12, v51  }
0x305: {  	v63 =	vld [tilespmem:s12+$0xA060];
	v13 =	vadd.f32 v13, v52  }
0x306: {  	[tilespmem:s12+$0xA000] =	vst v12;
	v12 =	vadd.f32 v14, v53;
	v14 =	vld [tilespmem:s12+$0xA070]  }
0x307: {  	[tilespmem:s12+$0xA010] =	vst v13;
	v13 =	vadd.f32 v15, v54;
	v15 =	vld [tilespmem:s12+$0xA400]  }
0x308: {  	[tilespmem:s12+$0xA020] =	vst v12;
	v12 =	vadd.f32 v16, v55;
	v16 =	vld [tilespmem:s12+$0xA410]  }
0x309: {  	[tilespmem:s12+$0xA030] =	vst v13;
	v13 =	vadd.f32 v17, v62;
	v17 =	vld [tilespmem:s12+$0xA420]  }
0x30a: {  	v5 =	vld [tilespmem:s12+$0x3C50]  }
0x30b: {  	[tilespmem:s12+$0xA040] =	vst v12;
	v12 =	vadd.f32 v18, v63;
	v18 =	vld [tilespmem:s12+$0xA470]  }
0x30c: {  	[tilespmem:s12+$0xA050] =	vst v13;
	v13 =	vadd.f32 v19, v14;
	v14 =	vld [tilespmem:s12+$0xA430]  }
0x30d: {  	[tilespmem:s12+$0xA060] =	vst v12;
	v12 =	vadd.f32 v20, v15;
	v15 =	vld [tilespmem:s12+$0xA440]  }
0x30e: {  	[tilespmem:s12+$0xA070] =	vst v13;
	v13 =	vadd.f32 v21, v16;
	v16 =	vadd.f32 v22, v17;
	v17 =	vld [tilespmem:s12+$0xA460]  }
0x30f: {  	[tilespmem:s12+$0xA400] =	vst v12;
	v12 =	vld [tilespmem:s12+$0xA450]  }
0x310: {  	[tilespmem:s12+$0xA410] =	vst v13;
	v13 =	vld [tilespmem:s12+$0xA800];
	v18 =	vadd.f32 v27, v18  }
0x311: {  	[tilespmem:s12+$0xA420] =	vst v16;
	v16 =	vld [tilespmem:s12+$0xA810];
	v14 =	vadd.f32 v23, v14  }
0x312: {  	v4 =	vld [tilespmem:s12+$0x3C60];
	v15 =	vadd.f32 v24, v15;
	[tilespmem:s12+$0xA470] =	vst v18  }
0x313: {  	[tilespmem:s12+$0xA430] =	vst v14;
	v14 =	vld [tilespmem:s12+$0xA820];
	v17 =	vadd.f32 v26, v17  }
0x314: {  	v12 =	vadd.f32 v25, v12;
	[tilespmem:s12+$0xA440] =	vst v15;
	v15 =	vld [tilespmem:s12+$0xA830]  }
0x315: {  	v18 =	vld [tilespmem:s12+$0xA870];
	[tilespmem:s12+$0xA460] =	vst v17;
	v13 =	vadd.f32 v28, v13  }
0x316: {  	v16 =	vadd.f32 v29, v16;
	[tilespmem:s12+$0xA450] =	vst v12;
	v12 =	vld [tilespmem:s12+$0xA840]  }
0x317: {  	v17 =	vld [tilespmem:s12+$0xA850];
	[tilespmem:s12+$0xA800] =	vst v13  }
0x318: {  	[tilespmem:s12+$0xA810] =	vst v16;
	v16 =	vld [tilespmem:s12+$0xA860];
	v13 =	vadd.f32 v30, v14  }
0x319: {  	v14 =	vld [tilespmem:s12+$0xAC00];
	v15 =	vadd.f32 v31, v15  }
0x31a: {  	[tilespmem:s12+$0xA820] =	vst v13;
	v13 =	vld [tilespmem:s12+$0xAC10]  }
0x31b: {  	v12 =	vadd.f32 v32, v12;
	[tilespmem:s12+$0xA830] =	vst v15;
	v15 =	vld [tilespmem:s12+$0xAC20]  }
0x31c: {  	v3 =	vld [tilespmem:s12+$0x3C70];
	v17 =	vadd.f32 v33, v17  }
0x31d: {  	v16 =	vadd.f32 v34, v16;
	[tilespmem:s12+$0xA840] =	vst v12;
	v12 =	vld [tilespmem:s12+$0xAC30]  }
0x31e: {  	[tilespmem:s12+$0xA850] =	vst v17;
	v17 =	vld [tilespmem:s12+$0xAC40];
	v14 =	vadd.f32 v36, v14  }
0x31f: {  	v18 =	vadd.f32 v35, v18;
	[tilespmem:s12+$0xA860] =	vst v16;
	v16 =	vld [tilespmem:s12+$0xAC50]  }
0x320: {  	v13 =	vadd.f32 v37, v13;
	[tilespmem:s12+$0xAC00] =	vst v14;
	v14 =	vadd.f32 v38, v15;
	v15 =	vld [tilespmem:s12+$0xAC60]  }
0x321: {  	[tilespmem:s12+$0xA870] =	vst v18;
	v18 =	vld [tilespmem:s12+$0xAC70]  }
0x322: {  	[tilespmem:s12+$0xAC10] =	vst v13;
	v13 =	vld [tilespmem:s12+$0xB000];
	v12 =	vadd.f32 v39, v12  }
0x323: {  	v17 =	vadd.f32 v40, v17;
	[tilespmem:s12+$0xAC20] =	vst v14;
	v14 =	vld [tilespmem:s12+$0xB010]  }
0x324: {  	v16 =	vadd.f32 v41, v16;
	[tilespmem:s12+$0xAC30] =	vst v12;
	v12 =	vld [tilespmem:s12+$0xB020]  }
0x325: {  	[tilespmem:s12+$0xAC40] =	vst v17;
	v17 =	vld [tilespmem:s12+$0xB030];
	v15 =	vadd.f32 v42, v15  }
0x326: {  	v19 =	vld [tilespmem:s12+$0xB040];
	[tilespmem:s12+$0xAC50] =	vst v16;
	v16 =	vadd.f32 v43, v18  }
0x327: {  	v18 =	vld [tilespmem:s12+$0xB050];
	v13 =	vadd.f32 v44, v13;
	[tilespmem:s12+$0xAC60] =	vst v15  }
0x328: {  	v20 =	vld [tilespmem:s12+$0xB060];
	[tilespmem:s12+$0xAC70] =	vst v16;
	v14 =	vadd.f32 v45, v14  }
0x329: {  	v16 =	vld [tilespmem:s12+$0xB070];
	[tilespmem:s12+$0xB000] =	vst v13;
	v12 =	vadd.f32 v46, v12  }
0x32a: {  	v15 =	vld [tilespmem:s12+$0xB400];
	v13 =	vadd.f32 v47, v17;
	[tilespmem:s12+$0xB010] =	vst v14  }
0x32b: {  	v14 =	vld [tilespmem:s12+$0xB410];
	[tilespmem:s12+$0xB020] =	vst v12;
	v12 =	vadd.f32 v48, v19  }
0x32c: {  	[tilespmem:s12+$0xB030] =	vst v13;
	v13 =	vld [tilespmem:s12+$0xB420];
	v18 =	vadd.f32 v49, v18  }
0x32d: {  	s4 =	simm.s32 $0x1;
	s0 =	simm.s32 $0x0;
	v17 =	vadd.f32 v50, v20;
	[tilespmem:s12+$0xB040] =	vst v12;
	v12 =	vld [tilespmem:s12+$0xB430]  }
.LBB2_4:
0x32e: {  	s1 =	sshrl.u32 s4, $0x3;
	p1 =	sne.s32 s4, $0x27;
	[tilespmem:s12+$0xB050] =	vst v18;
	v11 =	vadd.f32 v11, v16;
	v16 =	vld [tilespmem:s12+$0xB440]  }
0x32f: {  	s0 =	sadd.s32 $0x80, s0;
	s1 =	smul.u32 $0x1800, s1;
	[tilespmem:s12+$0xB060] =	vst v17;
	v10 =	vadd.f32 v10, v15;
	v15 =	vld [tilespmem:s12+$0xB450]  }
0x330: {  	s13 =	sand.u32 $0x380, s0;
	[tilespmem:s12+$0xB070] =	vst v11;
	v9 =	vadd.f32 v9, v14;
	v11 =	vld [tilespmem:s12+$0xB460]  }
0x331: {  	s1 =	sor.u32 s13, s1;
	[tilespmem:s12+$0xB400] =	vst v10;
	v8 =	vadd.f32 v8, v13;
	v10 =	vld [tilespmem:s12+$0xB470]  }
0x332: {  	v39 =	vld [tilespmem:s1+$0x2800];
	[tilespmem:s12+$0xB410] =	vst v9;
	v7 =	vadd.f32 v7, v12  }
0x333: {  	v40 =	vld [tilespmem:s1+$0x2810];
	[tilespmem:s12+$0xB420] =	vst v8;
	v6 =	vadd.f32 v6, v16  }
0x334: {  	v41 =	vld [tilespmem:s1+$0x2820];
	[tilespmem:s12+$0xB430] =	vst v7;
	v5 =	vadd.f32 v5, v15  }
0x335: {  	v42 =	vld [tilespmem:s1+$0x2830];
	[tilespmem:s12+$0xB440] =	vst v6;
	v4 =	vadd.f32 v4, v11  }
0x336: {  	v43 =	vld [tilespmem:s1+$0x2840];
	[tilespmem:s12+$0xB450] =	vst v5;
	v3 =	vadd.f32 v3, v10  }
0x337: {  	v44 =	vld [tilespmem:s1+$0x2850];
	[tilespmem:s12+$0xB460] =	vst v4  }
0x338: {  	v45 =	vld [tilespmem:s1+$0x2860];
	[tilespmem:s12+$0xB470] =	vst v3;
	s12 =	smov.u32 s1  }
0x339: {  	v46 =	vld [tilespmem:s12+$0x2870]  }
0x33a: {  	v47 =	vld [tilespmem:s12+$0x2C00]  }
0x33b: {  	v48 =	vld [tilespmem:s12+$0x2C10]  }
0x33c: {  	v49 =	vld [tilespmem:s12+$0x2C20]  }
0x33d: {  	v50 =	vld [tilespmem:s12+$0x2C30]  }
0x33e: {  	v38 =	vld [tilespmem:s12+$0x2C40]  }
0x33f: {  	v37 =	vld [tilespmem:s12+$0x2C50]  }
0x340: {  	v36 =	vld [tilespmem:s12+$0x2C60]  }
0x341: {  	v35 =	vld [tilespmem:s12+$0x2C70]  }
0x342: {  	v34 =	vld [tilespmem:s12+$0x3000]  }
0x343: {  	v33 =	vld [tilespmem:s12+$0x3010]  }
0x344: {  	v32 =	vld [tilespmem:s12+$0x3020]  }
0x345: {  	v31 =	vld [tilespmem:s12+$0x3030]  }
0x346: {  	v30 =	vld [tilespmem:s12+$0x3040]  }
0x347: {  	v29 =	vld [tilespmem:s12+$0x3050]  }
0x348: {  	v28 =	vld [tilespmem:s12+$0x3060]  }
0x349: {  	v27 =	vld [tilespmem:s12+$0x3070]  }
0x34a: {  	v26 =	vld [tilespmem:s12+$0x3400]  }
0x34b: {  	v25 =	vld [tilespmem:s12+$0x3410]  }
0x34c: {  	v24 =	vld [tilespmem:s12+$0x3420]  }
0x34d: {  	v23 =	vld [tilespmem:s12+$0x3430]  }
0x34e: {  	v22 =	vld [tilespmem:s12+$0x3440]  }
0x34f: {  	v21 =	vld [tilespmem:s12+$0x3450]  }
0x350: {  	v20 =	vld [tilespmem:s12+$0x3460]  }
0x351: {  	v19 =	vld [tilespmem:s12+$0x3470]  }
0x352: {  	v18 =	vld [tilespmem:s12+$0x3800]  }
0x353: {  	v17 =	vld [tilespmem:s12+$0x3810]  }
0x354: {  	v16 =	vld [tilespmem:s12+$0x3820]  }
0x355: {  	v15 =	vld [tilespmem:s12+$0x3830]  }
0x356: {  	v14 =	vld [tilespmem:s12+$0x3840]  }
0x357: {  	v13 =	vld [tilespmem:s12+$0x3850]  }
0x358: {  	v12 =	vld [tilespmem:s12+$0x3860]  }
0x359: {  	v11 =	vld [tilespmem:s12+$0x3870]  }
0x35a: {  	v10 =	vld [tilespmem:s12+$0x3C00]  }
0x35b: {  	v9 =	vld [tilespmem:s12+$0x3C10]  }
0x35c: {  	v8 =	vld [tilespmem:s12+$0x3C20]  }
0x35d: {  	v7 =	vld [tilespmem:s12+$0x3C30]  }
0x35e: {  	v6 =	vld [tilespmem:s12+$0x3C40]  }
0x35f: {  	v5 =	vld [tilespmem:s12+$0x3C50]  }
0x360: {  	v4 =	vld [tilespmem:s12+$0x3C60]  }
0x361: {  	v3 =	vld [tilespmem:s12+$0x3C70]  }
0x362: {  	v51 =	vld [tilespmem:s12+$0xA000]  }
0x363: {  	v52 =	vld [tilespmem:s12+$0xA010]  }
0x364: {  	v53 =	vld [tilespmem:s12+$0xA020]  }
0x365: {  	v54 =	vld [tilespmem:s12+$0xA030]  }
0x366: {  	v55 =	vld [tilespmem:s12+$0xA040]  }
0x367: {  	v39 =	vadd.f32 v39, v51;
	v51 =	vld [tilespmem:s12+$0xA050]  }
0x368: {  	v40 =	vadd.f32 v40, v52;
	v52 =	vld [tilespmem:s12+$0xA060]  }
0x369: {  	[tilespmem:s12+$0xA000] =	vst v39;
	v39 =	vadd.f32 v41, v53;
	v41 =	vld [tilespmem:s12+$0xA070]  }
0x36a: {  	[tilespmem:s12+$0xA010] =	vst v40;
	v40 =	vadd.f32 v42, v54;
	v42 =	vld [tilespmem:s12+$0xA400]  }
0x36b: {  	[tilespmem:s12+$0xA020] =	vst v39;
	v39 =	vadd.f32 v43, v55;
	v43 =	vld [tilespmem:s12+$0xA410]  }
0x36c: {  	[tilespmem:s12+$0xA030] =	vst v40;
	v40 =	vadd.f32 v44, v51;
	v44 =	vld [tilespmem:s12+$0xA420]  }
0x36d: {  	[tilespmem:s12+$0xA040] =	vst v39;
	v39 =	vadd.f32 v45, v52;
	v45 =	vld [tilespmem:s12+$0xA430]  }
0x36e: {  	[tilespmem:s12+$0xA050] =	vst v40;
	v40 =	vadd.f32 v46, v41;
	v41 =	vld [tilespmem:s12+$0xA440]  }
0x36f: {  	[tilespmem:s12+$0xA060] =	vst v39;
	v39 =	vadd.f32 v47, v42;
	v42 =	vld [tilespmem:s12+$0xA450]  }
0x370: {  	[tilespmem:s12+$0xA070] =	vst v40;
	v40 =	vadd.f32 v48, v43;
	v43 =	vld [tilespmem:s12+$0xA460]  }
0x371: {  	[tilespmem:s12+$0xA400] =	vst v39;
	v39 =	vadd.f32 v49, v44;
	v44 =	vld [tilespmem:s12+$0xA470]  }
0x372: {  	[tilespmem:s12+$0xA410] =	vst v40;
	v40 =	vadd.f32 v50, v45;
	v45 =	vld [tilespmem:s12+$0xA800]  }
0x373: {  	[tilespmem:s12+$0xA420] =	vst v39;
	v38 =	vadd.f32 v38, v41;
	v39 =	vld [tilespmem:s12+$0xA810]  }
0x374: {  	[tilespmem:s12+$0xA430] =	vst v40;
	v37 =	vadd.f32 v37, v42;
	v40 =	vld [tilespmem:s12+$0xA820]  }
0x375: {  	[tilespmem:s12+$0xA440] =	vst v38;
	v36 =	vadd.f32 v36, v43;
	v38 =	vld [tilespmem:s12+$0xA830]  }
0x376: {  	[tilespmem:s12+$0xA450] =	vst v37;
	v35 =	vadd.f32 v35, v44;
	v37 =	vld [tilespmem:s12+$0xA840]  }
0x377: {  	[tilespmem:s12+$0xA460] =	vst v36;
	v34 =	vadd.f32 v34, v45;
	v36 =	vld [tilespmem:s12+$0xA850]  }
0x378: {  	[tilespmem:s12+$0xA470] =	vst v35;
	v33 =	vadd.f32 v33, v39;
	v35 =	vld [tilespmem:s12+$0xA860]  }
0x379: {  	[tilespmem:s12+$0xA800] =	vst v34;
	v32 =	vadd.f32 v32, v40;
	v34 =	vld [tilespmem:s12+$0xA870]  }
0x37a: {  	[tilespmem:s12+$0xA810] =	vst v33;
	v31 =	vadd.f32 v31, v38;
	v33 =	vld [tilespmem:s12+$0xAC00]  }
0x37b: {  	[tilespmem:s12+$0xA820] =	vst v32;
	v30 =	vadd.f32 v30, v37;
	v32 =	vld [tilespmem:s12+$0xAC10]  }
0x37c: {  	[tilespmem:s12+$0xA830] =	vst v31;
	v29 =	vadd.f32 v29, v36;
	v31 =	vld [tilespmem:s12+$0xAC20]  }
0x37d: {  	[tilespmem:s12+$0xA840] =	vst v30;
	v28 =	vadd.f32 v28, v35;
	v30 =	vld [tilespmem:s12+$0xAC30]  }
0x37e: {  	[tilespmem:s12+$0xA850] =	vst v29;
	v27 =	vadd.f32 v27, v34;
	v29 =	vld [tilespmem:s12+$0xAC40]  }
0x37f: {  	[tilespmem:s12+$0xA860] =	vst v28;
	v26 =	vadd.f32 v26, v33;
	v28 =	vld [tilespmem:s12+$0xAC50]  }
0x380: {  	[tilespmem:s12+$0xA870] =	vst v27;
	v25 =	vadd.f32 v25, v32;
	v27 =	vld [tilespmem:s12+$0xAC60]  }
0x381: {  	[tilespmem:s12+$0xAC00] =	vst v26;
	v24 =	vadd.f32 v24, v31;
	v26 =	vld [tilespmem:s12+$0xAC70]  }
0x382: {  	[tilespmem:s12+$0xAC10] =	vst v25;
	v23 =	vadd.f32 v23, v30;
	v25 =	vld [tilespmem:s12+$0xB000]  }
0x383: {  	[tilespmem:s12+$0xAC20] =	vst v24;
	v22 =	vadd.f32 v22, v29;
	v24 =	vld [tilespmem:s12+$0xB010]  }
0x384: {  	[tilespmem:s12+$0xAC30] =	vst v23;
	v21 =	vadd.f32 v21, v28;
	v23 =	vld [tilespmem:s12+$0xB020]  }
0x385: {  	[tilespmem:s12+$0xAC40] =	vst v22;
	v20 =	vadd.f32 v20, v27;
	v22 =	vld [tilespmem:s12+$0xB030]  }
0x386: {  	[tilespmem:s12+$0xAC50] =	vst v21;
	v19 =	vadd.f32 v19, v26;
	v21 =	vld [tilespmem:s12+$0xB040]  }
0x387: {  	[tilespmem:s12+$0xAC60] =	vst v20;
	v18 =	vadd.f32 v18, v25;
	v20 =	vld [tilespmem:s12+$0xB050]  }
0x388: {  	[tilespmem:s12+$0xAC70] =	vst v19;
	v17 =	vadd.f32 v17, v24;
	v19 =	vld [tilespmem:s12+$0xB060]  }
.Ltmp7:
0x389: {  	[tilespmem:s12+$0xB000] =	vst v18;
	v18 =	vadd.f32 v16, v23;
	v16 =	vld [tilespmem:s12+$0xB070];
	(pc) =	sbr.rel @p1 .LBB2_4-.Ltmp7, $4  }
0x38a: {  	[tilespmem:s12+$0xB010] =	vst v17;
	v17 =	vadd.f32 v15, v22;
	v15 =	vld [tilespmem:s12+$0xB400]  }
0x38b: {  	[tilespmem:s12+$0xB020] =	vst v18;
	v21 =	vadd.f32 v14, v21;
	v14 =	vld [tilespmem:s12+$0xB410]  }
0x38c: {  	[tilespmem:s12+$0xB030] =	vst v17;
	v18 =	vadd.f32 v13, v20;
	v13 =	vld [tilespmem:s12+$0xB420]  }
0x38d: {  	s4 =	sadd.s32 $0x1, s4;
	[tilespmem:s12+$0xB040] =	vst v21;
	v17 =	vadd.f32 v12, v19;
	v12 =	vld [tilespmem:s12+$0xB430]  }
0x38e: {  	[tilespmem:s12+$0xB050] =	vst v18;
	v18 =	vld [tilespmem:s12+$0xB440];
	v11 =	vadd.f32 v11, v16  }
0x38f: {  	v16 =	vld [tilespmem:s12+$0xB450];
	[tilespmem:s12+$0xB060] =	vst v17;
	v10 =	vadd.f32 v10, v15  }
0x390: {  	[tilespmem:s12+$0xB070] =	vst v11;
	v9 =	vadd.f32 v9, v14;
	v11 =	vld [tilespmem:s12+$0xB460]  }
0x391: {  	[tilespmem:s12+$0xB400] =	vst v10;
	v8 =	vadd.f32 v8, v13;
	v10 =	vld [tilespmem:s12+$0xB470]  }
0x392: {  	[tilespmem:s12+$0xB410] =	vst v9;
	v7 =	vadd.f32 v7, v12  }
0x393: {  	[tilespmem:s12+$0xB420] =	vst v8;
	v6 =	vadd.f32 v6, v18  }
0x394: {  	v5 =	vadd.f32 v5, v16;
	[tilespmem:s12+$0xB430] =	vst v7  }
0x395: {  	s0 =	sadd.s32 s6, s29;
	[tilespmem:s12+$0xB440] =	vst v6;
	v4 =	vadd.f32 v4, v11  }
0x396: {  	s0 =	smul.u32 $0x1E00, s0;
	[tilespmem:s12+$0xB450] =	vst v5;
	v3 =	vadd.f32 v3, v10  }
0x397: {  	[tilespmem:s12+$0xB460] =	vst v4  }
0x398: {  	s0 =	sadd.s32 s5, s0;
	[tilespmem:s12+$0xB470] =	vst v3  }
0x399: {  	[hbm4b:s0+s3] =	stream.linear.scatter [tilespmem:s14], [sflag:$0x3], $0x7800, $0x38;
	[tilespmem:$0x19000] =	vst v63  }
0x39a: {  	_ =	swait.ge [sflag:s26], $0x7800  }
0x39b: {  	[sflag:s26] =	ssyncset.done $0x0  }
0x39c: {  	p1 =	seq.s32 s7, $0x7F;
	[sflag:s26] =	ssyncadd.s32 $0xFFFF8800  }
0x39d: {  	s0 =	smul.u32 @!p1 $0x140, s7;
	_ =	swait.ge [sflag:s28], $0x7800  }
0x39e: {  	[sflag:s28] =	ssyncset.done $0x0  }
0x39f: {  	s0 =	sshra.s32 @!p1 s0, $0x2;
	[sflag:s28] =	ssyncadd.s32 $0xFFFF8800  }
0x3a0: {  	v3 =	vld @!p1 [tilespmem:s0+$0x50];
	_ =	sdelay $0x4  }
0x3a1: {  	v4 =	vshrl.u32 @!p1 v3, $0x3  }
0x3a2: {  	v4 =	vmul.u32 @!p1 $0x30, v4  }
0x3a3: {  	v5 =	vlaneseq.u32 @!p1;
	v3 =	vand.u32 @!p1 $0x7, v3  }
0x3a4: {  	v6 =	vshrl.u32 @!p1 v5, $0x3;
	v3 =	vor.u32 @!p1 v3, v4;
	v4 =	vand.u32 @!p1 $0x7, v5  }
0x3a5: {  	v6 =	vmul.u32 @!p1 $0x8, v6;
	v7 =	vperm.xlane @!p1 v3, v4;
	_ =	sdelay $0x1  }
0x3a6: {  	v7 =	vadd.s32 @!p1 v6, v7;
	_ =	sdelay $0x2  }
0x3a7: {  	v5 =	vor.u32 @!p1 $0x8, v5  }
0x3a8: {  	vm1 =	vmmov @!p1 $0xffff;
	s1 =	simm.s32 @!p1 $0x0;
	s4 =	simm.s32 @!p1 $0xA000;
	v3 =	vperm.xlane @!p1 v3, v5  }
0x3a9: {  	[tilespmem:s4], [sflag:$0x1] =	stream.indirect_vreg.gather @!p1 [hbm4b:s2+s1], $0x80, v7, vm1, $0xb8;
	[tilespmem:$0x19000] =	vst v63  }
0x3aa: {  	v3 =	vadd.s32 @!p1 v6, v3;
	s4 =	simm.s32 @!p1 $0xA800  }
0x3ab: {  	[tilespmem:s4], [sflag:$0x1] =	stream.indirect_vreg.gather @!p1 [hbm4b:s8+s1], $0x80, v7, vm1, $0xb8;
	[tilespmem:$0x19000] =	vst v63  }
0x3ac: {  	s4 =	simm.s32 @!p1 $0xB000  }
0x3ad: {  	[tilespmem:s4], [sflag:$0x1] =	stream.indirect_vreg.gather @!p1 [hbm4b:s9+s1], $0x80, v7, vm1, $0xb8;
	[tilespmem:$0x19000] =	vst v63  }
0x3ae: {  	s4 =	simm.s32 @!p1 $0xB800  }
0x3af: {  	[tilespmem:s4], [sflag:$0x1] =	stream.indirect_vreg.gather @!p1 [hbm4b:s2+s1], $0x80, v3, vm1, $0xb8;
	[tilespmem:$0x19000] =	vst v63  }
0x3b0: {  	s4 =	simm.s32 @!p1 $0xC000  }
0x3b1: {  	[tilespmem:s4], [sflag:$0x1] =	stream.indirect_vreg.gather @!p1 [hbm4b:s8+s1], $0x80, v3, vm1, $0xb8;
	[tilespmem:$0x19000] =	vst v63  }
0x3b2: {  	s4 =	simm.s32 @!p1 $0xC800  }
0x3b3: {  	[tilespmem:s4], [sflag:$0x1] =	stream.indirect_vreg.gather @!p1 [hbm4b:s9+s1], $0x80, v3, vm1, $0xb8;
	[tilespmem:$0x19000] =	vst v63  }
0x3b4: {  	v3 =	vld @!p1 [tilespmem:s0+$0x60];
	_ =	sdelay $0x4  }
0x3b5: {  	v7 =	vshrl.u32 @!p1 v3, $0x3  }
0x3b6: {  	v7 =	vmul.u32 @!p1 $0x30, v7  }
0x3b7: {  	v3 =	vand.u32 @!p1 $0x7, v3  }
0x3b8: {  	v3 =	vor.u32 @!p1 v3, v7  }
0x3b9: {  	v7 =	vperm.xlane @!p1 v3, v4;
	_ =	sdelay $0x1  }
0x3ba: {  	v7 =	vadd.s32 @!p1 v6, v7;
	_ =	sdelay $0x3  }
0x3bb: {  	s4 =	simm.s32 @!p1 $0xD000;
	v3 =	vperm.xlane @!p1 v3, v5  }
0x3bc: {  	[tilespmem:s4], [sflag:$0x1] =	stream.indirect_vreg.gather @!p1 [hbm4b:s2+s1], $0x80, v7, vm1, $0xb8;
	[tilespmem:$0x19000] =	vst v63  }
0x3bd: {  	v3 =	vadd.s32 @!p1 v6, v3;
	s4 =	simm.s32 @!p1 $0xD800  }
0x3be: {  	[tilespmem:s4], [sflag:$0x1] =	stream.indirect_vreg.gather @!p1 [hbm4b:s8+s1], $0x80, v7, vm1, $0xb8;
	[tilespmem:$0x19000] =	vst v63  }
0x3bf: {  	s4 =	simm.s32 @!p1 $0xE000  }
0x3c0: {  	[tilespmem:s4], [sflag:$0x1] =	stream.indirect_vreg.gather @!p1 [hbm4b:s9+s1], $0x80, v7, vm1, $0xb8;
	[tilespmem:$0x19000] =	vst v63  }
0x3c1: {  	s4 =	simm.s32 @!p1 $0xE800  }
0x3c2: {  	[tilespmem:s4], [sflag:$0x1] =	stream.indirect_vreg.gather @!p1 [hbm4b:s2+s1], $0x80, v3, vm1, $0xb8;
	[tilespmem:$0x19000] =	vst v63  }
0x3c3: {  	s4 =	simm.s32 @!p1 $0xF000  }
0x3c4: {  	[tilespmem:s4], [sflag:$0x1] =	stream.indirect_vreg.gather @!p1 [hbm4b:s8+s1], $0x80, v3, vm1, $0xb8;
	[tilespmem:$0x19000] =	vst v63  }
0x3c5: {  	s4 =	simm.s32 @!p1 $0xF800  }
0x3c6: {  	[tilespmem:s4], [sflag:$0x1] =	stream.indirect_vreg.gather @!p1 [hbm4b:s9+s1], $0x80, v3, vm1, $0xb8;
	[tilespmem:$0x19000] =	vst v63  }
0x3c7: {  	v3 =	vld.msk @!p1 [tilespmem:s0+$0x70], $0xff;
	_ =	sdelay $0x4  }
0x3c8: {  	v5 =	vshrl.u32 @!p1 v3, $0x3  }
0x3c9: {  	v5 =	vmul.u32 @!p1 $0x30, v5  }
0x3ca: {  	v3 =	vand.u32 @!p1 $0x7, v3  }
0x3cb: {  	v3 =	vor.u32 @!p1 v3, v5  }
0x3cc: {  	v3 =	vperm.xlane @!p1 v3, v4;
	_ =	sdelay $0x1  }
0x3cd: {  	v3 =	vadd.s32 @!p1 v6, v3;
	_ =	sdelay $0x3  }
0x3ce: {  	s0 =	simm.s32 @!p1 $0x10000  }
0x3cf: {  	[tilespmem:s0], [sflag:$0x1] =	stream.indirect_vreg.gather @!p1 [hbm4b:s2+s1], $0x80, v3, vm1, $0xb8;
	[tilespmem:$0x19000] =	vst v63  }
0x3d0: {  	s0 =	simm.s32 @!p1 $0x10800  }
0x3d1: {  	[tilespmem:s0], [sflag:$0x1] =	stream.indirect_vreg.gather @!p1 [hbm4b:s8+s1], $0x80, v3, vm1, $0xb8;
	[tilespmem:$0x19000] =	vst v63  }
0x3d2: {  	s12 =	simm.s32 $0x0;
	s0 =	simm.s32 @!p1 $0x11000  }
0x3d3: {  	[tilespmem:s0], [sflag:$0x1] =	stream.indirect_vreg.gather @!p1 [hbm4b:s9+s1], $0x80, v3, vm1, $0xb8;
	[tilespmem:$0x19000] =	vst v63  }
0x3d4: {  	s29 =	simm.s32 $0x0;
	s0 =	smul.u32 $0x1800, s12  }
0x3d5: {  	s13 =	sand.u32 $0x380, s29  }
0x3d6: {  	s12 =	sor.u32 s13, s0  }
0x3d7: {  	v12 =	vld [tilespmem:s12+$0x2800]  }
0x3d8: {  	v13 =	vld [tilespmem:s12+$0x2810]  }
0x3d9: {  	v14 =	vld [tilespmem:s12+$0x2820]  }
0x3da: {  	v15 =	vld [tilespmem:s12+$0x2830]  }
0x3db: {  	v16 =	vld [tilespmem:s12+$0x2840]  }
0x3dc: {  	v17 =	vld [tilespmem:s12+$0x2850]  }
0x3dd: {  	v18 =	vld [tilespmem:s12+$0x2860]  }
0x3de: {  	v19 =	vld [tilespmem:s12+$0x2870]  }
0x3df: {  	v20 =	vld [tilespmem:s12+$0x2C00]  }
0x3e0: {  	v21 =	vld [tilespmem:s12+$0x2C10]  }
0x3e1: {  	v22 =	vld [tilespmem:s12+$0x2C20]  }
0x3e2: {  	v23 =	vld [tilespmem:s12+$0x2C30]  }
0x3e3: {  	v24 =	vld [tilespmem:s12+$0x2C40]  }
0x3e4: {  	v25 =	vld [tilespmem:s12+$0x2C50]  }
0x3e5: {  	v26 =	vld [tilespmem:s12+$0x2C60]  }
0x3e6: {  	v27 =	vld [tilespmem:s12+$0x2C70]  }
0x3e7: {  	v28 =	vld [tilespmem:s12+$0x3000]  }
0x3e8: {  	v29 =	vld [tilespmem:s12+$0x3010]  }
0x3e9: {  	v30 =	vld [tilespmem:s12+$0x3020]  }
0x3ea: {  	v31 =	vld [tilespmem:s12+$0x3030]  }
0x3eb: {  	v32 =	vld [tilespmem:s12+$0x3040]  }
0x3ec: {  	v33 =	vld [tilespmem:s12+$0x3050]  }
0x3ed: {  	v34 =	vld [tilespmem:s12+$0x3060]  }
0x3ee: {  	v35 =	vld [tilespmem:s12+$0x3070]  }
0x3ef: {  	v36 =	vld [tilespmem:s12+$0x3400]  }
0x3f0: {  	v37 =	vld [tilespmem:s12+$0x3410]  }
0x3f1: {  	v38 =	vld [tilespmem:s12+$0x3420]  }
0x3f2: {  	v39 =	vld [tilespmem:s12+$0x3430]  }
0x3f3: {  	v40 =	vld [tilespmem:s12+$0x3440]  }
0x3f4: {  	v41 =	vld [tilespmem:s12+$0x3450]  }
0x3f5: {  	v42 =	vld [tilespmem:s12+$0x3460]  }
0x3f6: {  	v43 =	vld [tilespmem:s12+$0x3470]  }
0x3f7: {  	v44 =	vld [tilespmem:s12+$0x3800]  }
0x3f8: {  	v45 =	vld [tilespmem:s12+$0x3810]  }
0x3f9: {  	v46 =	vld [tilespmem:s12+$0x3820]  }
0x3fa: {  	v47 =	vld [tilespmem:s12+$0x3830]  }
0x3fb: {  	v48 =	vld [tilespmem:s12+$0x3840]  }
0x3fc: {  	v49 =	vld [tilespmem:s12+$0x3850]  }
0x3fd: {  	v50 =	vld [tilespmem:s12+$0x3860]  }
0x3fe: {  	v11 =	vld [tilespmem:s12+$0x3870]  }
0x3ff: {  	v10 =	vld [tilespmem:s12+$0x3C00]  }
0x400: {  	v9 =	vld [tilespmem:s12+$0x3C10]  }
0x401: {  	v8 =	vld [tilespmem:s12+$0x3C20]  }
0x402: {  	v7 =	vld [tilespmem:s12+$0x3C30]  }
0x403: {  	v6 =	vld [tilespmem:s12+$0x3C40]  }
0x404: {  	v51 =	vld [tilespmem:s12+$0x11800]  }
0x405: {  	v52 =	vld [tilespmem:s12+$0x11810]  }
0x406: {  	v53 =	vld [tilespmem:s12+$0x11820]  }
0x407: {  	v54 =	vld [tilespmem:s12+$0x11830]  }
0x408: {  	v55 =	vld [tilespmem:s12+$0x11840]  }
0x409: {  	v62 =	vld [tilespmem:s12+$0x11850];
	v12 =	vadd.f32 v12, v51  }
0x40a: {  	v63 =	vld [tilespmem:s12+$0x11860];
	v13 =	vadd.f32 v13, v52  }
0x40b: {  	[tilespmem:s12+$0x11800] =	vst v12;
	v12 =	vadd.f32 v14, v53;
	v14 =	vld [tilespmem:s12+$0x11870]  }
0x40c: {  	[tilespmem:s12+$0x11810] =	vst v13;
	v13 =	vadd.f32 v15, v54;
	v15 =	vld [tilespmem:s12+$0x11C00]  }
0x40d: {  	[tilespmem:s12+$0x11820] =	vst v12;
	v12 =	vadd.f32 v16, v55;
	v16 =	vld [tilespmem:s12+$0x11C10]  }
0x40e: {  	[tilespmem:s12+$0x11830] =	vst v13;
	v13 =	vadd.f32 v17, v62;
	v17 =	vld [tilespmem:s12+$0x11C20]  }
0x40f: {  	v5 =	vld [tilespmem:s12+$0x3C50]  }
0x410: {  	[tilespmem:s12+$0x11840] =	vst v12;
	v12 =	vadd.f32 v18, v63;
	v18 =	vld [tilespmem:s12+$0x11C70]  }
0x411: {  	[tilespmem:s12+$0x11850] =	vst v13;
	v13 =	vadd.f32 v19, v14;
	v14 =	vld [tilespmem:s12+$0x11C30]  }
0x412: {  	[tilespmem:s12+$0x11860] =	vst v12;
	v12 =	vadd.f32 v20, v15;
	v15 =	vld [tilespmem:s12+$0x11C40]  }
0x413: {  	[tilespmem:s12+$0x11870] =	vst v13;
	v13 =	vadd.f32 v21, v16;
	v16 =	vadd.f32 v22, v17;
	v17 =	vld [tilespmem:s12+$0x11C60]  }
0x414: {  	[tilespmem:s12+$0x11C00] =	vst v12;
	v12 =	vld [tilespmem:s12+$0x11C50]  }
0x415: {  	[tilespmem:s12+$0x11C10] =	vst v13;
	v13 =	vld [tilespmem:s12+$0x12000];
	v18 =	vadd.f32 v27, v18  }
0x416: {  	[tilespmem:s12+$0x11C20] =	vst v16;
	v16 =	vld [tilespmem:s12+$0x12010];
	v14 =	vadd.f32 v23, v14  }
0x417: {  	v4 =	vld [tilespmem:s12+$0x3C60];
	v15 =	vadd.f32 v24, v15;
	[tilespmem:s12+$0x11C70] =	vst v18  }
0x418: {  	[tilespmem:s12+$0x11C30] =	vst v14;
	v14 =	vld [tilespmem:s12+$0x12020];
	v17 =	vadd.f32 v26, v17  }
0x419: {  	v12 =	vadd.f32 v25, v12;
	[tilespmem:s12+$0x11C40] =	vst v15;
	v15 =	vld [tilespmem:s12+$0x12030]  }
0x41a: {  	v18 =	vld [tilespmem:s12+$0x12070];
	[tilespmem:s12+$0x11C60] =	vst v17;
	v13 =	vadd.f32 v28, v13  }
0x41b: {  	v16 =	vadd.f32 v29, v16;
	[tilespmem:s12+$0x11C50] =	vst v12;
	v12 =	vld [tilespmem:s12+$0x12040]  }
0x41c: {  	v17 =	vld [tilespmem:s12+$0x12050];
	[tilespmem:s12+$0x12000] =	vst v13  }
0x41d: {  	[tilespmem:s12+$0x12010] =	vst v16;
	v16 =	vld [tilespmem:s12+$0x12060];
	v13 =	vadd.f32 v30, v14  }
0x41e: {  	v14 =	vld [tilespmem:s12+$0x12400];
	v15 =	vadd.f32 v31, v15  }
0x41f: {  	[tilespmem:s12+$0x12020] =	vst v13;
	v13 =	vld [tilespmem:s12+$0x12410]  }
0x420: {  	v12 =	vadd.f32 v32, v12;
	[tilespmem:s12+$0x12030] =	vst v15;
	v15 =	vld [tilespmem:s12+$0x12420]  }
0x421: {  	v3 =	vld [tilespmem:s12+$0x3C70];
	v17 =	vadd.f32 v33, v17  }
0x422: {  	v16 =	vadd.f32 v34, v16;
	[tilespmem:s12+$0x12040] =	vst v12;
	v12 =	vld [tilespmem:s12+$0x12430]  }
0x423: {  	[tilespmem:s12+$0x12050] =	vst v17;
	v17 =	vld [tilespmem:s12+$0x12440];
	v14 =	vadd.f32 v36, v14  }
0x424: {  	v18 =	vadd.f32 v35, v18;
	[tilespmem:s12+$0x12060] =	vst v16;
	v16 =	vld [tilespmem:s12+$0x12450]  }
0x425: {  	v13 =	vadd.f32 v37, v13;
	[tilespmem:s12+$0x12400] =	vst v14;
	v14 =	vadd.f32 v38, v15;
	v15 =	vld [tilespmem:s12+$0x12460]  }
0x426: {  	[tilespmem:s12+$0x12070] =	vst v18;
	v18 =	vld [tilespmem:s12+$0x12470]  }
0x427: {  	[tilespmem:s12+$0x12410] =	vst v13;
	v13 =	vld [tilespmem:s12+$0x12800];
	v12 =	vadd.f32 v39, v12  }
0x428: {  	v17 =	vadd.f32 v40, v17;
	[tilespmem:s12+$0x12420] =	vst v14;
	v14 =	vld [tilespmem:s12+$0x12810]  }
0x429: {  	v16 =	vadd.f32 v41, v16;
	[tilespmem:s12+$0x12430] =	vst v12;
	v12 =	vld [tilespmem:s12+$0x12820]  }
0x42a: {  	[tilespmem:s12+$0x12440] =	vst v17;
	v17 =	vld [tilespmem:s12+$0x12830];
	v15 =	vadd.f32 v42, v15  }
0x42b: {  	v19 =	vld [tilespmem:s12+$0x12840];
	[tilespmem:s12+$0x12450] =	vst v16;
	v16 =	vadd.f32 v43, v18  }
0x42c: {  	v18 =	vld [tilespmem:s12+$0x12850];
	v13 =	vadd.f32 v44, v13;
	[tilespmem:s12+$0x12460] =	vst v15  }
0x42d: {  	v20 =	vld [tilespmem:s12+$0x12860];
	[tilespmem:s12+$0x12470] =	vst v16;
	v14 =	vadd.f32 v45, v14  }
0x42e: {  	v16 =	vld [tilespmem:s12+$0x12870];
	[tilespmem:s12+$0x12800] =	vst v13;
	v12 =	vadd.f32 v46, v12  }
0x42f: {  	v15 =	vld [tilespmem:s12+$0x12C00];
	v13 =	vadd.f32 v47, v17;
	[tilespmem:s12+$0x12810] =	vst v14  }
0x430: {  	v14 =	vld [tilespmem:s12+$0x12C10];
	[tilespmem:s12+$0x12820] =	vst v12;
	v12 =	vadd.f32 v48, v19  }
0x431: {  	[tilespmem:s12+$0x12830] =	vst v13;
	v13 =	vld [tilespmem:s12+$0x12C20];
	v18 =	vadd.f32 v49, v18  }
0x432: {  	s0 =	simm.s32 $0x1;
	v17 =	vadd.f32 v50, v20;
	[tilespmem:s12+$0x12840] =	vst v12;
	v12 =	vld [tilespmem:s12+$0x12C30]  }
.LBB2_6:
0x433: {  	s1 =	sshrl.u32 s0, $0x3;
	p1 =	sne.s32 s0, $0x27;
	[tilespmem:s12+$0x12850] =	vst v18;
	v11 =	vadd.f32 v11, v16;
	v16 =	vld [tilespmem:s12+$0x12C40]  }
0x434: {  	s29 =	sadd.s32 $0x80, s29;
	s1 =	smul.u32 $0x1800, s1;
	[tilespmem:s12+$0x12860] =	vst v17;
	v10 =	vadd.f32 v10, v15;
	v15 =	vld [tilespmem:s12+$0x12C50]  }
0x435: {  	s4 =	sand.u32 $0x380, s29;
	[tilespmem:s12+$0x12870] =	vst v11;
	v9 =	vadd.f32 v9, v14;
	v11 =	vld [tilespmem:s12+$0x12C60]  }
0x436: {  	s1 =	sor.u32 s4, s1;
	[tilespmem:s12+$0x12C00] =	vst v10;
	v8 =	vadd.f32 v8, v13;
	v10 =	vld [tilespmem:s12+$0x12C70]  }
0x437: {  	v39 =	vld [tilespmem:s1+$0x2800];
	[tilespmem:s12+$0x12C10] =	vst v9;
	v7 =	vadd.f32 v7, v12  }
0x438: {  	v40 =	vld [tilespmem:s1+$0x2810];
	[tilespmem:s12+$0x12C20] =	vst v8;
	v6 =	vadd.f32 v6, v16  }
0x439: {  	v41 =	vld [tilespmem:s1+$0x2820];
	[tilespmem:s12+$0x12C30] =	vst v7;
	v5 =	vadd.f32 v5, v15  }
0x43a: {  	v42 =	vld [tilespmem:s1+$0x2830];
	[tilespmem:s12+$0x12C40] =	vst v6;
	v4 =	vadd.f32 v4, v11  }
0x43b: {  	v43 =	vld [tilespmem:s1+$0x2840];
	[tilespmem:s12+$0x12C50] =	vst v5;
	v3 =	vadd.f32 v3, v10  }
0x43c: {  	v44 =	vld [tilespmem:s1+$0x2850];
	[tilespmem:s12+$0x12C60] =	vst v4  }
0x43d: {  	v45 =	vld [tilespmem:s1+$0x2860];
	[tilespmem:s12+$0x12C70] =	vst v3;
	s12 =	smov.u32 s1  }
0x43e: {  	v46 =	vld [tilespmem:s12+$0x2870]  }
0x43f: {  	v47 =	vld [tilespmem:s12+$0x2C00]  }
0x440: {  	v48 =	vld [tilespmem:s12+$0x2C10]  }
0x441: {  	v49 =	vld [tilespmem:s12+$0x2C20]  }
0x442: {  	v50 =	vld [tilespmem:s12+$0x2C30]  }
0x443: {  	v38 =	vld [tilespmem:s12+$0x2C40]  }
0x444: {  	v37 =	vld [tilespmem:s12+$0x2C50]  }
0x445: {  	v36 =	vld [tilespmem:s12+$0x2C60]  }
0x446: {  	v35 =	vld [tilespmem:s12+$0x2C70]  }
0x447: {  	v34 =	vld [tilespmem:s12+$0x3000]  }
0x448: {  	v33 =	vld [tilespmem:s12+$0x3010]  }
0x449: {  	v32 =	vld [tilespmem:s12+$0x3020]  }
0x44a: {  	v31 =	vld [tilespmem:s12+$0x3030]  }
0x44b: {  	v30 =	vld [tilespmem:s12+$0x3040]  }
0x44c: {  	v29 =	vld [tilespmem:s12+$0x3050]  }
0x44d: {  	v28 =	vld [tilespmem:s12+$0x3060]  }
0x44e: {  	v27 =	vld [tilespmem:s12+$0x3070]  }
0x44f: {  	v26 =	vld [tilespmem:s12+$0x3400]  }
0x450: {  	v25 =	vld [tilespmem:s12+$0x3410]  }
0x451: {  	v24 =	vld [tilespmem:s12+$0x3420]  }
0x452: {  	v23 =	vld [tilespmem:s12+$0x3430]  }
0x453: {  	v22 =	vld [tilespmem:s12+$0x3440]  }
0x454: {  	v21 =	vld [tilespmem:s12+$0x3450]  }
0x455: {  	v20 =	vld [tilespmem:s12+$0x3460]  }
0x456: {  	v19 =	vld [tilespmem:s12+$0x3470]  }
0x457: {  	v18 =	vld [tilespmem:s12+$0x3800]  }
0x458: {  	v17 =	vld [tilespmem:s12+$0x3810]  }
0x459: {  	v16 =	vld [tilespmem:s12+$0x3820]  }
0x45a: {  	v15 =	vld [tilespmem:s12+$0x3830]  }
0x45b: {  	v14 =	vld [tilespmem:s12+$0x3840]  }
0x45c: {  	v13 =	vld [tilespmem:s12+$0x3850]  }
0x45d: {  	v12 =	vld [tilespmem:s12+$0x3860]  }
0x45e: {  	v11 =	vld [tilespmem:s12+$0x3870]  }
0x45f: {  	v10 =	vld [tilespmem:s12+$0x3C00]  }
0x460: {  	v9 =	vld [tilespmem:s12+$0x3C10]  }
0x461: {  	v8 =	vld [tilespmem:s12+$0x3C20]  }
0x462: {  	v7 =	vld [tilespmem:s12+$0x3C30]  }
0x463: {  	v6 =	vld [tilespmem:s12+$0x3C40]  }
0x464: {  	v5 =	vld [tilespmem:s12+$0x3C50]  }
0x465: {  	v4 =	vld [tilespmem:s12+$0x3C60]  }
0x466: {  	v3 =	vld [tilespmem:s12+$0x3C70]  }
0x467: {  	v51 =	vld [tilespmem:s12+$0x11800]  }
0x468: {  	v52 =	vld [tilespmem:s12+$0x11810]  }
0x469: {  	v53 =	vld [tilespmem:s12+$0x11820]  }
0x46a: {  	v54 =	vld [tilespmem:s12+$0x11830]  }
0x46b: {  	v55 =	vld [tilespmem:s12+$0x11840]  }
0x46c: {  	v39 =	vadd.f32 v39, v51;
	v51 =	vld [tilespmem:s12+$0x11850]  }
0x46d: {  	v40 =	vadd.f32 v40, v52;
	v52 =	vld [tilespmem:s12+$0x11860]  }
0x46e: {  	[tilespmem:s12+$0x11800] =	vst v39;
	v39 =	vadd.f32 v41, v53;
	v41 =	vld [tilespmem:s12+$0x11870]  }
0x46f: {  	[tilespmem:s12+$0x11810] =	vst v40;
	v40 =	vadd.f32 v42, v54;
	v42 =	vld [tilespmem:s12+$0x11C00]  }
0x470: {  	[tilespmem:s12+$0x11820] =	vst v39;
	v39 =	vadd.f32 v43, v55;
	v43 =	vld [tilespmem:s12+$0x11C10]  }
0x471: {  	[tilespmem:s12+$0x11830] =	vst v40;
	v40 =	vadd.f32 v44, v51;
	v44 =	vld [tilespmem:s12+$0x11C20]  }
0x472: {  	[tilespmem:s12+$0x11840] =	vst v39;
	v39 =	vadd.f32 v45, v52;
	v45 =	vld [tilespmem:s12+$0x11C30]  }
0x473: {  	[tilespmem:s12+$0x11850] =	vst v40;
	v40 =	vadd.f32 v46, v41;
	v41 =	vld [tilespmem:s12+$0x11C40]  }
0x474: {  	[tilespmem:s12+$0x11860] =	vst v39;
	v39 =	vadd.f32 v47, v42;
	v42 =	vld [tilespmem:s12+$0x11C50]  }
0x475: {  	[tilespmem:s12+$0x11870] =	vst v40;
	v40 =	vadd.f32 v48, v43;
	v43 =	vld [tilespmem:s12+$0x11C60]  }
0x476: {  	[tilespmem:s12+$0x11C00] =	vst v39;
	v39 =	vadd.f32 v49, v44;
	v44 =	vld [tilespmem:s12+$0x11C70]  }
0x477: {  	[tilespmem:s12+$0x11C10] =	vst v40;
	v40 =	vadd.f32 v50, v45;
	v45 =	vld [tilespmem:s12+$0x12000]  }
0x478: {  	[tilespmem:s12+$0x11C20] =	vst v39;
	v38 =	vadd.f32 v38, v41;
	v39 =	vld [tilespmem:s12+$0x12010]  }
0x479: {  	[tilespmem:s12+$0x11C30] =	vst v40;
	v37 =	vadd.f32 v37, v42;
	v40 =	vld [tilespmem:s12+$0x12020]  }
0x47a: {  	[tilespmem:s12+$0x11C40] =	vst v38;
	v36 =	vadd.f32 v36, v43;
	v38 =	vld [tilespmem:s12+$0x12030]  }
0x47b: {  	[tilespmem:s12+$0x11C50] =	vst v37;
	v35 =	vadd.f32 v35, v44;
	v37 =	vld [tilespmem:s12+$0x12040]  }
0x47c: {  	[tilespmem:s12+$0x11C60] =	vst v36;
	v34 =	vadd.f32 v34, v45;
	v36 =	vld [tilespmem:s12+$0x12050]  }
0x47d: {  	[tilespmem:s12+$0x11C70] =	vst v35;
	v33 =	vadd.f32 v33, v39;
	v35 =	vld [tilespmem:s12+$0x12060]  }
0x47e: {  	[tilespmem:s12+$0x12000] =	vst v34;
	v32 =	vadd.f32 v32, v40;
	v34 =	vld [tilespmem:s12+$0x12070]  }
0x47f: {  	[tilespmem:s12+$0x12010] =	vst v33;
	v31 =	vadd.f32 v31, v38;
	v33 =	vld [tilespmem:s12+$0x12400]  }
0x480: {  	[tilespmem:s12+$0x12020] =	vst v32;
	v30 =	vadd.f32 v30, v37;
	v32 =	vld [tilespmem:s12+$0x12410]  }
0x481: {  	[tilespmem:s12+$0x12030] =	vst v31;
	v29 =	vadd.f32 v29, v36;
	v31 =	vld [tilespmem:s12+$0x12420]  }
0x482: {  	[tilespmem:s12+$0x12040] =	vst v30;
	v28 =	vadd.f32 v28, v35;
	v30 =	vld [tilespmem:s12+$0x12430]  }
0x483: {  	[tilespmem:s12+$0x12050] =	vst v29;
	v27 =	vadd.f32 v27, v34;
	v29 =	vld [tilespmem:s12+$0x12440]  }
0x484: {  	[tilespmem:s12+$0x12060] =	vst v28;
	v26 =	vadd.f32 v26, v33;
	v28 =	vld [tilespmem:s12+$0x12450]  }
0x485: {  	[tilespmem:s12+$0x12070] =	vst v27;
	v25 =	vadd.f32 v25, v32;
	v27 =	vld [tilespmem:s12+$0x12460]  }
0x486: {  	[tilespmem:s12+$0x12400] =	vst v26;
	v24 =	vadd.f32 v24, v31;
	v26 =	vld [tilespmem:s12+$0x12470]  }
0x487: {  	[tilespmem:s12+$0x12410] =	vst v25;
	v23 =	vadd.f32 v23, v30;
	v25 =	vld [tilespmem:s12+$0x12800]  }
0x488: {  	[tilespmem:s12+$0x12420] =	vst v24;
	v22 =	vadd.f32 v22, v29;
	v24 =	vld [tilespmem:s12+$0x12810]  }
0x489: {  	[tilespmem:s12+$0x12430] =	vst v23;
	v21 =	vadd.f32 v21, v28;
	v23 =	vld [tilespmem:s12+$0x12820]  }
0x48a: {  	[tilespmem:s12+$0x12440] =	vst v22;
	v20 =	vadd.f32 v20, v27;
	v22 =	vld [tilespmem:s12+$0x12830]  }
0x48b: {  	[tilespmem:s12+$0x12450] =	vst v21;
	v19 =	vadd.f32 v19, v26;
	v21 =	vld [tilespmem:s12+$0x12840]  }
0x48c: {  	[tilespmem:s12+$0x12460] =	vst v20;
	v18 =	vadd.f32 v18, v25;
	v20 =	vld [tilespmem:s12+$0x12850]  }
0x48d: {  	[tilespmem:s12+$0x12470] =	vst v19;
	v17 =	vadd.f32 v17, v24;
	v19 =	vld [tilespmem:s12+$0x12860]  }
.Ltmp8:
0x48e: {  	[tilespmem:s12+$0x12800] =	vst v18;
	v18 =	vadd.f32 v16, v23;
	v16 =	vld [tilespmem:s12+$0x12870];
	(pc) =	sbr.rel @p1 .LBB2_6-.Ltmp8, $4  }
0x48f: {  	[tilespmem:s12+$0x12810] =	vst v17;
	v17 =	vadd.f32 v15, v22;
	v15 =	vld [tilespmem:s12+$0x12C00]  }
0x490: {  	[tilespmem:s12+$0x12820] =	vst v18;
	v21 =	vadd.f32 v14, v21;
	v14 =	vld [tilespmem:s12+$0x12C10]  }
0x491: {  	[tilespmem:s12+$0x12830] =	vst v17;
	v18 =	vadd.f32 v13, v20;
	v13 =	vld [tilespmem:s12+$0x12C20]  }
0x492: {  	s0 =	sadd.s32 $0x1, s0;
	[tilespmem:s12+$0x12840] =	vst v21;
	v17 =	vadd.f32 v12, v19;
	v12 =	vld [tilespmem:s12+$0x12C30]  }
0x493: {  	[tilespmem:s12+$0x12850] =	vst v18;
	v60 =	vld [tilespmem:s12+$0x12C40];
	v11 =	vadd.f32 v11, v16  }
0x494: {  	v61 =	vld [tilespmem:s12+$0x12C50];
	[tilespmem:s12+$0x12860] =	vst v17;
	v10 =	vadd.f32 v10, v15  }
0x495: {  	v62 =	vld [tilespmem:s12+$0x12C60];
	[tilespmem:s12+$0x12870] =	vst v11;
	v9 =	vadd.f32 v9, v14  }
0x496: {  	v63 =	vld [tilespmem:s12+$0x12C70];
	[tilespmem:s12+$0x12C00] =	vst v10;
	v8 =	vadd.f32 v8, v13  }
0x497: {  	[tilespmem:s12+$0x12C10] =	vst v9;
	v7 =	vadd.f32 v7, v12  }
0x498: {  	s0 =	sadd.s32 s6, s11;
	s7 =	sadd.s32 $0x1, s7;
	[tilespmem:s12+$0x12C20] =	vst v8;
	v6 =	vadd.f32 v6, v60  }
0x499: {  	s0 =	smul.u32 $0x1E00, s0;
	p1 =	seq.s32 s7, $0x80;
	v5 =	vadd.f32 v5, v61;
	[tilespmem:s12+$0x12C30] =	vst v7  }
.Ltmp9:
0x49a: {  	v4 =	vadd.f32 v4, v62;
	[tilespmem:s12+$0x12C40] =	vst v6;
	(pc) =	sbr.rel @!p1 .LBB2_3-.Ltmp9, $4  }
.Ltmp10:
0x49b: {  	v3 =	vadd.f32 v3, v63;
	[tilespmem:s12+$0x12C50] =	vst v5;
	(pc) =	sbr.rel @p1 .LBB2_14-.Ltmp10, $4  }
0x49c: {  	[tilespmem:s12+$0x12C60] =	vst v4  }
0x49d: {  	s0 =	sadd.s32 s5, s0;
	[tilespmem:s12+$0x12C70] =	vst v3  }
0x49e: {  	[hbm4b:s0+s3] =	stream.linear.scatter [tilespmem:s31], [sflag:$0x4], $0x7800, $0x38;
	[tilespmem:$0x19000] =	vst v63  }
0x49f: {  	_ = 	snop  }
.LBB2_15:
0x4a0: {  	_ =	sfence.sel $0x180000  }
0x4a1: {  	[bflag:$0x0] =	sbarrier.arrive $0xFFFF  }
0x4a2: {  	_ =	strace $0x90000047  }
0x4a3: {  	s0 =	stileid.u32;
	[bflag:$0x2] =	sbarrier.arrive $0xFFFF  }
0x4a4: {  	p0 =	sne.s32 s0, $0x0;
	s0 =	rddreg [dreg:$0x3]  }
0x4a5: {  	s0 =	sadd.s32 @!p0 $0x100000, s0  }
0x4a6: {  	[sflag:s0] =	ssyncadd.tile.s32 @!p0 $0x1;
	_ =	shalt  }
.Lfunc_end2:
_tile_overlayer_lowered:
.L_overlay_start_2:
0x4a7: {  	(tag) =	ssettag $0x2  }
0x4a8: {  	s0 =	rddreg [dreg:$0x0];
	s2 =	stileid.u32  }
0x4a9: {  	s1 =	rddreg [dreg:$0x1];
	p0 =	sne.s32 s2, $0x0  }
0x4aa: {  	s3 =	rddreg [dreg:$0x2];
	[bflag:$0x3] =	sbarrier.arrive $0xFFFF;
	s2 =	simm.s32 @!p0 $0x1C05  }
0x4ab: {  	[timem:s3], [sflag:s2] =	dma.local @!p0 [hbm:s0], s1  }
0x4ac: {  	s0 =	simm.s32 @!p0 $0x5  }
0x4ad: {  	_ =	swait.ge @!p0 [sflag:s0], s1  }
0x4ae: {  	s1 =	ssub.s32 @!p0 $0x0, s1;
	[sflag:s0] =	ssyncset.done @!p0 $0x0  }
0x4af: {  	[sflag:s0] =	ssyncadd.s32 @!p0 s1  }
0x4b0: {  	[bflag:$0x3] =	sbarrier.arrive $0xFFFF  }
0x4b1: {  	_ =	shalt  }

// kernel: sparse-core-data-format-call.cloned.1.call-start
scs
called_computation_lowered:
.L_overlay_start_0:
0x0: {  	s2 =	sld [smem:$0x3FD9]  }
0x1: {  	s3 =	sld [smem:$0x3FFE];
	_ =	sdelay $0x1  }
0x2: {  	s1 =	srdreg.scid  }
0x3: {  	s0 =	sand.u32 $0x1, s1  }
0x4: {  	s18 =	sshll.u32 s0, $0xA;
	s2 =	sadd.s32 s3, s2  }
0x5: {  	s2 =	sadd.s32 s2, s18  }
0x6: {  	[smem:$0x3FC5] =	sst s2  }
0x7: {  	_ = 	snop  }
0x8: {  	s2 =	sld [smem:$0x3FD0];
	(tm) =	ssettm $0x1  }
0x9: {  	s19 =	sld [smem:$0x3FFB];
	_ =	sdelay $0x3  }
0xa: {  	_ =	strace s19  }
0xb: {  	s3 =	sld [smem:$0x3FFC];
	_ =	sdelay $0x3  }
0xc: {  	_ =	strace s3  }
0xd: {  	s3 =	sld [smem:$0x3FFD];
	_ =	sdelay $0x3  }
0xe: {  	_ =	strace s3  }
0xf: {  	_ =	strace $0x8FFFFFFF  }
0x10: {  	s20 =	sld [smem:$0x3FDB];
	_ =	sdelay $0x1  }
0x11: {  	s4 =	simm.s32 $_scs_section_size  }
0x12: {  	s5 =	simm.s32 $_size__tile_overlayer_lowered;
	s6 =	simm.s32 $_tile_overlayer_lowered  }
0x13: {  	s23 =	simm.s32 $0x1BFF;
	s22 =	sshll.u32 s6, $0x1;
	s3 =	sadd.s32 s4, s20  }
0x14: {  	s7 =	simm.s32 $0x0;
	s21 =	sshll.u32 s5, $0x1;
	s5 =	sadd.s32 s22, s3  }
0x15: {  	[timem:s7], [sflag:s23] =	dma.local [hbm:s5], s21  }
0x16: {  	_ =	swait.ge [sflag:s23], s21  }
0x17: {  	s4 =	ssub.s32 $0x0, s21;
	[sflag:s23] =	ssyncset.done $0x0  }
0x18: {  	[sflag:s23] =	ssyncadd.s32 s4;
	_ =	sdelay $0x1  }
0x19: {  	s24 =	simm.s32 $0x1B8B  }
0x1a: {  	_ =	swait.ge [sflag:s24], $0x1  }
0x1b: {  	[sflag:s24] =	ssyncset.done $0x0  }
0x1c: {  	s26 =	simm.s32 $0x1B8E;
	s25 =	sld [smem:$0x3FFE];
	[sflag:s24] =	ssyncadd.s32 $0xFFFFFFFF  }
0x1d: {  	s27 =	simm.s32 $execute0_lowered;
	[smem:$0x3FD2] =	sst s26  }
0x1e: {  	s5 =	sshll.u32 s27, $0x1;
	_ =	strace $0x80000049;
	[dreg:$0x1] =	wrdreg $0xFFFFFFFF  }
0x1f: {  	s28 =	simm.s32 $_size_execute0_lowered;
	s3 =	sadd.s32 s3, s5;
	[dreg:$0x0] =	wrdreg $0x0  }
0x20: {  	s5 =	sshll.u32 s28, $0x1;
	[dreg:$0x2] =	wrdreg s3  }
0x21: {  	[dreg:$0x3] =	wrdreg s5  }
0x22: {  	[dreg:$0x4] =	wrdreg $0xC0  }
0x23: {  	_ =	task [dreg:s7], $0x5FFFF  }
0x24: {  	[dreg:$0x1] =	wrdreg $0xFFFFFFFF  }
0x25: {  	[dreg:$0x0] =	wrdreg $0x60  }
0x26: {  	[dreg:$0x2] =	wrdreg s25  }
0x27: {  	[dreg:$0x3] =	wrdreg s2  }
0x28: {  	[dreg:$0x4] =	wrdreg $0x9  }
0x29: {  	_ =	task.clear_ibuf [dreg:s7], $0x5FFFF;
	_ =	strace $0x90000049  }
0x2a: {  	s29 =	simm.s32 $0x9;
	_ =	strace $0x8000004B  }
0x2b: {  	_ =	swait.ge [sflag:s29], $0x1  }
0x2c: {  	[sflag:s29] =	ssyncadd.s32 $0xFFFFFFFF  }
0x2d: {  	_ =	strace $0x9000004B  }
0x2e: {  	_ =	sfence  }
0x2f: {  	s30 =	sld [smem:$0x0];
	_ =	sdelay $0x2  }
0x30: {  	s31 =	sshll.u32 s1, $0xD;
	s1 =	sshrl.u32 s1, $0x2  }
0x31: {  	s3 =	sand.u32 $0x4000, s31;
	s1 =	sadd.s32 s1, s30  }
0x32: {  	s0 =	sor.u32 s3, s0;
	s1 =	sshll.u32 s1, $0x11  }
0x33: {  	s0 =	sor.u32 s1, s0  }
0x34: {  	s0 =	sadd.s32 $0x8F2B, s0  }
0x35: {  	[sflag:s0] =	ssyncadd.remote.s32 $0x1  }
0x36: {  	_ =	sfence.sel $0xFFFF  }
0x37: {  	[dreg:$0x0] =	wrdreg $0xFFFFFFFF;
	(pc) =	sbr.abs _section_cstart, $3  }
0x38: {  	[dreg:$0x1] =	wrdreg $0xFFFFFFFF  }
0x39: {  	_ =	task.clear_ibuf [dreg:s7], $0x2FFFF;
	_ =	strace $0x9FFFFFFF  }
0x3a: {  	(tm) =	ssettm $0x7FFFFFFF  }
0x3b: {  	_ =	shalt  }
tec
execute0_lowered:
.L_overlay_start_1:
0x0: {  	(tag) =	ssettag $0x1  }
0x1: {  	s0 =	srdreg.scid  }
0x2: {  	s1 =	sshll.u32 s0, $0x4  }
0x3: {  	s6 =	rddreg [dreg:$0x0];
	s0 =	stileid.u32;
	s1 =	sand.u32 $0x10, s1  }
0x4: {  	s3 =	rddreg [dreg:$0x1];
	s1 =	sor.u32 s0, s1  }
0x5: {  	s5 =	simm.s32 $0x1;
	s31 =	simm.s32 $0x2;
	s2 =	sshll.u32 s1, $0x7  }
0x6: {  	s15 =	simm.s32 $0x0;
	s8 =	simm.s32 $0x1800;
	s4 =	ssub.s32 $0x1000, s2  }
0x7: {  	s9 =	simm.s32 $0x0;
	s14 =	simm.s32 $0x0;
	s30 =	sand.u32 $0xF80, s4  }
0x8: {  	s16 =	simm.s32 $0x0;
	s10 =	simm.s32 $0x0;
	p0 =	sne.s32 s30, $0x0  }
.Ltmp0:
0x9: {  	s7 =	sshrl.u32 s4, $0xC;
	s5 =	simm.s32 @!p0 $0x0;
	(pc) =	sbr.rel .LBB1_1-.Ltmp0, $4  }
0xa: {  	s11 =	simm.s32 $0x0;
	s1 =	rddreg [dreg:$0x2];
	s5 =	sadd.s32 s5, s7  }
0xb: {  	_ =	strace $0x8000004A;
	s4 =	simm.s32 $0x1;
	s5 =	smul.u32 $0x1CE, s5  }
0xc: {  	s13 =	simm.s32 $0x0;
	s6 =	sadd.s32 $0x2800, s6;
	[sflag:s4] =	ssyncpa.u1 $0x0  }
0xd: {  	s12 =	smov.u32 s2;
	[sflag:s31] =	ssyncpa.u1 $0x0;
	s7 =	sor.u32 $0x1, s5  }
.LBB1_4:
0xe: {  	_ =	sdelay $0x2  }
0xf: {  	s20 =	sshrl.u32 s16, $0x3  }
0x10: {  	[tilespmem:v0+s19+$0xFFFFFFD0 ss:$0x1] =	vst.idx.msk $0xffff, v7;
	s21 =	sshll.u32 s15, $0x3;
	s20 =	smul.u32 $0x1800, s20  }
0x11: {  	v56 =	vld.idx.msk [tilespmem:v1+s18+$0x0 ss:$0x1], $0xffff;
	[tilespmem:v0+s19+$0xFFFFFFE0 ss:$0x1] =	vst.idx.msk $0xffff, v5;
	s27 =	sshll.u32 s16, $0x7;
	s21 =	sand.u32 $0xFFFFFC00, s21  }
0x12: {  	v57 =	vld.idx.msk [tilespmem:v1+s18+$0xFFFFFF90 ss:$0x1], $0xffff;
	[tilespmem:v0+s19+$0xFFFFFFF0 ss:$0x1] =	vst.idx.msk $0xffff, v4;
	s16 =	sand.u32 $0x380, s27;
	s20 =	sadd.s32 s20, s21  }
0x13: {  	v58 =	vld.idx.msk [tilespmem:v1+s18+$0xFFFFFFA0 ss:$0x1], $0xffff;
	[tilespmem:v0+s19+$0x0 ss:$0x1] =	vst.idx.msk $0xffff, v2;
	s28 =	sand.u32 $0x7F, s15;
	s16 =	sor.u32 s16, s20  }
0x14: {  	v59 =	vld.idx.msk [tilespmem:v1+s18+$0xFFFFFFB0 ss:$0x1], $0xffff;
	[tilespmem:v0+s19+$0x10 ss:$0x1] =	vst.idx.msk $0xffff, v3;
	s15 =	sor.u32 s28, s16  }
0x15: {  	v60 =	vld.idx.msk [tilespmem:v1+s18+$0xFFFFFFC0 ss:$0x1], $0xffff;
	[tilespmem:v0+s19+$0x20 ss:$0x1] =	vst.idx.msk $0xffff, v6;
	s29 =	smulhi.u32 $0xAAAAAAAB, s15  }
0x16: {  	v61 =	vld.idx.msk [tilespmem:v1+s18+$0xFFFFFFD0 ss:$0x1], $0xffff;
	[tilespmem:v0+s18+$0x30 ss:$0x1] =	vst.idx.msk $0xffff, v56;
	s16 =	smulhi.u32 $0xAAAAAAAB, s16  }
0x17: {  	v62 =	vld.idx.msk [tilespmem:v1+s18+$0xFFFFFFE0 ss:$0x1], $0xffff;
	[tilespmem:v0+s18+$0xFFFFFFC0 ss:$0x1] =	vst.idx.msk $0xffff, v57;
	s19 =	sshrl.u32 s29, $0x9  }
0x18: {  	v63 =	vld.idx.msk [tilespmem:v1+s18+$0xFFFFFFF0 ss:$0x1], $0xffff;
	[tilespmem:v0+s18+$0xFFFFFFD0 ss:$0x1] =	vst.idx.msk $0xffff, v58;
	s16 =	sshrl.u32 s16, $0x9;
	s19 =	smul.u32 $0x300, s19  }
0x19: {  	s14 =	smul.u32 $0x60000, s14;
	[tilespmem:v0+s18+$0xFFFFFFE0 ss:$0x1] =	vst.idx.msk $0xffff, v59;
	s16 =	sand.u32 $0xFFF, s16  }
0x1a: {  	[tilespmem:v0+s18+$0xFFFFFFF0 ss:$0x1] =	vst.idx.msk $0xffff, v60;
	s16 =	smul.u32 $0x60, s16;
	s15 =	ssub.s32 s15, s19  }
0x1b: {  	s14 =	sadd.s32 s3, s14;
	[tilespmem:v0+s18+$0x0 ss:$0x1] =	vst.idx.msk $0xffff, v61;
	s19 =	sand.u32 $0x7, s15  }
0x1c: {  	[tilespmem:v0+s18+$0x10 ss:$0x1] =	vst.idx.msk $0xffff, v62;
	s14 =	sadd.s32 s16, s14;
	s15 =	sshrl.u32 s15, $0x3;
	s30 =	sshll.u32 s19, $0x12  }
0x1d: {  	[tilespmem:v0+s18+$0x20 ss:$0x1] =	vst.idx.msk $0xffff, v63;
	s14 =	sadd.s32 s15, s14;
	s31 =	sor.u32 $0x400, s30  }
0x1e: {  	[hbm4b:s14+s31] =	stream.strided.scatter [tilespmem:s17], [sflag:$0x2], $0x4000, s8, s31, $0x38;
	[tilespmem:$0x10000] =	vst v63  }
.LBB1_5:
0x1f: {  	s17 =	sadd.s32 $0x80, s10  }
0x20: {  	s14 =	simm.s32 $0x1;
	p1 =	sgt.s32 s17, $0x2FF  }
0x21: {  	s14 =	simm.s32 @!p1 $0x0  }
0x22: {  	s18 =	sadd.s32 s14, s11  }
0x23: {  	s20 =	smov.u32 s12;
	s14 =	sadd.s32 $0x1000, s12;
	p2 =	sgt.s32 s18, $0x4C  }
0x24: {  	s20 =	smov.u32 @p2 s14  }
0x25: {  	s17 =	simm.s32 @p1 $0x0;
	p1 =	sgt.s32 s20, $0xFFF  }
0x26: {  	p0 =	slt.u32 s13, $0x2;
	s20 =	smov.u32 @p1 s2;
	p1 =	sne.s32 s13, s7  }
.Ltmp1:
0x27: {  	s19 =	simm.s32 @!p0 $0x2;
	(pc) =	sbr.rel @!p1 .LBB1_6-.Ltmp1, $4  }
0x28: {  	s15 =	smov.u32 s10;
	s16 =	smov.u32 s12;
	_ =	swait.ge @!p0 [sflag:s19], $0x4000  }
0x29: {  	s9 =	sadd.s32 $0x4000, s9;
	[sflag:s19] =	ssyncset.done @!p0 $0x0;
	s10 =	smov.u32 s17  }
0x2a: {  	[sflag:s19] =	ssyncadd.s32 @!p0 $0xFFFFC000;
	s18 =	simm.s32 @p2 $0x0;
	s14 =	smov.u32 s11  }
0x2b: {  	s11 =	smov.u32 s18;
	s13 =	sadd.s32 $0x1, s13;
	s12 =	smov.u32 s20  }
.LBB1_1:
0x2c: {  	p0 =	sge.u32 s13, s5  }
0x2d: {  	s17 =	sshrl.u32 @!p0 s11, $0x3  }
0x2e: {  	s18 =	sshll.u32 @!p0 s10, $0x3;
	s17 =	smul.u32 @!p0 $0x1800, s17  }
0x2f: {  	s19 =	sshll.u32 @!p0 s11, $0x7;
	s18 =	sand.u32 @!p0 $0xFFFFFC00, s18  }
0x30: {  	s17 =	sadd.s32 @!p0 s17, s18;
	s18 =	sand.u32 @!p0 $0x380, s19  }
0x31: {  	s17 =	sor.u32 @!p0 s18, s17  }
0x32: {  	s18 =	sand.u32 @!p0 $0x7F, s10;
	s19 =	smulhi.u32 @!p0 $0xAAAAAAAB, s17  }
0x33: {  	s17 =	sor.u32 @!p0 s18, s17  }
0x34: {  	s18 =	smulhi.u32 @!p0 $0xAAAAAAAB, s17;
	s19 =	sshrl.u32 @!p0 s19, $0x9  }
0x35: {  	s20 =	smulhi.u32 @!p0 $0x3333334, s19;
	_ =	sdelay $0x1  }
0x36: {  	s18 =	sshrl.u32 @!p0 s18, $0x9;
	s20 =	smul.u32 @!p0 $0x50, s20  }
0x37: {  	s31 =	sadd.s32 $0xFFFFFFFF, s13;
	s18 =	smul.u32 @!p0 $0x300, s18  }
0x38: {  	s21 =	sxor.u32 @!p0 $0xFFFFFFFF, s13;
	s19 =	ssub.s32 @!p0 s19, s20;
	s20 =	smul.u32 @!p0 $0x1E00, s12  }
0x39: {  	s21 =	sshll.u32 @!p0 s21, $0xE;
	s17 =	ssub.s32 @!p0 s17, s18;
	s18 =	smul.u32 @!p0 $0x60, s19  }
0x3a: {  	s19 =	sand.u32 @!p0 $0x4000, s21;
	s21 =	sand.u32 @!p0 $0x7, s17;
	s20 =	sadd.s32 @!p0 s6, s20  }
0x3b: {  	s17 =	sshrl.u32 @!p0 s17, $0x3;
	s18 =	sadd.s32 @!p0 s18, s20;
	s20 =	sshll.u32 @!p0 s21, $0x12  }
0x3c: {  	s17 =	sadd.s32 @!p0 s17, s18;
	s18 =	sor.u32 @!p0 $0x80, s20;
	s20 =	simm.s32 @!p0 $0xF000  }
0x3d: {  	[tilespmem:s19], [sflag:$0x1] =	stream.strided.gather @!p0 [hbm4b:s17+s18], $0x4000, s20, s18, $0x38;
	[tilespmem:$0x10000] =	vst v63  }
0x3e: {  	p0 =	sge.u32 s31, s5  }
.Ltmp2:
0x3f: {  	_ = 	snop;
	(pc) =	sbr.rel @p0 .LBB1_5-.Ltmp2, $1  }
0x40: {  	_ =	sdelay $0x3  }
0x41: {  	s17 =	sand.u32 $0x4000, s9  }
0x42: {  	s18 =	sor.u32 $0x70, s17  }
0x43: {  	v1 =	vmov s18;
	_ =	sdelay $0x1  }
0x44: {  	_ =	swait.ge [sflag:s4], $0x4000  }
0x45: {  	[sflag:s4] =	ssyncset.done $0x0  }
0x46: {  	s19 =	simm.s32 $0x0;
	[sflag:s4] =	ssyncadd.s32 $0xFFFFC000  }
0x47: {  	s17 =	sor.u32 $0x8040, s17;
	v6 =	vld.idx.msk [tilespmem:v1+s19+$0x0 ss:$0x1], $0xffff  }
0x48: {  	v0 =	vmov s17;
	v8 =	vld.idx.msk [tilespmem:v1+s19+$0xFFFFFF90 ss:$0x1], $0xffff  }
0x49: {  	v7 =	vld.idx.msk [tilespmem:v1+s19+$0xFFFFFFA0 ss:$0x1], $0xffff  }
0x4a: {  	v5 =	vld.idx.msk [tilespmem:v1+s19+$0xFFFFFFB0 ss:$0x1], $0xffff  }
0x4b: {  	v4 =	vld.idx.msk [tilespmem:v1+s19+$0xFFFFFFC0 ss:$0x1], $0xffff  }
0x4c: {  	s31 =	sshll.u32 s13, $0xE;
	v2 =	vld.idx.msk [tilespmem:v1+s19+$0xFFFFFFD0 ss:$0x1], $0xffff  }
0x4d: {  	s17 =	sand.u32 $0x4000, s31;
	v3 =	vld.idx.msk [tilespmem:v1+s19+$0xFFFFFFE0 ss:$0x1], $0xffff;
	[tilespmem:v0+s19+$0x30 ss:$0x1] =	vst.idx.msk $0xffff, v6  }
0x4e: {  	s20 =	simm.s32 $0x400;
	s18 =	simm.s32 $0x80;
	s17 =	sor.u32 $0x8000, s17;
	[tilespmem:v0+s19+$0xFFFFFFC0 ss:$0x1] =	vst.idx.msk $0xffff, v8;
	v6 =	vld.idx.msk [tilespmem:v1+s19+$0xFFFFFFF0 ss:$0x1], $0xffff  }
.LBB1_3:
0x4f: {  	p0 =	sne.s32 s20, $0xFE00;
	v8 =	vld.idx.msk [tilespmem:v1+s18+$0x0 ss:$0x1], $0xffff;
	[tilespmem:v0+s19+$0xFFFFFFD0 ss:$0x1] =	vst.idx.msk $0xffff, v7  }
0x50: {  	v9 =	vld.idx.msk [tilespmem:v1+s18+$0xFFFFFF90 ss:$0x1], $0xffff;
	[tilespmem:v0+s19+$0xFFFFFFE0 ss:$0x1] =	vst.idx.msk $0xffff, v5  }
0x51: {  	v7 =	vld.idx.msk [tilespmem:v1+s18+$0xFFFFFFA0 ss:$0x1], $0xffff;
	[tilespmem:v0+s19+$0xFFFFFFF0 ss:$0x1] =	vst.idx.msk $0xffff, v4  }
.Ltmp3:
0x52: {  	v5 =	vld.idx.msk [tilespmem:v1+s18+$0xFFFFFFB0 ss:$0x1], $0xffff;
	[tilespmem:v0+s19+$0x0 ss:$0x1] =	vst.idx.msk $0xffff, v2;
	(pc) =	sbr.rel @p0 .LBB1_3-.Ltmp3, $4  }
0x53: {  	v4 =	vld.idx.msk [tilespmem:v1+s18+$0xFFFFFFC0 ss:$0x1], $0xffff;
	[tilespmem:v0+s19+$0x10 ss:$0x1] =	vst.idx.msk $0xffff, v3  }
0x54: {  	v2 =	vld.idx.msk [tilespmem:v1+s18+$0xFFFFFFD0 ss:$0x1], $0xffff;
	[tilespmem:v0+s19+$0x20 ss:$0x1] =	vst.idx.msk $0xffff, v6;
	s19 =	smov.u32 s18  }
0x55: {  	v3 =	vld.idx.msk [tilespmem:v1+s19+$0xFFFFFFE0 ss:$0x1], $0xffff;
	[tilespmem:v0+s19+$0x30 ss:$0x1] =	vst.idx.msk $0xffff, v8  }
0x56: {  	s18 =	sshra.s32 s20, $0x2;
	s20 =	sadd.s32 $0x200, s20;
	[tilespmem:v0+s19+$0xFFFFFFC0 ss:$0x1] =	vst.idx.msk $0xffff, v9;
	v6 =	vld.idx.msk [tilespmem:v1+s19+$0xFFFFFFF0 ss:$0x1], $0xffff  }
.Ltmp4:
0x57: {  	_ = 	snop;
	(pc) =	sbr.rel .LBB1_4-.Ltmp4, $1  }
0x58: {  	_ =	sdelay $0x3  }
.LBB1_6:
0x59: {  	_ =	sfence.sel $0x180000  }
0x5a: {  	s2 =	simm.s32 $0x1;
	[bflag:$0x0] =	sbarrier.arrive $0xFFFF  }
0x5b: {  	s31 =	simm.s32 $0x2;
	[sflag:s2] =	ssyncpa.u1 $0x1  }
0x5c: {  	[sflag:s31] =	ssyncpa.u1 $0x1  }
0x5d: {  	p0 =	sne.s32 s0, $0x0;
	_ =	strace $0x9000004A  }
0x5e: {  	s0 =	sadd.s32 @!p0 $0x100000, s1;
	[bflag:$0x2] =	sbarrier.arrive $0xFFFF  }
0x5f: {  	[sflag:s0] =	ssyncadd.tile.s32 @!p0 $0x1;
	_ =	shalt  }
.Lfunc_end1:
_tile_overlayer_lowered:
.L_overlay_start_2:
0x60: {  	(tag) =	ssettag $0x2  }
0x61: {  	s0 =	rddreg [dreg:$0x0];
	s2 =	stileid.u32  }
0x62: {  	s1 =	rddreg [dreg:$0x1];
	p0 =	sne.s32 s2, $0x0  }
0x63: {  	s3 =	rddreg [dreg:$0x2];
	[bflag:$0x3] =	sbarrier.arrive $0xFFFF;
	s2 =	simm.s32 @!p0 $0x1C01  }
0x64: {  	[timem:s3], [sflag:s2] =	dma.local @!p0 [hbm:s0], s1  }
0x65: {  	s0 =	simm.s32 @!p0 $0x1  }
0x66: {  	_ =	swait.ge @!p0 [sflag:s0], s1  }
0x67: {  	s1 =	ssub.s32 @!p0 $0x0, s1;
	[sflag:s0] =	ssyncset.done @!p0 $0x0  }
0x68: {  	[sflag:s0] =	ssyncadd.s32 @!p0 s1  }
0x69: {  	[bflag:$0x3] =	sbarrier.arrive $0xFFFF  }
0x6a: {  	_ =	shalt  }

</sc_bundles>
